<compile_context>
chip_gen: v7x
topology: tpu7x:2x2x1
jax: 0.10.2.dev20260603
libtpu: 0.0.44.dev20260713+nightly
codegen_flags: <defaults>
</compile_context>

<pallas_src>
import functools

import jax
import jax.numpy as jnp
from jax import lax
from jax.experimental import pallas as pl
from jax.experimental.pallas import tpu as pltpu
from jax.experimental.pallas import tpu_sc as plsc

N = 10000
E = 320000
D = 128
ALPHA = 0.1

NC = 2
NS = 16
NW = NC * NS
C = 100
CHUNKS_PER_TILE = E // (NW * C)
ROWS_PER_TILE = N // NS
WB = 632
HOP = (C // 8) * 8
RB = 5
RBS = N // RB

_mesh = functools.partial(
    plsc.VectorSubcoreMesh, core_axis_name="c", subcore_axis_name="s")



def _dinv_of(p_ref):
    deg = 1.0 + p_ref[:, 0] + p_ref[:, 1]
    return lax.rsqrt(deg)[:, None]


def _enc_body(x_ref, tw_ref, tb_ref, qe_ref, qw_ref, qb_ref, p_ref,
              h_ref, q_ref, g_ref):
    h = lax.dot_general(
        x_ref[...], tw_ref[...], (((1,), (1,)), ((), ())),
        preferred_element_type=jnp.float32) + tb_ref[...]
    h_ref[...] = h
    g_ref[...] = h * _dinv_of(p_ref)
    q_ref[...] = lax.dot_general(
        qe_ref[...], qw_ref[...], (((1,), (1,)), ((), ())),
        preferred_element_type=jnp.float32) + qb_ref[...]


def _encoder_prescale(x, t_W, t_b, q_emb, q_W, q_b, degp):
    h, q, g = pl.pallas_call(
        _enc_body,
        grid=(RB,),
        in_specs=[
            pl.BlockSpec((RBS, D), lambda i: (i, 0)),
            pl.BlockSpec((D, D), lambda i: (0, 0)),
            pl.BlockSpec((1, D), lambda i: (0, 0)),
            pl.BlockSpec((1, D), lambda i: (0, 0)),
            pl.BlockSpec((D, D), lambda i: (0, 0)),
            pl.BlockSpec((1, D), lambda i: (0, 0)),
            pl.BlockSpec((RBS, 2), lambda i: (i, 0)),
        ],
        out_specs=[
            pl.BlockSpec((RBS, D), lambda i: (i, 0)),
            pl.BlockSpec((1, D), lambda i: (0, 0)),
            pl.BlockSpec((RBS, D), lambda i: (i, 0)),
        ],
        out_shape=[
            jax.ShapeDtypeStruct((N, D), jnp.float32),
            jax.ShapeDtypeStruct((1, D), jnp.float32),
            jax.ShapeDtypeStruct((N, D), jnp.float32),
        ],
    )(x, t_W, t_b.reshape(1, D), q_emb.reshape(1, D), q_W,
      q_b.reshape(1, D), degp)
    return h, q.reshape(D), g


def _blend_body(final, p_ref, a_ref, g_ref, h0_ref, o_ref):
    dinv = _dinv_of(p_ref)
    ah = dinv * (a_ref[0] + a_ref[1] + g_ref[...])
    h = (1.0 - ALPHA) * ah + ALPHA * h0_ref[...]
    o_ref[...] = h if final else h * dinv


def _blend(degp, a, g, h0, final):
    return pl.pallas_call(
        functools.partial(_blend_body, final),
        grid=(RB,),
        in_specs=[
            pl.BlockSpec((RBS, 2), lambda i: (i, 0)),
            pl.BlockSpec((2, RBS, D), lambda i: (0, i, 0)),
            pl.BlockSpec((RBS, D), lambda i: (i, 0)),
            pl.BlockSpec((RBS, D), lambda i: (i, 0)),
        ],
        out_specs=pl.BlockSpec((RBS, D), lambda i: (i, 0)),
        out_shape=jax.ShapeDtypeStruct((N, D), jnp.float32),
    )(degp, a, g, h0)



def _deg_body(col_hbm, out_hbm, colbuf, ones_v, zbuf, acc, sem):
    cid = lax.axis_index("c")
    sid = lax.axis_index("s")
    wid = cid * NS + sid

    pltpu.async_copy(col_hbm.at[wid], colbuf, sem)

    for k in range(8):
        ones_v[pl.ds(k * 16, 16)] = jnp.ones((16,), jnp.float32)

    def zb_store(k, carry):
        zbuf[pl.ds(k * 16, 16)] = jnp.zeros((16,), jnp.float32)
        return carry
    lax.fori_loop(0, 40, zb_store, 0)

    s8w = (sid * ROWS_PER_TILE // 8) * 8
    pltpu.sync_copy(zbuf.at[pl.ds(0, WB)], acc.at[pl.ds(s8w, WB)])

    plsc.subcore_barrier()

    pltpu.make_async_copy(col_hbm.at[wid], colbuf, sem).wait()

    def body(j, carry):
        pltpu.async_copy(ones_v.at[pl.ds(0, C)], acc.at[colbuf.at[j]],
                         sem, add=True)
        return carry
    lax.fori_loop(0, CHUNKS_PER_TILE, body, 0)

    def drain(j, carry):
        pltpu.make_async_copy(ones_v.at[pl.ds(0, C)],
                              acc.at[colbuf.at[j]], sem).wait()
        return carry
    lax.fori_loop(0, CHUNKS_PER_TILE, drain, 0)

    plsc.subcore_barrier()

    start = sid * ROWS_PER_TILE
    s8 = (start // 8) * 8
    pltpu.sync_copy(acc.at[pl.ds(s8, 632)], zbuf.at[pl.ds(0, 632)])
    pltpu.sync_copy(zbuf.at[pl.ds(0, 632)],
                    out_hbm.at[pl.ds(cid * N + s8, 632)])


def _deg_sc(col2d):
    k = pl.kernel(
        _deg_body,
        out_type=jax.ShapeDtypeStruct((NC * N,), jnp.float32),
        mesh=_mesh(),
        scratch_types=[
            pltpu.VMEM((CHUNKS_PER_TILE, C), jnp.int32),
            pltpu.VMEM((128,), jnp.float32),
            pltpu.VMEM((640,), jnp.float32),
            pltpu.VMEM_SHARED((N,), jnp.float32),
            pltpu.SemaphoreType.DMA,
        ],
    )
    return k(col2d)


def _prop_body(g_hbm, e4_hbm, out_hbm,
               idx_0, idx_1, idx_2, idx_3, idx_4, idx_5,
               rows_0, rows_1, rows_2, acc,
               sg0, sg1, sg2, si0, si1, si2, si3, si4, si5,
               ss0, ss1, ss2):
    cid = lax.axis_index("c")
    sid = lax.axis_index("s")
    wid = cid * NS + sid
    ibufs = ((idx_0, si0), (idx_1, si1), (idx_2, si2),
             (idx_3, si3), (idx_4, si4), (idx_5, si5))
    rbufs = ((rows_0, sg0, ss0), (rows_1, sg1, ss1), (rows_2, sg2, ss2))
    nch = CHUNKS_PER_TILE
    r8 = (sid * ROWS_PER_TILE // 8) * 8

    pltpu.async_copy(e4_hbm.at[wid, 0], idx_0, si0)
    pltpu.async_copy(e4_hbm.at[wid, 1], idx_1, si1)
    pltpu.async_copy(e4_hbm.at[wid, 2], idx_2, si2)
    pltpu.async_copy(e4_hbm.at[wid, 3], idx_3, si3)

    def zrow(i, carry):
        for k in range(D // 16):
            rows_2[i, pl.ds(k * 16, 16)] = jnp.zeros((16,), jnp.float32)
        return carry
    lax.fori_loop(0, C, zrow, 0)

    pltpu.make_async_copy(e4_hbm.at[wid, 0], idx_0, si0).wait()
    pltpu.async_copy(g_hbm.at[idx_0.at[0]], rows_0, sg0)
    pltpu.make_async_copy(e4_hbm.at[wid, 1], idx_1, si1).wait()
    pltpu.async_copy(g_hbm.at[idx_1.at[0]], rows_1, sg1)

    for k in range(WB // HOP):
        pltpu.async_copy(rows_2.at[pl.ds(0, HOP), :],
                         acc.at[pl.ds(r8 + k * HOP, HOP), :], ss0)
    pltpu.async_copy(rows_2.at[pl.ds(0, WB % HOP), :],
                     acc.at[pl.ds(r8 + (WB // HOP) * HOP, WB % HOP), :],
                     ss0)
    for k in range(WB // HOP):
        pltpu.make_async_copy(rows_2.at[pl.ds(0, HOP), :],
                              acc.at[pl.ds(r8 + k * HOP, HOP), :],
                              ss0).wait()
    pltpu.make_async_copy(
        rows_2.at[pl.ds(0, WB % HOP), :],
        acc.at[pl.ds(r8 + (WB // HOP) * HOP, WB % HOP), :], ss0).wait()

    plsc.subcore_barrier()

    def chunk_step(j, k6):
        idx_c, _ = ibufs[k6]
        rows_c, sg_c, ss_c = rbufs[k6 % 3]
        idx_n, si_n = ibufs[(k6 + 2) % 6]
        rows_n, sg_n, ss_n = rbufs[(k6 + 2) % 3]
        idx_p, si_p = ibufs[(k6 + 4) % 6]
        idx_o, _ = ibufs[(k6 + 1) % 6]
        pltpu.make_async_copy(g_hbm.at[idx_c.at[0]], rows_c, sg_c).wait()

        @pl.when(j < nch - 2)
        def _():
            pltpu.make_async_copy(
                e4_hbm.at[wid, j + 2], idx_n, si_n).wait()

            @pl.when(j >= 1)
            def _():
                pltpu.make_async_copy(
                    rows_n, acc.at[ibufs[(k6 + 5) % 6][0].at[1]],
                    ss_n).wait()
            pltpu.async_copy(g_hbm.at[idx_n.at[0]], rows_n, sg_n)
        pltpu.async_copy(rows_c, acc.at[idx_c.at[1]], ss_c, add=True)

        @pl.when(j < nch - 4)
        def _():
            pltpu.async_copy(e4_hbm.at[wid, j + 4], idx_p, si_p)

    def body(t, carry):
        for k in range(6):
            chunk_step(6 * t + k, k)
        return carry
    lax.fori_loop(0, nch // 6, body, 0)

    for j in range(nch - nch % 6, nch):
        chunk_step(j, j % 6)

    for j in (nch - 3, nch - 2, nch - 1):
        idx_d, _ = ibufs[j % 6]
        rows_d, _, ss_d = rbufs[j % 3]
        pltpu.make_async_copy(rows_d, acc.at[idx_d.at[1]], ss_d).wait()

    plsc.subcore_barrier()

    nhop = WB // HOP
    wbufs = (rows_0, rows_1)
    wsems = (sg0, sg1)

    def wbhop(k, nrows):
        b = k % 2
        if k >= 2:
            pltpu.make_async_copy(
                wbufs[b].at[pl.ds(0, HOP), :],
                out_hbm.at[cid, pl.ds(r8 + (k - 2) * HOP, HOP), :],
                wsems[b]).wait()
        pltpu.sync_copy(acc.at[pl.ds(r8 + k * HOP, nrows), :],
                        wbufs[b].at[pl.ds(0, nrows), :])
        pltpu.async_copy(wbufs[b].at[pl.ds(0, nrows), :],
                         out_hbm.at[cid, pl.ds(r8 + k * HOP, nrows), :],
                         wsems[b])

    for k in range(nhop):
        wbhop(k, HOP)
    wbhop(nhop, WB % HOP)
    for k in (nhop - 1, nhop):
        b = k % 2
        nrows = HOP if k < nhop else WB % HOP
        pltpu.make_async_copy(
            wbufs[b].at[pl.ds(0, nrows), :],
            out_hbm.at[cid, pl.ds(r8 + k * HOP, nrows), :],
            wsems[b]).wait()


def _prop_sc(g, e4):
    k = pl.kernel(
        _prop_body,
        out_type=jax.ShapeDtypeStruct((NC, N, D), jnp.float32),
        mesh=_mesh(),
        scratch_types=(
            [pltpu.VMEM((2, C), jnp.int32)] * 6
            + [pltpu.VMEM((C, D), jnp.float32)] * 3
            + [pltpu.VMEM_SHARED((N, D), jnp.float32)]
            + [pltpu.SemaphoreType.DMA] * 12
        ),
    )
    return k(g, e4)



def kernel(x, edge_index, q_emb, t_W, t_b, q_W, q_b):
    row3 = edge_index[0].reshape(NW, CHUNKS_PER_TILE, C)
    col3 = edge_index[1].reshape(NW, CHUNKS_PER_TILE, C)
    e4 = jnp.stack([row3, col3], axis=2)

    degp = _deg_sc(col3).reshape(NC, N).T
    h0, ques, g1 = _encoder_prescale(x, t_W, t_b, q_emb, q_W, q_b, degp)
    a1 = _prop_sc(g1, e4)
    g2 = _blend(degp, a1, g1, h0, final=False)
    a2 = _prop_sc(g2, e4)
    h2 = _blend(degp, a2, g2, h0, final=True)
    return ques, h2

# --- scband reference (transcript-rebuilt; emitter-appended) ---
"""Pipeline reference for scband-appnpmodel-16776142258480 (READ-ONLY COPY).

The authoritative reference and input builder live on the scoring server;
editing this copy changes nothing except your own understanding.
"""

import jax, jax.numpy as jnp
import numpy as np

N = 10000
E = 320000
D_IN = 128
D_OUT = 128
K = 2
ALPHA = 0.1


def setup_inputs(seed: int = 0):
    key = jax.random.key(seed)
    ks = jax.random.split(key, 7)
    x = jax.random.normal(ks[0], (N, D_IN), dtype=jnp.float32)
    edge_index = jax.random.randint(ks[1], (2, E), 0, N, dtype=jnp.int32)
    q_emb = jax.random.normal(ks[2], (D_IN,), dtype=jnp.float32)
    t_W = jax.random.normal(ks[3], (D_OUT, D_IN), dtype=jnp.float32) * (1.0 / np.sqrt(D_IN))
    t_b = jnp.zeros((D_OUT,), dtype=jnp.float32)
    q_W = jax.random.normal(ks[4], (D_OUT, D_IN), dtype=jnp.float32) * (1.0 / np.sqrt(D_IN))
    q_b = jnp.zeros((D_OUT,), dtype=jnp.float32)
    return {"x": x, "edge_index": edge_index, "q_emb": q_emb, "t_W": t_W, "t_b": t_b, "q_W": q_W, "q_b": q_b}


def _appnp(h, row, col, n):
    # gcn_norm with self-loops: A_hat = D^{-1/2} (A + I) D^{-1/2}
    sl = jnp.arange(n, dtype=row.dtype)
    r = jnp.concatenate([row, sl])
    c = jnp.concatenate([col, sl])
    ones = jnp.ones(r.shape[0], dtype=jnp.float32)
    deg = jnp.zeros(n, dtype=jnp.float32).at[c].add(ones)
    dinv = jnp.where(deg > 0, 1.0 / jnp.sqrt(deg), 0.0)
    w = dinv[r] * dinv[c]
    x0 = h
    for _ in range(K):
        msg = h[r] * w[:, None]          # gather over edges
        agg = jnp.zeros_like(h).at[c].add(msg)  # scatter-add to dst nodes
        h = (1.0 - ALPHA) * agg + ALPHA * x0
    return h


def reference(x, edge_index, q_emb, t_W, t_b, q_W, q_b):
    # eval mode: all dropouts (tag_drop_rate, que_drop_rate, APPNP edge dropout=0.1) are identity
    h = x @ t_W.T + t_b                  # t_encoder
    h = _appnp(h, edge_index[0], edge_index[1], N)  # APPNP(K=2, alpha=0.1)
    ques = q_emb @ q_W.T + q_b           # q_encoder (Dropout is identity in eval)
    return (ques, h)

if __name__ == "__main__":
    import jax
    _d = setup_inputs()
    print(jax.jit(kernel)(*tuple(_d.values())))

</pallas_src>

<mosaic_0001>
#map = affine_map<(d0, d1) -> (0, 0)>
#map1 = affine_map<(d0, d1) -> (0, 0, 0, 0)>
#map2 = affine_map<(d0, d1) -> (0, 0, 0)>
module attributes {stable_mosaic.version = 14 : i64} {
  func.func @_prop_body(%arg0: i32, %arg1: i32, %arg2: memref<10000x128xf32, #tpu.memory_space<hbm>>, %arg3: memref<32x100x2x100xi32, #tpu.memory_space<hbm>>, %arg4: memref<2x10000x128xf32, #tpu.memory_space<hbm>>, %arg5: memref<2x100xi32, #tpu.memory_space<vmem>>, %arg6: memref<2x100xi32, #tpu.memory_space<vmem>>, %arg7: memref<2x100xi32, #tpu.memory_space<vmem>>, %arg8: memref<2x100xi32, #tpu.memory_space<vmem>>, %arg9: memref<2x100xi32, #tpu.memory_space<vmem>>, %arg10: memref<2x100xi32, #tpu.memory_space<vmem>>, %arg11: memref<100x128xf32, #tpu.memory_space<vmem>>, %arg12: memref<100x128xf32, #tpu.memory_space<vmem>>, %arg13: memref<100x128xf32, #tpu.memory_space<vmem>>, %arg14: memref<10000x128xf32, #tpu.memory_space<vmem_shared>>, %arg15: memref<!tpu.dma_semaphore, #tpu.memory_space<semaphore_mem>>, %arg16: memref<!tpu.dma_semaphore, #tpu.memory_space<semaphore_mem>>, %arg17: memref<!tpu.dma_semaphore, #tpu.memory_space<semaphore_mem>>, %arg18: memref<!tpu.dma_semaphore, #tpu.memory_space<semaphore_mem>>, %arg19: memref<!tpu.dma_semaphore, #tpu.memory_space<semaphore_mem>>, %arg20: memref<!tpu.dma_semaphore, #tpu.memory_space<semaphore_mem>>, %arg21: memref<!tpu.dma_semaphore, #tpu.memory_space<semaphore_mem>>, %arg22: memref<!tpu.dma_semaphore, #tpu.memory_space<semaphore_mem>>, %arg23: memref<!tpu.dma_semaphore, #tpu.memory_space<semaphore_mem>>, %arg24: memref<!tpu.dma_semaphore, #tpu.memory_space<semaphore_mem>>, %arg25: memref<!tpu.dma_semaphore, #tpu.memory_space<semaphore_mem>>, %arg26: memref<!tpu.dma_semaphore, #tpu.memory_space<semaphore_mem>>) attributes {dimension_semantics = [#tpu.dimension_semantics<core_parallel>, #tpu.dimension_semantics<subcore_parallel>], iteration_bounds = array<i64: 2, 16>, scalar_prefetch = 0 : i64, scratch_operands = 22 : i64, tpu.core_type = #tpu.core_type<sc_vector_subcore>, window_params = [{transform_indices = #map}, {transform_indices = #map1}, {transform_indices = #map2}]} {
    %mul3A = arith.constant 16 : i32
    %mul3A_0 = arith.muli %arg0, %mul3A : i32
    %add3A = arith.addi %mul3A_0, %arg1 : i32
    %mul3A_1 = arith.constant 625 : i32
    %mul3A_2 = arith.muli %arg1, %mul3A_1 : i32
    %jit3A = arith.constant 8 : i32
    %div3A = arith.divsi %mul3A_2, %jit3A : i32
    %sign3A = arith.constant 0 : i32
    %sign3A_3 = arith.cmpi sgt, %mul3A_2, %sign3A : i32
    %sign3A_4 = arith.extui %sign3A_3 : i1 to i32
    %sign3A_5 = arith.constant 0 : i32
    %sign3A_6 = arith.cmpi slt, %mul3A_2, %sign3A_5 : i32
    %sign3A_7 = arith.extui %sign3A_6 : i1 to i32
    %sign3A_8 = arith.subi %sign3A_4, %sign3A_7 : i32
    %sign3A_9 = arith.constant 0 : i32
    %sign3A_10 = arith.cmpi sgt, %jit3A, %sign3A_9 : i32
    %sign3A_11 = arith.extui %sign3A_10 : i1 to i32
    %sign3A_12 = arith.constant 0 : i32
    %sign3A_13 = arith.cmpi slt, %jit3A, %sign3A_12 : i32
    %sign3A_14 = arith.extui %sign3A_13 : i1 to i32
    %sign3A_15 = arith.subi %sign3A_11, %sign3A_14 : i32
    %ne3A = arith.cmpi ne, %sign3A_8, %sign3A_15 : i32
    %rem3A = arith.remsi %mul3A_2, %jit3A : i32
    %ne3A_16 = arith.constant 0 : i32
    %ne3A_17 = arith.cmpi ne, %rem3A, %ne3A_16 : i32
    %and3A = arith.andi %ne3A, %ne3A_17 : i1
    %sub3A = arith.constant 1 : i32
    %sub3A_18 = arith.subi %div3A, %sub3A : i32
    %select_n3A = arith.select %and3A, %sub3A_18, %div3A : i32
    %mul3A_19 = arith.constant 8 : i32
    %mul3A_20 = arith.muli %select_n3A, %mul3A_19 : i32
    %dma_start3A = arith.constant 0 : i32
    %dma_start3A_21 = arith.constant 0 : i32
    %dma_start3A_22 = arith.constant 0 : i32
    %dma_start3A_23 = tpu.memref_slice %arg3[%add3A, %dma_start3A, %dma_start3A_21, %dma_start3A_22] : memref<32x100x2x100xi32, #tpu.memory_space<hbm>> -> memref<1x1x2x100xi32, #tpu.memory_space<hbm>>
    %dma_start3A_24 = tpu.memref_squeeze %dma_start3A_23 : memref<1x1x2x100xi32, #tpu.memory_space<hbm>> -> memref<2x100xi32, #tpu.memory_space<hbm>>
    %dma_start3A_25 = arith.constant 0 : i32
    %dma_start3A_26 = arith.constant 0 : i32
    %dma_start3A_27 = tpu.memref_slice %arg3[%add3A, %dma_start3A, %dma_start3A_25, %dma_start3A_26] : memref<32x100x2x100xi32, #tpu.memory_space<hbm>> -> memref<1x1x2x100xi32, #tpu.memory_space<hbm>>
    %dma_start3A_28 = tpu.memref_squeeze %dma_start3A_27 : memref<1x1x2x100xi32, #tpu.memory_space<hbm>> -> memref<2x100xi32, #tpu.memory_space<hbm>>
    tpu.enqueue_dma source(%dma_start3A_28 : memref<2x100xi32, #tpu.memory_space<hbm>>) target(%arg5 : memref<2x100xi32, #tpu.memory_space<vmem>>) target_semaphore(%arg18 : memref<!tpu.dma_semaphore, #tpu.memory_space<semaphore_mem>>)
    %dma_start3A_29 = arith.constant 1 : i32
    %dma_start3A_30 = arith.constant 0 : i32
    %dma_start3A_31 = arith.constant 0 : i32
    %dma_start3A_32 = tpu.memref_slice %arg3[%add3A, %dma_start3A_29, %dma_start3A_30, %dma_start3A_31] : memref<32x100x2x100xi32, #tpu.memory_space<hbm>> -> memref<1x1x2x100xi32, #tpu.memory_space<hbm>>
    %dma_start3A_33 = tpu.memref_squeeze %dma_start3A_32 : memref<1x1x2x100xi32, #tpu.memory_space<hbm>> -> memref<2x100xi32, #tpu.memory_space<hbm>>
    %dma_start3A_34 = arith.constant 0 : i32
    %dma_start3A_35 = arith.constant 0 : i32
    %dma_start3A_36 = tpu.memref_slice %arg3[%add3A, %dma_start3A_29, %dma_start3A_34, %dma_start3A_35] : memref<32x100x2x100xi32, #tpu.memory_space<hbm>> -> memref<1x1x2x100xi32, #tpu.memory_space<hbm>>
    %dma_start3A_37 = tpu.memref_squeeze %dma_start3A_36 : memref<1x1x2x100xi32, #tpu.memory_space<hbm>> -> memref<2x100xi32, #tpu.memory_space<hbm>>
    tpu.enqueue_dma source(%dma_start3A_37 : memref<2x100xi32, #tpu.memory_space<hbm>>) target(%arg6 : memref<2x100xi32, #tpu.memory_space<vmem>>) target_semaphore(%arg19 : memref<!tpu.dma_semaphore, #tpu.memory_space<semaphore_mem>>)
    %dma_start3A_38 = arith.constant 2 : i32
    %dma_start3A_39 = arith.constant 0 : i32
    %dma_start3A_40 = arith.constant 0 : i32
    %dma_start3A_41 = tpu.memref_slice %arg3[%add3A, %dma_start3A_38, %dma_start3A_39, %dma_start3A_40] : memref<32x100x2x100xi32, #tpu.memory_space<hbm>> -> memref<1x1x2x100xi32, #tpu.memory_space<hbm>>
    %dma_start3A_42 = tpu.memref_squeeze %dma_start3A_41 : memref<1x1x2x100xi32, #tpu.memory_space<hbm>> -> memref<2x100xi32, #tpu.memory_space<hbm>>
    %dma_start3A_43 = arith.constant 0 : i32
    %dma_start3A_44 = arith.constant 0 : i32
    %dma_start3A_45 = tpu.memref_slice %arg3[%add3A, %dma_start3A_38, %dma_start3A_43, %dma_start3A_44] : memref<32x100x2x100xi32, #tpu.memory_space<hbm>> -> memref<1x1x2x100xi32, #tpu.memory_space<hbm>>
    %dma_start3A_46 = tpu.memref_squeeze %dma_start3A_45 : memref<1x1x2x100xi32, #tpu.memory_space<hbm>> -> memref<2x100xi32, #tpu.memory_space<hbm>>
    tpu.enqueue_dma source(%dma_start3A_46 : memref<2x100xi32, #tpu.memory_space<hbm>>) target(%arg7 : memref<2x100xi32, #tpu.memory_space<vmem>>) target_semaphore(%arg20 : memref<!tpu.dma_semaphore, #tpu.memory_space<semaphore_mem>>)
    %dma_start3A_47 = arith.constant 3 : i32
    %dma_start3A_48 = arith.constant 0 : i32
    %dma_start3A_49 = arith.constant 0 : i32
    %dma_start3A_50 = tpu.memref_slice %arg3[%add3A, %dma_start3A_47, %dma_start3A_48, %dma_start3A_49] : memref<32x100x2x100xi32, #tpu.memory_space<hbm>> -> memref<1x1x2x100xi32, #tpu.memory_space<hbm>>
    %dma_start3A_51 = tpu.memref_squeeze %dma_start3A_50 : memref<1x1x2x100xi32, #tpu.memory_space<hbm>> -> memref<2x100xi32, #tpu.memory_space<hbm>>
    %dma_start3A_52 = arith.constant 0 : i32
    %dma_start3A_53 = arith.constant 0 : i32
    %dma_start3A_54 = tpu.memref_slice %arg3[%add3A, %dma_start3A_47, %dma_start3A_52, %dma_start3A_53] : memref<32x100x2x100xi32, #tpu.memory_space<hbm>> -> memref<1x1x2x100xi32, #tpu.memory_space<hbm>>
    %dma_start3A_55 = tpu.memref_squeeze %dma_start3A_54 : memref<1x1x2x100xi32, #tpu.memory_space<hbm>> -> memref<2x100xi32, #tpu.memory_space<hbm>>
    tpu.enqueue_dma source(%dma_start3A_55 : memref<2x100xi32, #tpu.memory_space<hbm>>) target(%arg8 : memref<2x100xi32, #tpu.memory_space<vmem>>) target_semaphore(%arg21 : memref<!tpu.dma_semaphore, #tpu.memory_space<semaphore_mem>>)
    %scan3A = arith.constant 0 : i32
    %scan3A_56 = arith.constant 0 : i32
    %scan3A_57 = arith.constant 100 : i32
    %scan3A_58 = arith.addi %scan3A_56, %scan3A_57 : i32
    %scan3A_59 = arith.constant 1 : i32
    scf.for %scan3A_600 = %scan3A_56 to %scan3A_58 step %scan3A_59  : i32 {
      %broadcast_in_dim3A = arith.constant 0.000000e+00 : f32
      %broadcast_in_dim3A_601 = vector.broadcast %broadcast_in_dim3A : f32 to vector<16xf32>
      %swap3A = arith.index_cast %scan3A_600 : i32 to index
      %swap3A_602 = arith.constant 0 : index
      %swap3A_603 = tpu.vector_load %arg13[%swap3A, %swap3A_602] {strides = array<i32>} : memref<100x128xf32, #tpu.memory_space<vmem>>, vector<1x16xf32>,
      %swap3A_604 = vector.shape_cast %swap3A_603 : vector<1x16xf32> to vector<16xf32>
      %swap3A_605 = vector.shape_cast %broadcast_in_dim3A_601 : vector<16xf32> to vector<1x16xf32>
      tpu.vector_store %arg13[%swap3A, %swap3A_602], %swap3A_605 {strides = array<i32>} : memref<100x128xf32, #tpu.memory_space<vmem>>, vector<1x16xf32>,
      %broadcast_in_dim3A_606 = arith.constant 0.000000e+00 : f32
      %broadcast_in_dim3A_607 = vector.broadcast %broadcast_in_dim3A_606 : f32 to vector<16xf32>
      %swap3A_608 = arith.index_cast %scan3A_600 : i32 to index
      %swap3A_609 = arith.constant 16 : index
      %swap3A_610 = tpu.vector_load %arg13[%swap3A_608, %swap3A_609] {strides = array<i32>} : memref<100x128xf32, #tpu.memory_space<vmem>>, vector<1x16xf32>,
      %swap3A_611 = vector.shape_cast %swap3A_610 : vector<1x16xf32> to vector<16xf32>
      %swap3A_612 = vector.shape_cast %broadcast_in_dim3A_607 : vector<16xf32> to vector<1x16xf32>
      tpu.vector_store %arg13[%swap3A_608, %swap3A_609], %swap3A_612 {strides = array<i32>} : memref<100x128xf32, #tpu.memory_space<vmem>>, vector<1x16xf32>,
      %broadcast_in_dim3A_613 = arith.constant 0.000000e+00 : f32
      %broadcast_in_dim3A_614 = vector.broadcast %broadcast_in_dim3A_613 : f32 to vector<16xf32>
      %swap3A_615 = arith.index_cast %scan3A_600 : i32 to index
      %swap3A_616 = arith.constant 32 : index
      %swap3A_617 = tpu.vector_load %arg13[%swap3A_615, %swap3A_616] {strides = array<i32>} : memref<100x128xf32, #tpu.memory_space<vmem>>, vector<1x16xf32>,
      %swap3A_618 = vector.shape_cast %swap3A_617 : vector<1x16xf32> to vector<16xf32>
      %swap3A_619 = vector.shape_cast %broadcast_in_dim3A_614 : vector<16xf32> to vector<1x16xf32>
      tpu.vector_store %arg13[%swap3A_615, %swap3A_616], %swap3A_619 {strides = array<i32>} : memref<100x128xf32, #tpu.memory_space<vmem>>, vector<1x16xf32>,
      %broadcast_in_dim3A_620 = arith.constant 0.000000e+00 : f32
      %broadcast_in_dim3A_621 = vector.broadcast %broadcast_in_dim3A_620 : f32 to vector<16xf32>
      %swap3A_622 = arith.index_cast %scan3A_600 : i32 to index
      %swap3A_623 = arith.constant 48 : index
      %swap3A_624 = tpu.vector_load %arg13[%swap3A_622, %swap3A_623] {strides = array<i32>} : memref<100x128xf32, #tpu.memory_space<vmem>>, vector<1x16xf32>,
      %swap3A_625 = vector.shape_cast %swap3A_624 : vector<1x16xf32> to vector<16xf32>
      %swap3A_626 = vector.shape_cast %broadcast_in_dim3A_621 : vector<16xf32> to vector<1x16xf32>
      tpu.vector_store %arg13[%swap3A_622, %swap3A_623], %swap3A_626 {strides = array<i32>} : memref<100x128xf32, #tpu.memory_space<vmem>>, vector<1x16xf32>,
      %broadcast_in_dim3A_627 = arith.constant 0.000000e+00 : f32
      %broadcast_in_dim3A_628 = vector.broadcast %broadcast_in_dim3A_627 : f32 to vector<16xf32>
      %swap3A_629 = arith.index_cast %scan3A_600 : i32 to index
      %swap3A_630 = arith.constant 64 : index
      %swap3A_631 = tpu.vector_load %arg13[%swap3A_629, %swap3A_630] {strides = array<i32>} : memref<100x128xf32, #tpu.memory_space<vmem>>, vector<1x16xf32>,
      %swap3A_632 = vector.shape_cast %swap3A_631 : vector<1x16xf32> to vector<16xf32>
      %swap3A_633 = vector.shape_cast %broadcast_in_dim3A_628 : vector<16xf32> to vector<1x16xf32>
      tpu.vector_store %arg13[%swap3A_629, %swap3A_630], %swap3A_633 {strides = array<i32>} : memref<100x128xf32, #tpu.memory_space<vmem>>, vector<1x16xf32>,
      %broadcast_in_dim3A_634 = arith.constant 0.000000e+00 : f32
      %broadcast_in_dim3A_635 = vector.broadcast %broadcast_in_dim3A_634 : f32 to vector<16xf32>
      %swap3A_636 = arith.index_cast %scan3A_600 : i32 to index
      %swap3A_637 = arith.constant 80 : index
      %swap3A_638 = tpu.vector_load %arg13[%swap3A_636, %swap3A_637] {strides = array<i32>} : memref<100x128xf32, #tpu.memory_space<vmem>>, vector<1x16xf32>,
      %swap3A_639 = vector.shape_cast %swap3A_638 : vector<1x16xf32> to vector<16xf32>
      %swap3A_640 = vector.shape_cast %broadcast_in_dim3A_635 : vector<16xf32> to vector<1x16xf32>
      tpu.vector_store %arg13[%swap3A_636, %swap3A_637], %swap3A_640 {strides = array<i32>} : memref<100x128xf32, #tpu.memory_space<vmem>>, vector<1x16xf32>,
      %broadcast_in_dim3A_641 = arith.constant 0.000000e+00 : f32
      %broadcast_in_dim3A_642 = vector.broadcast %broadcast_in_dim3A_641 : f32 to vector<16xf32>
      %swap3A_643 = arith.index_cast %scan3A_600 : i32 to index
      %swap3A_644 = arith.constant 96 : index
      %swap3A_645 = tpu.vector_load %arg13[%swap3A_643, %swap3A_644] {strides = array<i32>} : memref<100x128xf32, #tpu.memory_space<vmem>>, vector<1x16xf32>,
      %swap3A_646 = vector.shape_cast %swap3A_645 : vector<1x16xf32> to vector<16xf32>
      %swap3A_647 = vector.shape_cast %broadcast_in_dim3A_642 : vector<16xf32> to vector<1x16xf32>
      tpu.vector_store %arg13[%swap3A_643, %swap3A_644], %swap3A_647 {strides = array<i32>} : memref<100x128xf32, #tpu.memory_space<vmem>>, vector<1x16xf32>,
      %broadcast_in_dim3A_648 = arith.constant 0.000000e+00 : f32
      %broadcast_in_dim3A_649 = vector.broadcast %broadcast_in_dim3A_648 : f32 to vector<16xf32>
      %swap3A_650 = arith.index_cast %scan3A_600 : i32 to index
      %swap3A_651 = arith.constant 112 : index
      %swap3A_652 = tpu.vector_load %arg13[%swap3A_650, %swap3A_651] {strides = array<i32>} : memref<100x128xf32, #tpu.memory_space<vmem>>, vector<1x16xf32>,
      %swap3A_653 = vector.shape_cast %swap3A_652 : vector<1x16xf32> to vector<16xf32>
      %swap3A_654 = vector.shape_cast %broadcast_in_dim3A_649 : vector<16xf32> to vector<1x16xf32>
      tpu.vector_store %arg13[%swap3A_650, %swap3A_651], %swap3A_654 {strides = array<i32>} : memref<100x128xf32, #tpu.memory_space<vmem>>, vector<1x16xf32>,
    }
    %scan3A_60 = arith.constant 100 : i32
    %dma_wait3A = arith.constant 0 : i32
    %dma_wait3A_61 = arith.constant 0 : i32
    %dma_wait3A_62 = arith.constant 0 : i32
    %dma_wait3A_63 = tpu.memref_slice %arg3[%add3A, %dma_wait3A, %dma_wait3A_61, %dma_wait3A_62] : memref<32x100x2x100xi32, #tpu.memory_space<hbm>> -> memref<1x1x2x100xi32, #tpu.memory_space<hbm>>
    %dma_wait3A_64 = tpu.memref_squeeze %dma_wait3A_63 : memref<1x1x2x100xi32, #tpu.memory_space<hbm>> -> memref<2x100xi32, #tpu.memory_space<hbm>>
    %dma_wait3A_65 = arith.constant 0 : i32
    %dma_wait3A_66 = arith.constant 0 : i32
    %dma_wait3A_67 = tpu.memref_slice %arg3[%add3A, %dma_wait3A, %dma_wait3A_65, %dma_wait3A_66] : memref<32x100x2x100xi32, #tpu.memory_space<hbm>> -> memref<1x1x2x100xi32, #tpu.memory_space<hbm>>
    %dma_wait3A_68 = tpu.memref_squeeze %dma_wait3A_67 : memref<1x1x2x100xi32, #tpu.memory_space<hbm>> -> memref<2x100xi32, #tpu.memory_space<hbm>>
    tpu.wait_dma2 semaphore(%arg18 : memref<!tpu.dma_semaphore, #tpu.memory_space<semaphore_mem>>) src(%dma_wait3A_68 : memref<2x100xi32, #tpu.memory_space<hbm>>) dst(%arg5 : memref<2x100xi32, #tpu.memory_space<vmem>>)
    %dma_start3A_69 = arith.constant 0 : i32
    %dma_start3A_70 = arith.constant 0 : i32
    %dma_start3A_71 = tpu.memref_slice %arg5[%dma_start3A_69, %dma_start3A_70] : memref<2x100xi32, #tpu.memory_space<vmem>> -> memref<1x100xi32, #tpu.memory_space<vmem>>
    %dma_start3A_72 = tpu.memref_squeeze %dma_start3A_71 : memref<1x100xi32, #tpu.memory_space<vmem>> -> memref<100xi32, #tpu.memory_space<vmem>>
    %dma_start3A_73 = arith.constant 0 : i32
    %dma_start3A_74 = arith.constant 0 : i32
    %dma_start3A_75 = tpu.memref_slice %arg2[%dma_start3A_73, %dma_start3A_74] : memref<10000x128xf32, #tpu.memory_space<hbm>> -> memref<10000x128xf32, #tpu.memory_space<hbm>>
    tpu.enqueue_indirect_dma source(%dma_start3A_75 : memref<10000x128xf32, #tpu.memory_space<hbm>>) target(%arg11 : memref<100x128xf32, #tpu.memory_space<vmem>>) offsets(%dma_start3A_72 : memref<100xi32, #tpu.memory_space<vmem>>) semaphore(%arg15 : memref<!tpu.dma_semaphore, #tpu.memory_space<semaphore_mem>>)
    %dma_wait3A_76 = arith.constant 1 : i32
    %dma_wait3A_77 = arith.constant 0 : i32
    %dma_wait3A_78 = arith.constant 0 : i32
    %dma_wait3A_79 = tpu.memref_slice %arg3[%add3A, %dma_wait3A_76, %dma_wait3A_77, %dma_wait3A_78] : memref<32x100x2x100xi32, #tpu.memory_space<hbm>> -> memref<1x1x2x100xi32, #tpu.memory_space<hbm>>
    %dma_wait3A_80 = tpu.memref_squeeze %dma_wait3A_79 : memref<1x1x2x100xi32, #tpu.memory_space<hbm>> -> memref<2x100xi32, #tpu.memory_space<hbm>>
    %dma_wait3A_81 = arith.constant 0 : i32
    %dma_wait3A_82 = arith.constant 0 : i32
    %dma_wait3A_83 = tpu.memref_slice %arg3[%add3A, %dma_wait3A_76, %dma_wait3A_81, %dma_wait3A_82] : memref<32x100x2x100xi32, #tpu.memory_space<hbm>> -> memref<1x1x2x100xi32, #tpu.memory_space<hbm>>
    %dma_wait3A_84 = tpu.memref_squeeze %dma_wait3A_83 : memref<1x1x2x100xi32, #tpu.memory_space<hbm>> -> memref<2x100xi32, #tpu.memory_space<hbm>>
    tpu.wait_dma2 semaphore(%arg19 : memref<!tpu.dma_semaphore, #tpu.memory_space<semaphore_mem>>) src(%dma_wait3A_84 : memref<2x100xi32, #tpu.memory_space<hbm>>) dst(%arg6 : memref<2x100xi32, #tpu.memory_space<vmem>>)
    %dma_start3A_85 = arith.constant 0 : i32
    %dma_start3A_86 = arith.constant 0 : i32
    %dma_start3A_87 = tpu.memref_slice %arg6[%dma_start3A_85, %dma_start3A_86] : memref<2x100xi32, #tpu.memory_space<vmem>> -> memref<1x100xi32, #tpu.memory_space<vmem>>
    %dma_start3A_88 = tpu.memref_squeeze %dma_start3A_87 : memref<1x100xi32, #tpu.memory_space<vmem>> -> memref<100xi32, #tpu.memory_space<vmem>>
    %dma_start3A_89 = arith.constant 0 : i32
    %dma_start3A_90 = arith.constant 0 : i32
    %dma_start3A_91 = tpu.memref_slice %arg2[%dma_start3A_89, %dma_start3A_90] : memref<10000x128xf32, #tpu.memory_space<hbm>> -> memref<10000x128xf32, #tpu.memory_space<hbm>>
    tpu.enqueue_indirect_dma source(%dma_start3A_91 : memref<10000x128xf32, #tpu.memory_space<hbm>>) target(%arg12 : memref<100x128xf32, #tpu.memory_space<vmem>>) offsets(%dma_start3A_88 : memref<100xi32, #tpu.memory_space<vmem>>) semaphore(%arg16 : memref<!tpu.dma_semaphore, #tpu.memory_space<semaphore_mem>>)
    %add3A_92 = arith.constant 0 : i32
    %add3A_93 = arith.addi %mul3A_20, %add3A_92 : i32
    %dma_start3A_94 = arith.constant 0 : i32
    %dma_start3A_95 = arith.constant 0 : i32
    %dma_start3A_96 = tpu.memref_slice %arg13[%dma_start3A_94, %dma_start3A_95] : memref<100x128xf32, #tpu.memory_space<vmem>> -> memref<96x128xf32, #tpu.memory_space<vmem>>
    %dma_start3A_97 = arith.constant 0 : i32
    %dma_start3A_98 = tpu.memref_slice %arg14[%add3A_93, %dma_start3A_97] : memref<10000x128xf32, #tpu.memory_space<vmem_shared>> -> memref<96x128xf32, #tpu.memory_space<vmem_shared>>
    %dma_start3A_99 = arith.constant 0 : i32
    %dma_start3A_100 = tpu.memref_slice %arg14[%add3A_93, %dma_start3A_99] : memref<10000x128xf32, #tpu.memory_space<vmem_shared>> -> memref<96x128xf32, #tpu.memory_space<vmem_shared>>
    %dma_start3A_101 = arith.constant 0 : i32
    %dma_start3A_102 = arith.constant 0 : i32
    %dma_start3A_103 = tpu.memref_slice %arg13[%dma_start3A_101, %dma_start3A_102] : memref<100x128xf32, #tpu.memory_space<vmem>> -> memref<96x128xf32, #tpu.memory_space<vmem>>
    tpu.enqueue_dma source(%dma_start3A_103 : memref<96x128xf32, #tpu.memory_space<vmem>>) target(%dma_start3A_100 : memref<96x128xf32, #tpu.memory_space<vmem_shared>>) target_semaphore(%arg24 : memref<!tpu.dma_semaphore, #tpu.memory_space<semaphore_mem>>)
    %add3A_104 = arith.constant 96 : i32
    %add3A_105 = arith.addi %mul3A_20, %add3A_104 : i32
    %dma_start3A_106 = arith.constant 0 : i32
    %dma_start3A_107 = arith.constant 0 : i32
    %dma_start3A_108 = tpu.memref_slice %arg13[%dma_start3A_106, %dma_start3A_107] : memref<100x128xf32, #tpu.memory_space<vmem>> -> memref<96x128xf32, #tpu.memory_space<vmem>>
    %dma_start3A_109 = arith.constant 0 : i32
    %dma_start3A_110 = tpu.memref_slice %arg14[%add3A_105, %dma_start3A_109] : memref<10000x128xf32, #tpu.memory_space<vmem_shared>> -> memref<96x128xf32, #tpu.memory_space<vmem_shared>>
    %dma_start3A_111 = arith.constant 0 : i32
    %dma_start3A_112 = tpu.memref_slice %arg14[%add3A_105, %dma_start3A_111] : memref<10000x128xf32, #tpu.memory_space<vmem_shared>> -> memref<96x128xf32, #tpu.memory_space<vmem_shared>>
    %dma_start3A_113 = arith.constant 0 : i32
    %dma_start3A_114 = arith.constant 0 : i32
    %dma_start3A_115 = tpu.memref_slice %arg13[%dma_start3A_113, %dma_start3A_114] : memref<100x128xf32, #tpu.memory_space<vmem>> -> memref<96x128xf32, #tpu.memory_space<vmem>>
    tpu.enqueue_dma source(%dma_start3A_115 : memref<96x128xf32, #tpu.memory_space<vmem>>) target(%dma_start3A_112 : memref<96x128xf32, #tpu.memory_space<vmem_shared>>) target_semaphore(%arg24 : memref<!tpu.dma_semaphore, #tpu.memory_space<semaphore_mem>>)
    %add3A_116 = arith.constant 192 : i32
    %add3A_117 = arith.addi %mul3A_20, %add3A_116 : i32
    %dma_start3A_118 = arith.constant 0 : i32
    %dma_start3A_119 = arith.constant 0 : i32
    %dma_start3A_120 = tpu.memref_slice %arg13[%dma_start3A_118, %dma_start3A_119] : memref<100x128xf32, #tpu.memory_space<vmem>> -> memref<96x128xf32, #tpu.memory_space<vmem>>
    %dma_start3A_121 = arith.constant 0 : i32
    %dma_start3A_122 = tpu.memref_slice %arg14[%add3A_117, %dma_start3A_121] : memref<10000x128xf32, #tpu.memory_space<vmem_shared>> -> memref<96x128xf32, #tpu.memory_space<vmem_shared>>
    %dma_start3A_123 = arith.constant 0 : i32
    %dma_start3A_124 = tpu.memref_slice %arg14[%add3A_117, %dma_start3A_123] : memref<10000x128xf32, #tpu.memory_space<vmem_shared>> -> memref<96x128xf32, #tpu.memory_space<vmem_shared>>
    %dma_start3A_125 = arith.constant 0 : i32
    %dma_start3A_126 = arith.constant 0 : i32
    %dma_start3A_127 = tpu.memref_slice %arg13[%dma_start3A_125, %dma_start3A_126] : memref<100x128xf32, #tpu.memory_space<vmem>> -> memref<96x128xf32, #tpu.memory_space<vmem>>
    tpu.enqueue_dma source(%dma_start3A_127 : memref<96x128xf32, #tpu.memory_space<vmem>>) target(%dma_start3A_124 : memref<96x128xf32, #tpu.memory_space<vmem_shared>>) target_semaphore(%arg24 : memref<!tpu.dma_semaphore, #tpu.memory_space<semaphore_mem>>)
    %add3A_128 = arith.constant 288 : i32
    %add3A_129 = arith.addi %mul3A_20, %add3A_128 : i32
    %dma_start3A_130 = arith.constant 0 : i32
    %dma_start3A_131 = arith.constant 0 : i32
    %dma_start3A_132 = tpu.memref_slice %arg13[%dma_start3A_130, %dma_start3A_131] : memref<100x128xf32, #tpu.memory_space<vmem>> -> memref<96x128xf32, #tpu.memory_space<vmem>>
    %dma_start3A_133 = arith.constant 0 : i32
    %dma_start3A_134 = tpu.memref_slice %arg14[%add3A_129, %dma_start3A_133] : memref<10000x128xf32, #tpu.memory_space<vmem_shared>> -> memref<96x128xf32, #tpu.memory_space<vmem_shared>>
    %dma_start3A_135 = arith.constant 0 : i32
    %dma_start3A_136 = tpu.memref_slice %arg14[%add3A_129, %dma_start3A_135] : memref<10000x128xf32, #tpu.memory_space<vmem_shared>> -> memref<96x128xf32, #tpu.memory_space<vmem_shared>>
    %dma_start3A_137 = arith.constant 0 : i32
    %dma_start3A_138 = arith.constant 0 : i32
    %dma_start3A_139 = tpu.memref_slice %arg13[%dma_start3A_137, %dma_start3A_138] : memref<100x128xf32, #tpu.memory_space<vmem>> -> memref<96x128xf32, #tpu.memory_space<vmem>>
    tpu.enqueue_dma source(%dma_start3A_139 : memref<96x128xf32, #tpu.memory_space<vmem>>) target(%dma_start3A_136 : memref<96x128xf32, #tpu.memory_space<vmem_shared>>) target_semaphore(%arg24 : memref<!tpu.dma_semaphore, #tpu.memory_space<semaphore_mem>>)
    %add3A_140 = arith.constant 384 : i32
    %add3A_141 = arith.addi %mul3A_20, %add3A_140 : i32
    %dma_start3A_142 = arith.constant 0 : i32
    %dma_start3A_143 = arith.constant 0 : i32
    %dma_start3A_144 = tpu.memref_slice %arg13[%dma_start3A_142, %dma_start3A_143] : memref<100x128xf32, #tpu.memory_space<vmem>> -> memref<96x128xf32, #tpu.memory_space<vmem>>
    %dma_start3A_145 = arith.constant 0 : i32
    %dma_start3A_146 = tpu.memref_slice %arg14[%add3A_141, %dma_start3A_145] : memref<10000x128xf32, #tpu.memory_space<vmem_shared>> -> memref<96x128xf32, #tpu.memory_space<vmem_shared>>
    %dma_start3A_147 = arith.constant 0 : i32
    %dma_start3A_148 = tpu.memref_slice %arg14[%add3A_141, %dma_start3A_147] : memref<10000x128xf32, #tpu.memory_space<vmem_shared>> -> memref<96x128xf32, #tpu.memory_space<vmem_shared>>
    %dma_start3A_149 = arith.constant 0 : i32
    %dma_start3A_150 = arith.constant 0 : i32
    %dma_start3A_151 = tpu.memref_slice %arg13[%dma_start3A_149, %dma_start3A_150] : memref<100x128xf32, #tpu.memory_space<vmem>> -> memref<96x128xf32, #tpu.memory_space<vmem>>
    tpu.enqueue_dma source(%dma_start3A_151 : memref<96x128xf32, #tpu.memory_space<vmem>>) target(%dma_start3A_148 : memref<96x128xf32, #tpu.memory_space<vmem_shared>>) target_semaphore(%arg24 : memref<!tpu.dma_semaphore, #tpu.memory_space<semaphore_mem>>)
    %add3A_152 = arith.constant 480 : i32
    %add3A_153 = arith.addi %mul3A_20, %add3A_152 : i32
    %dma_start3A_154 = arith.constant 0 : i32
    %dma_start3A_155 = arith.constant 0 : i32
    %dma_start3A_156 = tpu.memref_slice %arg13[%dma_start3A_154, %dma_start3A_155] : memref<100x128xf32, #tpu.memory_space<vmem>> -> memref<96x128xf32, #tpu.memory_space<vmem>>
    %dma_start3A_157 = arith.constant 0 : i32
    %dma_start3A_158 = tpu.memref_slice %arg14[%add3A_153, %dma_start3A_157] : memref<10000x128xf32, #tpu.memory_space<vmem_shared>> -> memref<96x128xf32, #tpu.memory_space<vmem_shared>>
    %dma_start3A_159 = arith.constant 0 : i32
    %dma_start3A_160 = tpu.memref_slice %arg14[%add3A_153, %dma_start3A_159] : memref<10000x128xf32, #tpu.memory_space<vmem_shared>> -> memref<96x128xf32, #tpu.memory_space<vmem_shared>>
    %dma_start3A_161 = arith.constant 0 : i32
    %dma_start3A_162 = arith.constant 0 : i32
    %dma_start3A_163 = tpu.memref_slice %arg13[%dma_start3A_161, %dma_start3A_162] : memref<100x128xf32, #tpu.memory_space<vmem>> -> memref<96x128xf32, #tpu.memory_space<vmem>>
    tpu.enqueue_dma source(%dma_start3A_163 : memref<96x128xf32, #tpu.memory_space<vmem>>) target(%dma_start3A_160 : memref<96x128xf32, #tpu.memory_space<vmem_shared>>) target_semaphore(%arg24 : memref<!tpu.dma_semaphore, #tpu.memory_space<semaphore_mem>>)
    %add3A_164 = arith.constant 576 : i32
    %add3A_165 = arith.addi %mul3A_20, %add3A_164 : i32
    %dma_start3A_166 = arith.constant 0 : i32
    %dma_start3A_167 = arith.constant 0 : i32
    %dma_start3A_168 = tpu.memref_slice %arg13[%dma_start3A_166, %dma_start3A_167] : memref<100x128xf32, #tpu.memory_space<vmem>> -> memref<56x128xf32, #tpu.memory_space<vmem>>
    %dma_start3A_169 = arith.constant 0 : i32
    %dma_start3A_170 = tpu.memref_slice %arg14[%add3A_165, %dma_start3A_169] : memref<10000x128xf32, #tpu.memory_space<vmem_shared>> -> memref<56x128xf32, #tpu.memory_space<vmem_shared>>
    %dma_start3A_171 = arith.constant 0 : i32
    %dma_start3A_172 = tpu.memref_slice %arg14[%add3A_165, %dma_start3A_171] : memref<10000x128xf32, #tpu.memory_space<vmem_shared>> -> memref<56x128xf32, #tpu.memory_space<vmem_shared>>
    %dma_start3A_173 = arith.constant 0 : i32
    %dma_start3A_174 = arith.constant 0 : i32
    %dma_start3A_175 = tpu.memref_slice %arg13[%dma_start3A_173, %dma_start3A_174] : memref<100x128xf32, #tpu.memory_space<vmem>> -> memref<56x128xf32, #tpu.memory_space<vmem>>
    tpu.enqueue_dma source(%dma_start3A_175 : memref<56x128xf32, #tpu.memory_space<vmem>>) target(%dma_start3A_172 : memref<56x128xf32, #tpu.memory_space<vmem_shared>>) target_semaphore(%arg24 : memref<!tpu.dma_semaphore, #tpu.memory_space<semaphore_mem>>)
    %add3A_176 = arith.constant 0 : i32
    %add3A_177 = arith.addi %mul3A_20, %add3A_176 : i32
    %dma_wait3A_178 = arith.constant 0 : i32
    %dma_wait3A_179 = arith.constant 0 : i32
    %dma_wait3A_180 = tpu.memref_slice %arg13[%dma_wait3A_178, %dma_wait3A_179] : memref<100x128xf32, #tpu.memory_space<vmem>> -> memref<96x128xf32, #tpu.memory_space<vmem>>
    %dma_wait3A_181 = arith.constant 0 : i32
    %dma_wait3A_182 = tpu.memref_slice %arg14[%add3A_177, %dma_wait3A_181] : memref<10000x128xf32, #tpu.memory_space<vmem_shared>> -> memref<96x128xf32, #tpu.memory_space<vmem_shared>>
    %dma_wait3A_183 = arith.constant 0 : i32
    %dma_wait3A_184 = tpu.memref_slice %arg14[%add3A_177, %dma_wait3A_183] : memref<10000x128xf32, #tpu.memory_space<vmem_shared>> -> memref<96x128xf32, #tpu.memory_space<vmem_shared>>
    %dma_wait3A_185 = arith.constant 0 : i32
    %dma_wait3A_186 = arith.constant 0 : i32
    %dma_wait3A_187 = tpu.memref_slice %arg13[%dma_wait3A_185, %dma_wait3A_186] : memref<100x128xf32, #tpu.memory_space<vmem>> -> memref<96x128xf32, #tpu.memory_space<vmem>>
    tpu.wait_dma2 semaphore(%arg24 : memref<!tpu.dma_semaphore, #tpu.memory_space<semaphore_mem>>) src(%dma_wait3A_187 : memref<96x128xf32, #tpu.memory_space<vmem>>) dst(%dma_wait3A_184 : memref<96x128xf32, #tpu.memory_space<vmem_shared>>)
    %add3A_188 = arith.constant 96 : i32
    %add3A_189 = arith.addi %mul3A_20, %add3A_188 : i32
    %dma_wait3A_190 = arith.constant 0 : i32
    %dma_wait3A_191 = arith.constant 0 : i32
    %dma_wait3A_192 = tpu.memref_slice %arg13[%dma_wait3A_190, %dma_wait3A_191] : memref<100x128xf32, #tpu.memory_space<vmem>> -> memref<96x128xf32, #tpu.memory_space<vmem>>
    %dma_wait3A_193 = arith.constant 0 : i32
    %dma_wait3A_194 = tpu.memref_slice %arg14[%add3A_189, %dma_wait3A_193] : memref<10000x128xf32, #tpu.memory_space<vmem_shared>> -> memref<96x128xf32, #tpu.memory_space<vmem_shared>>
    %dma_wait3A_195 = arith.constant 0 : i32
    %dma_wait3A_196 = tpu.memref_slice %arg14[%add3A_189, %dma_wait3A_195] : memref<10000x128xf32, #tpu.memory_space<vmem_shared>> -> memref<96x128xf32, #tpu.memory_space<vmem_shared>>
    %dma_wait3A_197 = arith.constant 0 : i32
    %dma_wait3A_198 = arith.constant 0 : i32
    %dma_wait3A_199 = tpu.memref_slice %arg13[%dma_wait3A_197, %dma_wait3A_198] : memref<100x128xf32, #tpu.memory_space<vmem>> -> memref<96x128xf32, #tpu.memory_space<vmem>>
    tpu.wait_dma2 semaphore(%arg24 : memref<!tpu.dma_semaphore, #tpu.memory_space<semaphore_mem>>) src(%dma_wait3A_199 : memref<96x128xf32, #tpu.memory_space<vmem>>) dst(%dma_wait3A_196 : memref<96x128xf32, #tpu.memory_space<vmem_shared>>)
    %add3A_200 = arith.constant 192 : i32
    %add3A_201 = arith.addi %mul3A_20, %add3A_200 : i32
    %dma_wait3A_202 = arith.constant 0 : i32
    %dma_wait3A_203 = arith.constant 0 : i32
    %dma_wait3A_204 = tpu.memref_slice %arg13[%dma_wait3A_202, %dma_wait3A_203] : memref<100x128xf32, #tpu.memory_space<vmem>> -> memref<96x128xf32, #tpu.memory_space<vmem>>
    %dma_wait3A_205 = arith.constant 0 : i32
    %dma_wait3A_206 = tpu.memref_slice %arg14[%add3A_201, %dma_wait3A_205] : memref<10000x128xf32, #tpu.memory_space<vmem_shared>> -> memref<96x128xf32, #tpu.memory_space<vmem_shared>>
    %dma_wait3A_207 = arith.constant 0 : i32
    %dma_wait3A_208 = tpu.memref_slice %arg14[%add3A_201, %dma_wait3A_207] : memref<10000x128xf32, #tpu.memory_space<vmem_shared>> -> memref<96x128xf32, #tpu.memory_space<vmem_shared>>
    %dma_wait3A_209 = arith.constant 0 : i32
    %dma_wait3A_210 = arith.constant 0 : i32
    %dma_wait3A_211 = tpu.memref_slice %arg13[%dma_wait3A_209, %dma_wait3A_210] : memref<100x128xf32, #tpu.memory_space<vmem>> -> memref<96x128xf32, #tpu.memory_space<vmem>>
    tpu.wait_dma2 semaphore(%arg24 : memref<!tpu.dma_semaphore, #tpu.memory_space<semaphore_mem>>) src(%dma_wait3A_211 : memref<96x128xf32, #tpu.memory_space<vmem>>) dst(%dma_wait3A_208 : memref<96x128xf32, #tpu.memory_space<vmem_shared>>)
    %add3A_212 = arith.constant 288 : i32
    %add3A_213 = arith.addi %mul3A_20, %add3A_212 : i32
    %dma_wait3A_214 = arith.constant 0 : i32
    %dma_wait3A_215 = arith.constant 0 : i32
    %dma_wait3A_216 = tpu.memref_slice %arg13[%dma_wait3A_214, %dma_wait3A_215] : memref<100x128xf32, #tpu.memory_space<vmem>> -> memref<96x128xf32, #tpu.memory_space<vmem>>
    %dma_wait3A_217 = arith.constant 0 : i32
    %dma_wait3A_218 = tpu.memref_slice %arg14[%add3A_213, %dma_wait3A_217] : memref<10000x128xf32, #tpu.memory_space<vmem_shared>> -> memref<96x128xf32, #tpu.memory_space<vmem_shared>>
    %dma_wait3A_219 = arith.constant 0 : i32
    %dma_wait3A_220 = tpu.memref_slice %arg14[%add3A_213, %dma_wait3A_219] : memref<10000x128xf32, #tpu.memory_space<vmem_shared>> -> memref<96x128xf32, #tpu.memory_space<vmem_shared>>
    %dma_wait3A_221 = arith.constant 0 : i32
    %dma_wait3A_222 = arith.constant 0 : i32
    %dma_wait3A_223 = tpu.memref_slice %arg13[%dma_wait3A_221, %dma_wait3A_222] : memref<100x128xf32, #tpu.memory_space<vmem>> -> memref<96x128xf32, #tpu.memory_space<vmem>>
    tpu.wait_dma2 semaphore(%arg24 : memref<!tpu.dma_semaphore, #tpu.memory_space<semaphore_mem>>) src(%dma_wait3A_223 : memref<96x128xf32, #tpu.memory_space<vmem>>) dst(%dma_wait3A_220 : memref<96x128xf32, #tpu.memory_space<vmem_shared>>)
    %add3A_224 = arith.constant 384 : i32
    %add3A_225 = arith.addi %mul3A_20, %add3A_224 : i32
    %dma_wait3A_226 = arith.constant 0 : i32
    %dma_wait3A_227 = arith.constant 0 : i32
    %dma_wait3A_228 = tpu.memref_slice %arg13[%dma_wait3A_226, %dma_wait3A_227] : memref<100x128xf32, #tpu.memory_space<vmem>> -> memref<96x128xf32, #tpu.memory_space<vmem>>
    %dma_wait3A_229 = arith.constant 0 : i32
    %dma_wait3A_230 = tpu.memref_slice %arg14[%add3A_225, %dma_wait3A_229] : memref<10000x128xf32, #tpu.memory_space<vmem_shared>> -> memref<96x128xf32, #tpu.memory_space<vmem_shared>>
    %dma_wait3A_231 = arith.constant 0 : i32
    %dma_wait3A_232 = tpu.memref_slice %arg14[%add3A_225, %dma_wait3A_231] : memref<10000x128xf32, #tpu.memory_space<vmem_shared>> -> memref<96x128xf32, #tpu.memory_space<vmem_shared>>
    %dma_wait3A_233 = arith.constant 0 : i32
    %dma_wait3A_234 = arith.constant 0 : i32
    %dma_wait3A_235 = tpu.memref_slice %arg13[%dma_wait3A_233, %dma_wait3A_234] : memref<100x128xf32, #tpu.memory_space<vmem>> -> memref<96x128xf32, #tpu.memory_space<vmem>>
    tpu.wait_dma2 semaphore(%arg24 : memref<!tpu.dma_semaphore, #tpu.memory_space<semaphore_mem>>) src(%dma_wait3A_235 : memref<96x128xf32, #tpu.memory_space<vmem>>) dst(%dma_wait3A_232 : memref<96x128xf32, #tpu.memory_space<vmem_shared>>)
    %add3A_236 = arith.constant 480 : i32
    %add3A_237 = arith.addi %mul3A_20, %add3A_236 : i32
    %dma_wait3A_238 = arith.constant 0 : i32
    %dma_wait3A_239 = arith.constant 0 : i32
    %dma_wait3A_240 = tpu.memref_slice %arg13[%dma_wait3A_238, %dma_wait3A_239] : memref<100x128xf32, #tpu.memory_space<vmem>> -> memref<96x128xf32, #tpu.memory_space<vmem>>
    %dma_wait3A_241 = arith.constant 0 : i32
    %dma_wait3A_242 = tpu.memref_slice %arg14[%add3A_237, %dma_wait3A_241] : memref<10000x128xf32, #tpu.memory_space<vmem_shared>> -> memref<96x128xf32, #tpu.memory_space<vmem_shared>>
    %dma_wait3A_243 = arith.constant 0 : i32
    %dma_wait3A_244 = tpu.memref_slice %arg14[%add3A_237, %dma_wait3A_243] : memref<10000x128xf32, #tpu.memory_space<vmem_shared>> -> memref<96x128xf32, #tpu.memory_space<vmem_shared>>
    %dma_wait3A_245 = arith.constant 0 : i32
    %dma_wait3A_246 = arith.constant 0 : i32
    %dma_wait3A_247 = tpu.memref_slice %arg13[%dma_wait3A_245, %dma_wait3A_246] : memref<100x128xf32, #tpu.memory_space<vmem>> -> memref<96x128xf32, #tpu.memory_space<vmem>>
    tpu.wait_dma2 semaphore(%arg24 : memref<!tpu.dma_semaphore, #tpu.memory_space<semaphore_mem>>) src(%dma_wait3A_247 : memref<96x128xf32, #tpu.memory_space<vmem>>) dst(%dma_wait3A_244 : memref<96x128xf32, #tpu.memory_space<vmem_shared>>)
    %add3A_248 = arith.constant 576 : i32
    %add3A_249 = arith.addi %mul3A_20, %add3A_248 : i32
    %dma_wait3A_250 = arith.constant 0 : i32
    %dma_wait3A_251 = arith.constant 0 : i32
    %dma_wait3A_252 = tpu.memref_slice %arg13[%dma_wait3A_250, %dma_wait3A_251] : memref<100x128xf32, #tpu.memory_space<vmem>> -> memref<56x128xf32, #tpu.memory_space<vmem>>
    %dma_wait3A_253 = arith.constant 0 : i32
    %dma_wait3A_254 = tpu.memref_slice %arg14[%add3A_249, %dma_wait3A_253] : memref<10000x128xf32, #tpu.memory_space<vmem_shared>> -> memref<56x128xf32, #tpu.memory_space<vmem_shared>>
    %dma_wait3A_255 = arith.constant 0 : i32
    %dma_wait3A_256 = tpu.memref_slice %arg14[%add3A_249, %dma_wait3A_255] : memref<10000x128xf32, #tpu.memory_space<vmem_shared>> -> memref<56x128xf32, #tpu.memory_space<vmem_shared>>
    %dma_wait3A_257 = arith.constant 0 : i32
    %dma_wait3A_258 = arith.constant 0 : i32
    %dma_wait3A_259 = tpu.memref_slice %arg13[%dma_wait3A_257, %dma_wait3A_258] : memref<100x128xf32, #tpu.memory_space<vmem>> -> memref<56x128xf32, #tpu.memory_space<vmem>>
    tpu.wait_dma2 semaphore(%arg24 : memref<!tpu.dma_semaphore, #tpu.memory_space<semaphore_mem>>) src(%dma_wait3A_259 : memref<56x128xf32, #tpu.memory_space<vmem>>) dst(%dma_wait3A_256 : memref<56x128xf32, #tpu.memory_space<vmem_shared>>)
    %barrier3A = arith.constant 0 : index
    tpu.barrier barrier_id(%barrier3A)
    %scan3A_260 = arith.constant 0 : i32
    %scan3A_261 = arith.constant 0 : i32
    %scan3A_262 = arith.constant 16 : i32
    %scan3A_263 = arith.addi %scan3A_261, %scan3A_262 : i32
    %scan3A_264 = arith.constant 1 : i32
    scf.for %scan3A_600 = %scan3A_261 to %scan3A_263 step %scan3A_264  : i32 {
      %mul3A_601 = arith.constant 6 : i32
      %mul3A_602 = arith.muli %mul3A_601, %scan3A_600 : i32
      %add3A_603 = arith.constant 0 : i32
      %add3A_604 = arith.addi %mul3A_602, %add3A_603 : i32
      %dma_wait3A_605 = arith.constant 0 : i32
      %dma_wait3A_606 = arith.constant 0 : i32
      %dma_wait3A_607 = tpu.memref_slice %arg5[%dma_wait3A_605, %dma_wait3A_606] : memref<2x100xi32, #tpu.memory_space<vmem>> -> memref<1x100xi32, #tpu.memory_space<vmem>>
      %dma_wait3A_608 = tpu.memref_squeeze %dma_wait3A_607 : memref<1x100xi32, #tpu.memory_space<vmem>> -> memref<100xi32, #tpu.memory_space<vmem>>
      %dma_wait3A_609 = arith.constant 0 : i32
      %dma_wait3A_610 = arith.constant 0 : i32
      %dma_wait3A_611 = tpu.memref_slice %arg2[%dma_wait3A_609, %dma_wait3A_610] : memref<10000x128xf32, #tpu.memory_space<hbm>> -> memref<10000x128xf32, #tpu.memory_space<hbm>>
      tpu.wait_indirect_dma semaphore(%arg15 : memref<!tpu.dma_semaphore, #tpu.memory_space<semaphore_mem>>) src(%dma_wait3A_611 : memref<10000x128xf32, #tpu.memory_space<hbm>>) dst(%arg11 : memref<100x128xf32, #tpu.memory_space<vmem>>)
      %lt3A = arith.constant 98 : i32
      %lt3A_612 = arith.cmpi slt, %add3A_604, %lt3A : i32
      %convert_element_type3A = arith.extui %lt3A_612 : i1 to i32
      %cond3A = arith.constant 0 : i32
      %cond3A_613 = arith.cmpi ne, %convert_element_type3A, %cond3A : i32
      scf.if %cond3A_613 {
        %add3A_766 = arith.constant 2 : i32
        %add3A_767 = arith.addi %add3A_604, %add3A_766 : i32
        %dma_wait3A_768 = arith.constant 0 : i32
        %dma_wait3A_769 = arith.constant 0 : i32
        %dma_wait3A_770 = tpu.memref_slice %arg3[%add3A, %add3A_767, %dma_wait3A_768, %dma_wait3A_769] : memref<32x100x2x100xi32, #tpu.memory_space<hbm>> -> memref<1x1x2x100xi32, #tpu.memory_space<hbm>>
        %dma_wait3A_771 = tpu.memref_squeeze %dma_wait3A_770 : memref<1x1x2x100xi32, #tpu.memory_space<hbm>> -> memref<2x100xi32, #tpu.memory_space<hbm>>
        %dma_wait3A_772 = arith.constant 0 : i32
        %dma_wait3A_773 = arith.constant 0 : i32
        %dma_wait3A_774 = tpu.memref_slice %arg3[%add3A, %add3A_767, %dma_wait3A_772, %dma_wait3A_773] : memref<32x100x2x100xi32, #tpu.memory_space<hbm>> -> memref<1x1x2x100xi32, #tpu.memory_space<hbm>>
        %dma_wait3A_775 = tpu.memref_squeeze %dma_wait3A_774 : memref<1x1x2x100xi32, #tpu.memory_space<hbm>> -> memref<2x100xi32, #tpu.memory_space<hbm>>
        tpu.wait_dma2 semaphore(%arg20 : memref<!tpu.dma_semaphore, #tpu.memory_space<semaphore_mem>>) src(%dma_wait3A_775 : memref<2x100xi32, #tpu.memory_space<hbm>>) dst(%arg7 : memref<2x100xi32, #tpu.memory_space<vmem>>)
        %ge3A = arith.constant 1 : i32
        %ge3A_776 = arith.cmpi sge, %add3A_604, %ge3A : i32
        %convert_element_type3A_777 = arith.extui %ge3A_776 : i1 to i32
        %cond3A_778 = arith.constant 0 : i32
        %cond3A_779 = arith.cmpi ne, %convert_element_type3A_777, %cond3A_778 : i32
        scf.if %cond3A_779 {
          %dma_wait3A_787 = arith.constant 1 : i32
          %dma_wait3A_788 = arith.constant 0 : i32
          %dma_wait3A_789 = tpu.memref_slice %arg10[%dma_wait3A_787, %dma_wait3A_788] : memref<2x100xi32, #tpu.memory_space<vmem>> -> memref<1x100xi32, #tpu.memory_space<vmem>>
          %dma_wait3A_790 = tpu.memref_squeeze %dma_wait3A_789 : memref<1x100xi32, #tpu.memory_space<vmem>> -> memref<100xi32, #tpu.memory_space<vmem>>
          %dma_wait3A_791 = arith.constant 0 : i32
          %dma_wait3A_792 = arith.constant 0 : i32
          %dma_wait3A_793 = tpu.memref_slice %arg14[%dma_wait3A_791, %dma_wait3A_792] : memref<10000x128xf32, #tpu.memory_space<vmem_shared>> -> memref<10000x128xf32, #tpu.memory_space<vmem_shared>>
          tpu.wait_indirect_dma semaphore(%arg26 : memref<!tpu.dma_semaphore, #tpu.memory_space<semaphore_mem>>) src(%arg13 : memref<100x128xf32, #tpu.memory_space<vmem>>) dst(%dma_wait3A_793 : memref<10000x128xf32, #tpu.memory_space<vmem_shared>>)
        } else {
        }
        %dma_start3A_780 = arith.constant 0 : i32
        %dma_start3A_781 = arith.constant 0 : i32
        %dma_start3A_782 = tpu.memref_slice %arg7[%dma_start3A_780, %dma_start3A_781] : memref<2x100xi32, #tpu.memory_space<vmem>> -> memref<1x100xi32, #tpu.memory_space<vmem>>
        %dma_start3A_783 = tpu.memref_squeeze %dma_start3A_782 : memref<1x100xi32, #tpu.memory_space<vmem>> -> memref<100xi32, #tpu.memory_space<vmem>>
        %dma_start3A_784 = arith.constant 0 : i32
        %dma_start3A_785 = arith.constant 0 : i32
        %dma_start3A_786 = tpu.memref_slice %arg2[%dma_start3A_784, %dma_start3A_785] : memref<10000x128xf32, #tpu.memory_space<hbm>> -> memref<10000x128xf32, #tpu.memory_space<hbm>>
        tpu.enqueue_indirect_dma source(%dma_start3A_786 : memref<10000x128xf32, #tpu.memory_space<hbm>>) target(%arg13 : memref<100x128xf32, #tpu.memory_space<vmem>>) offsets(%dma_start3A_783 : memref<100xi32, #tpu.memory_space<vmem>>) semaphore(%arg17 : memref<!tpu.dma_semaphore, #tpu.memory_space<semaphore_mem>>)
      } else {
      }
      %dma_start3A_614 = arith.constant 1 : i32
      %dma_start3A_615 = arith.constant 0 : i32
      %dma_start3A_616 = tpu.memref_slice %arg5[%dma_start3A_614, %dma_start3A_615] : memref<2x100xi32, #tpu.memory_space<vmem>> -> memref<1x100xi32, #tpu.memory_space<vmem>>
      %dma_start3A_617 = tpu.memref_squeeze %dma_start3A_616 : memref<1x100xi32, #tpu.memory_space<vmem>> -> memref<100xi32, #tpu.memory_space<vmem>>
      %dma_start3A_618 = arith.constant 0 : i32
      %dma_start3A_619 = arith.constant 0 : i32
      %dma_start3A_620 = tpu.memref_slice %arg14[%dma_start3A_618, %dma_start3A_619] : memref<10000x128xf32, #tpu.memory_space<vmem_shared>> -> memref<10000x128xf32, #tpu.memory_space<vmem_shared>>
      tpu.enqueue_indirect_dma source(%arg11 : memref<100x128xf32, #tpu.memory_space<vmem>>) target(%dma_start3A_620 : memref<10000x128xf32, #tpu.memory_space<vmem_shared>>) offsets(%dma_start3A_617 : memref<100xi32, #tpu.memory_space<vmem>>) semaphore(%arg24 : memref<!tpu.dma_semaphore, #tpu.memory_space<semaphore_mem>>) {add = true}
      %lt3A_621 = arith.constant 96 : i32
      %lt3A_622 = arith.cmpi slt, %add3A_604, %lt3A_621 : i32
      %convert_element_type3A_623 = arith.extui %lt3A_622 : i1 to i32
      %cond3A_624 = arith.constant 0 : i32
      %cond3A_625 = arith.cmpi ne, %convert_element_type3A_623, %cond3A_624 : i32
      scf.if %cond3A_625 {
        %add3A_766 = arith.constant 4 : i32
        %add3A_767 = arith.addi %add3A_604, %add3A_766 : i32
        %dma_start3A_768 = arith.constant 0 : i32
        %dma_start3A_769 = arith.constant 0 : i32
        %dma_start3A_770 = tpu.memref_slice %arg3[%add3A, %add3A_767, %dma_start3A_768, %dma_start3A_769] : memref<32x100x2x100xi32, #tpu.memory_space<hbm>> -> memref<1x1x2x100xi32, #tpu.memory_space<hbm>>
        %dma_start3A_771 = tpu.memref_squeeze %dma_start3A_770 : memref<1x1x2x100xi32, #tpu.memory_space<hbm>> -> memref<2x100xi32, #tpu.memory_space<hbm>>
        %dma_start3A_772 = arith.constant 0 : i32
        %dma_start3A_773 = arith.constant 0 : i32
        %dma_start3A_774 = tpu.memref_slice %arg3[%add3A, %add3A_767, %dma_start3A_772, %dma_start3A_773] : memref<32x100x2x100xi32, #tpu.memory_space<hbm>> -> memref<1x1x2x100xi32, #tpu.memory_space<hbm>>
        %dma_start3A_775 = tpu.memref_squeeze %dma_start3A_774 : memref<1x1x2x100xi32, #tpu.memory_space<hbm>> -> memref<2x100xi32, #tpu.memory_space<hbm>>
        tpu.enqueue_dma source(%dma_start3A_775 : memref<2x100xi32, #tpu.memory_space<hbm>>) target(%arg9 : memref<2x100xi32, #tpu.memory_space<vmem>>) target_semaphore(%arg22 : memref<!tpu.dma_semaphore, #tpu.memory_space<semaphore_mem>>)
      } else {
      }
      %mul3A_626 = arith.constant 6 : i32
      %mul3A_627 = arith.muli %mul3A_626, %scan3A_600 : i32
      %add3A_628 = arith.constant 1 : i32
      %add3A_629 = arith.addi %mul3A_627, %add3A_628 : i32
      %dma_wait3A_630 = arith.constant 0 : i32
      %dma_wait3A_631 = arith.constant 0 : i32
      %dma_wait3A_632 = tpu.memref_slice %arg6[%dma_wait3A_630, %dma_wait3A_631] : memref<2x100xi32, #tpu.memory_space<vmem>> -> memref<1x100xi32, #tpu.memory_space<vmem>>
      %dma_wait3A_633 = tpu.memref_squeeze %dma_wait3A_632 : memref<1x100xi32, #tpu.memory_space<vmem>> -> memref<100xi32, #tpu.memory_space<vmem>>
      %dma_wait3A_634 = arith.constant 0 : i32
      %dma_wait3A_635 = arith.constant 0 : i32
      %dma_wait3A_636 = tpu.memref_slice %arg2[%dma_wait3A_634, %dma_wait3A_635] : memref<10000x128xf32, #tpu.memory_space<hbm>> -> memref<10000x128xf32, #tpu.memory_space<hbm>>
      tpu.wait_indirect_dma semaphore(%arg16 : memref<!tpu.dma_semaphore, #tpu.memory_space<semaphore_mem>>) src(%dma_wait3A_636 : memref<10000x128xf32, #tpu.memory_space<hbm>>) dst(%arg12 : memref<100x128xf32, #tpu.memory_space<vmem>>)
      %lt3A_637 = arith.constant 98 : i32
      %lt3A_638 = arith.cmpi slt, %add3A_629, %lt3A_637 : i32
      %convert_element_type3A_639 = arith.extui %lt3A_638 : i1 to i32
      %cond3A_640 = arith.constant 0 : i32
      %cond3A_641 = arith.cmpi ne, %convert_element_type3A_639, %cond3A_640 : i32
      scf.if %cond3A_641 {
        %add3A_766 = arith.constant 2 : i32
        %add3A_767 = arith.addi %add3A_629, %add3A_766 : i32
        %dma_wait3A_768 = arith.constant 0 : i32
        %dma_wait3A_769 = arith.constant 0 : i32
        %dma_wait3A_770 = tpu.memref_slice %arg3[%add3A, %add3A_767, %dma_wait3A_768, %dma_wait3A_769] : memref<32x100x2x100xi32, #tpu.memory_space<hbm>> -> memref<1x1x2x100xi32, #tpu.memory_space<hbm>>
        %dma_wait3A_771 = tpu.memref_squeeze %dma_wait3A_770 : memref<1x1x2x100xi32, #tpu.memory_space<hbm>> -> memref<2x100xi32, #tpu.memory_space<hbm>>
        %dma_wait3A_772 = arith.constant 0 : i32
        %dma_wait3A_773 = arith.constant 0 : i32
        %dma_wait3A_774 = tpu.memref_slice %arg3[%add3A, %add3A_767, %dma_wait3A_772, %dma_wait3A_773] : memref<32x100x2x100xi32, #tpu.memory_space<hbm>> -> memref<1x1x2x100xi32, #tpu.memory_space<hbm>>
        %dma_wait3A_775 = tpu.memref_squeeze %dma_wait3A_774 : memref<1x1x2x100xi32, #tpu.memory_space<hbm>> -> memref<2x100xi32, #tpu.memory_space<hbm>>
        tpu.wait_dma2 semaphore(%arg21 : memref<!tpu.dma_semaphore, #tpu.memory_space<semaphore_mem>>) src(%dma_wait3A_775 : memref<2x100xi32, #tpu.memory_space<hbm>>) dst(%arg8 : memref<2x100xi32, #tpu.memory_space<vmem>>)
        %ge3A = arith.constant 1 : i32
        %ge3A_776 = arith.cmpi sge, %add3A_629, %ge3A : i32
        %convert_element_type3A_777 = arith.extui %ge3A_776 : i1 to i32
        %cond3A_778 = arith.constant 0 : i32
        %cond3A_779 = arith.cmpi ne, %convert_element_type3A_777, %cond3A_778 : i32
        scf.if %cond3A_779 {
          %dma_wait3A_787 = arith.constant 1 : i32
          %dma_wait3A_788 = arith.constant 0 : i32
          %dma_wait3A_789 = tpu.memref_slice %arg5[%dma_wait3A_787, %dma_wait3A_788] : memref<2x100xi32, #tpu.memory_space<vmem>> -> memref<1x100xi32, #tpu.memory_space<vmem>>
          %dma_wait3A_790 = tpu.memref_squeeze %dma_wait3A_789 : memref<1x100xi32, #tpu.memory_space<vmem>> -> memref<100xi32, #tpu.memory_space<vmem>>
          %dma_wait3A_791 = arith.constant 0 : i32
          %dma_wait3A_792 = arith.constant 0 : i32
          %dma_wait3A_793 = tpu.memref_slice %arg14[%dma_wait3A_791, %dma_wait3A_792] : memref<10000x128xf32, #tpu.memory_space<vmem_shared>> -> memref<10000x128xf32, #tpu.memory_space<vmem_shared>>
          tpu.wait_indirect_dma semaphore(%arg24 : memref<!tpu.dma_semaphore, #tpu.memory_space<semaphore_mem>>) src(%arg11 : memref<100x128xf32, #tpu.memory_space<vmem>>) dst(%dma_wait3A_793 : memref<10000x128xf32, #tpu.memory_space<vmem_shared>>)
        } else {
        }
        %dma_start3A_780 = arith.constant 0 : i32
        %dma_start3A_781 = arith.constant 0 : i32
        %dma_start3A_782 = tpu.memref_slice %arg8[%dma_start3A_780, %dma_start3A_781] : memref<2x100xi32, #tpu.memory_space<vmem>> -> memref<1x100xi32, #tpu.memory_space<vmem>>
        %dma_start3A_783 = tpu.memref_squeeze %dma_start3A_782 : memref<1x100xi32, #tpu.memory_space<vmem>> -> memref<100xi32, #tpu.memory_space<vmem>>
        %dma_start3A_784 = arith.constant 0 : i32
        %dma_start3A_785 = arith.constant 0 : i32
        %dma_start3A_786 = tpu.memref_slice %arg2[%dma_start3A_784, %dma_start3A_785] : memref<10000x128xf32, #tpu.memory_space<hbm>> -> memref<10000x128xf32, #tpu.memory_space<hbm>>
        tpu.enqueue_indirect_dma source(%dma_start3A_786 : memref<10000x128xf32, #tpu.memory_space<hbm>>) target(%arg11 : memref<100x128xf32, #tpu.memory_space<vmem>>) offsets(%dma_start3A_783 : memref<100xi32, #tpu.memory_space<vmem>>) semaphore(%arg15 : memref<!tpu.dma_semaphore, #tpu.memory_space<semaphore_mem>>)
      } else {
      }
      %dma_start3A_642 = arith.constant 1 : i32
      %dma_start3A_643 = arith.constant 0 : i32
      %dma_start3A_644 = tpu.memref_slice %arg6[%dma_start3A_642, %dma_start3A_643] : memref<2x100xi32, #tpu.memory_space<vmem>> -> memref<1x100xi32, #tpu.memory_space<vmem>>
      %dma_start3A_645 = tpu.memref_squeeze %dma_start3A_644 : memref<1x100xi32, #tpu.memory_space<vmem>> -> memref<100xi32, #tpu.memory_space<vmem>>
      %dma_start3A_646 = arith.constant 0 : i32
      %dma_start3A_647 = arith.constant 0 : i32
      %dma_start3A_648 = tpu.memref_slice %arg14[%dma_start3A_646, %dma_start3A_647] : memref<10000x128xf32, #tpu.memory_space<vmem_shared>> -> memref<10000x128xf32, #tpu.memory_space<vmem_shared>>
      tpu.enqueue_indirect_dma source(%arg12 : memref<100x128xf32, #tpu.memory_space<vmem>>) target(%dma_start3A_648 : memref<10000x128xf32, #tpu.memory_space<vmem_shared>>) offsets(%dma_start3A_645 : memref<100xi32, #tpu.memory_space<vmem>>) semaphore(%arg25 : memref<!tpu.dma_semaphore, #tpu.memory_space<semaphore_mem>>) {add = true}
      %lt3A_649 = arith.constant 96 : i32
      %lt3A_650 = arith.cmpi slt, %add3A_629, %lt3A_649 : i32
      %convert_element_type3A_651 = arith.extui %lt3A_650 : i1 to i32
      %cond3A_652 = arith.constant 0 : i32
      %cond3A_653 = arith.cmpi ne, %convert_element_type3A_651, %cond3A_652 : i32
      scf.if %cond3A_653 {
        %add3A_766 = arith.constant 4 : i32
        %add3A_767 = arith.addi %add3A_629, %add3A_766 : i32
        %dma_start3A_768 = arith.constant 0 : i32
        %dma_start3A_769 = arith.constant 0 : i32
        %dma_start3A_770 = tpu.memref_slice %arg3[%add3A, %add3A_767, %dma_start3A_768, %dma_start3A_769] : memref<32x100x2x100xi32, #tpu.memory_space<hbm>> -> memref<1x1x2x100xi32, #tpu.memory_space<hbm>>
        %dma_start3A_771 = tpu.memref_squeeze %dma_start3A_770 : memref<1x1x2x100xi32, #tpu.memory_space<hbm>> -> memref<2x100xi32, #tpu.memory_space<hbm>>
        %dma_start3A_772 = arith.constant 0 : i32
        %dma_start3A_773 = arith.constant 0 : i32
        %dma_start3A_774 = tpu.memref_slice %arg3[%add3A, %add3A_767, %dma_start3A_772, %dma_start3A_773] : memref<32x100x2x100xi32, #tpu.memory_space<hbm>> -> memref<1x1x2x100xi32, #tpu.memory_space<hbm>>
        %dma_start3A_775 = tpu.memref_squeeze %dma_start3A_774 : memref<1x1x2x100xi32, #tpu.memory_space<hbm>> -> memref<2x100xi32, #tpu.memory_space<hbm>>
        tpu.enqueue_dma source(%dma_start3A_775 : memref<2x100xi32, #tpu.memory_space<hbm>>) target(%arg10 : memref<2x100xi32, #tpu.memory_space<vmem>>) target_semaphore(%arg23 : memref<!tpu.dma_semaphore, #tpu.memory_space<semaphore_mem>>)
      } else {
      }
      %mul3A_654 = arith.constant 6 : i32
      %mul3A_655 = arith.muli %mul3A_654, %scan3A_600 : i32
      %add3A_656 = arith.constant 2 : i32
      %add3A_657 = arith.addi %mul3A_655, %add3A_656 : i32
      %dma_wait3A_658 = arith.constant 0 : i32
      %dma_wait3A_659 = arith.constant 0 : i32
      %dma_wait3A_660 = tpu.memref_slice %arg7[%dma_wait3A_658, %dma_wait3A_659] : memref<2x100xi32, #tpu.memory_space<vmem>> -> memref<1x100xi32, #tpu.memory_space<vmem>>
      %dma_wait3A_661 = tpu.memref_squeeze %dma_wait3A_660 : memref<1x100xi32, #tpu.memory_space<vmem>> -> memref<100xi32, #tpu.memory_space<vmem>>
      %dma_wait3A_662 = arith.constant 0 : i32
      %dma_wait3A_663 = arith.constant 0 : i32
      %dma_wait3A_664 = tpu.memref_slice %arg2[%dma_wait3A_662, %dma_wait3A_663] : memref<10000x128xf32, #tpu.memory_space<hbm>> -> memref<10000x128xf32, #tpu.memory_space<hbm>>
      tpu.wait_indirect_dma semaphore(%arg17 : memref<!tpu.dma_semaphore, #tpu.memory_space<semaphore_mem>>) src(%dma_wait3A_664 : memref<10000x128xf32, #tpu.memory_space<hbm>>) dst(%arg13 : memref<100x128xf32, #tpu.memory_space<vmem>>)
      %lt3A_665 = arith.constant 98 : i32
      %lt3A_666 = arith.cmpi slt, %add3A_657, %lt3A_665 : i32
      %convert_element_type3A_667 = arith.extui %lt3A_666 : i1 to i32
      %cond3A_668 = arith.constant 0 : i32
      %cond3A_669 = arith.cmpi ne, %convert_element_type3A_667, %cond3A_668 : i32
      scf.if %cond3A_669 {
        %add3A_766 = arith.constant 2 : i32
        %add3A_767 = arith.addi %add3A_657, %add3A_766 : i32
        %dma_wait3A_768 = arith.constant 0 : i32
        %dma_wait3A_769 = arith.constant 0 : i32
        %dma_wait3A_770 = tpu.memref_slice %arg3[%add3A, %add3A_767, %dma_wait3A_768, %dma_wait3A_769] : memref<32x100x2x100xi32, #tpu.memory_space<hbm>> -> memref<1x1x2x100xi32, #tpu.memory_space<hbm>>
        %dma_wait3A_771 = tpu.memref_squeeze %dma_wait3A_770 : memref<1x1x2x100xi32, #tpu.memory_space<hbm>> -> memref<2x100xi32, #tpu.memory_space<hbm>>
        %dma_wait3A_772 = arith.constant 0 : i32
        %dma_wait3A_773 = arith.constant 0 : i32
        %dma_wait3A_774 = tpu.memref_slice %arg3[%add3A, %add3A_767, %dma_wait3A_772, %dma_wait3A_773] : memref<32x100x2x100xi32, #tpu.memory_space<hbm>> -> memref<1x1x2x100xi32, #tpu.memory_space<hbm>>
        %dma_wait3A_775 = tpu.memref_squeeze %dma_wait3A_774 : memref<1x1x2x100xi32, #tpu.memory_space<hbm>> -> memref<2x100xi32, #tpu.memory_space<hbm>>
        tpu.wait_dma2 semaphore(%arg22 : memref<!tpu.dma_semaphore, #tpu.memory_space<semaphore_mem>>) src(%dma_wait3A_775 : memref<2x100xi32, #tpu.memory_space<hbm>>) dst(%arg9 : memref<2x100xi32, #tpu.memory_space<vmem>>)
        %ge3A = arith.constant 1 : i32
        %ge3A_776 = arith.cmpi sge, %add3A_657, %ge3A : i32
        %convert_element_type3A_777 = arith.extui %ge3A_776 : i1 to i32
        %cond3A_778 = arith.constant 0 : i32
        %cond3A_779 = arith.cmpi ne, %convert_element_type3A_777, %cond3A_778 : i32
        scf.if %cond3A_779 {
          %dma_wait3A_787 = arith.constant 1 : i32
          %dma_wait3A_788 = arith.constant 0 : i32
          %dma_wait3A_789 = tpu.memref_slice %arg6[%dma_wait3A_787, %dma_wait3A_788] : memref<2x100xi32, #tpu.memory_space<vmem>> -> memref<1x100xi32, #tpu.memory_space<vmem>>
          %dma_wait3A_790 = tpu.memref_squeeze %dma_wait3A_789 : memref<1x100xi32, #tpu.memory_space<vmem>> -> memref<100xi32, #tpu.memory_space<vmem>>
          %dma_wait3A_791 = arith.constant 0 : i32
          %dma_wait3A_792 = arith.constant 0 : i32
          %dma_wait3A_793 = tpu.memref_slice %arg14[%dma_wait3A_791, %dma_wait3A_792] : memref<10000x128xf32, #tpu.memory_space<vmem_shared>> -> memref<10000x128xf32, #tpu.memory_space<vmem_shared>>
          tpu.wait_indirect_dma semaphore(%arg25 : memref<!tpu.dma_semaphore, #tpu.memory_space<semaphore_mem>>) src(%arg12 : memref<100x128xf32, #tpu.memory_space<vmem>>) dst(%dma_wait3A_793 : memref<10000x128xf32, #tpu.memory_space<vmem_shared>>)
        } else {
        }
        %dma_start3A_780 = arith.constant 0 : i32
        %dma_start3A_781 = arith.constant 0 : i32
        %dma_start3A_782 = tpu.memref_slice %arg9[%dma_start3A_780, %dma_start3A_781] : memref<2x100xi32, #tpu.memory_space<vmem>> -> memref<1x100xi32, #tpu.memory_space<vmem>>
        %dma_start3A_783 = tpu.memref_squeeze %dma_start3A_782 : memref<1x100xi32, #tpu.memory_space<vmem>> -> memref<100xi32, #tpu.memory_space<vmem>>
        %dma_start3A_784 = arith.constant 0 : i32
        %dma_start3A_785 = arith.constant 0 : i32
        %dma_start3A_786 = tpu.memref_slice %arg2[%dma_start3A_784, %dma_start3A_785] : memref<10000x128xf32, #tpu.memory_space<hbm>> -> memref<10000x128xf32, #tpu.memory_space<hbm>>
        tpu.enqueue_indirect_dma source(%dma_start3A_786 : memref<10000x128xf32, #tpu.memory_space<hbm>>) target(%arg12 : memref<100x128xf32, #tpu.memory_space<vmem>>) offsets(%dma_start3A_783 : memref<100xi32, #tpu.memory_space<vmem>>) semaphore(%arg16 : memref<!tpu.dma_semaphore, #tpu.memory_space<semaphore_mem>>)
      } else {
      }
      %dma_start3A_670 = arith.constant 1 : i32
      %dma_start3A_671 = arith.constant 0 : i32
      %dma_start3A_672 = tpu.memref_slice %arg7[%dma_start3A_670, %dma_start3A_671] : memref<2x100xi32, #tpu.memory_space<vmem>> -> memref<1x100xi32, #tpu.memory_space<vmem>>
      %dma_start3A_673 = tpu.memref_squeeze %dma_start3A_672 : memref<1x100xi32, #tpu.memory_space<vmem>> -> memref<100xi32, #tpu.memory_space<vmem>>
      %dma_start3A_674 = arith.constant 0 : i32
      %dma_start3A_675 = arith.constant 0 : i32
      %dma_start3A_676 = tpu.memref_slice %arg14[%dma_start3A_674, %dma_start3A_675] : memref<10000x128xf32, #tpu.memory_space<vmem_shared>> -> memref<10000x128xf32, #tpu.memory_space<vmem_shared>>
      tpu.enqueue_indirect_dma source(%arg13 : memref<100x128xf32, #tpu.memory_space<vmem>>) target(%dma_start3A_676 : memref<10000x128xf32, #tpu.memory_space<vmem_shared>>) offsets(%dma_start3A_673 : memref<100xi32, #tpu.memory_space<vmem>>) semaphore(%arg26 : memref<!tpu.dma_semaphore, #tpu.memory_space<semaphore_mem>>) {add = true}
      %lt3A_677 = arith.constant 96 : i32
      %lt3A_678 = arith.cmpi slt, %add3A_657, %lt3A_677 : i32
      %convert_element_type3A_679 = arith.extui %lt3A_678 : i1 to i32
      %cond3A_680 = arith.constant 0 : i32
      %cond3A_681 = arith.cmpi ne, %convert_element_type3A_679, %cond3A_680 : i32
      scf.if %cond3A_681 {
        %add3A_766 = arith.constant 4 : i32
        %add3A_767 = arith.addi %add3A_657, %add3A_766 : i32
        %dma_start3A_768 = arith.constant 0 : i32
        %dma_start3A_769 = arith.constant 0 : i32
        %dma_start3A_770 = tpu.memref_slice %arg3[%add3A, %add3A_767, %dma_start3A_768, %dma_start3A_769] : memref<32x100x2x100xi32, #tpu.memory_space<hbm>> -> memref<1x1x2x100xi32, #tpu.memory_space<hbm>>
        %dma_start3A_771 = tpu.memref_squeeze %dma_start3A_770 : memref<1x1x2x100xi32, #tpu.memory_space<hbm>> -> memref<2x100xi32, #tpu.memory_space<hbm>>
        %dma_start3A_772 = arith.constant 0 : i32
        %dma_start3A_773 = arith.constant 0 : i32
        %dma_start3A_774 = tpu.memref_slice %arg3[%add3A, %add3A_767, %dma_start3A_772, %dma_start3A_773] : memref<32x100x2x100xi32, #tpu.memory_space<hbm>> -> memref<1x1x2x100xi32, #tpu.memory_space<hbm>>
        %dma_start3A_775 = tpu.memref_squeeze %dma_start3A_774 : memref<1x1x2x100xi32, #tpu.memory_space<hbm>> -> memref<2x100xi32, #tpu.memory_space<hbm>>
        tpu.enqueue_dma source(%dma_start3A_775 : memref<2x100xi32, #tpu.memory_space<hbm>>) target(%arg5 : memref<2x100xi32, #tpu.memory_space<vmem>>) target_semaphore(%arg18 : memref<!tpu.dma_semaphore, #tpu.memory_space<semaphore_mem>>)
      } else {
      }
      %mul3A_682 = arith.constant 6 : i32
      %mul3A_683 = arith.muli %mul3A_682, %scan3A_600 : i32
      %add3A_684 = arith.constant 3 : i32
      %add3A_685 = arith.addi %mul3A_683, %add3A_684 : i32
      %dma_wait3A_686 = arith.constant 0 : i32
      %dma_wait3A_687 = arith.constant 0 : i32
      %dma_wait3A_688 = tpu.memref_slice %arg8[%dma_wait3A_686, %dma_wait3A_687] : memref<2x100xi32, #tpu.memory_space<vmem>> -> memref<1x100xi32, #tpu.memory_space<vmem>>
      %dma_wait3A_689 = tpu.memref_squeeze %dma_wait3A_688 : memref<1x100xi32, #tpu.memory_space<vmem>> -> memref<100xi32, #tpu.memory_space<vmem>>
      %dma_wait3A_690 = arith.constant 0 : i32
      %dma_wait3A_691 = arith.constant 0 : i32
      %dma_wait3A_692 = tpu.memref_slice %arg2[%dma_wait3A_690, %dma_wait3A_691] : memref<10000x128xf32, #tpu.memory_space<hbm>> -> memref<10000x128xf32, #tpu.memory_space<hbm>>
      tpu.wait_indirect_dma semaphore(%arg15 : memref<!tpu.dma_semaphore, #tpu.memory_space<semaphore_mem>>) src(%dma_wait3A_692 : memref<10000x128xf32, #tpu.memory_space<hbm>>) dst(%arg11 : memref<100x128xf32, #tpu.memory_space<vmem>>)
      %lt3A_693 = arith.constant 98 : i32
      %lt3A_694 = arith.cmpi slt, %add3A_685, %lt3A_693 : i32
      %convert_element_type3A_695 = arith.extui %lt3A_694 : i1 to i32
      %cond3A_696 = arith.constant 0 : i32
      %cond3A_697 = arith.cmpi ne, %convert_element_type3A_695, %cond3A_696 : i32
      scf.if %cond3A_697 {
        %add3A_766 = arith.constant 2 : i32
        %add3A_767 = arith.addi %add3A_685, %add3A_766 : i32
        %dma_wait3A_768 = arith.constant 0 : i32
        %dma_wait3A_769 = arith.constant 0 : i32
        %dma_wait3A_770 = tpu.memref_slice %arg3[%add3A, %add3A_767, %dma_wait3A_768, %dma_wait3A_769] : memref<32x100x2x100xi32, #tpu.memory_space<hbm>> -> memref<1x1x2x100xi32, #tpu.memory_space<hbm>>
        %dma_wait3A_771 = tpu.memref_squeeze %dma_wait3A_770 : memref<1x1x2x100xi32, #tpu.memory_space<hbm>> -> memref<2x100xi32, #tpu.memory_space<hbm>>
        %dma_wait3A_772 = arith.constant 0 : i32
        %dma_wait3A_773 = arith.constant 0 : i32
        %dma_wait3A_774 = tpu.memref_slice %arg3[%add3A, %add3A_767, %dma_wait3A_772, %dma_wait3A_773] : memref<32x100x2x100xi32, #tpu.memory_space<hbm>> -> memref<1x1x2x100xi32, #tpu.memory_space<hbm>>
        %dma_wait3A_775 = tpu.memref_squeeze %dma_wait3A_774 : memref<1x1x2x100xi32, #tpu.memory_space<hbm>> -> memref<2x100xi32, #tpu.memory_space<hbm>>
        tpu.wait_dma2 semaphore(%arg23 : memref<!tpu.dma_semaphore, #tpu.memory_space<semaphore_mem>>) src(%dma_wait3A_775 : memref<2x100xi32, #tpu.memory_space<hbm>>) dst(%arg10 : memref<2x100xi32, #tpu.memory_space<vmem>>)
        %ge3A = arith.constant 1 : i32
        %ge3A_776 = arith.cmpi sge, %add3A_685, %ge3A : i32
        %convert_element_type3A_777 = arith.extui %ge3A_776 : i1 to i32
        %cond3A_778 = arith.constant 0 : i32
        %cond3A_779 = arith.cmpi ne, %convert_element_type3A_777, %cond3A_778 : i32
        scf.if %cond3A_779 {
          %dma_wait3A_787 = arith.constant 1 : i32
          %dma_wait3A_788 = arith.constant 0 : i32
          %dma_wait3A_789 = tpu.memref_slice %arg7[%dma_wait3A_787, %dma_wait3A_788] : memref<2x100xi32, #tpu.memory_space<vmem>> -> memref<1x100xi32, #tpu.memory_space<vmem>>
          %dma_wait3A_790 = tpu.memref_squeeze %dma_wait3A_789 : memref<1x100xi32, #tpu.memory_space<vmem>> -> memref<100xi32, #tpu.memory_space<vmem>>
          %dma_wait3A_791 = arith.constant 0 : i32
          %dma_wait3A_792 = arith.constant 0 : i32
          %dma_wait3A_793 = tpu.memref_slice %arg14[%dma_wait3A_791, %dma_wait3A_792] : memref<10000x128xf32, #tpu.memory_space<vmem_shared>> -> memref<10000x128xf32, #tpu.memory_space<vmem_shared>>
          tpu.wait_indirect_dma semaphore(%arg26 : memref<!tpu.dma_semaphore, #tpu.memory_space<semaphore_mem>>) src(%arg13 : memref<100x128xf32, #tpu.memory_space<vmem>>) dst(%dma_wait3A_793 : memref<10000x128xf32, #tpu.memory_space<vmem_shared>>)
        } else {
        }
        %dma_start3A_780 = arith.constant 0 : i32
        %dma_start3A_781 = arith.constant 0 : i32
        %dma_start3A_782 = tpu.memref_slice %arg10[%dma_start3A_780, %dma_start3A_781] : memref<2x100xi32, #tpu.memory_space<vmem>> -> memref<1x100xi32, #tpu.memory_space<vmem>>
        %dma_start3A_783 = tpu.memref_squeeze %dma_start3A_782 : memref<1x100xi32, #tpu.memory_space<vmem>> -> memref<100xi32, #tpu.memory_space<vmem>>
        %dma_start3A_784 = arith.constant 0 : i32
        %dma_start3A_785 = arith.constant 0 : i32
        %dma_start3A_786 = tpu.memref_slice %arg2[%dma_start3A_784, %dma_start3A_785] : memref<10000x128xf32, #tpu.memory_space<hbm>> -> memref<10000x128xf32, #tpu.memory_space<hbm>>
        tpu.enqueue_indirect_dma source(%dma_start3A_786 : memref<10000x128xf32, #tpu.memory_space<hbm>>) target(%arg13 : memref<100x128xf32, #tpu.memory_space<vmem>>) offsets(%dma_start3A_783 : memref<100xi32, #tpu.memory_space<vmem>>) semaphore(%arg17 : memref<!tpu.dma_semaphore, #tpu.memory_space<semaphore_mem>>)
      } else {
      }
      %dma_start3A_698 = arith.constant 1 : i32
      %dma_start3A_699 = arith.constant 0 : i32
      %dma_start3A_700 = tpu.memref_slice %arg8[%dma_start3A_698, %dma_start3A_699] : memref<2x100xi32, #tpu.memory_space<vmem>> -> memref<1x100xi32, #tpu.memory_space<vmem>>
      %dma_start3A_701 = tpu.memref_squeeze %dma_start3A_700 : memref<1x100xi32, #tpu.memory_space<vmem>> -> memref<100xi32, #tpu.memory_space<vmem>>
      %dma_start3A_702 = arith.constant 0 : i32
      %dma_start3A_703 = arith.constant 0 : i32
      %dma_start3A_704 = tpu.memref_slice %arg14[%dma_start3A_702, %dma_start3A_703] : memref<10000x128xf32, #tpu.memory_space<vmem_shared>> -> memref<10000x128xf32, #tpu.memory_space<vmem_shared>>
      tpu.enqueue_indirect_dma source(%arg11 : memref<100x128xf32, #tpu.memory_space<vmem>>) target(%dma_start3A_704 : memref<10000x128xf32, #tpu.memory_space<vmem_shared>>) offsets(%dma_start3A_701 : memref<100xi32, #tpu.memory_space<vmem>>) semaphore(%arg24 : memref<!tpu.dma_semaphore, #tpu.memory_space<semaphore_mem>>) {add = true}
      %lt3A_705 = arith.constant 96 : i32
      %lt3A_706 = arith.cmpi slt, %add3A_685, %lt3A_705 : i32
      %convert_element_type3A_707 = arith.extui %lt3A_706 : i1 to i32
      %cond3A_708 = arith.constant 0 : i32
      %cond3A_709 = arith.cmpi ne, %convert_element_type3A_707, %cond3A_708 : i32
      scf.if %cond3A_709 {
        %add3A_766 = arith.constant 4 : i32
        %add3A_767 = arith.addi %add3A_685, %add3A_766 : i32
        %dma_start3A_768 = arith.constant 0 : i32
        %dma_start3A_769 = arith.constant 0 : i32
        %dma_start3A_770 = tpu.memref_slice %arg3[%add3A, %add3A_767, %dma_start3A_768, %dma_start3A_769] : memref<32x100x2x100xi32, #tpu.memory_space<hbm>> -> memref<1x1x2x100xi32, #tpu.memory_space<hbm>>
        %dma_start3A_771 = tpu.memref_squeeze %dma_start3A_770 : memref<1x1x2x100xi32, #tpu.memory_space<hbm>> -> memref<2x100xi32, #tpu.memory_space<hbm>>
        %dma_start3A_772 = arith.constant 0 : i32
        %dma_start3A_773 = arith.constant 0 : i32
        %dma_start3A_774 = tpu.memref_slice %arg3[%add3A, %add3A_767, %dma_start3A_772, %dma_start3A_773] : memref<32x100x2x100xi32, #tpu.memory_space<hbm>> -> memref<1x1x2x100xi32, #tpu.memory_space<hbm>>
        %dma_start3A_775 = tpu.memref_squeeze %dma_start3A_774 : memref<1x1x2x100xi32, #tpu.memory_space<hbm>> -> memref<2x100xi32, #tpu.memory_space<hbm>>
        tpu.enqueue_dma source(%dma_start3A_775 : memref<2x100xi32, #tpu.memory_space<hbm>>) target(%arg6 : memref<2x100xi32, #tpu.memory_space<vmem>>) target_semaphore(%arg19 : memref<!tpu.dma_semaphore, #tpu.memory_space<semaphore_mem>>)
      } else {
      }
      %mul3A_710 = arith.constant 6 : i32
      %mul3A_711 = arith.muli %mul3A_710, %scan3A_600 : i32
      %add3A_712 = arith.constant 4 : i32
      %add3A_713 = arith.addi %mul3A_711, %add3A_712 : i32
      %dma_wait3A_714 = arith.constant 0 : i32
      %dma_wait3A_715 = arith.constant 0 : i32
      %dma_wait3A_716 = tpu.memref_slice %arg9[%dma_wait3A_714, %dma_wait3A_715] : memref<2x100xi32, #tpu.memory_space<vmem>> -> memref<1x100xi32, #tpu.memory_space<vmem>>
      %dma_wait3A_717 = tpu.memref_squeeze %dma_wait3A_716 : memref<1x100xi32, #tpu.memory_space<vmem>> -> memref<100xi32, #tpu.memory_space<vmem>>
      %dma_wait3A_718 = arith.constant 0 : i32
      %dma_wait3A_719 = arith.constant 0 : i32
      %dma_wait3A_720 = tpu.memref_slice %arg2[%dma_wait3A_718, %dma_wait3A_719] : memref<10000x128xf32, #tpu.memory_space<hbm>> -> memref<10000x128xf32, #tpu.memory_space<hbm>>
      tpu.wait_indirect_dma semaphore(%arg16 : memref<!tpu.dma_semaphore, #tpu.memory_space<semaphore_mem>>) src(%dma_wait3A_720 : memref<10000x128xf32, #tpu.memory_space<hbm>>) dst(%arg12 : memref<100x128xf32, #tpu.memory_space<vmem>>)
      %lt3A_721 = arith.constant 98 : i32
      %lt3A_722 = arith.cmpi slt, %add3A_713, %lt3A_721 : i32
      %convert_element_type3A_723 = arith.extui %lt3A_722 : i1 to i32
      %cond3A_724 = arith.constant 0 : i32
      %cond3A_725 = arith.cmpi ne, %convert_element_type3A_723, %cond3A_724 : i32
      scf.if %cond3A_725 {
        %add3A_766 = arith.constant 2 : i32
        %add3A_767 = arith.addi %add3A_713, %add3A_766 : i32
        %dma_wait3A_768 = arith.constant 0 : i32
        %dma_wait3A_769 = arith.constant 0 : i32
        %dma_wait3A_770 = tpu.memref_slice %arg3[%add3A, %add3A_767, %dma_wait3A_768, %dma_wait3A_769] : memref<32x100x2x100xi32, #tpu.memory_space<hbm>> -> memref<1x1x2x100xi32, #tpu.memory_space<hbm>>
        %dma_wait3A_771 = tpu.memref_squeeze %dma_wait3A_770 : memref<1x1x2x100xi32, #tpu.memory_space<hbm>> -> memref<2x100xi32, #tpu.memory_space<hbm>>
        %dma_wait3A_772 = arith.constant 0 : i32
        %dma_wait3A_773 = arith.constant 0 : i32
        %dma_wait3A_774 = tpu.memref_slice %arg3[%add3A, %add3A_767, %dma_wait3A_772, %dma_wait3A_773] : memref<32x100x2x100xi32, #tpu.memory_space<hbm>> -> memref<1x1x2x100xi32, #tpu.memory_space<hbm>>
        %dma_wait3A_775 = tpu.memref_squeeze %dma_wait3A_774 : memref<1x1x2x100xi32, #tpu.memory_space<hbm>> -> memref<2x100xi32, #tpu.memory_space<hbm>>
        tpu.wait_dma2 semaphore(%arg18 : memref<!tpu.dma_semaphore, #tpu.memory_space<semaphore_mem>>) src(%dma_wait3A_775 : memref<2x100xi32, #tpu.memory_space<hbm>>) dst(%arg5 : memref<2x100xi32, #tpu.memory_space<vmem>>)
        %ge3A = arith.constant 1 : i32
        %ge3A_776 = arith.cmpi sge, %add3A_713, %ge3A : i32
        %convert_element_type3A_777 = arith.extui %ge3A_776 : i1 to i32
        %cond3A_778 = arith.constant 0 : i32
        %cond3A_779 = arith.cmpi ne, %convert_element_type3A_777, %cond3A_778 : i32
        scf.if %cond3A_779 {
          %dma_wait3A_787 = arith.constant 1 : i32
          %dma_wait3A_788 = arith.constant 0 : i32
          %dma_wait3A_789 = tpu.memref_slice %arg8[%dma_wait3A_787, %dma_wait3A_788] : memref<2x100xi32, #tpu.memory_space<vmem>> -> memref<1x100xi32, #tpu.memory_space<vmem>>
          %dma_wait3A_790 = tpu.memref_squeeze %dma_wait3A_789 : memref<1x100xi32, #tpu.memory_space<vmem>> -> memref<100xi32, #tpu.memory_space<vmem>>
          %dma_wait3A_791 = arith.constant 0 : i32
          %dma_wait3A_792 = arith.constant 0 : i32
          %dma_wait3A_793 = tpu.memref_slice %arg14[%dma_wait3A_791, %dma_wait3A_792] : memref<10000x128xf32, #tpu.memory_space<vmem_shared>> -> memref<10000x128xf32, #tpu.memory_space<vmem_shared>>
          tpu.wait_indirect_dma semaphore(%arg24 : memref<!tpu.dma_semaphore, #tpu.memory_space<semaphore_mem>>) src(%arg11 : memref<100x128xf32, #tpu.memory_space<vmem>>) dst(%dma_wait3A_793 : memref<10000x128xf32, #tpu.memory_space<vmem_shared>>)
        } else {
        }
        %dma_start3A_780 = arith.constant 0 : i32
        %dma_start3A_781 = arith.constant 0 : i32
        %dma_start3A_782 = tpu.memref_slice %arg5[%dma_start3A_780, %dma_start3A_781] : memref<2x100xi32, #tpu.memory_space<vmem>> -> memref<1x100xi32, #tpu.memory_space<vmem>>
        %dma_start3A_783 = tpu.memref_squeeze %dma_start3A_782 : memref<1x100xi32, #tpu.memory_space<vmem>> -> memref<100xi32, #tpu.memory_space<vmem>>
        %dma_start3A_784 = arith.constant 0 : i32
        %dma_start3A_785 = arith.constant 0 : i32
        %dma_start3A_786 = tpu.memref_slice %arg2[%dma_start3A_784, %dma_start3A_785] : memref<10000x128xf32, #tpu.memory_space<hbm>> -> memref<10000x128xf32, #tpu.memory_space<hbm>>
        tpu.enqueue_indirect_dma source(%dma_start3A_786 : memref<10000x128xf32, #tpu.memory_space<hbm>>) target(%arg11 : memref<100x128xf32, #tpu.memory_space<vmem>>) offsets(%dma_start3A_783 : memref<100xi32, #tpu.memory_space<vmem>>) semaphore(%arg15 : memref<!tpu.dma_semaphore, #tpu.memory_space<semaphore_mem>>)
      } else {
      }
      %dma_start3A_726 = arith.constant 1 : i32
      %dma_start3A_727 = arith.constant 0 : i32
      %dma_start3A_728 = tpu.memref_slice %arg9[%dma_start3A_726, %dma_start3A_727] : memref<2x100xi32, #tpu.memory_space<vmem>> -> memref<1x100xi32, #tpu.memory_space<vmem>>
      %dma_start3A_729 = tpu.memref_squeeze %dma_start3A_728 : memref<1x100xi32, #tpu.memory_space<vmem>> -> memref<100xi32, #tpu.memory_space<vmem>>
      %dma_start3A_730 = arith.constant 0 : i32
      %dma_start3A_731 = arith.constant 0 : i32
      %dma_start3A_732 = tpu.memref_slice %arg14[%dma_start3A_730, %dma_start3A_731] : memref<10000x128xf32, #tpu.memory_space<vmem_shared>> -> memref<10000x128xf32, #tpu.memory_space<vmem_shared>>
      tpu.enqueue_indirect_dma source(%arg12 : memref<100x128xf32, #tpu.memory_space<vmem>>) target(%dma_start3A_732 : memref<10000x128xf32, #tpu.memory_space<vmem_shared>>) offsets(%dma_start3A_729 : memref<100xi32, #tpu.memory_space<vmem>>) semaphore(%arg25 : memref<!tpu.dma_semaphore, #tpu.memory_space<semaphore_mem>>) {add = true}
      %lt3A_733 = arith.constant 96 : i32
      %lt3A_734 = arith.cmpi slt, %add3A_713, %lt3A_733 : i32
      %convert_element_type3A_735 = arith.extui %lt3A_734 : i1 to i32
      %cond3A_736 = arith.constant 0 : i32
      %cond3A_737 = arith.cmpi ne, %convert_element_type3A_735, %cond3A_736 : i32
      scf.if %cond3A_737 {
        %add3A_766 = arith.constant 4 : i32
        %add3A_767 = arith.addi %add3A_713, %add3A_766 : i32
        %dma_start3A_768 = arith.constant 0 : i32
        %dma_start3A_769 = arith.constant 0 : i32
        %dma_start3A_770 = tpu.memref_slice %arg3[%add3A, %add3A_767, %dma_start3A_768, %dma_start3A_769] : memref<32x100x2x100xi32, #tpu.memory_space<hbm>> -> memref<1x1x2x100xi32, #tpu.memory_space<hbm>>
        %dma_start3A_771 = tpu.memref_squeeze %dma_start3A_770 : memref<1x1x2x100xi32, #tpu.memory_space<hbm>> -> memref<2x100xi32, #tpu.memory_space<hbm>>
        %dma_start3A_772 = arith.constant 0 : i32
        %dma_start3A_773 = arith.constant 0 : i32
        %dma_start3A_774 = tpu.memref_slice %arg3[%add3A, %add3A_767, %dma_start3A_772, %dma_start3A_773] : memref<32x100x2x100xi32, #tpu.memory_space<hbm>> -> memref<1x1x2x100xi32, #tpu.memory_space<hbm>>
        %dma_start3A_775 = tpu.memref_squeeze %dma_start3A_774 : memref<1x1x2x100xi32, #tpu.memory_space<hbm>> -> memref<2x100xi32, #tpu.memory_space<hbm>>
        tpu.enqueue_dma source(%dma_start3A_775 : memref<2x100xi32, #tpu.memory_space<hbm>>) target(%arg7 : memref<2x100xi32, #tpu.memory_space<vmem>>) target_semaphore(%arg20 : memref<!tpu.dma_semaphore, #tpu.memory_space<semaphore_mem>>)
      } else {
      }
      %mul3A_738 = arith.constant 6 : i32
      %mul3A_739 = arith.muli %mul3A_738, %scan3A_600 : i32
      %add3A_740 = arith.constant 5 : i32
      %add3A_741 = arith.addi %mul3A_739, %add3A_740 : i32
      %dma_wait3A_742 = arith.constant 0 : i32
      %dma_wait3A_743 = arith.constant 0 : i32
      %dma_wait3A_744 = tpu.memref_slice %arg10[%dma_wait3A_742, %dma_wait3A_743] : memref<2x100xi32, #tpu.memory_space<vmem>> -> memref<1x100xi32, #tpu.memory_space<vmem>>
      %dma_wait3A_745 = tpu.memref_squeeze %dma_wait3A_744 : memref<1x100xi32, #tpu.memory_space<vmem>> -> memref<100xi32, #tpu.memory_space<vmem>>
      %dma_wait3A_746 = arith.constant 0 : i32
      %dma_wait3A_747 = arith.constant 0 : i32
      %dma_wait3A_748 = tpu.memref_slice %arg2[%dma_wait3A_746, %dma_wait3A_747] : memref<10000x128xf32, #tpu.memory_space<hbm>> -> memref<10000x128xf32, #tpu.memory_space<hbm>>
      tpu.wait_indirect_dma semaphore(%arg17 : memref<!tpu.dma_semaphore, #tpu.memory_space<semaphore_mem>>) src(%dma_wait3A_748 : memref<10000x128xf32, #tpu.memory_space<hbm>>) dst(%arg13 : memref<100x128xf32, #tpu.memory_space<vmem>>)
      %lt3A_749 = arith.constant 98 : i32
      %lt3A_750 = arith.cmpi slt, %add3A_741, %lt3A_749 : i32
      %convert_element_type3A_751 = arith.extui %lt3A_750 : i1 to i32
      %cond3A_752 = arith.constant 0 : i32
      %cond3A_753 = arith.cmpi ne, %convert_element_type3A_751, %cond3A_752 : i32
      scf.if %cond3A_753 {
        %add3A_766 = arith.constant 2 : i32
        %add3A_767 = arith.addi %add3A_741, %add3A_766 : i32
        %dma_wait3A_768 = arith.constant 0 : i32
        %dma_wait3A_769 = arith.constant 0 : i32
        %dma_wait3A_770 = tpu.memref_slice %arg3[%add3A, %add3A_767, %dma_wait3A_768, %dma_wait3A_769] : memref<32x100x2x100xi32, #tpu.memory_space<hbm>> -> memref<1x1x2x100xi32, #tpu.memory_space<hbm>>
        %dma_wait3A_771 = tpu.memref_squeeze %dma_wait3A_770 : memref<1x1x2x100xi32, #tpu.memory_space<hbm>> -> memref<2x100xi32, #tpu.memory_space<hbm>>
        %dma_wait3A_772 = arith.constant 0 : i32
        %dma_wait3A_773 = arith.constant 0 : i32
        %dma_wait3A_774 = tpu.memref_slice %arg3[%add3A, %add3A_767, %dma_wait3A_772, %dma_wait3A_773] : memref<32x100x2x100xi32, #tpu.memory_space<hbm>> -> memref<1x1x2x100xi32, #tpu.memory_space<hbm>>
        %dma_wait3A_775 = tpu.memref_squeeze %dma_wait3A_774 : memref<1x1x2x100xi32, #tpu.memory_space<hbm>> -> memref<2x100xi32, #tpu.memory_space<hbm>>
        tpu.wait_dma2 semaphore(%arg19 : memref<!tpu.dma_semaphore, #tpu.memory_space<semaphore_mem>>) src(%dma_wait3A_775 : memref<2x100xi32, #tpu.memory_space<hbm>>) dst(%arg6 : memref<2x100xi32, #tpu.memory_space<vmem>>)
        %ge3A = arith.constant 1 : i32
        %ge3A_776 = arith.cmpi sge, %add3A_741, %ge3A : i32
        %convert_element_type3A_777 = arith.extui %ge3A_776 : i1 to i32
        %cond3A_778 = arith.constant 0 : i32
        %cond3A_779 = arith.cmpi ne, %convert_element_type3A_777, %cond3A_778 : i32
        scf.if %cond3A_779 {
          %dma_wait3A_787 = arith.constant 1 : i32
          %dma_wait3A_788 = arith.constant 0 : i32
          %dma_wait3A_789 = tpu.memref_slice %arg9[%dma_wait3A_787, %dma_wait3A_788] : memref<2x100xi32, #tpu.memory_space<vmem>> -> memref<1x100xi32, #tpu.memory_space<vmem>>
          %dma_wait3A_790 = tpu.memref_squeeze %dma_wait3A_789 : memref<1x100xi32, #tpu.memory_space<vmem>> -> memref<100xi32, #tpu.memory_space<vmem>>
          %dma_wait3A_791 = arith.constant 0 : i32
          %dma_wait3A_792 = arith.constant 0 : i32
          %dma_wait3A_793 = tpu.memref_slice %arg14[%dma_wait3A_791, %dma_wait3A_792] : memref<10000x128xf32, #tpu.memory_space<vmem_shared>> -> memref<10000x128xf32, #tpu.memory_space<vmem_shared>>
          tpu.wait_indirect_dma semaphore(%arg25 : memref<!tpu.dma_semaphore, #tpu.memory_space<semaphore_mem>>) src(%arg12 : memref<100x128xf32, #tpu.memory_space<vmem>>) dst(%dma_wait3A_793 : memref<10000x128xf32, #tpu.memory_space<vmem_shared>>)
        } else {
        }
        %dma_start3A_780 = arith.constant 0 : i32
        %dma_start3A_781 = arith.constant 0 : i32
        %dma_start3A_782 = tpu.memref_slice %arg6[%dma_start3A_780, %dma_start3A_781] : memref<2x100xi32, #tpu.memory_space<vmem>> -> memref<1x100xi32, #tpu.memory_space<vmem>>
        %dma_start3A_783 = tpu.memref_squeeze %dma_start3A_782 : memref<1x100xi32, #tpu.memory_space<vmem>> -> memref<100xi32, #tpu.memory_space<vmem>>
        %dma_start3A_784 = arith.constant 0 : i32
        %dma_start3A_785 = arith.constant 0 : i32
        %dma_start3A_786 = tpu.memref_slice %arg2[%dma_start3A_784, %dma_start3A_785] : memref<10000x128xf32, #tpu.memory_space<hbm>> -> memref<10000x128xf32, #tpu.memory_space<hbm>>
        tpu.enqueue_indirect_dma source(%dma_start3A_786 : memref<10000x128xf32, #tpu.memory_space<hbm>>) target(%arg12 : memref<100x128xf32, #tpu.memory_space<vmem>>) offsets(%dma_start3A_783 : memref<100xi32, #tpu.memory_space<vmem>>) semaphore(%arg16 : memref<!tpu.dma_semaphore, #tpu.memory_space<semaphore_mem>>)
      } else {
      }
      %dma_start3A_754 = arith.constant 1 : i32
      %dma_start3A_755 = arith.constant 0 : i32
      %dma_start3A_756 = tpu.memref_slice %arg10[%dma_start3A_754, %dma_start3A_755] : memref<2x100xi32, #tpu.memory_space<vmem>> -> memref<1x100xi32, #tpu.memory_space<vmem>>
      %dma_start3A_757 = tpu.memref_squeeze %dma_start3A_756 : memref<1x100xi32, #tpu.memory_space<vmem>> -> memref<100xi32, #tpu.memory_space<vmem>>
      %dma_start3A_758 = arith.constant 0 : i32
      %dma_start3A_759 = arith.constant 0 : i32
      %dma_start3A_760 = tpu.memref_slice %arg14[%dma_start3A_758, %dma_start3A_759] : memref<10000x128xf32, #tpu.memory_space<vmem_shared>> -> memref<10000x128xf32, #tpu.memory_space<vmem_shared>>
      tpu.enqueue_indirect_dma source(%arg13 : memref<100x128xf32, #tpu.memory_space<vmem>>) target(%dma_start3A_760 : memref<10000x128xf32, #tpu.memory_space<vmem_shared>>) offsets(%dma_start3A_757 : memref<100xi32, #tpu.memory_space<vmem>>) semaphore(%arg26 : memref<!tpu.dma_semaphore, #tpu.memory_space<semaphore_mem>>) {add = true}
      %lt3A_761 = arith.constant 96 : i32
      %lt3A_762 = arith.cmpi slt, %add3A_741, %lt3A_761 : i32
      %convert_element_type3A_763 = arith.extui %lt3A_762 : i1 to i32
      %cond3A_764 = arith.constant 0 : i32
      %cond3A_765 = arith.cmpi ne, %convert_element_type3A_763, %cond3A_764 : i32
      scf.if %cond3A_765 {
        %add3A_766 = arith.constant 4 : i32
        %add3A_767 = arith.addi %add3A_741, %add3A_766 : i32
        %dma_start3A_768 = arith.constant 0 : i32
        %dma_start3A_769 = arith.constant 0 : i32
        %dma_start3A_770 = tpu.memref_slice %arg3[%add3A, %add3A_767, %dma_start3A_768, %dma_start3A_769] : memref<32x100x2x100xi32, #tpu.memory_space<hbm>> -> memref<1x1x2x100xi32, #tpu.memory_space<hbm>>
        %dma_start3A_771 = tpu.memref_squeeze %dma_start3A_770 : memref<1x1x2x100xi32, #tpu.memory_space<hbm>> -> memref<2x100xi32, #tpu.memory_space<hbm>>
        %dma_start3A_772 = arith.constant 0 : i32
        %dma_start3A_773 = arith.constant 0 : i32
        %dma_start3A_774 = tpu.memref_slice %arg3[%add3A, %add3A_767, %dma_start3A_772, %dma_start3A_773] : memref<32x100x2x100xi32, #tpu.memory_space<hbm>> -> memref<1x1x2x100xi32, #tpu.memory_space<hbm>>
        %dma_start3A_775 = tpu.memref_squeeze %dma_start3A_774 : memref<1x1x2x100xi32, #tpu.memory_space<hbm>> -> memref<2x100xi32, #tpu.memory_space<hbm>>
        tpu.enqueue_dma source(%dma_start3A_775 : memref<2x100xi32, #tpu.memory_space<hbm>>) target(%arg8 : memref<2x100xi32, #tpu.memory_space<vmem>>) target_semaphore(%arg21 : memref<!tpu.dma_semaphore, #tpu.memory_space<semaphore_mem>>)
      } else {
      }
    }
    %scan3A_265 = arith.constant 16 : i32
    %dma_wait3A_266 = arith.constant 0 : i32
    %dma_wait3A_267 = arith.constant 0 : i32
    %dma_wait3A_268 = tpu.memref_slice %arg5[%dma_wait3A_266, %dma_wait3A_267] : memref<2x100xi32, #tpu.memory_space<vmem>> -> memref<1x100xi32, #tpu.memory_space<vmem>>
    %dma_wait3A_269 = tpu.memref_squeeze %dma_wait3A_268 : memref<1x100xi32, #tpu.memory_space<vmem>> -> memref<100xi32, #tpu.memory_space<vmem>>
    %dma_wait3A_270 = arith.constant 0 : i32
    %dma_wait3A_271 = arith.constant 0 : i32
    %dma_wait3A_272 = tpu.memref_slice %arg2[%dma_wait3A_270, %dma_wait3A_271] : memref<10000x128xf32, #tpu.memory_space<hbm>> -> memref<10000x128xf32, #tpu.memory_space<hbm>>
    tpu.wait_indirect_dma semaphore(%arg15 : memref<!tpu.dma_semaphore, #tpu.memory_space<semaphore_mem>>) src(%dma_wait3A_272 : memref<10000x128xf32, #tpu.memory_space<hbm>>) dst(%arg11 : memref<100x128xf32, #tpu.memory_space<vmem>>)
    %dma_wait3A_273 = arith.constant 98 : i32
    %dma_wait3A_274 = arith.constant 0 : i32
    %dma_wait3A_275 = arith.constant 0 : i32
    %dma_wait3A_276 = tpu.memref_slice %arg3[%add3A, %dma_wait3A_273, %dma_wait3A_274, %dma_wait3A_275] : memref<32x100x2x100xi32, #tpu.memory_space<hbm>> -> memref<1x1x2x100xi32, #tpu.memory_space<hbm>>
    %dma_wait3A_277 = tpu.memref_squeeze %dma_wait3A_276 : memref<1x1x2x100xi32, #tpu.memory_space<hbm>> -> memref<2x100xi32, #tpu.memory_space<hbm>>
    %dma_wait3A_278 = arith.constant 0 : i32
    %dma_wait3A_279 = arith.constant 0 : i32
    %dma_wait3A_280 = tpu.memref_slice %arg3[%add3A, %dma_wait3A_273, %dma_wait3A_278, %dma_wait3A_279] : memref<32x100x2x100xi32, #tpu.memory_space<hbm>> -> memref<1x1x2x100xi32, #tpu.memory_space<hbm>>
    %dma_wait3A_281 = tpu.memref_squeeze %dma_wait3A_280 : memref<1x1x2x100xi32, #tpu.memory_space<hbm>> -> memref<2x100xi32, #tpu.memory_space<hbm>>
    tpu.wait_dma2 semaphore(%arg20 : memref<!tpu.dma_semaphore, #tpu.memory_space<semaphore_mem>>) src(%dma_wait3A_281 : memref<2x100xi32, #tpu.memory_space<hbm>>) dst(%arg7 : memref<2x100xi32, #tpu.memory_space<vmem>>)
    %dma_wait3A_282 = arith.constant 1 : i32
    %dma_wait3A_283 = arith.constant 0 : i32
    %dma_wait3A_284 = tpu.memref_slice %arg10[%dma_wait3A_282, %dma_wait3A_283] : memref<2x100xi32, #tpu.memory_space<vmem>> -> memref<1x100xi32, #tpu.memory_space<vmem>>
    %dma_wait3A_285 = tpu.memref_squeeze %dma_wait3A_284 : memref<1x100xi32, #tpu.memory_space<vmem>> -> memref<100xi32, #tpu.memory_space<vmem>>
    %dma_wait3A_286 = arith.constant 0 : i32
    %dma_wait3A_287 = arith.constant 0 : i32
    %dma_wait3A_288 = tpu.memref_slice %arg14[%dma_wait3A_286, %dma_wait3A_287] : memref<10000x128xf32, #tpu.memory_space<vmem_shared>> -> memref<10000x128xf32, #tpu.memory_space<vmem_shared>>
    tpu.wait_indirect_dma semaphore(%arg26 : memref<!tpu.dma_semaphore, #tpu.memory_space<semaphore_mem>>) src(%arg13 : memref<100x128xf32, #tpu.memory_space<vmem>>) dst(%dma_wait3A_288 : memref<10000x128xf32, #tpu.memory_space<vmem_shared>>)
    %dma_start3A_289 = arith.constant 0 : i32
    %dma_start3A_290 = arith.constant 0 : i32
    %dma_start3A_291 = tpu.memref_slice %arg7[%dma_start3A_289, %dma_start3A_290] : memref<2x100xi32, #tpu.memory_space<vmem>> -> memref<1x100xi32, #tpu.memory_space<vmem>>
    %dma_start3A_292 = tpu.memref_squeeze %dma_start3A_291 : memref<1x100xi32, #tpu.memory_space<vmem>> -> memref<100xi32, #tpu.memory_space<vmem>>
    %dma_start3A_293 = arith.constant 0 : i32
    %dma_start3A_294 = arith.constant 0 : i32
    %dma_start3A_295 = tpu.memref_slice %arg2[%dma_start3A_293, %dma_start3A_294] : memref<10000x128xf32, #tpu.memory_space<hbm>> -> memref<10000x128xf32, #tpu.memory_space<hbm>>
    tpu.enqueue_indirect_dma source(%dma_start3A_295 : memref<10000x128xf32, #tpu.memory_space<hbm>>) target(%arg13 : memref<100x128xf32, #tpu.memory_space<vmem>>) offsets(%dma_start3A_292 : memref<100xi32, #tpu.memory_space<vmem>>) semaphore(%arg17 : memref<!tpu.dma_semaphore, #tpu.memory_space<semaphore_mem>>)
    %dma_start3A_296 = arith.constant 1 : i32
    %dma_start3A_297 = arith.constant 0 : i32
    %dma_start3A_298 = tpu.memref_slice %arg5[%dma_start3A_296, %dma_start3A_297] : memref<2x100xi32, #tpu.memory_space<vmem>> -> memref<1x100xi32, #tpu.memory_space<vmem>>
    %dma_start3A_299 = tpu.memref_squeeze %dma_start3A_298 : memref<1x100xi32, #tpu.memory_space<vmem>> -> memref<100xi32, #tpu.memory_space<vmem>>
    %dma_start3A_300 = arith.constant 0 : i32
    %dma_start3A_301 = arith.constant 0 : i32
    %dma_start3A_302 = tpu.memref_slice %arg14[%dma_start3A_300, %dma_start3A_301] : memref<10000x128xf32, #tpu.memory_space<vmem_shared>> -> memref<10000x128xf32, #tpu.memory_space<vmem_shared>>
    tpu.enqueue_indirect_dma source(%arg11 : memref<100x128xf32, #tpu.memory_space<vmem>>) target(%dma_start3A_302 : memref<10000x128xf32, #tpu.memory_space<vmem_shared>>) offsets(%dma_start3A_299 : memref<100xi32, #tpu.memory_space<vmem>>) semaphore(%arg24 : memref<!tpu.dma_semaphore, #tpu.memory_space<semaphore_mem>>) {add = true}
    %dma_wait3A_303 = arith.constant 0 : i32
    %dma_wait3A_304 = arith.constant 0 : i32
    %dma_wait3A_305 = tpu.memref_slice %arg6[%dma_wait3A_303, %dma_wait3A_304] : memref<2x100xi32, #tpu.memory_space<vmem>> -> memref<1x100xi32, #tpu.memory_space<vmem>>
    %dma_wait3A_306 = tpu.memref_squeeze %dma_wait3A_305 : memref<1x100xi32, #tpu.memory_space<vmem>> -> memref<100xi32, #tpu.memory_space<vmem>>
    %dma_wait3A_307 = arith.constant 0 : i32
    %dma_wait3A_308 = arith.constant 0 : i32
    %dma_wait3A_309 = tpu.memref_slice %arg2[%dma_wait3A_307, %dma_wait3A_308] : memref<10000x128xf32, #tpu.memory_space<hbm>> -> memref<10000x128xf32, #tpu.memory_space<hbm>>
    tpu.wait_indirect_dma semaphore(%arg16 : memref<!tpu.dma_semaphore, #tpu.memory_space<semaphore_mem>>) src(%dma_wait3A_309 : memref<10000x128xf32, #tpu.memory_space<hbm>>) dst(%arg12 : memref<100x128xf32, #tpu.memory_space<vmem>>)
    %dma_wait3A_310 = arith.constant 99 : i32
    %dma_wait3A_311 = arith.constant 0 : i32
    %dma_wait3A_312 = arith.constant 0 : i32
    %dma_wait3A_313 = tpu.memref_slice %arg3[%add3A, %dma_wait3A_310, %dma_wait3A_311, %dma_wait3A_312] : memref<32x100x2x100xi32, #tpu.memory_space<hbm>> -> memref<1x1x2x100xi32, #tpu.memory_space<hbm>>
    %dma_wait3A_314 = tpu.memref_squeeze %dma_wait3A_313 : memref<1x1x2x100xi32, #tpu.memory_space<hbm>> -> memref<2x100xi32, #tpu.memory_space<hbm>>
    %dma_wait3A_315 = arith.constant 0 : i32
    %dma_wait3A_316 = arith.constant 0 : i32
    %dma_wait3A_317 = tpu.memref_slice %arg3[%add3A, %dma_wait3A_310, %dma_wait3A_315, %dma_wait3A_316] : memref<32x100x2x100xi32, #tpu.memory_space<hbm>> -> memref<1x1x2x100xi32, #tpu.memory_space<hbm>>
    %dma_wait3A_318 = tpu.memref_squeeze %dma_wait3A_317 : memref<1x1x2x100xi32, #tpu.memory_space<hbm>> -> memref<2x100xi32, #tpu.memory_space<hbm>>
    tpu.wait_dma2 semaphore(%arg21 : memref<!tpu.dma_semaphore, #tpu.memory_space<semaphore_mem>>) src(%dma_wait3A_318 : memref<2x100xi32, #tpu.memory_space<hbm>>) dst(%arg8 : memref<2x100xi32, #tpu.memory_space<vmem>>)
    %dma_wait3A_319 = arith.constant 1 : i32
    %dma_wait3A_320 = arith.constant 0 : i32
    %dma_wait3A_321 = tpu.memref_slice %arg5[%dma_wait3A_319, %dma_wait3A_320] : memref<2x100xi32, #tpu.memory_space<vmem>> -> memref<1x100xi32, #tpu.memory_space<vmem>>
    %dma_wait3A_322 = tpu.memref_squeeze %dma_wait3A_321 : memref<1x100xi32, #tpu.memory_space<vmem>> -> memref<100xi32, #tpu.memory_space<vmem>>
    %dma_wait3A_323 = arith.constant 0 : i32
    %dma_wait3A_324 = arith.constant 0 : i32
    %dma_wait3A_325 = tpu.memref_slice %arg14[%dma_wait3A_323, %dma_wait3A_324] : memref<10000x128xf32, #tpu.memory_space<vmem_shared>> -> memref<10000x128xf32, #tpu.memory_space<vmem_shared>>
    tpu.wait_indirect_dma semaphore(%arg24 : memref<!tpu.dma_semaphore, #tpu.memory_space<semaphore_mem>>) src(%arg11 : memref<100x128xf32, #tpu.memory_space<vmem>>) dst(%dma_wait3A_325 : memref<10000x128xf32, #tpu.memory_space<vmem_shared>>)
    %dma_start3A_326 = arith.constant 0 : i32
    %dma_start3A_327 = arith.constant 0 : i32
    %dma_start3A_328 = tpu.memref_slice %arg8[%dma_start3A_326, %dma_start3A_327] : memref<2x100xi32, #tpu.memory_space<vmem>> -> memref<1x100xi32, #tpu.memory_space<vmem>>
    %dma_start3A_329 = tpu.memref_squeeze %dma_start3A_328 : memref<1x100xi32, #tpu.memory_space<vmem>> -> memref<100xi32, #tpu.memory_space<vmem>>
    %dma_start3A_330 = arith.constant 0 : i32
    %dma_start3A_331 = arith.constant 0 : i32
    %dma_start3A_332 = tpu.memref_slice %arg2[%dma_start3A_330, %dma_start3A_331] : memref<10000x128xf32, #tpu.memory_space<hbm>> -> memref<10000x128xf32, #tpu.memory_space<hbm>>
    tpu.enqueue_indirect_dma source(%dma_start3A_332 : memref<10000x128xf32, #tpu.memory_space<hbm>>) target(%arg11 : memref<100x128xf32, #tpu.memory_space<vmem>>) offsets(%dma_start3A_329 : memref<100xi32, #tpu.memory_space<vmem>>) semaphore(%arg15 : memref<!tpu.dma_semaphore, #tpu.memory_space<semaphore_mem>>)
    %dma_start3A_333 = arith.constant 1 : i32
    %dma_start3A_334 = arith.constant 0 : i32
    %dma_start3A_335 = tpu.memref_slice %arg6[%dma_start3A_333, %dma_start3A_334] : memref<2x100xi32, #tpu.memory_space<vmem>> -> memref<1x100xi32, #tpu.memory_space<vmem>>
    %dma_start3A_336 = tpu.memref_squeeze %dma_start3A_335 : memref<1x100xi32, #tpu.memory_space<vmem>> -> memref<100xi32, #tpu.memory_space<vmem>>
    %dma_start3A_337 = arith.constant 0 : i32
    %dma_start3A_338 = arith.constant 0 : i32
    %dma_start3A_339 = tpu.memref_slice %arg14[%dma_start3A_337, %dma_start3A_338] : memref<10000x128xf32, #tpu.memory_space<vmem_shared>> -> memref<10000x128xf32, #tpu.memory_space<vmem_shared>>
    tpu.enqueue_indirect_dma source(%arg12 : memref<100x128xf32, #tpu.memory_space<vmem>>) target(%dma_start3A_339 : memref<10000x128xf32, #tpu.memory_space<vmem_shared>>) offsets(%dma_start3A_336 : memref<100xi32, #tpu.memory_space<vmem>>) semaphore(%arg25 : memref<!tpu.dma_semaphore, #tpu.memory_space<semaphore_mem>>) {add = true}
    %dma_wait3A_340 = arith.constant 0 : i32
    %dma_wait3A_341 = arith.constant 0 : i32
    %dma_wait3A_342 = tpu.memref_slice %arg7[%dma_wait3A_340, %dma_wait3A_341] : memref<2x100xi32, #tpu.memory_space<vmem>> -> memref<1x100xi32, #tpu.memory_space<vmem>>
    %dma_wait3A_343 = tpu.memref_squeeze %dma_wait3A_342 : memref<1x100xi32, #tpu.memory_space<vmem>> -> memref<100xi32, #tpu.memory_space<vmem>>
    %dma_wait3A_344 = arith.constant 0 : i32
    %dma_wait3A_345 = arith.constant 0 : i32
    %dma_wait3A_346 = tpu.memref_slice %arg2[%dma_wait3A_344, %dma_wait3A_345] : memref<10000x128xf32, #tpu.memory_space<hbm>> -> memref<10000x128xf32, #tpu.memory_space<hbm>>
    tpu.wait_indirect_dma semaphore(%arg17 : memref<!tpu.dma_semaphore, #tpu.memory_space<semaphore_mem>>) src(%dma_wait3A_346 : memref<10000x128xf32, #tpu.memory_space<hbm>>) dst(%arg13 : memref<100x128xf32, #tpu.memory_space<vmem>>)
    %dma_start3A_347 = arith.constant 1 : i32
    %dma_start3A_348 = arith.constant 0 : i32
    %dma_start3A_349 = tpu.memref_slice %arg7[%dma_start3A_347, %dma_start3A_348] : memref<2x100xi32, #tpu.memory_space<vmem>> -> memref<1x100xi32, #tpu.memory_space<vmem>>
    %dma_start3A_350 = tpu.memref_squeeze %dma_start3A_349 : memref<1x100xi32, #tpu.memory_space<vmem>> -> memref<100xi32, #tpu.memory_space<vmem>>
    %dma_start3A_351 = arith.constant 0 : i32
    %dma_start3A_352 = arith.constant 0 : i32
    %dma_start3A_353 = tpu.memref_slice %arg14[%dma_start3A_351, %dma_start3A_352] : memref<10000x128xf32, #tpu.memory_space<vmem_shared>> -> memref<10000x128xf32, #tpu.memory_space<vmem_shared>>
    tpu.enqueue_indirect_dma source(%arg13 : memref<100x128xf32, #tpu.memory_space<vmem>>) target(%dma_start3A_353 : memref<10000x128xf32, #tpu.memory_space<vmem_shared>>) offsets(%dma_start3A_350 : memref<100xi32, #tpu.memory_space<vmem>>) semaphore(%arg26 : memref<!tpu.dma_semaphore, #tpu.memory_space<semaphore_mem>>) {add = true}
    %dma_wait3A_354 = arith.constant 0 : i32
    %dma_wait3A_355 = arith.constant 0 : i32
    %dma_wait3A_356 = tpu.memref_slice %arg8[%dma_wait3A_354, %dma_wait3A_355] : memref<2x100xi32, #tpu.memory_space<vmem>> -> memref<1x100xi32, #tpu.memory_space<vmem>>
    %dma_wait3A_357 = tpu.memref_squeeze %dma_wait3A_356 : memref<1x100xi32, #tpu.memory_space<vmem>> -> memref<100xi32, #tpu.memory_space<vmem>>
    %dma_wait3A_358 = arith.constant 0 : i32
    %dma_wait3A_359 = arith.constant 0 : i32
    %dma_wait3A_360 = tpu.memref_slice %arg2[%dma_wait3A_358, %dma_wait3A_359] : memref<10000x128xf32, #tpu.memory_space<hbm>> -> memref<10000x128xf32, #tpu.memory_space<hbm>>
    tpu.wait_indirect_dma semaphore(%arg15 : memref<!tpu.dma_semaphore, #tpu.memory_space<semaphore_mem>>) src(%dma_wait3A_360 : memref<10000x128xf32, #tpu.memory_space<hbm>>) dst(%arg11 : memref<100x128xf32, #tpu.memory_space<vmem>>)
    %dma_start3A_361 = arith.constant 1 : i32
    %dma_start3A_362 = arith.constant 0 : i32
    %dma_start3A_363 = tpu.memref_slice %arg8[%dma_start3A_361, %dma_start3A_362] : memref<2x100xi32, #tpu.memory_space<vmem>> -> memref<1x100xi32, #tpu.memory_space<vmem>>
    %dma_start3A_364 = tpu.memref_squeeze %dma_start3A_363 : memref<1x100xi32, #tpu.memory_space<vmem>> -> memref<100xi32, #tpu.memory_space<vmem>>
    %dma_start3A_365 = arith.constant 0 : i32
    %dma_start3A_366 = arith.constant 0 : i32
    %dma_start3A_367 = tpu.memref_slice %arg14[%dma_start3A_365, %dma_start3A_366] : memref<10000x128xf32, #tpu.memory_space<vmem_shared>> -> memref<10000x128xf32, #tpu.memory_space<vmem_shared>>
    tpu.enqueue_indirect_dma source(%arg11 : memref<100x128xf32, #tpu.memory_space<vmem>>) target(%dma_start3A_367 : memref<10000x128xf32, #tpu.memory_space<vmem_shared>>) offsets(%dma_start3A_364 : memref<100xi32, #tpu.memory_space<vmem>>) semaphore(%arg24 : memref<!tpu.dma_semaphore, #tpu.memory_space<semaphore_mem>>) {add = true}
    %dma_wait3A_368 = arith.constant 1 : i32
    %dma_wait3A_369 = arith.constant 0 : i32
    %dma_wait3A_370 = tpu.memref_slice %arg6[%dma_wait3A_368, %dma_wait3A_369] : memref<2x100xi32, #tpu.memory_space<vmem>> -> memref<1x100xi32, #tpu.memory_space<vmem>>
    %dma_wait3A_371 = tpu.memref_squeeze %dma_wait3A_370 : memref<1x100xi32, #tpu.memory_space<vmem>> -> memref<100xi32, #tpu.memory_space<vmem>>
    %dma_wait3A_372 = arith.constant 0 : i32
    %dma_wait3A_373 = arith.constant 0 : i32
    %dma_wait3A_374 = tpu.memref_slice %arg14[%dma_wait3A_372, %dma_wait3A_373] : memref<10000x128xf32, #tpu.memory_space<vmem_shared>> -> memref<10000x128xf32, #tpu.memory_space<vmem_shared>>
    tpu.wait_indirect_dma semaphore(%arg25 : memref<!tpu.dma_semaphore, #tpu.memory_space<semaphore_mem>>) src(%arg12 : memref<100x128xf32, #tpu.memory_space<vmem>>) dst(%dma_wait3A_374 : memref<10000x128xf32, #tpu.memory_space<vmem_shared>>)
    %dma_wait3A_375 = arith.constant 1 : i32
    %dma_wait3A_376 = arith.constant 0 : i32
    %dma_wait3A_377 = tpu.memref_slice %arg7[%dma_wait3A_375, %dma_wait3A_376] : memref<2x100xi32, #tpu.memory_space<vmem>> -> memref<1x100xi32, #tpu.memory_space<vmem>>
    %dma_wait3A_378 = tpu.memref_squeeze %dma_wait3A_377 : memref<1x100xi32, #tpu.memory_space<vmem>> -> memref<100xi32, #tpu.memory_space<vmem>>
    %dma_wait3A_379 = arith.constant 0 : i32
    %dma_wait3A_380 = arith.constant 0 : i32
    %dma_wait3A_381 = tpu.memref_slice %arg14[%dma_wait3A_379, %dma_wait3A_380] : memref<10000x128xf32, #tpu.memory_space<vmem_shared>> -> memref<10000x128xf32, #tpu.memory_space<vmem_shared>>
    tpu.wait_indirect_dma semaphore(%arg26 : memref<!tpu.dma_semaphore, #tpu.memory_space<semaphore_mem>>) src(%arg13 : memref<100x128xf32, #tpu.memory_space<vmem>>) dst(%dma_wait3A_381 : memref<10000x128xf32, #tpu.memory_space<vmem_shared>>)
    %dma_wait3A_382 = arith.constant 1 : i32
    %dma_wait3A_383 = arith.constant 0 : i32
    %dma_wait3A_384 = tpu.memref_slice %arg8[%dma_wait3A_382, %dma_wait3A_383] : memref<2x100xi32, #tpu.memory_space<vmem>> -> memref<1x100xi32, #tpu.memory_space<vmem>>
    %dma_wait3A_385 = tpu.memref_squeeze %dma_wait3A_384 : memref<1x100xi32, #tpu.memory_space<vmem>> -> memref<100xi32, #tpu.memory_space<vmem>>
    %dma_wait3A_386 = arith.constant 0 : i32
    %dma_wait3A_387 = arith.constant 0 : i32
    %dma_wait3A_388 = tpu.memref_slice %arg14[%dma_wait3A_386, %dma_wait3A_387] : memref<10000x128xf32, #tpu.memory_space<vmem_shared>> -> memref<10000x128xf32, #tpu.memory_space<vmem_shared>>
    tpu.wait_indirect_dma semaphore(%arg24 : memref<!tpu.dma_semaphore, #tpu.memory_space<semaphore_mem>>) src(%arg11 : memref<100x128xf32, #tpu.memory_space<vmem>>) dst(%dma_wait3A_388 : memref<10000x128xf32, #tpu.memory_space<vmem_shared>>)
    %barrier3A_389 = arith.constant 0 : index
    tpu.barrier barrier_id(%barrier3A_389)
    %add3A_390 = arith.constant 0 : i32
    %add3A_391 = arith.addi %mul3A_20, %add3A_390 : i32
    "tpu.region"() ({
      %run_scoped3A = tpu.sem_alloc : memref<!tpu.dma_semaphore, #tpu.memory_space<semaphore_mem>>
      %dma_start3A_600 = arith.constant 0 : i32
      %dma_start3A_601 = arith.constant 0 : i32
      %dma_start3A_602 = tpu.memref_slice %arg11[%dma_start3A_600, %dma_start3A_601] : memref<100x128xf32, #tpu.memory_space<vmem>> -> memref<96x128xf32, #tpu.memory_space<vmem>>
      %dma_start3A_603 = arith.constant 0 : i32
      %dma_start3A_604 = tpu.memref_slice %arg14[%add3A_391, %dma_start3A_603] : memref<10000x128xf32, #tpu.memory_space<vmem_shared>> -> memref<96x128xf32, #tpu.memory_space<vmem_shared>>
      %dma_start3A_605 = arith.constant 0 : i32
      %dma_start3A_606 = arith.constant 0 : i32
      %dma_start3A_607 = tpu.memref_slice %arg11[%dma_start3A_605, %dma_start3A_606] : memref<100x128xf32, #tpu.memory_space<vmem>> -> memref<96x128xf32, #tpu.memory_space<vmem>>
      %dma_start3A_608 = arith.constant 0 : i32
      %dma_start3A_609 = tpu.memref_slice %arg14[%add3A_391, %dma_start3A_608] : memref<10000x128xf32, #tpu.memory_space<vmem_shared>> -> memref<96x128xf32, #tpu.memory_space<vmem_shared>>
      tpu.enqueue_dma source(%dma_start3A_609 : memref<96x128xf32, #tpu.memory_space<vmem_shared>>) target(%dma_start3A_607 : memref<96x128xf32, #tpu.memory_space<vmem>>) target_semaphore(%run_scoped3A : memref<!tpu.dma_semaphore, #tpu.memory_space<semaphore_mem>>)
      %dma_wait3A_610 = arith.constant 0 : i32
      %dma_wait3A_611 = arith.constant 0 : i32
      %dma_wait3A_612 = tpu.memref_slice %arg11[%dma_wait3A_610, %dma_wait3A_611] : memref<100x128xf32, #tpu.memory_space<vmem>> -> memref<96x128xf32, #tpu.memory_space<vmem>>
      %dma_wait3A_613 = arith.constant 0 : i32
      %dma_wait3A_614 = tpu.memref_slice %arg14[%add3A_391, %dma_wait3A_613] : memref<10000x128xf32, #tpu.memory_space<vmem_shared>> -> memref<96x128xf32, #tpu.memory_space<vmem_shared>>
      %dma_wait3A_615 = arith.constant 0 : i32
      %dma_wait3A_616 = arith.constant 0 : i32
      %dma_wait3A_617 = tpu.memref_slice %arg11[%dma_wait3A_615, %dma_wait3A_616] : memref<100x128xf32, #tpu.memory_space<vmem>> -> memref<96x128xf32, #tpu.memory_space<vmem>>
      %dma_wait3A_618 = arith.constant 0 : i32
      %dma_wait3A_619 = tpu.memref_slice %arg14[%add3A_391, %dma_wait3A_618] : memref<10000x128xf32, #tpu.memory_space<vmem_shared>> -> memref<96x128xf32, #tpu.memory_space<vmem_shared>>
      tpu.wait_dma2 semaphore(%run_scoped3A : memref<!tpu.dma_semaphore, #tpu.memory_space<semaphore_mem>>) src(%dma_wait3A_619 : memref<96x128xf32, #tpu.memory_space<vmem_shared>>) dst(%dma_wait3A_617 : memref<96x128xf32, #tpu.memory_space<vmem>>)
      tpu.yield
    }) : () -> ()
    %add3A_392 = arith.constant 0 : i32
    %add3A_393 = arith.addi %mul3A_20, %add3A_392 : i32
    %dma_start3A_394 = arith.constant 0 : i32
    %dma_start3A_395 = arith.constant 0 : i32
    %dma_start3A_396 = tpu.memref_slice %arg11[%dma_start3A_394, %dma_start3A_395] : memref<100x128xf32, #tpu.memory_space<vmem>> -> memref<96x128xf32, #tpu.memory_space<vmem>>
    %dma_start3A_397 = arith.constant 0 : i32
    %dma_start3A_398 = tpu.memref_slice %arg4[%arg0, %add3A_393, %dma_start3A_397] : memref<2x10000x128xf32, #tpu.memory_space<hbm>> -> memref<1x96x128xf32, #tpu.memory_space<hbm>>
    %dma_start3A_399 = tpu.memref_squeeze %dma_start3A_398 : memref<1x96x128xf32, #tpu.memory_space<hbm>> -> memref<96x128xf32, #tpu.memory_space<hbm>>
    %dma_start3A_400 = arith.constant 0 : i32
    %dma_start3A_401 = tpu.memref_slice %arg4[%arg0, %add3A_393, %dma_start3A_400] : memref<2x10000x128xf32, #tpu.memory_space<hbm>> -> memref<1x96x128xf32, #tpu.memory_space<hbm>>
    %dma_start3A_402 = tpu.memref_squeeze %dma_start3A_401 : memref<1x96x128xf32, #tpu.memory_space<hbm>> -> memref<96x128xf32, #tpu.memory_space<hbm>>
    %dma_start3A_403 = arith.constant 0 : i32
    %dma_start3A_404 = arith.constant 0 : i32
    %dma_start3A_405 = tpu.memref_slice %arg11[%dma_start3A_403, %dma_start3A_404] : memref<100x128xf32, #tpu.memory_space<vmem>> -> memref<96x128xf32, #tpu.memory_space<vmem>>
    tpu.enqueue_dma source(%dma_start3A_405 : memref<96x128xf32, #tpu.memory_space<vmem>>) target(%dma_start3A_402 : memref<96x128xf32, #tpu.memory_space<hbm>>) target_semaphore(%arg15 : memref<!tpu.dma_semaphore, #tpu.memory_space<semaphore_mem>>)
    %add3A_406 = arith.constant 96 : i32
    %add3A_407 = arith.addi %mul3A_20, %add3A_406 : i32
    "tpu.region"() ({
      %run_scoped3A = tpu.sem_alloc : memref<!tpu.dma_semaphore, #tpu.memory_space<semaphore_mem>>
      %dma_start3A_600 = arith.constant 0 : i32
      %dma_start3A_601 = arith.constant 0 : i32
      %dma_start3A_602 = tpu.memref_slice %arg12[%dma_start3A_600, %dma_start3A_601] : memref<100x128xf32, #tpu.memory_space<vmem>> -> memref<96x128xf32, #tpu.memory_space<vmem>>
      %dma_start3A_603 = arith.constant 0 : i32
      %dma_start3A_604 = tpu.memref_slice %arg14[%add3A_407, %dma_start3A_603] : memref<10000x128xf32, #tpu.memory_space<vmem_shared>> -> memref<96x128xf32, #tpu.memory_space<vmem_shared>>
      %dma_start3A_605 = arith.constant 0 : i32
      %dma_start3A_606 = arith.constant 0 : i32
      %dma_start3A_607 = tpu.memref_slice %arg12[%dma_start3A_605, %dma_start3A_606] : memref<100x128xf32, #tpu.memory_space<vmem>> -> memref<96x128xf32, #tpu.memory_space<vmem>>
      %dma_start3A_608 = arith.constant 0 : i32
      %dma_start3A_609 = tpu.memref_slice %arg14[%add3A_407, %dma_start3A_608] : memref<10000x128xf32, #tpu.memory_space<vmem_shared>> -> memref<96x128xf32, #tpu.memory_space<vmem_shared>>
      tpu.enqueue_dma source(%dma_start3A_609 : memref<96x128xf32, #tpu.memory_space<vmem_shared>>) target(%dma_start3A_607 : memref<96x128xf32, #tpu.memory_space<vmem>>) target_semaphore(%run_scoped3A : memref<!tpu.dma_semaphore, #tpu.memory_space<semaphore_mem>>)
      %dma_wait3A_610 = arith.constant 0 : i32
      %dma_wait3A_611 = arith.constant 0 : i32
      %dma_wait3A_612 = tpu.memref_slice %arg12[%dma_wait3A_610, %dma_wait3A_611] : memref<100x128xf32, #tpu.memory_space<vmem>> -> memref<96x128xf32, #tpu.memory_space<vmem>>
      %dma_wait3A_613 = arith.constant 0 : i32
      %dma_wait3A_614 = tpu.memref_slice %arg14[%add3A_407, %dma_wait3A_613] : memref<10000x128xf32, #tpu.memory_space<vmem_shared>> -> memref<96x128xf32, #tpu.memory_space<vmem_shared>>
      %dma_wait3A_615 = arith.constant 0 : i32
      %dma_wait3A_616 = arith.constant 0 : i32
      %dma_wait3A_617 = tpu.memref_slice %arg12[%dma_wait3A_615, %dma_wait3A_616] : memref<100x128xf32, #tpu.memory_space<vmem>> -> memref<96x128xf32, #tpu.memory_space<vmem>>
      %dma_wait3A_618 = arith.constant 0 : i32
      %dma_wait3A_619 = tpu.memref_slice %arg14[%add3A_407, %dma_wait3A_618] : memref<10000x128xf32, #tpu.memory_space<vmem_shared>> -> memref<96x128xf32, #tpu.memory_space<vmem_shared>>
      tpu.wait_dma2 semaphore(%run_scoped3A : memref<!tpu.dma_semaphore, #tpu.memory_space<semaphore_mem>>) src(%dma_wait3A_619 : memref<96x128xf32, #tpu.memory_space<vmem_shared>>) dst(%dma_wait3A_617 : memref<96x128xf32, #tpu.memory_space<vmem>>)
      tpu.yield
    }) : () -> ()
    %add3A_408 = arith.constant 96 : i32
    %add3A_409 = arith.addi %mul3A_20, %add3A_408 : i32
    %dma_start3A_410 = arith.constant 0 : i32
    %dma_start3A_411 = arith.constant 0 : i32
    %dma_start3A_412 = tpu.memref_slice %arg12[%dma_start3A_410, %dma_start3A_411] : memref<100x128xf32, #tpu.memory_space<vmem>> -> memref<96x128xf32, #tpu.memory_space<vmem>>
    %dma_start3A_413 = arith.constant 0 : i32
    %dma_start3A_414 = tpu.memref_slice %arg4[%arg0, %add3A_409, %dma_start3A_413] : memref<2x10000x128xf32, #tpu.memory_space<hbm>> -> memref<1x96x128xf32, #tpu.memory_space<hbm>>
    %dma_start3A_415 = tpu.memref_squeeze %dma_start3A_414 : memref<1x96x128xf32, #tpu.memory_space<hbm>> -> memref<96x128xf32, #tpu.memory_space<hbm>>
    %dma_start3A_416 = arith.constant 0 : i32
    %dma_start3A_417 = tpu.memref_slice %arg4[%arg0, %add3A_409, %dma_start3A_416] : memref<2x10000x128xf32, #tpu.memory_space<hbm>> -> memref<1x96x128xf32, #tpu.memory_space<hbm>>
    %dma_start3A_418 = tpu.memref_squeeze %dma_start3A_417 : memref<1x96x128xf32, #tpu.memory_space<hbm>> -> memref<96x128xf32, #tpu.memory_space<hbm>>
    %dma_start3A_419 = arith.constant 0 : i32
    %dma_start3A_420 = arith.constant 0 : i32
    %dma_start3A_421 = tpu.memref_slice %arg12[%dma_start3A_419, %dma_start3A_420] : memref<100x128xf32, #tpu.memory_space<vmem>> -> memref<96x128xf32, #tpu.memory_space<vmem>>
    tpu.enqueue_dma source(%dma_start3A_421 : memref<96x128xf32, #tpu.memory_space<vmem>>) target(%dma_start3A_418 : memref<96x128xf32, #tpu.memory_space<hbm>>) target_semaphore(%arg16 : memref<!tpu.dma_semaphore, #tpu.memory_space<semaphore_mem>>)
    %add3A_422 = arith.constant 0 : i32
    %add3A_423 = arith.addi %mul3A_20, %add3A_422 : i32
    %dma_wait3A_424 = arith.constant 0 : i32
    %dma_wait3A_425 = arith.constant 0 : i32
    %dma_wait3A_426 = tpu.memref_slice %arg11[%dma_wait3A_424, %dma_wait3A_425] : memref<100x128xf32, #tpu.memory_space<vmem>> -> memref<96x128xf32, #tpu.memory_space<vmem>>
    %dma_wait3A_427 = arith.constant 0 : i32
    %dma_wait3A_428 = tpu.memref_slice %arg4[%arg0, %add3A_423, %dma_wait3A_427] : memref<2x10000x128xf32, #tpu.memory_space<hbm>> -> memref<1x96x128xf32, #tpu.memory_space<hbm>>
    %dma_wait3A_429 = tpu.memref_squeeze %dma_wait3A_428 : memref<1x96x128xf32, #tpu.memory_space<hbm>> -> memref<96x128xf32, #tpu.memory_space<hbm>>
    %dma_wait3A_430 = arith.constant 0 : i32
    %dma_wait3A_431 = tpu.memref_slice %arg4[%arg0, %add3A_423, %dma_wait3A_430] : memref<2x10000x128xf32, #tpu.memory_space<hbm>> -> memref<1x96x128xf32, #tpu.memory_space<hbm>>
    %dma_wait3A_432 = tpu.memref_squeeze %dma_wait3A_431 : memref<1x96x128xf32, #tpu.memory_space<hbm>> -> memref<96x128xf32, #tpu.memory_space<hbm>>
    %dma_wait3A_433 = arith.constant 0 : i32
    %dma_wait3A_434 = arith.constant 0 : i32
    %dma_wait3A_435 = tpu.memref_slice %arg11[%dma_wait3A_433, %dma_wait3A_434] : memref<100x128xf32, #tpu.memory_space<vmem>> -> memref<96x128xf32, #tpu.memory_space<vmem>>
    tpu.wait_dma2 semaphore(%arg15 : memref<!tpu.dma_semaphore, #tpu.memory_space<semaphore_mem>>) src(%dma_wait3A_435 : memref<96x128xf32, #tpu.memory_space<vmem>>) dst(%dma_wait3A_432 : memref<96x128xf32, #tpu.memory_space<hbm>>)
    %add3A_436 = arith.constant 192 : i32
    %add3A_437 = arith.addi %mul3A_20, %add3A_436 : i32
    "tpu.region"() ({
      %run_scoped3A = tpu.sem_alloc : memref<!tpu.dma_semaphore, #tpu.memory_space<semaphore_mem>>
      %dma_start3A_600 = arith.constant 0 : i32
      %dma_start3A_601 = arith.constant 0 : i32
      %dma_start3A_602 = tpu.memref_slice %arg11[%dma_start3A_600, %dma_start3A_601] : memref<100x128xf32, #tpu.memory_space<vmem>> -> memref<96x128xf32, #tpu.memory_space<vmem>>
      %dma_start3A_603 = arith.constant 0 : i32
      %dma_start3A_604 = tpu.memref_slice %arg14[%add3A_437, %dma_start3A_603] : memref<10000x128xf32, #tpu.memory_space<vmem_shared>> -> memref<96x128xf32, #tpu.memory_space<vmem_shared>>
      %dma_start3A_605 = arith.constant 0 : i32
      %dma_start3A_606 = arith.constant 0 : i32
      %dma_start3A_607 = tpu.memref_slice %arg11[%dma_start3A_605, %dma_start3A_606] : memref<100x128xf32, #tpu.memory_space<vmem>> -> memref<96x128xf32, #tpu.memory_space<vmem>>
      %dma_start3A_608 = arith.constant 0 : i32
      %dma_start3A_609 = tpu.memref_slice %arg14[%add3A_437, %dma_start3A_608] : memref<10000x128xf32, #tpu.memory_space<vmem_shared>> -> memref<96x128xf32, #tpu.memory_space<vmem_shared>>
      tpu.enqueue_dma source(%dma_start3A_609 : memref<96x128xf32, #tpu.memory_space<vmem_shared>>) target(%dma_start3A_607 : memref<96x128xf32, #tpu.memory_space<vmem>>) target_semaphore(%run_scoped3A : memref<!tpu.dma_semaphore, #tpu.memory_space<semaphore_mem>>)
      %dma_wait3A_610 = arith.constant 0 : i32
      %dma_wait3A_611 = arith.constant 0 : i32
      %dma_wait3A_612 = tpu.memref_slice %arg11[%dma_wait3A_610, %dma_wait3A_611] : memref<100x128xf32, #tpu.memory_space<vmem>> -> memref<96x128xf32, #tpu.memory_space<vmem>>
      %dma_wait3A_613 = arith.constant 0 : i32
      %dma_wait3A_614 = tpu.memref_slice %arg14[%add3A_437, %dma_wait3A_613] : memref<10000x128xf32, #tpu.memory_space<vmem_shared>> -> memref<96x128xf32, #tpu.memory_space<vmem_shared>>
      %dma_wait3A_615 = arith.constant 0 : i32
      %dma_wait3A_616 = arith.constant 0 : i32
      %dma_wait3A_617 = tpu.memref_slice %arg11[%dma_wait3A_615, %dma_wait3A_616] : memref<100x128xf32, #tpu.memory_space<vmem>> -> memref<96x128xf32, #tpu.memory_space<vmem>>
      %dma_wait3A_618 = arith.constant 0 : i32
      %dma_wait3A_619 = tpu.memref_slice %arg14[%add3A_437, %dma_wait3A_618] : memref<10000x128xf32, #tpu.memory_space<vmem_shared>> -> memref<96x128xf32, #tpu.memory_space<vmem_shared>>
      tpu.wait_dma2 semaphore(%run_scoped3A : memref<!tpu.dma_semaphore, #tpu.memory_space<semaphore_mem>>) src(%dma_wait3A_619 : memref<96x128xf32, #tpu.memory_space<vmem_shared>>) dst(%dma_wait3A_617 : memref<96x128xf32, #tpu.memory_space<vmem>>)
      tpu.yield
    }) : () -> ()
    %add3A_438 = arith.constant 192 : i32
    %add3A_439 = arith.addi %mul3A_20, %add3A_438 : i32
    %dma_start3A_440 = arith.constant 0 : i32
    %dma_start3A_441 = arith.constant 0 : i32
    %dma_start3A_442 = tpu.memref_slice %arg11[%dma_start3A_440, %dma_start3A_441] : memref<100x128xf32, #tpu.memory_space<vmem>> -> memref<96x128xf32, #tpu.memory_space<vmem>>
    %dma_start3A_443 = arith.constant 0 : i32
    %dma_start3A_444 = tpu.memref_slice %arg4[%arg0, %add3A_439, %dma_start3A_443] : memref<2x10000x128xf32, #tpu.memory_space<hbm>> -> memref<1x96x128xf32, #tpu.memory_space<hbm>>
    %dma_start3A_445 = tpu.memref_squeeze %dma_start3A_444 : memref<1x96x128xf32, #tpu.memory_space<hbm>> -> memref<96x128xf32, #tpu.memory_space<hbm>>
    %dma_start3A_446 = arith.constant 0 : i32
    %dma_start3A_447 = tpu.memref_slice %arg4[%arg0, %add3A_439, %dma_start3A_446] : memref<2x10000x128xf32, #tpu.memory_space<hbm>> -> memref<1x96x128xf32, #tpu.memory_space<hbm>>
    %dma_start3A_448 = tpu.memref_squeeze %dma_start3A_447 : memref<1x96x128xf32, #tpu.memory_space<hbm>> -> memref<96x128xf32, #tpu.memory_space<hbm>>
    %dma_start3A_449 = arith.constant 0 : i32
    %dma_start3A_450 = arith.constant 0 : i32
    %dma_start3A_451 = tpu.memref_slice %arg11[%dma_start3A_449, %dma_start3A_450] : memref<100x128xf32, #tpu.memory_space<vmem>> -> memref<96x128xf32, #tpu.memory_space<vmem>>
    tpu.enqueue_dma source(%dma_start3A_451 : memref<96x128xf32, #tpu.memory_space<vmem>>) target(%dma_start3A_448 : memref<96x128xf32, #tpu.memory_space<hbm>>) target_semaphore(%arg15 : memref<!tpu.dma_semaphore, #tpu.memory_space<semaphore_mem>>)
    %add3A_452 = arith.constant 96 : i32
    %add3A_453 = arith.addi %mul3A_20, %add3A_452 : i32
    %dma_wait3A_454 = arith.constant 0 : i32
    %dma_wait3A_455 = arith.constant 0 : i32
    %dma_wait3A_456 = tpu.memref_slice %arg12[%dma_wait3A_454, %dma_wait3A_455] : memref<100x128xf32, #tpu.memory_space<vmem>> -> memref<96x128xf32, #tpu.memory_space<vmem>>
    %dma_wait3A_457 = arith.constant 0 : i32
    %dma_wait3A_458 = tpu.memref_slice %arg4[%arg0, %add3A_453, %dma_wait3A_457] : memref<2x10000x128xf32, #tpu.memory_space<hbm>> -> memref<1x96x128xf32, #tpu.memory_space<hbm>>
    %dma_wait3A_459 = tpu.memref_squeeze %dma_wait3A_458 : memref<1x96x128xf32, #tpu.memory_space<hbm>> -> memref<96x128xf32, #tpu.memory_space<hbm>>
    %dma_wait3A_460 = arith.constant 0 : i32
    %dma_wait3A_461 = tpu.memref_slice %arg4[%arg0, %add3A_453, %dma_wait3A_460] : memref<2x10000x128xf32, #tpu.memory_space<hbm>> -> memref<1x96x128xf32, #tpu.memory_space<hbm>>
    %dma_wait3A_462 = tpu.memref_squeeze %dma_wait3A_461 : memref<1x96x128xf32, #tpu.memory_space<hbm>> -> memref<96x128xf32, #tpu.memory_space<hbm>>
    %dma_wait3A_463 = arith.constant 0 : i32
    %dma_wait3A_464 = arith.constant 0 : i32
    %dma_wait3A_465 = tpu.memref_slice %arg12[%dma_wait3A_463, %dma_wait3A_464] : memref<100x128xf32, #tpu.memory_space<vmem>> -> memref<96x128xf32, #tpu.memory_space<vmem>>
    tpu.wait_dma2 semaphore(%arg16 : memref<!tpu.dma_semaphore, #tpu.memory_space<semaphore_mem>>) src(%dma_wait3A_465 : memref<96x128xf32, #tpu.memory_space<vmem>>) dst(%dma_wait3A_462 : memref<96x128xf32, #tpu.memory_space<hbm>>)
    %add3A_466 = arith.constant 288 : i32
    %add3A_467 = arith.addi %mul3A_20, %add3A_466 : i32
    "tpu.region"() ({
      %run_scoped3A = tpu.sem_alloc : memref<!tpu.dma_semaphore, #tpu.memory_space<semaphore_mem>>
      %dma_start3A_600 = arith.constant 0 : i32
      %dma_start3A_601 = arith.constant 0 : i32
      %dma_start3A_602 = tpu.memref_slice %arg12[%dma_start3A_600, %dma_start3A_601] : memref<100x128xf32, #tpu.memory_space<vmem>> -> memref<96x128xf32, #tpu.memory_space<vmem>>
      %dma_start3A_603 = arith.constant 0 : i32
      %dma_start3A_604 = tpu.memref_slice %arg14[%add3A_467, %dma_start3A_603] : memref<10000x128xf32, #tpu.memory_space<vmem_shared>> -> memref<96x128xf32, #tpu.memory_space<vmem_shared>>
      %dma_start3A_605 = arith.constant 0 : i32
      %dma_start3A_606 = arith.constant 0 : i32
      %dma_start3A_607 = tpu.memref_slice %arg12[%dma_start3A_605, %dma_start3A_606] : memref<100x128xf32, #tpu.memory_space<vmem>> -> memref<96x128xf32, #tpu.memory_space<vmem>>
      %dma_start3A_608 = arith.constant 0 : i32
      %dma_start3A_609 = tpu.memref_slice %arg14[%add3A_467, %dma_start3A_608] : memref<10000x128xf32, #tpu.memory_space<vmem_shared>> -> memref<96x128xf32, #tpu.memory_space<vmem_shared>>
      tpu.enqueue_dma source(%dma_start3A_609 : memref<96x128xf32, #tpu.memory_space<vmem_shared>>) target(%dma_start3A_607 : memref<96x128xf32, #tpu.memory_space<vmem>>) target_semaphore(%run_scoped3A : memref<!tpu.dma_semaphore, #tpu.memory_space<semaphore_mem>>)
      %dma_wait3A_610 = arith.constant 0 : i32
      %dma_wait3A_611 = arith.constant 0 : i32
      %dma_wait3A_612 = tpu.memref_slice %arg12[%dma_wait3A_610, %dma_wait3A_611] : memref<100x128xf32, #tpu.memory_space<vmem>> -> memref<96x128xf32, #tpu.memory_space<vmem>>
      %dma_wait3A_613 = arith.constant 0 : i32
      %dma_wait3A_614 = tpu.memref_slice %arg14[%add3A_467, %dma_wait3A_613] : memref<10000x128xf32, #tpu.memory_space<vmem_shared>> -> memref<96x128xf32, #tpu.memory_space<vmem_shared>>
      %dma_wait3A_615 = arith.constant 0 : i32
      %dma_wait3A_616 = arith.constant 0 : i32
      %dma_wait3A_617 = tpu.memref_slice %arg12[%dma_wait3A_615, %dma_wait3A_616] : memref<100x128xf32, #tpu.memory_space<vmem>> -> memref<96x128xf32, #tpu.memory_space<vmem>>
      %dma_wait3A_618 = arith.constant 0 : i32
      %dma_wait3A_619 = tpu.memref_slice %arg14[%add3A_467, %dma_wait3A_618] : memref<10000x128xf32, #tpu.memory_space<vmem_shared>> -> memref<96x128xf32, #tpu.memory_space<vmem_shared>>
      tpu.wait_dma2 semaphore(%run_scoped3A : memref<!tpu.dma_semaphore, #tpu.memory_space<semaphore_mem>>) src(%dma_wait3A_619 : memref<96x128xf32, #tpu.memory_space<vmem_shared>>) dst(%dma_wait3A_617 : memref<96x128xf32, #tpu.memory_space<vmem>>)
      tpu.yield
    }) : () -> ()
    %add3A_468 = arith.constant 288 : i32
    %add3A_469 = arith.addi %mul3A_20, %add3A_468 : i32
    %dma_start3A_470 = arith.constant 0 : i32
    %dma_start3A_471 = arith.constant 0 : i32
    %dma_start3A_472 = tpu.memref_slice %arg12[%dma_start3A_470, %dma_start3A_471] : memref<100x128xf32, #tpu.memory_space<vmem>> -> memref<96x128xf32, #tpu.memory_space<vmem>>
    %dma_start3A_473 = arith.constant 0 : i32
    %dma_start3A_474 = tpu.memref_slice %arg4[%arg0, %add3A_469, %dma_start3A_473] : memref<2x10000x128xf32, #tpu.memory_space<hbm>> -> memref<1x96x128xf32, #tpu.memory_space<hbm>>
    %dma_start3A_475 = tpu.memref_squeeze %dma_start3A_474 : memref<1x96x128xf32, #tpu.memory_space<hbm>> -> memref<96x128xf32, #tpu.memory_space<hbm>>
    %dma_start3A_476 = arith.constant 0 : i32
    %dma_start3A_477 = tpu.memref_slice %arg4[%arg0, %add3A_469, %dma_start3A_476] : memref<2x10000x128xf32, #tpu.memory_space<hbm>> -> memref<1x96x128xf32, #tpu.memory_space<hbm>>
    %dma_start3A_478 = tpu.memref_squeeze %dma_start3A_477 : memref<1x96x128xf32, #tpu.memory_space<hbm>> -> memref<96x128xf32, #tpu.memory_space<hbm>>
    %dma_start3A_479 = arith.constant 0 : i32
    %dma_start3A_480 = arith.constant 0 : i32
    %dma_start3A_481 = tpu.memref_slice %arg12[%dma_start3A_479, %dma_start3A_480] : memref<100x128xf32, #tpu.memory_space<vmem>> -> memref<96x128xf32, #tpu.memory_space<vmem>>
    tpu.enqueue_dma source(%dma_start3A_481 : memref<96x128xf32, #tpu.memory_space<vmem>>) target(%dma_start3A_478 : memref<96x128xf32, #tpu.memory_space<hbm>>) target_semaphore(%arg16 : memref<!tpu.dma_semaphore, #tpu.memory_space<semaphore_mem>>)
    %add3A_482 = arith.constant 192 : i32
    %add3A_483 = arith.addi %mul3A_20, %add3A_482 : i32
    %dma_wait3A_484 = arith.constant 0 : i32
    %dma_wait3A_485 = arith.constant 0 : i32
    %dma_wait3A_486 = tpu.memref_slice %arg11[%dma_wait3A_484, %dma_wait3A_485] : memref<100x128xf32, #tpu.memory_space<vmem>> -> memref<96x128xf32, #tpu.memory_space<vmem>>
    %dma_wait3A_487 = arith.constant 0 : i32
    %dma_wait3A_488 = tpu.memref_slice %arg4[%arg0, %add3A_483, %dma_wait3A_487] : memref<2x10000x128xf32, #tpu.memory_space<hbm>> -> memref<1x96x128xf32, #tpu.memory_space<hbm>>
    %dma_wait3A_489 = tpu.memref_squeeze %dma_wait3A_488 : memref<1x96x128xf32, #tpu.memory_space<hbm>> -> memref<96x128xf32, #tpu.memory_space<hbm>>
    %dma_wait3A_490 = arith.constant 0 : i32
    %dma_wait3A_491 = tpu.memref_slice %arg4[%arg0, %add3A_483, %dma_wait3A_490] : memref<2x10000x128xf32, #tpu.memory_space<hbm>> -> memref<1x96x128xf32, #tpu.memory_space<hbm>>
    %dma_wait3A_492 = tpu.memref_squeeze %dma_wait3A_491 : memref<1x96x128xf32, #tpu.memory_space<hbm>> -> memref<96x128xf32, #tpu.memory_space<hbm>>
    %dma_wait3A_493 = arith.constant 0 : i32
    %dma_wait3A_494 = arith.constant 0 : i32
    %dma_wait3A_495 = tpu.memref_slice %arg11[%dma_wait3A_493, %dma_wait3A_494] : memref<100x128xf32, #tpu.memory_space<vmem>> -> memref<96x128xf32, #tpu.memory_space<vmem>>
    tpu.wait_dma2 semaphore(%arg15 : memref<!tpu.dma_semaphore, #tpu.memory_space<semaphore_mem>>) src(%dma_wait3A_495 : memref<96x128xf32, #tpu.memory_space<vmem>>) dst(%dma_wait3A_492 : memref<96x128xf32, #tpu.memory_space<hbm>>)
    %add3A_496 = arith.constant 384 : i32
    %add3A_497 = arith.addi %mul3A_20, %add3A_496 : i32
    "tpu.region"() ({
      %run_scoped3A = tpu.sem_alloc : memref<!tpu.dma_semaphore, #tpu.memory_space<semaphore_mem>>
      %dma_start3A_600 = arith.constant 0 : i32
      %dma_start3A_601 = arith.constant 0 : i32
      %dma_start3A_602 = tpu.memref_slice %arg11[%dma_start3A_600, %dma_start3A_601] : memref<100x128xf32, #tpu.memory_space<vmem>> -> memref<96x128xf32, #tpu.memory_space<vmem>>
      %dma_start3A_603 = arith.constant 0 : i32
      %dma_start3A_604 = tpu.memref_slice %arg14[%add3A_497, %dma_start3A_603] : memref<10000x128xf32, #tpu.memory_space<vmem_shared>> -> memref<96x128xf32, #tpu.memory_space<vmem_shared>>
      %dma_start3A_605 = arith.constant 0 : i32
      %dma_start3A_606 = arith.constant 0 : i32
      %dma_start3A_607 = tpu.memref_slice %arg11[%dma_start3A_605, %dma_start3A_606] : memref<100x128xf32, #tpu.memory_space<vmem>> -> memref<96x128xf32, #tpu.memory_space<vmem>>
      %dma_start3A_608 = arith.constant 0 : i32
      %dma_start3A_609 = tpu.memref_slice %arg14[%add3A_497, %dma_start3A_608] : memref<10000x128xf32, #tpu.memory_space<vmem_shared>> -> memref<96x128xf32, #tpu.memory_space<vmem_shared>>
      tpu.enqueue_dma source(%dma_start3A_609 : memref<96x128xf32, #tpu.memory_space<vmem_shared>>) target(%dma_start3A_607 : memref<96x128xf32, #tpu.memory_space<vmem>>) target_semaphore(%run_scoped3A : memref<!tpu.dma_semaphore, #tpu.memory_space<semaphore_mem>>)
      %dma_wait3A_610 = arith.constant 0 : i32
      %dma_wait3A_611 = arith.constant 0 : i32
      %dma_wait3A_612 = tpu.memref_slice %arg11[%dma_wait3A_610, %dma_wait3A_611] : memref<100x128xf32, #tpu.memory_space<vmem>> -> memref<96x128xf32, #tpu.memory_space<vmem>>
      %dma_wait3A_613 = arith.constant 0 : i32
      %dma_wait3A_614 = tpu.memref_slice %arg14[%add3A_497, %dma_wait3A_613] : memref<10000x128xf32, #tpu.memory_space<vmem_shared>> -> memref<96x128xf32, #tpu.memory_space<vmem_shared>>
      %dma_wait3A_615 = arith.constant 0 : i32
      %dma_wait3A_616 = arith.constant 0 : i32
      %dma_wait3A_617 = tpu.memref_slice %arg11[%dma_wait3A_615, %dma_wait3A_616] : memref<100x128xf32, #tpu.memory_space<vmem>> -> memref<96x128xf32, #tpu.memory_space<vmem>>
      %dma_wait3A_618 = arith.constant 0 : i32
      %dma_wait3A_619 = tpu.memref_slice %arg14[%add3A_497, %dma_wait3A_618] : memref<10000x128xf32, #tpu.memory_space<vmem_shared>> -> memref<96x128xf32, #tpu.memory_space<vmem_shared>>
      tpu.wait_dma2 semaphore(%run_scoped3A : memref<!tpu.dma_semaphore, #tpu.memory_space<semaphore_mem>>) src(%dma_wait3A_619 : memref<96x128xf32, #tpu.memory_space<vmem_shared>>) dst(%dma_wait3A_617 : memref<96x128xf32, #tpu.memory_space<vmem>>)
      tpu.yield
    }) : () -> ()
    %add3A_498 = arith.constant 384 : i32
    %add3A_499 = arith.addi %mul3A_20, %add3A_498 : i32
    %dma_start3A_500 = arith.constant 0 : i32
    %dma_start3A_501 = arith.constant 0 : i32
    %dma_start3A_502 = tpu.memref_slice %arg11[%dma_start3A_500, %dma_start3A_501] : memref<100x128xf32, #tpu.memory_space<vmem>> -> memref<96x128xf32, #tpu.memory_space<vmem>>
    %dma_start3A_503 = arith.constant 0 : i32
    %dma_start3A_504 = tpu.memref_slice %arg4[%arg0, %add3A_499, %dma_start3A_503] : memref<2x10000x128xf32, #tpu.memory_space<hbm>> -> memref<1x96x128xf32, #tpu.memory_space<hbm>>
    %dma_start3A_505 = tpu.memref_squeeze %dma_start3A_504 : memref<1x96x128xf32, #tpu.memory_space<hbm>> -> memref<96x128xf32, #tpu.memory_space<hbm>>
    %dma_start3A_506 = arith.constant 0 : i32
    %dma_start3A_507 = tpu.memref_slice %arg4[%arg0, %add3A_499, %dma_start3A_506] : memref<2x10000x128xf32, #tpu.memory_space<hbm>> -> memref<1x96x128xf32, #tpu.memory_space<hbm>>
    %dma_start3A_508 = tpu.memref_squeeze %dma_start3A_507 : memref<1x96x128xf32, #tpu.memory_space<hbm>> -> memref<96x128xf32, #tpu.memory_space<hbm>>
    %dma_start3A_509 = arith.constant 0 : i32
    %dma_start3A_510 = arith.constant 0 : i32
    %dma_start3A_511 = tpu.memref_slice %arg11[%dma_start3A_509, %dma_start3A_510] : memref<100x128xf32, #tpu.memory_space<vmem>> -> memref<96x128xf32, #tpu.memory_space<vmem>>
    tpu.enqueue_dma source(%dma_start3A_511 : memref<96x128xf32, #tpu.memory_space<vmem>>) target(%dma_start3A_508 : memref<96x128xf32, #tpu.memory_space<hbm>>) target_semaphore(%arg15 : memref<!tpu.dma_semaphore, #tpu.memory_space<semaphore_mem>>)
    %add3A_512 = arith.constant 288 : i32
    %add3A_513 = arith.addi %mul3A_20, %add3A_512 : i32
    %dma_wait3A_514 = arith.constant 0 : i32
    %dma_wait3A_515 = arith.constant 0 : i32
    %dma_wait3A_516 = tpu.memref_slice %arg12[%dma_wait3A_514, %dma_wait3A_515] : memref<100x128xf32, #tpu.memory_space<vmem>> -> memref<96x128xf32, #tpu.memory_space<vmem>>
    %dma_wait3A_517 = arith.constant 0 : i32
    %dma_wait3A_518 = tpu.memref_slice %arg4[%arg0, %add3A_513, %dma_wait3A_517] : memref<2x10000x128xf32, #tpu.memory_space<hbm>> -> memref<1x96x128xf32, #tpu.memory_space<hbm>>
    %dma_wait3A_519 = tpu.memref_squeeze %dma_wait3A_518 : memref<1x96x128xf32, #tpu.memory_space<hbm>> -> memref<96x128xf32, #tpu.memory_space<hbm>>
    %dma_wait3A_520 = arith.constant 0 : i32
    %dma_wait3A_521 = tpu.memref_slice %arg4[%arg0, %add3A_513, %dma_wait3A_520] : memref<2x10000x128xf32, #tpu.memory_space<hbm>> -> memref<1x96x128xf32, #tpu.memory_space<hbm>>
    %dma_wait3A_522 = tpu.memref_squeeze %dma_wait3A_521 : memref<1x96x128xf32, #tpu.memory_space<hbm>> -> memref<96x128xf32, #tpu.memory_space<hbm>>
    %dma_wait3A_523 = arith.constant 0 : i32
    %dma_wait3A_524 = arith.constant 0 : i32
    %dma_wait3A_525 = tpu.memref_slice %arg12[%dma_wait3A_523, %dma_wait3A_524] : memref<100x128xf32, #tpu.memory_space<vmem>> -> memref<96x128xf32, #tpu.memory_space<vmem>>
    tpu.wait_dma2 semaphore(%arg16 : memref<!tpu.dma_semaphore, #tpu.memory_space<semaphore_mem>>) src(%dma_wait3A_525 : memref<96x128xf32, #tpu.memory_space<vmem>>) dst(%dma_wait3A_522 : memref<96x128xf32, #tpu.memory_space<hbm>>)
    %add3A_526 = arith.constant 480 : i32
    %add3A_527 = arith.addi %mul3A_20, %add3A_526 : i32
    "tpu.region"() ({
      %run_scoped3A = tpu.sem_alloc : memref<!tpu.dma_semaphore, #tpu.memory_space<semaphore_mem>>
      %dma_start3A_600 = arith.constant 0 : i32
      %dma_start3A_601 = arith.constant 0 : i32
      %dma_start3A_602 = tpu.memref_slice %arg12[%dma_start3A_600, %dma_start3A_601] : memref<100x128xf32, #tpu.memory_space<vmem>> -> memref<96x128xf32, #tpu.memory_space<vmem>>
      %dma_start3A_603 = arith.constant 0 : i32
      %dma_start3A_604 = tpu.memref_slice %arg14[%add3A_527, %dma_start3A_603] : memref<10000x128xf32, #tpu.memory_space<vmem_shared>> -> memref<96x128xf32, #tpu.memory_space<vmem_shared>>
      %dma_start3A_605 = arith.constant 0 : i32
      %dma_start3A_606 = arith.constant 0 : i32
      %dma_start3A_607 = tpu.memref_slice %arg12[%dma_start3A_605, %dma_start3A_606] : memref<100x128xf32, #tpu.memory_space<vmem>> -> memref<96x128xf32, #tpu.memory_space<vmem>>
      %dma_start3A_608 = arith.constant 0 : i32
      %dma_start3A_609 = tpu.memref_slice %arg14[%add3A_527, %dma_start3A_608] : memref<10000x128xf32, #tpu.memory_space<vmem_shared>> -> memref<96x128xf32, #tpu.memory_space<vmem_shared>>
      tpu.enqueue_dma source(%dma_start3A_609 : memref<96x128xf32, #tpu.memory_space<vmem_shared>>) target(%dma_start3A_607 : memref<96x128xf32, #tpu.memory_space<vmem>>) target_semaphore(%run_scoped3A : memref<!tpu.dma_semaphore, #tpu.memory_space<semaphore_mem>>)
      %dma_wait3A_610 = arith.constant 0 : i32
      %dma_wait3A_611 = arith.constant 0 : i32
      %dma_wait3A_612 = tpu.memref_slice %arg12[%dma_wait3A_610, %dma_wait3A_611] : memref<100x128xf32, #tpu.memory_space<vmem>> -> memref<96x128xf32, #tpu.memory_space<vmem>>
      %dma_wait3A_613 = arith.constant 0 : i32
      %dma_wait3A_614 = tpu.memref_slice %arg14[%add3A_527, %dma_wait3A_613] : memref<10000x128xf32, #tpu.memory_space<vmem_shared>> -> memref<96x128xf32, #tpu.memory_space<vmem_shared>>
      %dma_wait3A_615 = arith.constant 0 : i32
      %dma_wait3A_616 = arith.constant 0 : i32
      %dma_wait3A_617 = tpu.memref_slice %arg12[%dma_wait3A_615, %dma_wait3A_616] : memref<100x128xf32, #tpu.memory_space<vmem>> -> memref<96x128xf32, #tpu.memory_space<vmem>>
      %dma_wait3A_618 = arith.constant 0 : i32
      %dma_wait3A_619 = tpu.memref_slice %arg14[%add3A_527, %dma_wait3A_618] : memref<10000x128xf32, #tpu.memory_space<vmem_shared>> -> memref<96x128xf32, #tpu.memory_space<vmem_shared>>
      tpu.wait_dma2 semaphore(%run_scoped3A : memref<!tpu.dma_semaphore, #tpu.memory_space<semaphore_mem>>) src(%dma_wait3A_619 : memref<96x128xf32, #tpu.memory_space<vmem_shared>>) dst(%dma_wait3A_617 : memref<96x128xf32, #tpu.memory_space<vmem>>)
      tpu.yield
    }) : () -> ()
    %add3A_528 = arith.constant 480 : i32
    %add3A_529 = arith.addi %mul3A_20, %add3A_528 : i32
    %dma_start3A_530 = arith.constant 0 : i32
    %dma_start3A_531 = arith.constant 0 : i32
    %dma_start3A_532 = tpu.memref_slice %arg12[%dma_start3A_530, %dma_start3A_531] : memref<100x128xf32, #tpu.memory_space<vmem>> -> memref<96x128xf32, #tpu.memory_space<vmem>>
    %dma_start3A_533 = arith.constant 0 : i32
    %dma_start3A_534 = tpu.memref_slice %arg4[%arg0, %add3A_529, %dma_start3A_533] : memref<2x10000x128xf32, #tpu.memory_space<hbm>> -> memref<1x96x128xf32, #tpu.memory_space<hbm>>
    %dma_start3A_535 = tpu.memref_squeeze %dma_start3A_534 : memref<1x96x128xf32, #tpu.memory_space<hbm>> -> memref<96x128xf32, #tpu.memory_space<hbm>>
    %dma_start3A_536 = arith.constant 0 : i32
    %dma_start3A_537 = tpu.memref_slice %arg4[%arg0, %add3A_529, %dma_start3A_536] : memref<2x10000x128xf32, #tpu.memory_space<hbm>> -> memref<1x96x128xf32, #tpu.memory_space<hbm>>
    %dma_start3A_538 = tpu.memref_squeeze %dma_start3A_537 : memref<1x96x128xf32, #tpu.memory_space<hbm>> -> memref<96x128xf32, #tpu.memory_space<hbm>>
    %dma_start3A_539 = arith.constant 0 : i32
    %dma_start3A_540 = arith.constant 0 : i32
    %dma_start3A_541 = tpu.memref_slice %arg12[%dma_start3A_539, %dma_start3A_540] : memref<100x128xf32, #tpu.memory_space<vmem>> -> memref<96x128xf32, #tpu.memory_space<vmem>>
    tpu.enqueue_dma source(%dma_start3A_541 : memref<96x128xf32, #tpu.memory_space<vmem>>) target(%dma_start3A_538 : memref<96x128xf32, #tpu.memory_space<hbm>>) target_semaphore(%arg16 : memref<!tpu.dma_semaphore, #tpu.memory_space<semaphore_mem>>)
    %add3A_542 = arith.constant 384 : i32
    %add3A_543 = arith.addi %mul3A_20, %add3A_542 : i32
    %dma_wait3A_544 = arith.constant 0 : i32
    %dma_wait3A_545 = arith.constant 0 : i32
    %dma_wait3A_546 = tpu.memref_slice %arg11[%dma_wait3A_544, %dma_wait3A_545] : memref<100x128xf32, #tpu.memory_space<vmem>> -> memref<96x128xf32, #tpu.memory_space<vmem>>
    %dma_wait3A_547 = arith.constant 0 : i32
    %dma_wait3A_548 = tpu.memref_slice %arg4[%arg0, %add3A_543, %dma_wait3A_547] : memref<2x10000x128xf32, #tpu.memory_space<hbm>> -> memref<1x96x128xf32, #tpu.memory_space<hbm>>
    %dma_wait3A_549 = tpu.memref_squeeze %dma_wait3A_548 : memref<1x96x128xf32, #tpu.memory_space<hbm>> -> memref<96x128xf32, #tpu.memory_space<hbm>>
    %dma_wait3A_550 = arith.constant 0 : i32
    %dma_wait3A_551 = tpu.memref_slice %arg4[%arg0, %add3A_543, %dma_wait3A_550] : memref<2x10000x128xf32, #tpu.memory_space<hbm>> -> memref<1x96x128xf32, #tpu.memory_space<hbm>>
    %dma_wait3A_552 = tpu.memref_squeeze %dma_wait3A_551 : memref<1x96x128xf32, #tpu.memory_space<hbm>> -> memref<96x128xf32, #tpu.memory_space<hbm>>
    %dma_wait3A_553 = arith.constant 0 : i32
    %dma_wait3A_554 = arith.constant 0 : i32
    %dma_wait3A_555 = tpu.memref_slice %arg11[%dma_wait3A_553, %dma_wait3A_554] : memref<100x128xf32, #tpu.memory_space<vmem>> -> memref<96x128xf32, #tpu.memory_space<vmem>>
    tpu.wait_dma2 semaphore(%arg15 : memref<!tpu.dma_semaphore, #tpu.memory_space<semaphore_mem>>) src(%dma_wait3A_555 : memref<96x128xf32, #tpu.memory_space<vmem>>) dst(%dma_wait3A_552 : memref<96x128xf32, #tpu.memory_space<hbm>>)
    %add3A_556 = arith.constant 576 : i32
    %add3A_557 = arith.addi %mul3A_20, %add3A_556 : i32
    "tpu.region"() ({
      %run_scoped3A = tpu.sem_alloc : memref<!tpu.dma_semaphore, #tpu.memory_space<semaphore_mem>>
      %dma_start3A_600 = arith.constant 0 : i32
      %dma_start3A_601 = arith.constant 0 : i32
      %dma_start3A_602 = tpu.memref_slice %arg11[%dma_start3A_600, %dma_start3A_601] : memref<100x128xf32, #tpu.memory_space<vmem>> -> memref<56x128xf32, #tpu.memory_space<vmem>>
      %dma_start3A_603 = arith.constant 0 : i32
      %dma_start3A_604 = tpu.memref_slice %arg14[%add3A_557, %dma_start3A_603] : memref<10000x128xf32, #tpu.memory_space<vmem_shared>> -> memref<56x128xf32, #tpu.memory_space<vmem_shared>>
      %dma_start3A_605 = arith.constant 0 : i32
      %dma_start3A_606 = arith.constant 0 : i32
      %dma_start3A_607 = tpu.memref_slice %arg11[%dma_start3A_605, %dma_start3A_606] : memref<100x128xf32, #tpu.memory_space<vmem>> -> memref<56x128xf32, #tpu.memory_space<vmem>>
      %dma_start3A_608 = arith.constant 0 : i32
      %dma_start3A_609 = tpu.memref_slice %arg14[%add3A_557, %dma_start3A_608] : memref<10000x128xf32, #tpu.memory_space<vmem_shared>> -> memref<56x128xf32, #tpu.memory_space<vmem_shared>>
      tpu.enqueue_dma source(%dma_start3A_609 : memref<56x128xf32, #tpu.memory_space<vmem_shared>>) target(%dma_start3A_607 : memref<56x128xf32, #tpu.memory_space<vmem>>) target_semaphore(%run_scoped3A : memref<!tpu.dma_semaphore, #tpu.memory_space<semaphore_mem>>)
      %dma_wait3A_610 = arith.constant 0 : i32
      %dma_wait3A_611 = arith.constant 0 : i32
      %dma_wait3A_612 = tpu.memref_slice %arg11[%dma_wait3A_610, %dma_wait3A_611] : memref<100x128xf32, #tpu.memory_space<vmem>> -> memref<56x128xf32, #tpu.memory_space<vmem>>
      %dma_wait3A_613 = arith.constant 0 : i32
      %dma_wait3A_614 = tpu.memref_slice %arg14[%add3A_557, %dma_wait3A_613] : memref<10000x128xf32, #tpu.memory_space<vmem_shared>> -> memref<56x128xf32, #tpu.memory_space<vmem_shared>>
      %dma_wait3A_615 = arith.constant 0 : i32
      %dma_wait3A_616 = arith.constant 0 : i32
      %dma_wait3A_617 = tpu.memref_slice %arg11[%dma_wait3A_615, %dma_wait3A_616] : memref<100x128xf32, #tpu.memory_space<vmem>> -> memref<56x128xf32, #tpu.memory_space<vmem>>
      %dma_wait3A_618 = arith.constant 0 : i32
      %dma_wait3A_619 = tpu.memref_slice %arg14[%add3A_557, %dma_wait3A_618] : memref<10000x128xf32, #tpu.memory_space<vmem_shared>> -> memref<56x128xf32, #tpu.memory_space<vmem_shared>>
      tpu.wait_dma2 semaphore(%run_scoped3A : memref<!tpu.dma_semaphore, #tpu.memory_space<semaphore_mem>>) src(%dma_wait3A_619 : memref<56x128xf32, #tpu.memory_space<vmem_shared>>) dst(%dma_wait3A_617 : memref<56x128xf32, #tpu.memory_space<vmem>>)
      tpu.yield
    }) : () -> ()
    %add3A_558 = arith.constant 576 : i32
    %add3A_559 = arith.addi %mul3A_20, %add3A_558 : i32
    %dma_start3A_560 = arith.constant 0 : i32
    %dma_start3A_561 = arith.constant 0 : i32
    %dma_start3A_562 = tpu.memref_slice %arg11[%dma_start3A_560, %dma_start3A_561] : memref<100x128xf32, #tpu.memory_space<vmem>> -> memref<56x128xf32, #tpu.memory_space<vmem>>
    %dma_start3A_563 = arith.constant 0 : i32
    %dma_start3A_564 = tpu.memref_slice %arg4[%arg0, %add3A_559, %dma_start3A_563] : memref<2x10000x128xf32, #tpu.memory_space<hbm>> -> memref<1x56x128xf32, #tpu.memory_space<hbm>>
    %dma_start3A_565 = tpu.memref_squeeze %dma_start3A_564 : memref<1x56x128xf32, #tpu.memory_space<hbm>> -> memref<56x128xf32, #tpu.memory_space<hbm>>
    %dma_start3A_566 = arith.constant 0 : i32
    %dma_start3A_567 = tpu.memref_slice %arg4[%arg0, %add3A_559, %dma_start3A_566] : memref<2x10000x128xf32, #tpu.memory_space<hbm>> -> memref<1x56x128xf32, #tpu.memory_space<hbm>>
    %dma_start3A_568 = tpu.memref_squeeze %dma_start3A_567 : memref<1x56x128xf32, #tpu.memory_space<hbm>> -> memref<56x128xf32, #tpu.memory_space<hbm>>
    %dma_start3A_569 = arith.constant 0 : i32
    %dma_start3A_570 = arith.constant 0 : i32
    %dma_start3A_571 = tpu.memref_slice %arg11[%dma_start3A_569, %dma_start3A_570] : memref<100x128xf32, #tpu.memory_space<vmem>> -> memref<56x128xf32, #tpu.memory_space<vmem>>
    tpu.enqueue_dma source(%dma_start3A_571 : memref<56x128xf32, #tpu.memory_space<vmem>>) target(%dma_start3A_568 : memref<56x128xf32, #tpu.memory_space<hbm>>) target_semaphore(%arg15 : memref<!tpu.dma_semaphore, #tpu.memory_space<semaphore_mem>>)
    %add3A_572 = arith.constant 480 : i32
    %add3A_573 = arith.addi %mul3A_20, %add3A_572 : i32
    %dma_wait3A_574 = arith.constant 0 : i32
    %dma_wait3A_575 = arith.constant 0 : i32
    %dma_wait3A_576 = tpu.memref_slice %arg12[%dma_wait3A_574, %dma_wait3A_575] : memref<100x128xf32, #tpu.memory_space<vmem>> -> memref<96x128xf32, #tpu.memory_space<vmem>>
    %dma_wait3A_577 = arith.constant 0 : i32
    %dma_wait3A_578 = tpu.memref_slice %arg4[%arg0, %add3A_573, %dma_wait3A_577] : memref<2x10000x128xf32, #tpu.memory_space<hbm>> -> memref<1x96x128xf32, #tpu.memory_space<hbm>>
    %dma_wait3A_579 = tpu.memref_squeeze %dma_wait3A_578 : memref<1x96x128xf32, #tpu.memory_space<hbm>> -> memref<96x128xf32, #tpu.memory_space<hbm>>
    %dma_wait3A_580 = arith.constant 0 : i32
    %dma_wait3A_581 = tpu.memref_slice %arg4[%arg0, %add3A_573, %dma_wait3A_580] : memref<2x10000x128xf32, #tpu.memory_space<hbm>> -> memref<1x96x128xf32, #tpu.memory_space<hbm>>
    %dma_wait3A_582 = tpu.memref_squeeze %dma_wait3A_581 : memref<1x96x128xf32, #tpu.memory_space<hbm>> -> memref<96x128xf32, #tpu.memory_space<hbm>>
    %dma_wait3A_583 = arith.constant 0 : i32
    %dma_wait3A_584 = arith.constant 0 : i32
    %dma_wait3A_585 = tpu.memref_slice %arg12[%dma_wait3A_583, %dma_wait3A_584] : memref<100x128xf32, #tpu.memory_space<vmem>> -> memref<96x128xf32, #tpu.memory_space<vmem>>
    tpu.wait_dma2 semaphore(%arg16 : memref<!tpu.dma_semaphore, #tpu.memory_space<semaphore_mem>>) src(%dma_wait3A_585 : memref<96x128xf32, #tpu.memory_space<vmem>>) dst(%dma_wait3A_582 : memref<96x128xf32, #tpu.memory_space<hbm>>)
    %add3A_586 = arith.constant 576 : i32
    %add3A_587 = arith.addi %mul3A_20, %add3A_586 : i32
    %dma_wait3A_588 = arith.constant 0 : i32
    %dma_wait3A_589 = arith.constant 0 : i32
    %dma_wait3A_590 = tpu.memref_slice %arg11[%dma_wait3A_588, %dma_wait3A_589] : memref<100x128xf32, #tpu.memory_space<vmem>> -> memref<56x128xf32, #tpu.memory_space<vmem>>
    %dma_wait3A_591 = arith.constant 0 : i32
    %dma_wait3A_592 = tpu.memref_slice %arg4[%arg0, %add3A_587, %dma_wait3A_591] : memref<2x10000x128xf32, #tpu.memory_space<hbm>> -> memref<1x56x128xf32, #tpu.memory_space<hbm>>
    %dma_wait3A_593 = tpu.memref_squeeze %dma_wait3A_592 : memref<1x56x128xf32, #tpu.memory_space<hbm>> -> memref<56x128xf32, #tpu.memory_space<hbm>>
    %dma_wait3A_594 = arith.constant 0 : i32
    %dma_wait3A_595 = tpu.memref_slice %arg4[%arg0, %add3A_587, %dma_wait3A_594] : memref<2x10000x128xf32, #tpu.memory_space<hbm>> -> memref<1x56x128xf32, #tpu.memory_space<hbm>>
    %dma_wait3A_596 = tpu.memref_squeeze %dma_wait3A_595 : memref<1x56x128xf32, #tpu.memory_space<hbm>> -> memref<56x128xf32, #tpu.memory_space<hbm>>
    %dma_wait3A_597 = arith.constant 0 : i32
    %dma_wait3A_598 = arith.constant 0 : i32
    %dma_wait3A_599 = tpu.memref_slice %arg11[%dma_wait3A_597, %dma_wait3A_598] : memref<100x128xf32, #tpu.memory_space<vmem>> -> memref<56x128xf32, #tpu.memory_space<vmem>>
    tpu.wait_dma2 semaphore(%arg15 : memref<!tpu.dma_semaphore, #tpu.memory_space<semaphore_mem>>) src(%dma_wait3A_599 : memref<56x128xf32, #tpu.memory_space<vmem>>) dst(%dma_wait3A_596 : memref<56x128xf32, #tpu.memory_space<hbm>>)
    return
  }
}

#map = affine_map<(d0, d1) -> (0, 0)>
#map1 = affine_map<(d0, d1) -> (0, 0, 0, 0)>
#map2 = affine_map<(d0, d1) -> (0, 0, 0)>
module attributes {stable_mosaic.version = 14 : i64} {
  func.func @_prop_body(%arg0: i32, %arg1: i32, %arg2: memref<10000x128xf32, #tpu.memory_space<hbm>>, %arg3: memref<32x100x2x100xi32, #tpu.memory_space<hbm>>, %arg4: memref<2x10000x128xf32, #tpu.memory_space<hbm>>, %arg5: memref<2x100xi32, #tpu.memory_space<vmem>>, %arg6: memref<2x100xi32, #tpu.memory_space<vmem>>, %arg7: memref<2x100xi32, #tpu.memory_space<vmem>>, %arg8: memref<2x100xi32, #tpu.memory_space<vmem>>, %arg9: memref<2x100xi32, #tpu.memory_space<vmem>>, %arg10: memref<2x100xi32, #tpu.memory_space<vmem>>, %arg11: memref<100x128xf32, #tpu.memory_space<vmem>>, %arg12: memref<100x128xf32, #tpu.memory_space<vmem>>, %arg13: memref<100x128xf32, #tpu.memory_space<vmem>>, %arg14: memref<10000x128xf32, #tpu.memory_space<vmem_shared>>, %arg15: memref<!tpu.dma_semaphore, #tpu.memory_space<semaphore_mem>>, %arg16: memref<!tpu.dma_semaphore, #tpu.memory_space<semaphore_mem>>, %arg17: memref<!tpu.dma_semaphore, #tpu.memory_space<semaphore_mem>>, %arg18: memref<!tpu.dma_semaphore, #tpu.memory_space<semaphore_mem>>, %arg19: memref<!tpu.dma_semaphore, #tpu.memory_space<semaphore_mem>>, %arg20: memref<!tpu.dma_semaphore, #tpu.memory_space<semaphore_mem>>, %arg21: memref<!tpu.dma_semaphore, #tpu.memory_space<semaphore_mem>>, %arg22: memref<!tpu.dma_semaphore, #tpu.memory_space<semaphore_mem>>, %arg23: memref<!tpu.dma_semaphore, #tpu.memory_space<semaphore_mem>>, %arg24: memref<!tpu.dma_semaphore, #tpu.memory_space<semaphore_mem>>, %arg25: memref<!tpu.dma_semaphore, #tpu.memory_space<semaphore_mem>>, %arg26: memref<!tpu.dma_semaphore, #tpu.memory_space<semaphore_mem>>) attributes {dimension_semantics = [#tpu.dimension_semantics<core_parallel>, #tpu.dimension_semantics<subcore_parallel>], iteration_bounds = array<i64: 2, 16>, scalar_prefetch = 0 : i64, scratch_operands = 22 : i64, tpu.core_type = #tpu.core_type<sc_vector_subcore>, window_params = [{transform_indices = #map}, {transform_indices = #map1}, {transform_indices = #map2}]} {
    %mul3A = arith.constant 16 : i32
    %mul3A_0 = arith.muli %arg0, %mul3A : i32
    %add3A = arith.addi %mul3A_0, %arg1 : i32
    %mul3A_1 = arith.constant 625 : i32
    %mul3A_2 = arith.muli %arg1, %mul3A_1 : i32
    %jit3A = arith.constant 8 : i32
    %div3A = arith.divsi %mul3A_2, %jit3A : i32
    %sign3A = arith.constant 0 : i32
    %sign3A_3 = arith.cmpi sgt, %mul3A_2, %sign3A : i32
    %sign3A_4 = arith.extui %sign3A_3 : i1 to i32
    %sign3A_5 = arith.constant 0 : i32
    %sign3A_6 = arith.cmpi slt, %mul3A_2, %sign3A_5 : i32
    %sign3A_7 = arith.extui %sign3A_6 : i1 to i32
    %sign3A_8 = arith.subi %sign3A_4, %sign3A_7 : i32
    %sign3A_9 = arith.constant 0 : i32
    %sign3A_10 = arith.cmpi sgt, %jit3A, %sign3A_9 : i32
    %sign3A_11 = arith.extui %sign3A_10 : i1 to i32
    %sign3A_12 = arith.constant 0 : i32
    %sign3A_13 = arith.cmpi slt, %jit3A, %sign3A_12 : i32
    %sign3A_14 = arith.extui %sign3A_13 : i1 to i32
    %sign3A_15 = arith.subi %sign3A_11, %sign3A_14 : i32
    %ne3A = arith.cmpi ne, %sign3A_8, %sign3A_15 : i32
    %rem3A = arith.remsi %mul3A_2, %jit3A : i32
    %ne3A_16 = arith.constant 0 : i32
    %ne3A_17 = arith.cmpi ne, %rem3A, %ne3A_16 : i32
    %and3A = arith.andi %ne3A, %ne3A_17 : i1
    %sub3A = arith.constant 1 : i32
    %sub3A_18 = arith.subi %div3A, %sub3A : i32
    %select_n3A = arith.select %and3A, %sub3A_18, %div3A : i32
    %mul3A_19 = arith.constant 8 : i32
    %mul3A_20 = arith.muli %select_n3A, %mul3A_19 : i32
    %dma_start3A = arith.constant 0 : i32
    %dma_start3A_21 = arith.constant 0 : i32
    %dma_start3A_22 = arith.constant 0 : i32
    %dma_start3A_23 = tpu.memref_slice %arg3[%add3A, %dma_start3A, %dma_start3A_21, %dma_start3A_22] : memref<32x100x2x100xi32, #tpu.memory_space<hbm>> -> memref<1x1x2x100xi32, #tpu.memory_space<hbm>>
    %dma_start3A_24 = tpu.memref_squeeze %dma_start3A_23 : memref<1x1x2x100xi32, #tpu.memory_space<hbm>> -> memref<2x100xi32, #tpu.memory_space<hbm>>
    %dma_start3A_25 = arith.constant 0 : i32
    %dma_start3A_26 = arith.constant 0 : i32
    %dma_start3A_27 = tpu.memref_slice %arg3[%add3A, %dma_start3A, %dma_start3A_25, %dma_start3A_26] : memref<32x100x2x100xi32, #tpu.memory_space<hbm>> -> memref<1x1x2x100xi32, #tpu.memory_space<hbm>>
    %dma_start3A_28 = tpu.memref_squeeze %dma_start3A_27 : memref<1x1x2x100xi32, #tpu.memory_space<hbm>> -> memref<2x100xi32, #tpu.memory_space<hbm>>
    tpu.enqueue_dma source(%dma_start3A_28 : memref<2x100xi32, #tpu.memory_space<hbm>>) target(%arg5 : memref<2x100xi32, #tpu.memory_space<vmem>>) target_semaphore(%arg18 : memref<!tpu.dma_semaphore, #tpu.memory_space<semaphore_mem>>)
    %dma_start3A_29 = arith.constant 1 : i32
    %dma_start3A_30 = arith.constant 0 : i32
    %dma_start3A_31 = arith.constant 0 : i32
    %dma_start3A_32 = tpu.memref_slice %arg3[%add3A, %dma_start3A_29, %dma_start3A_30, %dma_start3A_31] : memref<32x100x2x100xi32, #tpu.memory_space<hbm>> -> memref<1x1x2x100xi32, #tpu.memory_space<hbm>>
    %dma_start3A_33 = tpu.memref_squeeze %dma_start3A_32 : memref<1x1x2x100xi32, #tpu.memory_space<hbm>> -> memref<2x100xi32, #tpu.memory_space<hbm>>
    %dma_start3A_34 = arith.constant 0 : i32
    %dma_start3A_35 = arith.constant 0 : i32
    %dma_start3A_36 = tpu.memref_slice %arg3[%add3A, %dma_start3A_29, %dma_start3A_34, %dma_start3A_35] : memref<32x100x2x100xi32, #tpu.memory_space<hbm>> -> memref<1x1x2x100xi32, #tpu.memory_space<hbm>>
    %dma_start3A_37 = tpu.memref_squeeze %dma_start3A_36 : memref<1x1x2x100xi32, #tpu.memory_space<hbm>> -> memref<2x100xi32, #tpu.memory_space<hbm>>
    tpu.enqueue_dma source(%dma_start3A_37 : memref<2x100xi32, #tpu.memory_space<hbm>>) target(%arg6 : memref<2x100xi32, #tpu.memory_space<vmem>>) target_semaphore(%arg19 : memref<!tpu.dma_semaphore, #tpu.memory_space<semaphore_mem>>)
    %dma_start3A_38 = arith.constant 2 : i32
    %dma_start3A_39 = arith.constant 0 : i32
    %dma_start3A_40 = arith.constant 0 : i32
    %dma_start3A_41 = tpu.memref_slice %arg3[%add3A, %dma_start3A_38, %dma_start3A_39, %dma_start3A_40] : memref<32x100x2x100xi32, #tpu.memory_space<hbm>> -> memref<1x1x2x100xi32, #tpu.memory_space<hbm>>
    %dma_start3A_42 = tpu.memref_squeeze %dma_start3A_41 : memref<1x1x2x100xi32, #tpu.memory_space<hbm>> -> memref<2x100xi32, #tpu.memory_space<hbm>>
    %dma_start3A_43 = arith.constant 0 : i32
    %dma_start3A_44 = arith.constant 0 : i32
    %dma_start3A_45 = tpu.memref_slice %arg3[%add3A, %dma_start3A_38, %dma_start3A_43, %dma_start3A_44] : memref<32x100x2x100xi32, #tpu.memory_space<hbm>> -> memref<1x1x2x100xi32, #tpu.memory_space<hbm>>
    %dma_start3A_46 = tpu.memref_squeeze %dma_start3A_45 : memref<1x1x2x100xi32, #tpu.memory_space<hbm>> -> memref<2x100xi32, #tpu.memory_space<hbm>>
    tpu.enqueue_dma source(%dma_start3A_46 : memref<2x100xi32, #tpu.memory_space<hbm>>) target(%arg7 : memref<2x100xi32, #tpu.memory_space<vmem>>) target_semaphore(%arg20 : memref<!tpu.dma_semaphore, #tpu.memory_space<semaphore_mem>>)
    %dma_start3A_47 = arith.constant 3 : i32
    %dma_start3A_48 = arith.constant 0 : i32
    %dma_start3A_49 = arith.constant 0 : i32
    %dma_start3A_50 = tpu.memref_slice %arg3[%add3A, %dma_start3A_47, %dma_start3A_48, %dma_start3A_49] : memref<32x100x2x100xi32, #tpu.memory_space<hbm>> -> memref<1x1x2x100xi32, #tpu.memory_space<hbm>>
    %dma_start3A_51 = tpu.memref_squeeze %dma_start3A_50 : memref<1x1x2x100xi32, #tpu.memory_space<hbm>> -> memref<2x100xi32, #tpu.memory_space<hbm>>
    %dma_start3A_52 = arith.constant 0 : i32
    %dma_start3A_53 = arith.constant 0 : i32
    %dma_start3A_54 = tpu.memref_slice %arg3[%add3A, %dma_start3A_47, %dma_start3A_52, %dma_start3A_53] : memref<32x100x2x100xi32, #tpu.memory_space<hbm>> -> memref<1x1x2x100xi32, #tpu.memory_space<hbm>>
    %dma_start3A_55 = tpu.memref_squeeze %dma_start3A_54 : memref<1x1x2x100xi32, #tpu.memory_space<hbm>> -> memref<2x100xi32, #tpu.memory_space<hbm>>
    tpu.enqueue_dma source(%dma_start3A_55 : memref<2x100xi32, #tpu.memory_space<hbm>>) target(%arg8 : memref<2x100xi32, #tpu.memory_space<vmem>>) target_semaphore(%arg21 : memref<!tpu.dma_semaphore, #tpu.memory_space<semaphore_mem>>)
    %scan3A = arith.constant 0 : i32
    %scan3A_56 = arith.constant 0 : i32
    %scan3A_57 = arith.constant 100 : i32
    %scan3A_58 = arith.addi %scan3A_56, %scan3A_57 : i32
    %scan3A_59 = arith.constant 1 : i32
    scf.for %scan3A_600 = %scan3A_56 to %scan3A_58 step %scan3A_59  : i32 {
      %broadcast_in_dim3A = arith.constant 0.000000e+00 : f32
      %broadcast_in_dim3A_601 = vector.broadcast %broadcast_in_dim3A : f32 to vector<16xf32>
      %swap3A = arith.index_cast %scan3A_600 : i32 to index
      %swap3A_602 = arith.constant 0 : index
      %swap3A_603 = tpu.vector_load %arg13[%swap3A, %swap3A_602] {strides = array<i32>} : memref<100x128xf32, #tpu.memory_space<vmem>>, vector<1x16xf32>,
      %swap3A_604 = vector.shape_cast %swap3A_603 : vector<1x16xf32> to vector<16xf32>
      %swap3A_605 = vector.shape_cast %broadcast_in_dim3A_601 : vector<16xf32> to vector<1x16xf32>
      tpu.vector_store %arg13[%swap3A, %swap3A_602], %swap3A_605 {strides = array<i32>} : memref<100x128xf32, #tpu.memory_space<vmem>>, vector<1x16xf32>,
      %broadcast_in_dim3A_606 = arith.constant 0.000000e+00 : f32
      %broadcast_in_dim3A_607 = vector.broadcast %broadcast_in_dim3A_606 : f32 to vector<16xf32>
      %swap3A_608 = arith.index_cast %scan3A_600 : i32 to index
      %swap3A_609 = arith.constant 16 : index
      %swap3A_610 = tpu.vector_load %arg13[%swap3A_608, %swap3A_609] {strides = array<i32>} : memref<100x128xf32, #tpu.memory_space<vmem>>, vector<1x16xf32>,
      %swap3A_611 = vector.shape_cast %swap3A_610 : vector<1x16xf32> to vector<16xf32>
      %swap3A_612 = vector.shape_cast %broadcast_in_dim3A_607 : vector<16xf32> to vector<1x16xf32>
      tpu.vector_store %arg13[%swap3A_608, %swap3A_609], %swap3A_612 {strides = array<i32>} : memref<100x128xf32, #tpu.memory_space<vmem>>, vector<1x16xf32>,
      %broadcast_in_dim3A_613 = arith.constant 0.000000e+00 : f32
      %broadcast_in_dim3A_614 = vector.broadcast %broadcast_in_dim3A_613 : f32 to vector<16xf32>
      %swap3A_615 = arith.index_cast %scan3A_600 : i32 to index
      %swap3A_616 = arith.constant 32 : index
      %swap3A_617 = tpu.vector_load %arg13[%swap3A_615, %swap3A_616] {strides = array<i32>} : memref<100x128xf32, #tpu.memory_space<vmem>>, vector<1x16xf32>,
      %swap3A_618 = vector.shape_cast %swap3A_617 : vector<1x16xf32> to vector<16xf32>
      %swap3A_619 = vector.shape_cast %broadcast_in_dim3A_614 : vector<16xf32> to vector<1x16xf32>
      tpu.vector_store %arg13[%swap3A_615, %swap3A_616], %swap3A_619 {strides = array<i32>} : memref<100x128xf32, #tpu.memory_space<vmem>>, vector<1x16xf32>,
      %broadcast_in_dim3A_620 = arith.constant 0.000000e+00 : f32
      %broadcast_in_dim3A_621 = vector.broadcast %broadcast_in_dim3A_620 : f32 to vector<16xf32>
      %swap3A_622 = arith.index_cast %scan3A_600 : i32 to index
      %swap3A_623 = arith.constant 48 : index
      %swap3A_624 = tpu.vector_load %arg13[%swap3A_622, %swap3A_623] {strides = array<i32>} : memref<100x128xf32, #tpu.memory_space<vmem>>, vector<1x16xf32>,
      %swap3A_625 = vector.shape_cast %swap3A_624 : vector<1x16xf32> to vector<16xf32>
      %swap3A_626 = vector.shape_cast %broadcast_in_dim3A_621 : vector<16xf32> to vector<1x16xf32>
      tpu.vector_store %arg13[%swap3A_622, %swap3A_623], %swap3A_626 {strides = array<i32>} : memref<100x128xf32, #tpu.memory_space<vmem>>, vector<1x16xf32>,
      %broadcast_in_dim3A_627 = arith.constant 0.000000e+00 : f32
      %broadcast_in_dim3A_628 = vector.broadcast %broadcast_in_dim3A_627 : f32 to vector<16xf32>
      %swap3A_629 = arith.index_cast %scan3A_600 : i32 to index
      %swap3A_630 = arith.constant 64 : index
      %swap3A_631 = tpu.vector_load %arg13[%swap3A_629, %swap3A_630] {strides = array<i32>} : memref<100x128xf32, #tpu.memory_space<vmem>>, vector<1x16xf32>,
      %swap3A_632 = vector.shape_cast %swap3A_631 : vector<1x16xf32> to vector<16xf32>
      %swap3A_633 = vector.shape_cast %broadcast_in_dim3A_628 : vector<16xf32> to vector<1x16xf32>
      tpu.vector_store %arg13[%swap3A_629, %swap3A_630], %swap3A_633 {strides = array<i32>} : memref<100x128xf32, #tpu.memory_space<vmem>>, vector<1x16xf32>,
      %broadcast_in_dim3A_634 = arith.constant 0.000000e+00 : f32
      %broadcast_in_dim3A_635 = vector.broadcast %broadcast_in_dim3A_634 : f32 to vector<16xf32>
      %swap3A_636 = arith.index_cast %scan3A_600 : i32 to index
      %swap3A_637 = arith.constant 80 : index
      %swap3A_638 = tpu.vector_load %arg13[%swap3A_636, %swap3A_637] {strides = array<i32>} : memref<100x128xf32, #tpu.memory_space<vmem>>, vector<1x16xf32>,
      %swap3A_639 = vector.shape_cast %swap3A_638 : vector<1x16xf32> to vector<16xf32>
      %swap3A_640 = vector.shape_cast %broadcast_in_dim3A_635 : vector<16xf32> to vector<1x16xf32>
      tpu.vector_store %arg13[%swap3A_636, %swap3A_637], %swap3A_640 {strides = array<i32>} : memref<100x128xf32, #tpu.memory_space<vmem>>, vector<1x16xf32>,
      %broadcast_in_dim3A_641 = arith.constant 0.000000e+00 : f32
      %broadcast_in_dim3A_642 = vector.broadcast %broadcast_in_dim3A_641 : f32 to vector<16xf32>
      %swap3A_643 = arith.index_cast %scan3A_600 : i32 to index
      %swap3A_644 = arith.constant 96 : index
      %swap3A_645 = tpu.vector_load %arg13[%swap3A_643, %swap3A_644] {strides = array<i32>} : memref<100x128xf32, #tpu.memory_space<vmem>>, vector<1x16xf32>,
      %swap3A_646 = vector.shape_cast %swap3A_645 : vector<1x16xf32> to vector<16xf32>
      %swap3A_647 = vector.shape_cast %broadcast_in_dim3A_642 : vector<16xf32> to vector<1x16xf32>
      tpu.vector_store %arg13[%swap3A_643, %swap3A_644], %swap3A_647 {strides = array<i32>} : memref<100x128xf32, #tpu.memory_space<vmem>>, vector<1x16xf32>,
      %broadcast_in_dim3A_648 = arith.constant 0.000000e+00 : f32
      %broadcast_in_dim3A_649 = vector.broadcast %broadcast_in_dim3A_648 : f32 to vector<16xf32>
      %swap3A_650 = arith.index_cast %scan3A_600 : i32 to index
      %swap3A_651 = arith.constant 112 : index
      %swap3A_652 = tpu.vector_load %arg13[%swap3A_650, %swap3A_651] {strides = array<i32>} : memref<100x128xf32, #tpu.memory_space<vmem>>, vector<1x16xf32>,
      %swap3A_653 = vector.shape_cast %swap3A_652 : vector<1x16xf32> to vector<16xf32>
      %swap3A_654 = vector.shape_cast %broadcast_in_dim3A_649 : vector<16xf32> to vector<1x16xf32>
      tpu.vector_store %arg13[%swap3A_650, %swap3A_651], %swap3A_654 {strides = array<i32>} : memref<100x128xf32, #tpu.memory_space<vmem>>, vector<1x16xf32>,
    }
    %scan3A_60 = arith.constant 100 : i32
    %dma_wait3A = arith.constant 0 : i32
    %dma_wait3A_61 = arith.constant 0 : i32
    %dma_wait3A_62 = arith.constant 0 : i32
    %dma_wait3A_63 = tpu.memref_slice %arg3[%add3A, %dma_wait3A, %dma_wait3A_61, %dma_wait3A_62] : memref<32x100x2x100xi32, #tpu.memory_space<hbm>> -> memref<1x1x2x100xi32, #tpu.memory_space<hbm>>
    %dma_wait3A_64 = tpu.memref_squeeze %dma_wait3A_63 : memref<1x1x2x100xi32, #tpu.memory_space<hbm>> -> memref<2x100xi32, #tpu.memory_space<hbm>>
    %dma_wait3A_65 = arith.constant 0 : i32
    %dma_wait3A_66 = arith.constant 0 : i32
    %dma_wait3A_67 = tpu.memref_slice %arg3[%add3A, %dma_wait3A, %dma_wait3A_65, %dma_wait3A_66] : memref<32x100x2x100xi32, #tpu.memory_space<hbm>> -> memref<1x1x2x100xi32, #tpu.memory_space<hbm>>
    %dma_wait3A_68 = tpu.memref_squeeze %dma_wait3A_67 : memref<1x1x2x100xi32, #tpu.memory_space<hbm>> -> memref<2x100xi32, #tpu.memory_space<hbm>>
    tpu.wait_dma2 semaphore(%arg18 : memref<!tpu.dma_semaphore, #tpu.memory_space<semaphore_mem>>) src(%dma_wait3A_68 : memref<2x100xi32, #tpu.memory_space<hbm>>) dst(%arg5 : memref<2x100xi32, #tpu.memory_space<vmem>>)
    %dma_start3A_69 = arith.constant 0 : i32
    %dma_start3A_70 = arith.constant 0 : i32
    %dma_start3A_71 = tpu.memref_slice %arg5[%dma_start3A_69, %dma_start3A_70] : memref<2x100xi32, #tpu.memory_space<vmem>> -> memref<1x100xi32, #tpu.memory_space<vmem>>
    %dma_start3A_72 = tpu.memref_squeeze %dma_start3A_71 : memref<1x100xi32, #tpu.memory_space<vmem>> -> memref<100xi32, #tpu.memory_space<vmem>>
    %dma_start3A_73 = arith.constant 0 : i32
    %dma_start3A_74 = arith.constant 0 : i32
    %dma_start3A_75 = tpu.memref_slice %arg2[%dma_start3A_73, %dma_start3A_74] : memref<10000x128xf32, #tpu.memory_space<hbm>> -> memref<10000x128xf32, #tpu.memory_space<hbm>>
    tpu.enqueue_indirect_dma source(%dma_start3A_75 : memref<10000x128xf32, #tpu.memory_space<hbm>>) target(%arg11 : memref<100x128xf32, #tpu.memory_space<vmem>>) offsets(%dma_start3A_72 : memref<100xi32, #tpu.memory_space<vmem>>) semaphore(%arg15 : memref<!tpu.dma_semaphore, #tpu.memory_space<semaphore_mem>>)
    %dma_wait3A_76 = arith.constant 1 : i32
    %dma_wait3A_77 = arith.constant 0 : i32
    %dma_wait3A_78 = arith.constant 0 : i32
    %dma_wait3A_79 = tpu.memref_slice %arg3[%add3A, %dma_wait3A_76, %dma_wait3A_77, %dma_wait3A_78] : memref<32x100x2x100xi32, #tpu.memory_space<hbm>> -> memref<1x1x2x100xi32, #tpu.memory_space<hbm>>
    %dma_wait3A_80 = tpu.memref_squeeze %dma_wait3A_79 : memref<1x1x2x100xi32, #tpu.memory_space<hbm>> -> memref<2x100xi32, #tpu.memory_space<hbm>>
    %dma_wait3A_81 = arith.constant 0 : i32
    %dma_wait3A_82 = arith.constant 0 : i32
    %dma_wait3A_83 = tpu.memref_slice %arg3[%add3A, %dma_wait3A_76, %dma_wait3A_81, %dma_wait3A_82] : memref<32x100x2x100xi32, #tpu.memory_space<hbm>> -> memref<1x1x2x100xi32, #tpu.memory_space<hbm>>
    %dma_wait3A_84 = tpu.memref_squeeze %dma_wait3A_83 : memref<1x1x2x100xi32, #tpu.memory_space<hbm>> -> memref<2x100xi32, #tpu.memory_space<hbm>>
    tpu.wait_dma2 semaphore(%arg19 : memref<!tpu.dma_semaphore, #tpu.memory_space<semaphore_mem>>) src(%dma_wait3A_84 : memref<2x100xi32, #tpu.memory_space<hbm>>) dst(%arg6 : memref<2x100xi32, #tpu.memory_space<vmem>>)
    %dma_start3A_85 = arith.constant 0 : i32
    %dma_start3A_86 = arith.constant 0 : i32
    %dma_start3A_87 = tpu.memref_slice %arg6[%dma_start3A_85, %dma_start3A_86] : memref<2x100xi32, #tpu.memory_space<vmem>> -> memref<1x100xi32, #tpu.memory_space<vmem>>
    %dma_start3A_88 = tpu.memref_squeeze %dma_start3A_87 : memref<1x100xi32, #tpu.memory_space<vmem>> -> memref<100xi32, #tpu.memory_space<vmem>>
    %dma_start3A_89 = arith.constant 0 : i32
    %dma_start3A_90 = arith.constant 0 : i32
    %dma_start3A_91 = tpu.memref_slice %arg2[%dma_start3A_89, %dma_start3A_90] : memref<10000x128xf32, #tpu.memory_space<hbm>> -> memref<10000x128xf32, #tpu.memory_space<hbm>>
    tpu.enqueue_indirect_dma source(%dma_start3A_91 : memref<10000x128xf32, #tpu.memory_space<hbm>>) target(%arg12 : memref<100x128xf32, #tpu.memory_space<vmem>>) offsets(%dma_start3A_88 : memref<100xi32, #tpu.memory_space<vmem>>) semaphore(%arg16 : memref<!tpu.dma_semaphore, #tpu.memory_space<semaphore_mem>>)
    %add3A_92 = arith.constant 0 : i32
    %add3A_93 = arith.addi %mul3A_20, %add3A_92 : i32
    %dma_start3A_94 = arith.constant 0 : i32
    %dma_start3A_95 = arith.constant 0 : i32
    %dma_start3A_96 = tpu.memref_slice %arg13[%dma_start3A_94, %dma_start3A_95] : memref<100x128xf32, #tpu.memory_space<vmem>> -> memref<96x128xf32, #tpu.memory_space<vmem>>
    %dma_start3A_97 = arith.constant 0 : i32
    %dma_start3A_98 = tpu.memref_slice %arg14[%add3A_93, %dma_start3A_97] : memref<10000x128xf32, #tpu.memory_space<vmem_shared>> -> memref<96x128xf32, #tpu.memory_space<vmem_shared>>
    %dma_start3A_99 = arith.constant 0 : i32
    %dma_start3A_100 = tpu.memref_slice %arg14[%add3A_93, %dma_start3A_99] : memref<10000x128xf32, #tpu.memory_space<vmem_shared>> -> memref<96x128xf32, #tpu.memory_space<vmem_shared>>
    %dma_start3A_101 = arith.constant 0 : i32
    %dma_start3A_102 = arith.constant 0 : i32
    %dma_start3A_103 = tpu.memref_slice %arg13[%dma_start3A_101, %dma_start3A_102] : memref<100x128xf32, #tpu.memory_space<vmem>> -> memref<96x128xf32, #tpu.memory_space<vmem>>
    tpu.enqueue_dma source(%dma_start3A_103 : memref<96x128xf32, #tpu.memory_space<vmem>>) target(%dma_start3A_100 : memref<96x128xf32, #tpu.memory_space<vmem_shared>>) target_semaphore(%arg24 : memref<!tpu.dma_semaphore, #tpu.memory_space<semaphore_mem>>)
    %add3A_104 = arith.constant 96 : i32
    %add3A_105 = arith.addi %mul3A_20, %add3A_104 : i32
    %dma_start3A_106 = arith.constant 0 : i32
    %dma_start3A_107 = arith.constant 0 : i32
    %dma_start3A_108 = tpu.memref_slice %arg13[%dma_start3A_106, %dma_start3A_107] : memref<100x128xf32, #tpu.memory_space<vmem>> -> memref<96x128xf32, #tpu.memory_space<vmem>>
    %dma_start3A_109 = arith.constant 0 : i32
    %dma_start3A_110 = tpu.memref_slice %arg14[%add3A_105, %dma_start3A_109] : memref<10000x128xf32, #tpu.memory_space<vmem_shared>> -> memref<96x128xf32, #tpu.memory_space<vmem_shared>>
    %dma_start3A_111 = arith.constant 0 : i32
    %dma_start3A_112 = tpu.memref_slice %arg14[%add3A_105, %dma_start3A_111] : memref<10000x128xf32, #tpu.memory_space<vmem_shared>> -> memref<96x128xf32, #tpu.memory_space<vmem_shared>>
    %dma_start3A_113 = arith.constant 0 : i32
    %dma_start3A_114 = arith.constant 0 : i32
    %dma_start3A_115 = tpu.memref_slice %arg13[%dma_start3A_113, %dma_start3A_114] : memref<100x128xf32, #tpu.memory_space<vmem>> -> memref<96x128xf32, #tpu.memory_space<vmem>>
    tpu.enqueue_dma source(%dma_start3A_115 : memref<96x128xf32, #tpu.memory_space<vmem>>) target(%dma_start3A_112 : memref<96x128xf32, #tpu.memory_space<vmem_shared>>) target_semaphore(%arg24 : memref<!tpu.dma_semaphore, #tpu.memory_space<semaphore_mem>>)
    %add3A_116 = arith.constant 192 : i32
    %add3A_117 = arith.addi %mul3A_20, %add3A_116 : i32
    %dma_start3A_118 = arith.constant 0 : i32
    %dma_start3A_119 = arith.constant 0 : i32
    %dma_start3A_120 = tpu.memref_slice %arg13[%dma_start3A_118, %dma_start3A_119] : memref<100x128xf32, #tpu.memory_space<vmem>> -> memref<96x128xf32, #tpu.memory_space<vmem>>
    %dma_start3A_121 = arith.constant 0 : i32
    %dma_start3A_122 = tpu.memref_slice %arg14[%add3A_117, %dma_start3A_121] : memref<10000x128xf32, #tpu.memory_space<vmem_shared>> -> memref<96x128xf32, #tpu.memory_space<vmem_shared>>
    %dma_start3A_123 = arith.constant 0 : i32
    %dma_start3A_124 = tpu.memref_slice %arg14[%add3A_117, %dma_start3A_123] : memref<10000x128xf32, #tpu.memory_space<vmem_shared>> -> memref<96x128xf32, #tpu.memory_space<vmem_shared>>
    %dma_start3A_125 = arith.constant 0 : i32
    %dma_start3A_126 = arith.constant 0 : i32
    %dma_start3A_127 = tpu.memref_slice %arg13[%dma_start3A_125, %dma_start3A_126] : memref<100x128xf32, #tpu.memory_space<vmem>> -> memref<96x128xf32, #tpu.memory_space<vmem>>
    tpu.enqueue_dma source(%dma_start3A_127 : memref<96x128xf32, #tpu.memory_space<vmem>>) target(%dma_start3A_124 : memref<96x128xf32, #tpu.memory_space<vmem_shared>>) target_semaphore(%arg24 : memref<!tpu.dma_semaphore, #tpu.memory_space<semaphore_mem>>)
    %add3A_128 = arith.constant 288 : i32
    %add3A_129 = arith.addi %mul3A_20, %add3A_128 : i32
    %dma_start3A_130 = arith.constant 0 : i32
    %dma_start3A_131 = arith.constant 0 : i32
    %dma_start3A_132 = tpu.memref_slice %arg13[%dma_start3A_130, %dma_start3A_131] : memref<100x128xf32, #tpu.memory_space<vmem>> -> memref<96x128xf32, #tpu.memory_space<vmem>>
    %dma_start3A_133 = arith.constant 0 : i32
    %dma_start3A_134 = tpu.memref_slice %arg14[%add3A_129, %dma_start3A_133] : memref<10000x128xf32, #tpu.memory_space<vmem_shared>> -> memref<96x128xf32, #tpu.memory_space<vmem_shared>>
    %dma_start3A_135 = arith.constant 0 : i32
    %dma_start3A_136 = tpu.memref_slice %arg14[%add3A_129, %dma_start3A_135] : memref<10000x128xf32, #tpu.memory_space<vmem_shared>> -> memref<96x128xf32, #tpu.memory_space<vmem_shared>>
    %dma_start3A_137 = arith.constant 0 : i32
    %dma_start3A_138 = arith.constant 0 : i32
    %dma_start3A_139 = tpu.memref_slice %arg13[%dma_start3A_137, %dma_start3A_138] : memref<100x128xf32, #tpu.memory_space<vmem>> -> memref<96x128xf32, #tpu.memory_space<vmem>>
    tpu.enqueue_dma source(%dma_start3A_139 : memref<96x128xf32, #tpu.memory_space<vmem>>) target(%dma_start3A_136 : memref<96x128xf32, #tpu.memory_space<vmem_shared>>) target_semaphore(%arg24 : memref<!tpu.dma_semaphore, #tpu.memory_space<semaphore_mem>>)
    %add3A_140 = arith.constant 384 : i32
    %add3A_141 = arith.addi %mul3A_20, %add3A_140 : i32
    %dma_start3A_142 = arith.constant 0 : i32
    %dma_start3A_143 = arith.constant 0 : i32
    %dma_start3A_144 = tpu.memref_slice %arg13[%dma_start3A_142, %dma_start3A_143] : memref<100x128xf32, #tpu.memory_space<vmem>> -> memref<96x128xf32, #tpu.memory_space<vmem>>
    %dma_start3A_145 = arith.constant 0 : i32
    %dma_start3A_146 = tpu.memref_slice %arg14[%add3A_141, %dma_start3A_145] : memref<10000x128xf32, #tpu.memory_space<vmem_shared>> -> memref<96x128xf32, #tpu.memory_space<vmem_shared>>
    %dma_start3A_147 = arith.constant 0 : i32
    %dma_start3A_148 = tpu.memref_slice %arg14[%add3A_141, %dma_start3A_147] : memref<10000x128xf32, #tpu.memory_space<vmem_shared>> -> memref<96x128xf32, #tpu.memory_space<vmem_shared>>
    %dma_start3A_149 = arith.constant 0 : i32
    %dma_start3A_150 = arith.constant 0 : i32
    %dma_start3A_151 = tpu.memref_slice %arg13[%dma_start3A_149, %dma_start3A_150] : memref<100x128xf32, #tpu.memory_space<vmem>> -> memref<96x128xf32, #tpu.memory_space<vmem>>
    tpu.enqueue_dma source(%dma_start3A_151 : memref<96x128xf32, #tpu.memory_space<vmem>>) target(%dma_start3A_148 : memref<96x128xf32, #tpu.memory_space<vmem_shared>>) target_semaphore(%arg24 : memref<!tpu.dma_semaphore, #tpu.memory_space<semaphore_mem>>)
    %add3A_152 = arith.constant 480 : i32
    %add3A_153 = arith.addi %mul3A_20, %add3A_152 : i32
    %dma_start3A_154 = arith.constant 0 : i32
    %dma_start3A_155 = arith.constant 0 : i32
    %dma_start3A_156 = tpu.memref_slice %arg13[%dma_start3A_154, %dma_start3A_155] : memref<100x128xf32, #tpu.memory_space<vmem>> -> memref<96x128xf32, #tpu.memory_space<vmem>>
    %dma_start3A_157 = arith.constant 0 : i32
    %dma_start3A_158 = tpu.memref_slice %arg14[%add3A_153, %dma_start3A_157] : memref<10000x128xf32, #tpu.memory_space<vmem_shared>> -> memref<96x128xf32, #tpu.memory_space<vmem_shared>>
    %dma_start3A_159 = arith.constant 0 : i32
    %dma_start3A_160 = tpu.memref_slice %arg14[%add3A_153, %dma_start3A_159] : memref<10000x128xf32, #tpu.memory_space<vmem_shared>> -> memref<96x128xf32, #tpu.memory_space<vmem_shared>>
    %dma_start3A_161 = arith.constant 0 : i32
    %dma_start3A_162 = arith.constant 0 : i32
    %dma_start3A_163 = tpu.memref_slice %arg13[%dma_start3A_161, %dma_start3A_162] : memref<100x128xf32, #tpu.memory_space<vmem>> -> memref<96x128xf32, #tpu.memory_space<vmem>>
    tpu.enqueue_dma source(%dma_start3A_163 : memref<96x128xf32, #tpu.memory_space<vmem>>) target(%dma_start3A_160 : memref<96x128xf32, #tpu.memory_space<vmem_shared>>) target_semaphore(%arg24 : memref<!tpu.dma_semaphore, #tpu.memory_space<semaphore_mem>>)
    %add3A_164 = arith.constant 576 : i32
    %add3A_165 = arith.addi %mul3A_20, %add3A_164 : i32
    %dma_start3A_166 = arith.constant 0 : i32
    %dma_start3A_167 = arith.constant 0 : i32
    %dma_start3A_168 = tpu.memref_slice %arg13[%dma_start3A_166, %dma_start3A_167] : memref<100x128xf32, #tpu.memory_space<vmem>> -> memref<56x128xf32, #tpu.memory_space<vmem>>
    %dma_start3A_169 = arith.constant 0 : i32
    %dma_start3A_170 = tpu.memref_slice %arg14[%add3A_165, %dma_start3A_169] : memref<10000x128xf32, #tpu.memory_space<vmem_shared>> -> memref<56x128xf32, #tpu.memory_space<vmem_shared>>
    %dma_start3A_171 = arith.constant 0 : i32
    %dma_start3A_172 = tpu.memref_slice %arg14[%add3A_165, %dma_start3A_171] : memref<10000x128xf32, #tpu.memory_space<vmem_shared>> -> memref<56x128xf32, #tpu.memory_space<vmem_shared>>
    %dma_start3A_173 = arith.constant 0 : i32
    %dma_start3A_174 = arith.constant 0 : i32
    %dma_start3A_175 = tpu.memref_slice %arg13[%dma_start3A_173, %dma_start3A_174] : memref<100x128xf32, #tpu.memory_space<vmem>> -> memref<56x128xf32, #tpu.memory_space<vmem>>
    tpu.enqueue_dma source(%dma_start3A_175 : memref<56x128xf32, #tpu.memory_space<vmem>>) target(%dma_start3A_172 : memref<56x128xf32, #tpu.memory_space<vmem_shared>>) target_semaphore(%arg24 : memref<!tpu.dma_semaphore, #tpu.memory_space<semaphore_mem>>)
    %add3A_176 = arith.constant 0 : i32
    %add3A_177 = arith.addi %mul3A_20, %add3A_176 : i32
    %dma_wait3A_178 = arith.constant 0 : i32
    %dma_wait3A_179 = arith.constant 0 : i32
    %dma_wait3A_180 = tpu.memref_slice %arg13[%dma_wait3A_178, %dma_wait3A_179] : memref<100x128xf32, #tpu.memory_space<vmem>> -> memref<96x128xf32, #tpu.memory_space<vmem>>
    %dma_wait3A_181 = arith.constant 0 : i32
    %dma_wait3A_182 = tpu.memref_slice %arg14[%add3A_177, %dma_wait3A_181] : memref<10000x128xf32, #tpu.memory_space<vmem_shared>> -> memref<96x128xf32, #tpu.memory_space<vmem_shared>>
    %dma_wait3A_183 = arith.constant 0 : i32
    %dma_wait3A_184 = tpu.memref_slice %arg14[%add3A_177, %dma_wait3A_183] : memref<10000x128xf32, #tpu.memory_space<vmem_shared>> -> memref<96x128xf32, #tpu.memory_space<vmem_shared>>
    %dma_wait3A_185 = arith.constant 0 : i32
    %dma_wait3A_186 = arith.constant 0 : i32
    %dma_wait3A_187 = tpu.memref_slice %arg13[%dma_wait3A_185, %dma_wait3A_186] : memref<100x128xf32, #tpu.memory_space<vmem>> -> memref<96x128xf32, #tpu.memory_space<vmem>>
    tpu.wait_dma2 semaphore(%arg24 : memref<!tpu.dma_semaphore, #tpu.memory_space<semaphore_mem>>) src(%dma_wait3A_187 : memref<96x128xf32, #tpu.memory_space<vmem>>) dst(%dma_wait3A_184 : memref<96x128xf32, #tpu.memory_space<vmem_shared>>)
    %add3A_188 = arith.constant 96 : i32
    %add3A_189 = arith.addi %mul3A_20, %add3A_188 : i32
    %dma_wait3A_190 = arith.constant 0 : i32
    %dma_wait3A_191 = arith.constant 0 : i32
    %dma_wait3A_192 = tpu.memref_slice %arg13[%dma_wait3A_190, %dma_wait3A_191] : memref<100x128xf32, #tpu.memory_space<vmem>> -> memref<96x128xf32, #tpu.memory_space<vmem>>
    %dma_wait3A_193 = arith.constant 0 : i32
    %dma_wait3A_194 = tpu.memref_slice %arg14[%add3A_189, %dma_wait3A_193] : memref<10000x128xf32, #tpu.memory_space<vmem_shared>> -> memref<96x128xf32, #tpu.memory_space<vmem_shared>>
    %dma_wait3A_195 = arith.constant 0 : i32
    %dma_wait3A_196 = tpu.memref_slice %arg14[%add3A_189, %dma_wait3A_195] : memref<10000x128xf32, #tpu.memory_space<vmem_shared>> -> memref<96x128xf32, #tpu.memory_space<vmem_shared>>
    %dma_wait3A_197 = arith.constant 0 : i32
    %dma_wait3A_198 = arith.constant 0 : i32
    %dma_wait3A_199 = tpu.memref_slice %arg13[%dma_wait3A_197, %dma_wait3A_198] : memref<100x128xf32, #tpu.memory_space<vmem>> -> memref<96x128xf32, #tpu.memory_space<vmem>>
    tpu.wait_dma2 semaphore(%arg24 : memref<!tpu.dma_semaphore, #tpu.memory_space<semaphore_mem>>) src(%dma_wait3A_199 : memref<96x128xf32, #tpu.memory_space<vmem>>) dst(%dma_wait3A_196 : memref<96x128xf32, #tpu.memory_space<vmem_shared>>)
    %add3A_200 = arith.constant 192 : i32
    %add3A_201 = arith.addi %mul3A_20, %add3A_200 : i32
    %dma_wait3A_202 = arith.constant 0 : i32
    %dma_wait3A_203 = arith.constant 0 : i32
    %dma_wait3A_204 = tpu.memref_slice %arg13[%dma_wait3A_202, %dma_wait3A_203] : memref<100x128xf32, #tpu.memory_space<vmem>> -> memref<96x128xf32, #tpu.memory_space<vmem>>
    %dma_wait3A_205 = arith.constant 0 : i32
    %dma_wait3A_206 = tpu.memref_slice %arg14[%add3A_201, %dma_wait3A_205] : memref<10000x128xf32, #tpu.memory_space<vmem_shared>> -> memref<96x128xf32, #tpu.memory_space<vmem_shared>>
    %dma_wait3A_207 = arith.constant 0 : i32
    %dma_wait3A_208 = tpu.memref_slice %arg14[%add3A_201, %dma_wait3A_207] : memref<10000x128xf32, #tpu.memory_space<vmem_shared>> -> memref<96x128xf32, #tpu.memory_space<vmem_shared>>
    %dma_wait3A_209 = arith.constant 0 : i32
    %dma_wait3A_210 = arith.constant 0 : i32
    %dma_wait3A_211 = tpu.memref_slice %arg13[%dma_wait3A_209, %dma_wait3A_210] : memref<100x128xf32, #tpu.memory_space<vmem>> -> memref<96x128xf32, #tpu.memory_space<vmem>>
    tpu.wait_dma2 semaphore(%arg24 : memref<!tpu.dma_semaphore, #tpu.memory_space<semaphore_mem>>) src(%dma_wait3A_211 : memref<96x128xf32, #tpu.memory_space<vmem>>) dst(%dma_wait3A_208 : memref<96x128xf32, #tpu.memory_space<vmem_shared>>)
    %add3A_212 = arith.constant 288 : i32
    %add3A_213 = arith.addi %mul3A_20, %add3A_212 : i32
    %dma_wait3A_214 = arith.constant 0 : i32
    %dma_wait3A_215 = arith.constant 0 : i32
    %dma_wait3A_216 = tpu.memref_slice %arg13[%dma_wait3A_214, %dma_wait3A_215] : memref<100x128xf32, #tpu.memory_space<vmem>> -> memref<96x128xf32, #tpu.memory_space<vmem>>
    %dma_wait3A_217 = arith.constant 0 : i32
    %dma_wait3A_218 = tpu.memref_slice %arg14[%add3A_213, %dma_wait3A_217] : memref<10000x128xf32, #tpu.memory_space<vmem_shared>> -> memref<96x128xf32, #tpu.memory_space<vmem_shared>>
    %dma_wait3A_219 = arith.constant 0 : i32
    %dma_wait3A_220 = tpu.memref_slice %arg14[%add3A_213, %dma_wait3A_219] : memref<10000x128xf32, #tpu.memory_space<vmem_shared>> -> memref<96x128xf32, #tpu.memory_space<vmem_shared>>
    %dma_wait3A_221 = arith.constant 0 : i32
    %dma_wait3A_222 = arith.constant 0 : i32
    %dma_wait3A_223 = tpu.memref_slice %arg13[%dma_wait3A_221, %dma_wait3A_222] : memref<100x128xf32, #tpu.memory_space<vmem>> -> memref<96x128xf32, #tpu.memory_space<vmem>>
    tpu.wait_dma2 semaphore(%arg24 : memref<!tpu.dma_semaphore, #tpu.memory_space<semaphore_mem>>) src(%dma_wait3A_223 : memref<96x128xf32, #tpu.memory_space<vmem>>) dst(%dma_wait3A_220 : memref<96x128xf32, #tpu.memory_space<vmem_shared>>)
    %add3A_224 = arith.constant 384 : i32
    %add3A_225 = arith.addi %mul3A_20, %add3A_224 : i32
    %dma_wait3A_226 = arith.constant 0 : i32
    %dma_wait3A_227 = arith.constant 0 : i32
    %dma_wait3A_228 = tpu.memref_slice %arg13[%dma_wait3A_226, %dma_wait3A_227] : memref<100x128xf32, #tpu.memory_space<vmem>> -> memref<96x128xf32, #tpu.memory_space<vmem>>
    %dma_wait3A_229 = arith.constant 0 : i32
    %dma_wait3A_230 = tpu.memref_slice %arg14[%add3A_225, %dma_wait3A_229] : memref<10000x128xf32, #tpu.memory_space<vmem_shared>> -> memref<96x128xf32, #tpu.memory_space<vmem_shared>>
    %dma_wait3A_231 = arith.constant 0 : i32
    %dma_wait3A_232 = tpu.memref_slice %arg14[%add3A_225, %dma_wait3A_231] : memref<10000x128xf32, #tpu.memory_space<vmem_shared>> -> memref<96x128xf32, #tpu.memory_space<vmem_shared>>
    %dma_wait3A_233 = arith.constant 0 : i32
    %dma_wait3A_234 = arith.constant 0 : i32
    %dma_wait3A_235 = tpu.memref_slice %arg13[%dma_wait3A_233, %dma_wait3A_234] : memref<100x128xf32, #tpu.memory_space<vmem>> -> memref<96x128xf32, #tpu.memory_space<vmem>>
    tpu.wait_dma2 semaphore(%arg24 : memref<!tpu.dma_semaphore, #tpu.memory_space<semaphore_mem>>) src(%dma_wait3A_235 : memref<96x128xf32, #tpu.memory_space<vmem>>) dst(%dma_wait3A_232 : memref<96x128xf32, #tpu.memory_space<vmem_shared>>)
    %add3A_236 = arith.constant 480 : i32
    %add3A_237 = arith.addi %mul3A_20, %add3A_236 : i32
    %dma_wait3A_238 = arith.constant 0 : i32
    %dma_wait3A_239 = arith.constant 0 : i32
    %dma_wait3A_240 = tpu.memref_slice %arg13[%dma_wait3A_238, %dma_wait3A_239] : memref<100x128xf32, #tpu.memory_space<vmem>> -> memref<96x128xf32, #tpu.memory_space<vmem>>
    %dma_wait3A_241 = arith.constant 0 : i32
    %dma_wait3A_242 = tpu.memref_slice %arg14[%add3A_237, %dma_wait3A_241] : memref<10000x128xf32, #tpu.memory_space<vmem_shared>> -> memref<96x128xf32, #tpu.memory_space<vmem_shared>>
    %dma_wait3A_243 = arith.constant 0 : i32
    %dma_wait3A_244 = tpu.memref_slice %arg14[%add3A_237, %dma_wait3A_243] : memref<10000x128xf32, #tpu.memory_space<vmem_shared>> -> memref<96x128xf32, #tpu.memory_space<vmem_shared>>
    %dma_wait3A_245 = arith.constant 0 : i32
    %dma_wait3A_246 = arith.constant 0 : i32
    %dma_wait3A_247 = tpu.memref_slice %arg13[%dma_wait3A_245, %dma_wait3A_246] : memref<100x128xf32, #tpu.memory_space<vmem>> -> memref<96x128xf32, #tpu.memory_space<vmem>>
    tpu.wait_dma2 semaphore(%arg24 : memref<!tpu.dma_semaphore, #tpu.memory_space<semaphore_mem>>) src(%dma_wait3A_247 : memref<96x128xf32, #tpu.memory_space<vmem>>) dst(%dma_wait3A_244 : memref<96x128xf32, #tpu.memory_space<vmem_shared>>)
    %add3A_248 = arith.constant 576 : i32
    %add3A_249 = arith.addi %mul3A_20, %add3A_248 : i32
    %dma_wait3A_250 = arith.constant 0 : i32
    %dma_wait3A_251 = arith.constant 0 : i32
    %dma_wait3A_252 = tpu.memref_slice %arg13[%dma_wait3A_250, %dma_wait3A_251] : memref<100x128xf32, #tpu.memory_space<vmem>> -> memref<56x128xf32, #tpu.memory_space<vmem>>
    %dma_wait3A_253 = arith.constant 0 : i32
    %dma_wait3A_254 = tpu.memref_slice %arg14[%add3A_249, %dma_wait3A_253] : memref<10000x128xf32, #tpu.memory_space<vmem_shared>> -> memref<56x128xf32, #tpu.memory_space<vmem_shared>>
    %dma_wait3A_255 = arith.constant 0 : i32
    %dma_wait3A_256 = tpu.memref_slice %arg14[%add3A_249, %dma_wait3A_255] : memref<10000x128xf32, #tpu.memory_space<vmem_shared>> -> memref<56x128xf32, #tpu.memory_space<vmem_shared>>
    %dma_wait3A_257 = arith.constant 0 : i32
    %dma_wait3A_258 = arith.constant 0 : i32
    %dma_wait3A_259 = tpu.memref_slice %arg13[%dma_wait3A_257, %dma_wait3A_258] : memref<100x128xf32, #tpu.memory_space<vmem>> -> memref<56x128xf32, #tpu.memory_space<vmem>>
    tpu.wait_dma2 semaphore(%arg24 : memref<!tpu.dma_semaphore, #tpu.memory_space<semaphore_mem>>) src(%dma_wait3A_259 : memref<56x128xf32, #tpu.memory_space<vmem>>) dst(%dma_wait3A_256 : memref<56x128xf32, #tpu.memory_space<vmem_shared>>)
    %barrier3A = arith.constant 0 : index
    tpu.barrier barrier_id(%barrier3A)
    %scan3A_260 = arith.constant 0 : i32
    %scan3A_261 = arith.constant 0 : i32
    %scan3A_262 = arith.constant 16 : i32
    %scan3A_263 = arith.addi %scan3A_261, %scan3A_262 : i32
    %scan3A_264 = arith.constant 1 : i32
    scf.for %scan3A_600 = %scan3A_261 to %scan3A_263 step %scan3A_264  : i32 {
      %mul3A_601 = arith.constant 6 : i32
      %mul3A_602 = arith.muli %mul3A_601, %scan3A_600 : i32
      %add3A_603 = arith.constant 0 : i32
      %add3A_604 = arith.addi %mul3A_602, %add3A_603 : i32
      %dma_wait3A_605 = arith.constant 0 : i32
      %dma_wait3A_606 = arith.constant 0 : i32
      %dma_wait3A_607 = tpu.memref_slice %arg5[%dma_wait3A_605, %dma_wait3A_606] : memref<2x100xi32, #tpu.memory_space<vmem>> -> memref<1x100xi32, #tpu.memory_space<vmem>>
      %dma_wait3A_608 = tpu.memref_squeeze %dma_wait3A_607 : memref<1x100xi32, #tpu.memory_space<vmem>> -> memref<100xi32, #tpu.memory_space<vmem>>
      %dma_wait3A_609 = arith.constant 0 : i32
      %dma_wait3A_610 = arith.constant 0 : i32
      %dma_wait3A_611 = tpu.memref_slice %arg2[%dma_wait3A_609, %dma_wait3A_610] : memref<10000x128xf32, #tpu.memory_space<hbm>> -> memref<10000x128xf32, #tpu.memory_space<hbm>>
      tpu.wait_indirect_dma semaphore(%arg15 : memref<!tpu.dma_semaphore, #tpu.memory_space<semaphore_mem>>) src(%dma_wait3A_611 : memref<10000x128xf32, #tpu.memory_space<hbm>>) dst(%arg11 : memref<100x128xf32, #tpu.memory_space<vmem>>)
      %lt3A = arith.constant 98 : i32
      %lt3A_612 = arith.cmpi slt, %add3A_604, %lt3A : i32
      %convert_element_type3A = arith.extui %lt3A_612 : i1 to i32
      %cond3A = arith.constant 0 : i32
      %cond3A_613 = arith.cmpi ne, %convert_element_type3A, %cond3A : i32
      scf.if %cond3A_613 {
        %add3A_766 = arith.constant 2 : i32
        %add3A_767 = arith.addi %add3A_604, %add3A_766 : i32
        %dma_wait3A_768 = arith.constant 0 : i32
        %dma_wait3A_769 = arith.constant 0 : i32
        %dma_wait3A_770 = tpu.memref_slice %arg3[%add3A, %add3A_767, %dma_wait3A_768, %dma_wait3A_769] : memref<32x100x2x100xi32, #tpu.memory_space<hbm>> -> memref<1x1x2x100xi32, #tpu.memory_space<hbm>>
        %dma_wait3A_771 = tpu.memref_squeeze %dma_wait3A_770 : memref<1x1x2x100xi32, #tpu.memory_space<hbm>> -> memref<2x100xi32, #tpu.memory_space<hbm>>
        %dma_wait3A_772 = arith.constant 0 : i32
        %dma_wait3A_773 = arith.constant 0 : i32
        %dma_wait3A_774 = tpu.memref_slice %arg3[%add3A, %add3A_767, %dma_wait3A_772, %dma_wait3A_773] : memref<32x100x2x100xi32, #tpu.memory_space<hbm>> -> memref<1x1x2x100xi32, #tpu.memory_space<hbm>>
        %dma_wait3A_775 = tpu.memref_squeeze %dma_wait3A_774 : memref<1x1x2x100xi32, #tpu.memory_space<hbm>> -> memref<2x100xi32, #tpu.memory_space<hbm>>
        tpu.wait_dma2 semaphore(%arg20 : memref<!tpu.dma_semaphore, #tpu.memory_space<semaphore_mem>>) src(%dma_wait3A_775 : memref<2x100xi32, #tpu.memory_space<hbm>>) dst(%arg7 : memref<2x100xi32, #tpu.memory_space<vmem>>)
        %ge3A = arith.constant 1 : i32
        %ge3A_776 = arith.cmpi sge, %add3A_604, %ge3A : i32
        %convert_element_type3A_777 = arith.extui %ge3A_776 : i1 to i32
        %cond3A_778 = arith.constant 0 : i32
        %cond3A_779 = arith.cmpi ne, %convert_element_type3A_777, %cond3A_778 : i32
        scf.if %cond3A_779 {
          %dma_wait3A_787 = arith.constant 1 : i32
          %dma_wait3A_788 = arith.constant 0 : i32
          %dma_wait3A_789 = tpu.memref_slice %arg10[%dma_wait3A_787, %dma_wait3A_788] : memref<2x100xi32, #tpu.memory_space<vmem>> -> memref<1x100xi32, #tpu.memory_space<vmem>>
          %dma_wait3A_790 = tpu.memref_squeeze %dma_wait3A_789 : memref<1x100xi32, #tpu.memory_space<vmem>> -> memref<100xi32, #tpu.memory_space<vmem>>
          %dma_wait3A_791 = arith.constant 0 : i32
          %dma_wait3A_792 = arith.constant 0 : i32
          %dma_wait3A_793 = tpu.memref_slice %arg14[%dma_wait3A_791, %dma_wait3A_792] : memref<10000x128xf32, #tpu.memory_space<vmem_shared>> -> memref<10000x128xf32, #tpu.memory_space<vmem_shared>>
          tpu.wait_indirect_dma semaphore(%arg26 : memref<!tpu.dma_semaphore, #tpu.memory_space<semaphore_mem>>) src(%arg13 : memref<100x128xf32, #tpu.memory_space<vmem>>) dst(%dma_wait3A_793 : memref<10000x128xf32, #tpu.memory_space<vmem_shared>>)
        } else {
        }
        %dma_start3A_780 = arith.constant 0 : i32
        %dma_start3A_781 = arith.constant 0 : i32
        %dma_start3A_782 = tpu.memref_slice %arg7[%dma_start3A_780, %dma_start3A_781] : memref<2x100xi32, #tpu.memory_space<vmem>> -> memref<1x100xi32, #tpu.memory_space<vmem>>
        %dma_start3A_783 = tpu.memref_squeeze %dma_start3A_782 : memref<1x100xi32, #tpu.memory_space<vmem>> -> memref<100xi32, #tpu.memory_space<vmem>>
        %dma_start3A_784 = arith.constant 0 : i32
        %dma_start3A_785 = arith.constant 0 : i32
        %dma_start3A_786 = tpu.memref_slice %arg2[%dma_start3A_784, %dma_start3A_785] : memref<10000x128xf32, #tpu.memory_space<hbm>> -> memref<10000x128xf32, #tpu.memory_space<hbm>>
        tpu.enqueue_indirect_dma source(%dma_start3A_786 : memref<10000x128xf32, #tpu.memory_space<hbm>>) target(%arg13 : memref<100x128xf32, #tpu.memory_space<vmem>>) offsets(%dma_start3A_783 : memref<100xi32, #tpu.memory_space<vmem>>) semaphore(%arg17 : memref<!tpu.dma_semaphore, #tpu.memory_space<semaphore_mem>>)
      } else {
      }
      %dma_start3A_614 = arith.constant 1 : i32
      %dma_start3A_615 = arith.constant 0 : i32
      %dma_start3A_616 = tpu.memref_slice %arg5[%dma_start3A_614, %dma_start3A_615] : memref<2x100xi32, #tpu.memory_space<vmem>> -> memref<1x100xi32, #tpu.memory_space<vmem>>
      %dma_start3A_617 = tpu.memref_squeeze %dma_start3A_616 : memref<1x100xi32, #tpu.memory_space<vmem>> -> memref<100xi32, #tpu.memory_space<vmem>>
      %dma_start3A_618 = arith.constant 0 : i32
      %dma_start3A_619 = arith.constant 0 : i32
      %dma_start3A_620 = tpu.memref_slice %arg14[%dma_start3A_618, %dma_start3A_619] : memref<10000x128xf32, #tpu.memory_space<vmem_shared>> -> memref<10000x128xf32, #tpu.memory_space<vmem_shared>>
      tpu.enqueue_indirect_dma source(%arg11 : memref<100x128xf32, #tpu.memory_space<vmem>>) target(%dma_start3A_620 : memref<10000x128xf32, #tpu.memory_space<vmem_shared>>) offsets(%dma_start3A_617 : memref<100xi32, #tpu.memory_space<vmem>>) semaphore(%arg24 : memref<!tpu.dma_semaphore, #tpu.memory_space<semaphore_mem>>) {add = true}
      %lt3A_621 = arith.constant 96 : i32
      %lt3A_622 = arith.cmpi slt, %add3A_604, %lt3A_621 : i32
      %convert_element_type3A_623 = arith.extui %lt3A_622 : i1 to i32
      %cond3A_624 = arith.constant 0 : i32
      %cond3A_625 = arith.cmpi ne, %convert_element_type3A_623, %cond3A_624 : i32
      scf.if %cond3A_625 {
        %add3A_766 = arith.constant 4 : i32
        %add3A_767 = arith.addi %add3A_604, %add3A_766 : i32
        %dma_start3A_768 = arith.constant 0 : i32
        %dma_start3A_769 = arith.constant 0 : i32
        %dma_start3A_770 = tpu.memref_slice %arg3[%add3A, %add3A_767, %dma_start3A_768, %dma_start3A_769] : memref<32x100x2x100xi32, #tpu.memory_space<hbm>> -> memref<1x1x2x100xi32, #tpu.memory_space<hbm>>
        %dma_start3A_771 = tpu.memref_squeeze %dma_start3A_770 : memref<1x1x2x100xi32, #tpu.memory_space<hbm>> -> memref<2x100xi32, #tpu.memory_space<hbm>>
        %dma_start3A_772 = arith.constant 0 : i32
        %dma_start3A_773 = arith.constant 0 : i32
        %dma_start3A_774 = tpu.memref_slice %arg3[%add3A, %add3A_767, %dma_start3A_772, %dma_start3A_773] : memref<32x100x2x100xi32, #tpu.memory_space<hbm>> -> memref<1x1x2x100xi32, #tpu.memory_space<hbm>>
        %dma_start3A_775 = tpu.memref_squeeze %dma_start3A_774 : memref<1x1x2x100xi32, #tpu.memory_space<hbm>> -> memref<2x100xi32, #tpu.memory_space<hbm>>
        tpu.enqueue_dma source(%dma_start3A_775 : memref<2x100xi32, #tpu.memory_space<hbm>>) target(%arg9 : memref<2x100xi32, #tpu.memory_space<vmem>>) target_semaphore(%arg22 : memref<!tpu.dma_semaphore, #tpu.memory_space<semaphore_mem>>)
      } else {
      }
      %mul3A_626 = arith.constant 6 : i32
      %mul3A_627 = arith.muli %mul3A_626, %scan3A_600 : i32
      %add3A_628 = arith.constant 1 : i32
      %add3A_629 = arith.addi %mul3A_627, %add3A_628 : i32
      %dma_wait3A_630 = arith.constant 0 : i32
      %dma_wait3A_631 = arith.constant 0 : i32
      %dma_wait3A_632 = tpu.memref_slice %arg6[%dma_wait3A_630, %dma_wait3A_631] : memref<2x100xi32, #tpu.memory_space<vmem>> -> memref<1x100xi32, #tpu.memory_space<vmem>>
      %dma_wait3A_633 = tpu.memref_squeeze %dma_wait3A_632 : memref<1x100xi32, #tpu.memory_space<vmem>> -> memref<100xi32, #tpu.memory_space<vmem>>
      %dma_wait3A_634 = arith.constant 0 : i32
      %dma_wait3A_635 = arith.constant 0 : i32
      %dma_wait3A_636 = tpu.memref_slice %arg2[%dma_wait3A_634, %dma_wait3A_635] : memref<10000x128xf32, #tpu.memory_space<hbm>> -> memref<10000x128xf32, #tpu.memory_space<hbm>>
      tpu.wait_indirect_dma semaphore(%arg16 : memref<!tpu.dma_semaphore, #tpu.memory_space<semaphore_mem>>) src(%dma_wait3A_636 : memref<10000x128xf32, #tpu.memory_space<hbm>>) dst(%arg12 : memref<100x128xf32, #tpu.memory_space<vmem>>)
      %lt3A_637 = arith.constant 98 : i32
      %lt3A_638 = arith.cmpi slt, %add3A_629, %lt3A_637 : i32
      %convert_element_type3A_639 = arith.extui %lt3A_638 : i1 to i32
      %cond3A_640 = arith.constant 0 : i32
      %cond3A_641 = arith.cmpi ne, %convert_element_type3A_639, %cond3A_640 : i32
      scf.if %cond3A_641 {
        %add3A_766 = arith.constant 2 : i32
        %add3A_767 = arith.addi %add3A_629, %add3A_766 : i32
        %dma_wait3A_768 = arith.constant 0 : i32
        %dma_wait3A_769 = arith.constant 0 : i32
        %dma_wait3A_770 = tpu.memref_slice %arg3[%add3A, %add3A_767, %dma_wait3A_768, %dma_wait3A_769] : memref<32x100x2x100xi32, #tpu.memory_space<hbm>> -> memref<1x1x2x100xi32, #tpu.memory_space<hbm>>
        %dma_wait3A_771 = tpu.memref_squeeze %dma_wait3A_770 : memref<1x1x2x100xi32, #tpu.memory_space<hbm>> -> memref<2x100xi32, #tpu.memory_space<hbm>>
        %dma_wait3A_772 = arith.constant 0 : i32
        %dma_wait3A_773 = arith.constant 0 : i32
        %dma_wait3A_774 = tpu.memref_slice %arg3[%add3A, %add3A_767, %dma_wait3A_772, %dma_wait3A_773] : memref<32x100x2x100xi32, #tpu.memory_space<hbm>> -> memref<1x1x2x100xi32, #tpu.memory_space<hbm>>
        %dma_wait3A_775 = tpu.memref_squeeze %dma_wait3A_774 : memref<1x1x2x100xi32, #tpu.memory_space<hbm>> -> memref<2x100xi32, #tpu.memory_space<hbm>>
        tpu.wait_dma2 semaphore(%arg21 : memref<!tpu.dma_semaphore, #tpu.memory_space<semaphore_mem>>) src(%dma_wait3A_775 : memref<2x100xi32, #tpu.memory_space<hbm>>) dst(%arg8 : memref<2x100xi32, #tpu.memory_space<vmem>>)
        %ge3A = arith.constant 1 : i32
        %ge3A_776 = arith.cmpi sge, %add3A_629, %ge3A : i32
        %convert_element_type3A_777 = arith.extui %ge3A_776 : i1 to i32
        %cond3A_778 = arith.constant 0 : i32
        %cond3A_779 = arith.cmpi ne, %convert_element_type3A_777, %cond3A_778 : i32
        scf.if %cond3A_779 {
          %dma_wait3A_787 = arith.constant 1 : i32
          %dma_wait3A_788 = arith.constant 0 : i32
          %dma_wait3A_789 = tpu.memref_slice %arg5[%dma_wait3A_787, %dma_wait3A_788] : memref<2x100xi32, #tpu.memory_space<vmem>> -> memref<1x100xi32, #tpu.memory_space<vmem>>
          %dma_wait3A_790 = tpu.memref_squeeze %dma_wait3A_789 : memref<1x100xi32, #tpu.memory_space<vmem>> -> memref<100xi32, #tpu.memory_space<vmem>>
          %dma_wait3A_791 = arith.constant 0 : i32
          %dma_wait3A_792 = arith.constant 0 : i32
          %dma_wait3A_793 = tpu.memref_slice %arg14[%dma_wait3A_791, %dma_wait3A_792] : memref<10000x128xf32, #tpu.memory_space<vmem_shared>> -> memref<10000x128xf32, #tpu.memory_space<vmem_shared>>
          tpu.wait_indirect_dma semaphore(%arg24 : memref<!tpu.dma_semaphore, #tpu.memory_space<semaphore_mem>>) src(%arg11 : memref<100x128xf32, #tpu.memory_space<vmem>>) dst(%dma_wait3A_793 : memref<10000x128xf32, #tpu.memory_space<vmem_shared>>)
        } else {
        }
        %dma_start3A_780 = arith.constant 0 : i32
        %dma_start3A_781 = arith.constant 0 : i32
        %dma_start3A_782 = tpu.memref_slice %arg8[%dma_start3A_780, %dma_start3A_781] : memref<2x100xi32, #tpu.memory_space<vmem>> -> memref<1x100xi32, #tpu.memory_space<vmem>>
        %dma_start3A_783 = tpu.memref_squeeze %dma_start3A_782 : memref<1x100xi32, #tpu.memory_space<vmem>> -> memref<100xi32, #tpu.memory_space<vmem>>
        %dma_start3A_784 = arith.constant 0 : i32
        %dma_start3A_785 = arith.constant 0 : i32
        %dma_start3A_786 = tpu.memref_slice %arg2[%dma_start3A_784, %dma_start3A_785] : memref<10000x128xf32, #tpu.memory_space<hbm>> -> memref<10000x128xf32, #tpu.memory_space<hbm>>
        tpu.enqueue_indirect_dma source(%dma_start3A_786 : memref<10000x128xf32, #tpu.memory_space<hbm>>) target(%arg11 : memref<100x128xf32, #tpu.memory_space<vmem>>) offsets(%dma_start3A_783 : memref<100xi32, #tpu.memory_space<vmem>>) semaphore(%arg15 : memref<!tpu.dma_semaphore, #tpu.memory_space<semaphore_mem>>)
      } else {
      }
      %dma_start3A_642 = arith.constant 1 : i32
      %dma_start3A_643 = arith.constant 0 : i32
      %dma_start3A_644 = tpu.memref_slice %arg6[%dma_start3A_642, %dma_start3A_643] : memref<2x100xi32, #tpu.memory_space<vmem>> -> memref<1x100xi32, #tpu.memory_space<vmem>>
      %dma_start3A_645 = tpu.memref_squeeze %dma_start3A_644 : memref<1x100xi32, #tpu.memory_space<vmem>> -> memref<100xi32, #tpu.memory_space<vmem>>
      %dma_start3A_646 = arith.constant 0 : i32
      %dma_start3A_647 = arith.constant 0 : i32
      %dma_start3A_648 = tpu.memref_slice %arg14[%dma_start3A_646, %dma_start3A_647] : memref<10000x128xf32, #tpu.memory_space<vmem_shared>> -> memref<10000x128xf32, #tpu.memory_space<vmem_shared>>
      tpu.enqueue_indirect_dma source(%arg12 : memref<100x128xf32, #tpu.memory_space<vmem>>) target(%dma_start3A_648 : memref<10000x128xf32, #tpu.memory_space<vmem_shared>>) offsets(%dma_start3A_645 : memref<100xi32, #tpu.memory_space<vmem>>) semaphore(%arg25 : memref<!tpu.dma_semaphore, #tpu.memory_space<semaphore_mem>>) {add = true}
      %lt3A_649 = arith.constant 96 : i32
      %lt3A_650 = arith.cmpi slt, %add3A_629, %lt3A_649 : i32
      %convert_element_type3A_651 = arith.extui %lt3A_650 : i1 to i32
      %cond3A_652 = arith.constant 0 : i32
      %cond3A_653 = arith.cmpi ne, %convert_element_type3A_651, %cond3A_652 : i32
      scf.if %cond3A_653 {
        %add3A_766 = arith.constant 4 : i32
        %add3A_767 = arith.addi %add3A_629, %add3A_766 : i32
        %dma_start3A_768 = arith.constant 0 : i32
        %dma_start3A_769 = arith.constant 0 : i32
        %dma_start3A_770 = tpu.memref_slice %arg3[%add3A, %add3A_767, %dma_start3A_768, %dma_start3A_769] : memref<32x100x2x100xi32, #tpu.memory_space<hbm>> -> memref<1x1x2x100xi32, #tpu.memory_space<hbm>>
        %dma_start3A_771 = tpu.memref_squeeze %dma_start3A_770 : memref<1x1x2x100xi32, #tpu.memory_space<hbm>> -> memref<2x100xi32, #tpu.memory_space<hbm>>
        %dma_start3A_772 = arith.constant 0 : i32
        %dma_start3A_773 = arith.constant 0 : i32
        %dma_start3A_774 = tpu.memref_slice %arg3[%add3A, %add3A_767, %dma_start3A_772, %dma_start3A_773] : memref<32x100x2x100xi32, #tpu.memory_space<hbm>> -> memref<1x1x2x100xi32, #tpu.memory_space<hbm>>
        %dma_start3A_775 = tpu.memref_squeeze %dma_start3A_774 : memref<1x1x2x100xi32, #tpu.memory_space<hbm>> -> memref<2x100xi32, #tpu.memory_space<hbm>>
        tpu.enqueue_dma source(%dma_start3A_775 : memref<2x100xi32, #tpu.memory_space<hbm>>) target(%arg10 : memref<2x100xi32, #tpu.memory_space<vmem>>) target_semaphore(%arg23 : memref<!tpu.dma_semaphore, #tpu.memory_space<semaphore_mem>>)
      } else {
      }
      %mul3A_654 = arith.constant 6 : i32
      %mul3A_655 = arith.muli %mul3A_654, %scan3A_600 : i32
      %add3A_656 = arith.constant 2 : i32
      %add3A_657 = arith.addi %mul3A_655, %add3A_656 : i32
      %dma_wait3A_658 = arith.constant 0 : i32
      %dma_wait3A_659 = arith.constant 0 : i32
      %dma_wait3A_660 = tpu.memref_slice %arg7[%dma_wait3A_658, %dma_wait3A_659] : memref<2x100xi32, #tpu.memory_space<vmem>> -> memref<1x100xi32, #tpu.memory_space<vmem>>
      %dma_wait3A_661 = tpu.memref_squeeze %dma_wait3A_660 : memref<1x100xi32, #tpu.memory_space<vmem>> -> memref<100xi32, #tpu.memory_space<vmem>>
      %dma_wait3A_662 = arith.constant 0 : i32
      %dma_wait3A_663 = arith.constant 0 : i32
      %dma_wait3A_664 = tpu.memref_slice %arg2[%dma_wait3A_662, %dma_wait3A_663] : memref<10000x128xf32, #tpu.memory_space<hbm>> -> memref<10000x128xf32, #tpu.memory_space<hbm>>
      tpu.wait_indirect_dma semaphore(%arg17 : memref<!tpu.dma_semaphore, #tpu.memory_space<semaphore_mem>>) src(%dma_wait3A_664 : memref<10000x128xf32, #tpu.memory_space<hbm>>) dst(%arg13 : memref<100x128xf32, #tpu.memory_space<vmem>>)
      %lt3A_665 = arith.constant 98 : i32
      %lt3A_666 = arith.cmpi slt, %add3A_657, %lt3A_665 : i32
      %convert_element_type3A_667 = arith.extui %lt3A_666 : i1 to i32
      %cond3A_668 = arith.constant 0 : i32
      %cond3A_669 = arith.cmpi ne, %convert_element_type3A_667, %cond3A_668 : i32
      scf.if %cond3A_669 {
        %add3A_766 = arith.constant 2 : i32
        %add3A_767 = arith.addi %add3A_657, %add3A_766 : i32
        %dma_wait3A_768 = arith.constant 0 : i32
        %dma_wait3A_769 = arith.constant 0 : i32
        %dma_wait3A_770 = tpu.memref_slice %arg3[%add3A, %add3A_767, %dma_wait3A_768, %dma_wait3A_769] : memref<32x100x2x100xi32, #tpu.memory_space<hbm>> -> memref<1x1x2x100xi32, #tpu.memory_space<hbm>>
        %dma_wait3A_771 = tpu.memref_squeeze %dma_wait3A_770 : memref<1x1x2x100xi32, #tpu.memory_space<hbm>> -> memref<2x100xi32, #tpu.memory_space<hbm>>
        %dma_wait3A_772 = arith.constant 0 : i32
        %dma_wait3A_773 = arith.constant 0 : i32
        %dma_wait3A_774 = tpu.memref_slice %arg3[%add3A, %add3A_767, %dma_wait3A_772, %dma_wait3A_773] : memref<32x100x2x100xi32, #tpu.memory_space<hbm>> -> memref<1x1x2x100xi32, #tpu.memory_space<hbm>>
        %dma_wait3A_775 = tpu.memref_squeeze %dma_wait3A_774 : memref<1x1x2x100xi32, #tpu.memory_space<hbm>> -> memref<2x100xi32, #tpu.memory_space<hbm>>
        tpu.wait_dma2 semaphore(%arg22 : memref<!tpu.dma_semaphore, #tpu.memory_space<semaphore_mem>>) src(%dma_wait3A_775 : memref<2x100xi32, #tpu.memory_space<hbm>>) dst(%arg9 : memref<2x100xi32, #tpu.memory_space<vmem>>)
        %ge3A = arith.constant 1 : i32
        %ge3A_776 = arith.cmpi sge, %add3A_657, %ge3A : i32
        %convert_element_type3A_777 = arith.extui %ge3A_776 : i1 to i32
        %cond3A_778 = arith.constant 0 : i32
        %cond3A_779 = arith.cmpi ne, %convert_element_type3A_777, %cond3A_778 : i32
        scf.if %cond3A_779 {
          %dma_wait3A_787 = arith.constant 1 : i32
          %dma_wait3A_788 = arith.constant 0 : i32
          %dma_wait3A_789 = tpu.memref_slice %arg6[%dma_wait3A_787, %dma_wait3A_788] : memref<2x100xi32, #tpu.memory_space<vmem>> -> memref<1x100xi32, #tpu.memory_space<vmem>>
          %dma_wait3A_790 = tpu.memref_squeeze %dma_wait3A_789 : memref<1x100xi32, #tpu.memory_space<vmem>> -> memref<100xi32, #tpu.memory_space<vmem>>
          %dma_wait3A_791 = arith.constant 0 : i32
          %dma_wait3A_792 = arith.constant 0 : i32
          %dma_wait3A_793 = tpu.memref_slice %arg14[%dma_wait3A_791, %dma_wait3A_792] : memref<10000x128xf32, #tpu.memory_space<vmem_shared>> -> memref<10000x128xf32, #tpu.memory_space<vmem_shared>>
          tpu.wait_indirect_dma semaphore(%arg25 : memref<!tpu.dma_semaphore, #tpu.memory_space<semaphore_mem>>) src(%arg12 : memref<100x128xf32, #tpu.memory_space<vmem>>) dst(%dma_wait3A_793 : memref<10000x128xf32, #tpu.memory_space<vmem_shared>>)
        } else {
        }
        %dma_start3A_780 = arith.constant 0 : i32
        %dma_start3A_781 = arith.constant 0 : i32
        %dma_start3A_782 = tpu.memref_slice %arg9[%dma_start3A_780, %dma_start3A_781] : memref<2x100xi32, #tpu.memory_space<vmem>> -> memref<1x100xi32, #tpu.memory_space<vmem>>
        %dma_start3A_783 = tpu.memref_squeeze %dma_start3A_782 : memref<1x100xi32, #tpu.memory_space<vmem>> -> memref<100xi32, #tpu.memory_space<vmem>>
        %dma_start3A_784 = arith.constant 0 : i32
        %dma_start3A_785 = arith.constant 0 : i32
        %dma_start3A_786 = tpu.memref_slice %arg2[%dma_start3A_784, %dma_start3A_785] : memref<10000x128xf32, #tpu.memory_space<hbm>> -> memref<10000x128xf32, #tpu.memory_space<hbm>>
        tpu.enqueue_indirect_dma source(%dma_start3A_786 : memref<10000x128xf32, #tpu.memory_space<hbm>>) target(%arg12 : memref<100x128xf32, #tpu.memory_space<vmem>>) offsets(%dma_start3A_783 : memref<100xi32, #tpu.memory_space<vmem>>) semaphore(%arg16 : memref<!tpu.dma_semaphore, #tpu.memory_space<semaphore_mem>>)
      } else {
      }
      %dma_start3A_670 = arith.constant 1 : i32
      %dma_start3A_671 = arith.constant 0 : i32
      %dma_start3A_672 = tpu.memref_slice %arg7[%dma_start3A_670, %dma_start3A_671] : memref<2x100xi32, #tpu.memory_space<vmem>> -> memref<1x100xi32, #tpu.memory_space<vmem>>
      %dma_start3A_673 = tpu.memref_squeeze %dma_start3A_672 : memref<1x100xi32, #tpu.memory_space<vmem>> -> memref<100xi32, #tpu.memory_space<vmem>>
      %dma_start3A_674 = arith.constant 0 : i32
      %dma_start3A_675 = arith.constant 0 : i32
      %dma_start3A_676 = tpu.memref_slice %arg14[%dma_start3A_674, %dma_start3A_675] : memref<10000x128xf32, #tpu.memory_space<vmem_shared>> -> memref<10000x128xf32, #tpu.memory_space<vmem_shared>>
      tpu.enqueue_indirect_dma source(%arg13 : memref<100x128xf32, #tpu.memory_space<vmem>>) target(%dma_start3A_676 : memref<10000x128xf32, #tpu.memory_space<vmem_shared>>) offsets(%dma_start3A_673 : memref<100xi32, #tpu.memory_space<vmem>>) semaphore(%arg26 : memref<!tpu.dma_semaphore, #tpu.memory_space<semaphore_mem>>) {add = true}
      %lt3A_677 = arith.constant 96 : i32
      %lt3A_678 = arith.cmpi slt, %add3A_657, %lt3A_677 : i32
      %convert_element_type3A_679 = arith.extui %lt3A_678 : i1 to i32
      %cond3A_680 = arith.constant 0 : i32
      %cond3A_681 = arith.cmpi ne, %convert_element_type3A_679, %cond3A_680 : i32
      scf.if %cond3A_681 {
        %add3A_766 = arith.constant 4 : i32
        %add3A_767 = arith.addi %add3A_657, %add3A_766 : i32
        %dma_start3A_768 = arith.constant 0 : i32
        %dma_start3A_769 = arith.constant 0 : i32
        %dma_start3A_770 = tpu.memref_slice %arg3[%add3A, %add3A_767, %dma_start3A_768, %dma_start3A_769] : memref<32x100x2x100xi32, #tpu.memory_space<hbm>> -> memref<1x1x2x100xi32, #tpu.memory_space<hbm>>
        %dma_start3A_771 = tpu.memref_squeeze %dma_start3A_770 : memref<1x1x2x100xi32, #tpu.memory_space<hbm>> -> memref<2x100xi32, #tpu.memory_space<hbm>>
        %dma_start3A_772 = arith.constant 0 : i32
        %dma_start3A_773 = arith.constant 0 : i32
        %dma_start3A_774 = tpu.memref_slice %arg3[%add3A, %add3A_767, %dma_start3A_772, %dma_start3A_773] : memref<32x100x2x100xi32, #tpu.memory_space<hbm>> -> memref<1x1x2x100xi32, #tpu.memory_space<hbm>>
        %dma_start3A_775 = tpu.memref_squeeze %dma_start3A_774 : memref<1x1x2x100xi32, #tpu.memory_space<hbm>> -> memref<2x100xi32, #tpu.memory_space<hbm>>
        tpu.enqueue_dma source(%dma_start3A_775 : memref<2x100xi32, #tpu.memory_space<hbm>>) target(%arg5 : memref<2x100xi32, #tpu.memory_space<vmem>>) target_semaphore(%arg18 : memref<!tpu.dma_semaphore, #tpu.memory_space<semaphore_mem>>)
      } else {
      }
      %mul3A_682 = arith.constant 6 : i32
      %mul3A_683 = arith.muli %mul3A_682, %scan3A_600 : i32
      %add3A_684 = arith.constant 3 : i32
      %add3A_685 = arith.addi %mul3A_683, %add3A_684 : i32
      %dma_wait3A_686 = arith.constant 0 : i32
      %dma_wait3A_687 = arith.constant 0 : i32
      %dma_wait3A_688 = tpu.memref_slice %arg8[%dma_wait3A_686, %dma_wait3A_687] : memref<2x100xi32, #tpu.memory_space<vmem>> -> memref<1x100xi32, #tpu.memory_space<vmem>>
      %dma_wait3A_689 = tpu.memref_squeeze %dma_wait3A_688 : memref<1x100xi32, #tpu.memory_space<vmem>> -> memref<100xi32, #tpu.memory_space<vmem>>
      %dma_wait3A_690 = arith.constant 0 : i32
      %dma_wait3A_691 = arith.constant 0 : i32
      %dma_wait3A_692 = tpu.memref_slice %arg2[%dma_wait3A_690, %dma_wait3A_691] : memref<10000x128xf32, #tpu.memory_space<hbm>> -> memref<10000x128xf32, #tpu.memory_space<hbm>>
      tpu.wait_indirect_dma semaphore(%arg15 : memref<!tpu.dma_semaphore, #tpu.memory_space<semaphore_mem>>) src(%dma_wait3A_692 : memref<10000x128xf32, #tpu.memory_space<hbm>>) dst(%arg11 : memref<100x128xf32, #tpu.memory_space<vmem>>)
      %lt3A_693 = arith.constant 98 : i32
      %lt3A_694 = arith.cmpi slt, %add3A_685, %lt3A_693 : i32
      %convert_element_type3A_695 = arith.extui %lt3A_694 : i1 to i32
      %cond3A_696 = arith.constant 0 : i32
      %cond3A_697 = arith.cmpi ne, %convert_element_type3A_695, %cond3A_696 : i32
      scf.if %cond3A_697 {
        %add3A_766 = arith.constant 2 : i32
        %add3A_767 = arith.addi %add3A_685, %add3A_766 : i32
        %dma_wait3A_768 = arith.constant 0 : i32
        %dma_wait3A_769 = arith.constant 0 : i32
        %dma_wait3A_770 = tpu.memref_slice %arg3[%add3A, %add3A_767, %dma_wait3A_768, %dma_wait3A_769] : memref<32x100x2x100xi32, #tpu.memory_space<hbm>> -> memref<1x1x2x100xi32, #tpu.memory_space<hbm>>
        %dma_wait3A_771 = tpu.memref_squeeze %dma_wait3A_770 : memref<1x1x2x100xi32, #tpu.memory_space<hbm>> -> memref<2x100xi32, #tpu.memory_space<hbm>>
        %dma_wait3A_772 = arith.constant 0 : i32
        %dma_wait3A_773 = arith.constant 0 : i32
        %dma_wait3A_774 = tpu.memref_slice %arg3[%add3A, %add3A_767, %dma_wait3A_772, %dma_wait3A_773] : memref<32x100x2x100xi32, #tpu.memory_space<hbm>> -> memref<1x1x2x100xi32, #tpu.memory_space<hbm>>
        %dma_wait3A_775 = tpu.memref_squeeze %dma_wait3A_774 : memref<1x1x2x100xi32, #tpu.memory_space<hbm>> -> memref<2x100xi32, #tpu.memory_space<hbm>>
        tpu.wait_dma2 semaphore(%arg23 : memref<!tpu.dma_semaphore, #tpu.memory_space<semaphore_mem>>) src(%dma_wait3A_775 : memref<2x100xi32, #tpu.memory_space<hbm>>) dst(%arg10 : memref<2x100xi32, #tpu.memory_space<vmem>>)
        %ge3A = arith.constant 1 : i32
        %ge3A_776 = arith.cmpi sge, %add3A_685, %ge3A : i32
        %convert_element_type3A_777 = arith.extui %ge3A_776 : i1 to i32
        %cond3A_778 = arith.constant 0 : i32
        %cond3A_779 = arith.cmpi ne, %convert_element_type3A_777, %cond3A_778 : i32
        scf.if %cond3A_779 {
          %dma_wait3A_787 = arith.constant 1 : i32
          %dma_wait3A_788 = arith.constant 0 : i32
          %dma_wait3A_789 = tpu.memref_slice %arg7[%dma_wait3A_787, %dma_wait3A_788] : memref<2x100xi32, #tpu.memory_space<vmem>> -> memref<1x100xi32, #tpu.memory_space<vmem>>
          %dma_wait3A_790 = tpu.memref_squeeze %dma_wait3A_789 : memref<1x100xi32, #tpu.memory_space<vmem>> -> memref<100xi32, #tpu.memory_space<vmem>>
          %dma_wait3A_791 = arith.constant 0 : i32
          %dma_wait3A_792 = arith.constant 0 : i32
          %dma_wait3A_793 = tpu.memref_slice %arg14[%dma_wait3A_791, %dma_wait3A_792] : memref<10000x128xf32, #tpu.memory_space<vmem_shared>> -> memref<10000x128xf32, #tpu.memory_space<vmem_shared>>
          tpu.wait_indirect_dma semaphore(%arg26 : memref<!tpu.dma_semaphore, #tpu.memory_space<semaphore_mem>>) src(%arg13 : memref<100x128xf32, #tpu.memory_space<vmem>>) dst(%dma_wait3A_793 : memref<10000x128xf32, #tpu.memory_space<vmem_shared>>)
        } else {
        }
        %dma_start3A_780 = arith.constant 0 : i32
        %dma_start3A_781 = arith.constant 0 : i32
        %dma_start3A_782 = tpu.memref_slice %arg10[%dma_start3A_780, %dma_start3A_781] : memref<2x100xi32, #tpu.memory_space<vmem>> -> memref<1x100xi32, #tpu.memory_space<vmem>>
        %dma_start3A_783 = tpu.memref_squeeze %dma_start3A_782 : memref<1x100xi32, #tpu.memory_space<vmem>> -> memref<100xi32, #tpu.memory_space<vmem>>
        %dma_start3A_784 = arith.constant 0 : i32
        %dma_start3A_785 = arith.constant 0 : i32
        %dma_start3A_786 = tpu.memref_slice %arg2[%dma_start3A_784, %dma_start3A_785] : memref<10000x128xf32, #tpu.memory_space<hbm>> -> memref<10000x128xf32, #tpu.memory_space<hbm>>
        tpu.enqueue_indirect_dma source(%dma_start3A_786 : memref<10000x128xf32, #tpu.memory_space<hbm>>) target(%arg13 : memref<100x128xf32, #tpu.memory_space<vmem>>) offsets(%dma_start3A_783 : memref<100xi32, #tpu.memory_space<vmem>>) semaphore(%arg17 : memref<!tpu.dma_semaphore, #tpu.memory_space<semaphore_mem>>)
      } else {
      }
      %dma_start3A_698 = arith.constant 1 : i32
      %dma_start3A_699 = arith.constant 0 : i32
      %dma_start3A_700 = tpu.memref_slice %arg8[%dma_start3A_698, %dma_start3A_699] : memref<2x100xi32, #tpu.memory_space<vmem>> -> memref<1x100xi32, #tpu.memory_space<vmem>>
      %dma_start3A_701 = tpu.memref_squeeze %dma_start3A_700 : memref<1x100xi32, #tpu.memory_space<vmem>> -> memref<100xi32, #tpu.memory_space<vmem>>
      %dma_start3A_702 = arith.constant 0 : i32
      %dma_start3A_703 = arith.constant 0 : i32
      %dma_start3A_704 = tpu.memref_slice %arg14[%dma_start3A_702, %dma_start3A_703] : memref<10000x128xf32, #tpu.memory_space<vmem_shared>> -> memref<10000x128xf32, #tpu.memory_space<vmem_shared>>
      tpu.enqueue_indirect_dma source(%arg11 : memref<100x128xf32, #tpu.memory_space<vmem>>) target(%dma_start3A_704 : memref<10000x128xf32, #tpu.memory_space<vmem_shared>>) offsets(%dma_start3A_701 : memref<100xi32, #tpu.memory_space<vmem>>) semaphore(%arg24 : memref<!tpu.dma_semaphore, #tpu.memory_space<semaphore_mem>>) {add = true}
      %lt3A_705 = arith.constant 96 : i32
      %lt3A_706 = arith.cmpi slt, %add3A_685, %lt3A_705 : i32
      %convert_element_type3A_707 = arith.extui %lt3A_706 : i1 to i32
      %cond3A_708 = arith.constant 0 : i32
      %cond3A_709 = arith.cmpi ne, %convert_element_type3A_707, %cond3A_708 : i32
      scf.if %cond3A_709 {
        %add3A_766 = arith.constant 4 : i32
        %add3A_767 = arith.addi %add3A_685, %add3A_766 : i32
        %dma_start3A_768 = arith.constant 0 : i32
        %dma_start3A_769 = arith.constant 0 : i32
        %dma_start3A_770 = tpu.memref_slice %arg3[%add3A, %add3A_767, %dma_start3A_768, %dma_start3A_769] : memref<32x100x2x100xi32, #tpu.memory_space<hbm>> -> memref<1x1x2x100xi32, #tpu.memory_space<hbm>>
        %dma_start3A_771 = tpu.memref_squeeze %dma_start3A_770 : memref<1x1x2x100xi32, #tpu.memory_space<hbm>> -> memref<2x100xi32, #tpu.memory_space<hbm>>
        %dma_start3A_772 = arith.constant 0 : i32
        %dma_start3A_773 = arith.constant 0 : i32
        %dma_start3A_774 = tpu.memref_slice %arg3[%add3A, %add3A_767, %dma_start3A_772, %dma_start3A_773] : memref<32x100x2x100xi32, #tpu.memory_space<hbm>> -> memref<1x1x2x100xi32, #tpu.memory_space<hbm>>
        %dma_start3A_775 = tpu.memref_squeeze %dma_start3A_774 : memref<1x1x2x100xi32, #tpu.memory_space<hbm>> -> memref<2x100xi32, #tpu.memory_space<hbm>>
        tpu.enqueue_dma source(%dma_start3A_775 : memref<2x100xi32, #tpu.memory_space<hbm>>) target(%arg6 : memref<2x100xi32, #tpu.memory_space<vmem>>) target_semaphore(%arg19 : memref<!tpu.dma_semaphore, #tpu.memory_space<semaphore_mem>>)
      } else {
      }
      %mul3A_710 = arith.constant 6 : i32
      %mul3A_711 = arith.muli %mul3A_710, %scan3A_600 : i32
      %add3A_712 = arith.constant 4 : i32
      %add3A_713 = arith.addi %mul3A_711, %add3A_712 : i32
      %dma_wait3A_714 = arith.constant 0 : i32
      %dma_wait3A_715 = arith.constant 0 : i32
      %dma_wait3A_716 = tpu.memref_slice %arg9[%dma_wait3A_714, %dma_wait3A_715] : memref<2x100xi32, #tpu.memory_space<vmem>> -> memref<1x100xi32, #tpu.memory_space<vmem>>
      %dma_wait3A_717 = tpu.memref_squeeze %dma_wait3A_716 : memref<1x100xi32, #tpu.memory_space<vmem>> -> memref<100xi32, #tpu.memory_space<vmem>>
      %dma_wait3A_718 = arith.constant 0 : i32
      %dma_wait3A_719 = arith.constant 0 : i32
      %dma_wait3A_720 = tpu.memref_slice %arg2[%dma_wait3A_718, %dma_wait3A_719] : memref<10000x128xf32, #tpu.memory_space<hbm>> -> memref<10000x128xf32, #tpu.memory_space<hbm>>
      tpu.wait_indirect_dma semaphore(%arg16 : memref<!tpu.dma_semaphore, #tpu.memory_space<semaphore_mem>>) src(%dma_wait3A_720 : memref<10000x128xf32, #tpu.memory_space<hbm>>) dst(%arg12 : memref<100x128xf32, #tpu.memory_space<vmem>>)
      %lt3A_721 = arith.constant 98 : i32
      %lt3A_722 = arith.cmpi slt, %add3A_713, %lt3A_721 : i32
      %convert_element_type3A_723 = arith.extui %lt3A_722 : i1 to i32
      %cond3A_724 = arith.constant 0 : i32
      %cond3A_725 = arith.cmpi ne, %convert_element_type3A_723, %cond3A_724 : i32
      scf.if %cond3A_725 {
        %add3A_766 = arith.constant 2 : i32
        %add3A_767 = arith.addi %add3A_713, %add3A_766 : i32
        %dma_wait3A_768 = arith.constant 0 : i32
        %dma_wait3A_769 = arith.constant 0 : i32
        %dma_wait3A_770 = tpu.memref_slice %arg3[%add3A, %add3A_767, %dma_wait3A_768, %dma_wait3A_769] : memref<32x100x2x100xi32, #tpu.memory_space<hbm>> -> memref<1x1x2x100xi32, #tpu.memory_space<hbm>>
        %dma_wait3A_771 = tpu.memref_squeeze %dma_wait3A_770 : memref<1x1x2x100xi32, #tpu.memory_space<hbm>> -> memref<2x100xi32, #tpu.memory_space<hbm>>
        %dma_wait3A_772 = arith.constant 0 : i32
        %dma_wait3A_773 = arith.constant 0 : i32
        %dma_wait3A_774 = tpu.memref_slice %arg3[%add3A, %add3A_767, %dma_wait3A_772, %dma_wait3A_773] : memref<32x100x2x100xi32, #tpu.memory_space<hbm>> -> memref<1x1x2x100xi32, #tpu.memory_space<hbm>>
        %dma_wait3A_775 = tpu.memref_squeeze %dma_wait3A_774 : memref<1x1x2x100xi32, #tpu.memory_space<hbm>> -> memref<2x100xi32, #tpu.memory_space<hbm>>
        tpu.wait_dma2 semaphore(%arg18 : memref<!tpu.dma_semaphore, #tpu.memory_space<semaphore_mem>>) src(%dma_wait3A_775 : memref<2x100xi32, #tpu.memory_space<hbm>>) dst(%arg5 : memref<2x100xi32, #tpu.memory_space<vmem>>)
        %ge3A = arith.constant 1 : i32
        %ge3A_776 = arith.cmpi sge, %add3A_713, %ge3A : i32
        %convert_element_type3A_777 = arith.extui %ge3A_776 : i1 to i32
        %cond3A_778 = arith.constant 0 : i32
        %cond3A_779 = arith.cmpi ne, %convert_element_type3A_777, %cond3A_778 : i32
        scf.if %cond3A_779 {
          %dma_wait3A_787 = arith.constant 1 : i32
          %dma_wait3A_788 = arith.constant 0 : i32
          %dma_wait3A_789 = tpu.memref_slice %arg8[%dma_wait3A_787, %dma_wait3A_788] : memref<2x100xi32, #tpu.memory_space<vmem>> -> memref<1x100xi32, #tpu.memory_space<vmem>>
          %dma_wait3A_790 = tpu.memref_squeeze %dma_wait3A_789 : memref<1x100xi32, #tpu.memory_space<vmem>> -> memref<100xi32, #tpu.memory_space<vmem>>
          %dma_wait3A_791 = arith.constant 0 : i32
          %dma_wait3A_792 = arith.constant 0 : i32
          %dma_wait3A_793 = tpu.memref_slice %arg14[%dma_wait3A_791, %dma_wait3A_792] : memref<10000x128xf32, #tpu.memory_space<vmem_shared>> -> memref<10000x128xf32, #tpu.memory_space<vmem_shared>>
          tpu.wait_indirect_dma semaphore(%arg24 : memref<!tpu.dma_semaphore, #tpu.memory_space<semaphore_mem>>) src(%arg11 : memref<100x128xf32, #tpu.memory_space<vmem>>) dst(%dma_wait3A_793 : memref<10000x128xf32, #tpu.memory_space<vmem_shared>>)
        } else {
        }
        %dma_start3A_780 = arith.constant 0 : i32
        %dma_start3A_781 = arith.constant 0 : i32
        %dma_start3A_782 = tpu.memref_slice %arg5[%dma_start3A_780, %dma_start3A_781] : memref<2x100xi32, #tpu.memory_space<vmem>> -> memref<1x100xi32, #tpu.memory_space<vmem>>
        %dma_start3A_783 = tpu.memref_squeeze %dma_start3A_782 : memref<1x100xi32, #tpu.memory_space<vmem>> -> memref<100xi32, #tpu.memory_space<vmem>>
        %dma_start3A_784 = arith.constant 0 : i32
        %dma_start3A_785 = arith.constant 0 : i32
        %dma_start3A_786 = tpu.memref_slice %arg2[%dma_start3A_784, %dma_start3A_785] : memref<10000x128xf32, #tpu.memory_space<hbm>> -> memref<10000x128xf32, #tpu.memory_space<hbm>>
        tpu.enqueue_indirect_dma source(%dma_start3A_786 : memref<10000x128xf32, #tpu.memory_space<hbm>>) target(%arg11 : memref<100x128xf32, #tpu.memory_space<vmem>>) offsets(%dma_start3A_783 : memref<100xi32, #tpu.memory_space<vmem>>) semaphore(%arg15 : memref<!tpu.dma_semaphore, #tpu.memory_space<semaphore_mem>>)
      } else {
      }
      %dma_start3A_726 = arith.constant 1 : i32
      %dma_start3A_727 = arith.constant 0 : i32
      %dma_start3A_728 = tpu.memref_slice %arg9[%dma_start3A_726, %dma_start3A_727] : memref<2x100xi32, #tpu.memory_space<vmem>> -> memref<1x100xi32, #tpu.memory_space<vmem>>
      %dma_start3A_729 = tpu.memref_squeeze %dma_start3A_728 : memref<1x100xi32, #tpu.memory_space<vmem>> -> memref<100xi32, #tpu.memory_space<vmem>>
      %dma_start3A_730 = arith.constant 0 : i32
      %dma_start3A_731 = arith.constant 0 : i32
      %dma_start3A_732 = tpu.memref_slice %arg14[%dma_start3A_730, %dma_start3A_731] : memref<10000x128xf32, #tpu.memory_space<vmem_shared>> -> memref<10000x128xf32, #tpu.memory_space<vmem_shared>>
      tpu.enqueue_indirect_dma source(%arg12 : memref<100x128xf32, #tpu.memory_space<vmem>>) target(%dma_start3A_732 : memref<10000x128xf32, #tpu.memory_space<vmem_shared>>) offsets(%dma_start3A_729 : memref<100xi32, #tpu.memory_space<vmem>>) semaphore(%arg25 : memref<!tpu.dma_semaphore, #tpu.memory_space<semaphore_mem>>) {add = true}
      %lt3A_733 = arith.constant 96 : i32
      %lt3A_734 = arith.cmpi slt, %add3A_713, %lt3A_733 : i32
      %convert_element_type3A_735 = arith.extui %lt3A_734 : i1 to i32
      %cond3A_736 = arith.constant 0 : i32
      %cond3A_737 = arith.cmpi ne, %convert_element_type3A_735, %cond3A_736 : i32
      scf.if %cond3A_737 {
        %add3A_766 = arith.constant 4 : i32
        %add3A_767 = arith.addi %add3A_713, %add3A_766 : i32
        %dma_start3A_768 = arith.constant 0 : i32
        %dma_start3A_769 = arith.constant 0 : i32
        %dma_start3A_770 = tpu.memref_slice %arg3[%add3A, %add3A_767, %dma_start3A_768, %dma_start3A_769] : memref<32x100x2x100xi32, #tpu.memory_space<hbm>> -> memref<1x1x2x100xi32, #tpu.memory_space<hbm>>
        %dma_start3A_771 = tpu.memref_squeeze %dma_start3A_770 : memref<1x1x2x100xi32, #tpu.memory_space<hbm>> -> memref<2x100xi32, #tpu.memory_space<hbm>>
        %dma_start3A_772 = arith.constant 0 : i32
        %dma_start3A_773 = arith.constant 0 : i32
        %dma_start3A_774 = tpu.memref_slice %arg3[%add3A, %add3A_767, %dma_start3A_772, %dma_start3A_773] : memref<32x100x2x100xi32, #tpu.memory_space<hbm>> -> memref<1x1x2x100xi32, #tpu.memory_space<hbm>>
        %dma_start3A_775 = tpu.memref_squeeze %dma_start3A_774 : memref<1x1x2x100xi32, #tpu.memory_space<hbm>> -> memref<2x100xi32, #tpu.memory_space<hbm>>
        tpu.enqueue_dma source(%dma_start3A_775 : memref<2x100xi32, #tpu.memory_space<hbm>>) target(%arg7 : memref<2x100xi32, #tpu.memory_space<vmem>>) target_semaphore(%arg20 : memref<!tpu.dma_semaphore, #tpu.memory_space<semaphore_mem>>)
      } else {
      }
      %mul3A_738 = arith.constant 6 : i32
      %mul3A_739 = arith.muli %mul3A_738, %scan3A_600 : i32
      %add3A_740 = arith.constant 5 : i32
      %add3A_741 = arith.addi %mul3A_739, %add3A_740 : i32
      %dma_wait3A_742 = arith.constant 0 : i32
      %dma_wait3A_743 = arith.constant 0 : i32
      %dma_wait3A_744 = tpu.memref_slice %arg10[%dma_wait3A_742, %dma_wait3A_743] : memref<2x100xi32, #tpu.memory_space<vmem>> -> memref<1x100xi32, #tpu.memory_space<vmem>>
      %dma_wait3A_745 = tpu.memref_squeeze %dma_wait3A_744 : memref<1x100xi32, #tpu.memory_space<vmem>> -> memref<100xi32, #tpu.memory_space<vmem>>
      %dma_wait3A_746 = arith.constant 0 : i32
      %dma_wait3A_747 = arith.constant 0 : i32
      %dma_wait3A_748 = tpu.memref_slice %arg2[%dma_wait3A_746, %dma_wait3A_747] : memref<10000x128xf32, #tpu.memory_space<hbm>> -> memref<10000x128xf32, #tpu.memory_space<hbm>>
      tpu.wait_indirect_dma semaphore(%arg17 : memref<!tpu.dma_semaphore, #tpu.memory_space<semaphore_mem>>) src(%dma_wait3A_748 : memref<10000x128xf32, #tpu.memory_space<hbm>>) dst(%arg13 : memref<100x128xf32, #tpu.memory_space<vmem>>)
      %lt3A_749 = arith.constant 98 : i32
      %lt3A_750 = arith.cmpi slt, %add3A_741, %lt3A_749 : i32
      %convert_element_type3A_751 = arith.extui %lt3A_750 : i1 to i32
      %cond3A_752 = arith.constant 0 : i32
      %cond3A_753 = arith.cmpi ne, %convert_element_type3A_751, %cond3A_752 : i32
      scf.if %cond3A_753 {
        %add3A_766 = arith.constant 2 : i32
        %add3A_767 = arith.addi %add3A_741, %add3A_766 : i32
        %dma_wait3A_768 = arith.constant 0 : i32
        %dma_wait3A_769 = arith.constant 0 : i32
        %dma_wait3A_770 = tpu.memref_slice %arg3[%add3A, %add3A_767, %dma_wait3A_768, %dma_wait3A_769] : memref<32x100x2x100xi32, #tpu.memory_space<hbm>> -> memref<1x1x2x100xi32, #tpu.memory_space<hbm>>
        %dma_wait3A_771 = tpu.memref_squeeze %dma_wait3A_770 : memref<1x1x2x100xi32, #tpu.memory_space<hbm>> -> memref<2x100xi32, #tpu.memory_space<hbm>>
        %dma_wait3A_772 = arith.constant 0 : i32
        %dma_wait3A_773 = arith.constant 0 : i32
        %dma_wait3A_774 = tpu.memref_slice %arg3[%add3A, %add3A_767, %dma_wait3A_772, %dma_wait3A_773] : memref<32x100x2x100xi32, #tpu.memory_space<hbm>> -> memref<1x1x2x100xi32, #tpu.memory_space<hbm>>
        %dma_wait3A_775 = tpu.memref_squeeze %dma_wait3A_774 : memref<1x1x2x100xi32, #tpu.memory_space<hbm>> -> memref<2x100xi32, #tpu.memory_space<hbm>>
        tpu.wait_dma2 semaphore(%arg19 : memref<!tpu.dma_semaphore, #tpu.memory_space<semaphore_mem>>) src(%dma_wait3A_775 : memref<2x100xi32, #tpu.memory_space<hbm>>) dst(%arg6 : memref<2x100xi32, #tpu.memory_space<vmem>>)
        %ge3A = arith.constant 1 : i32
        %ge3A_776 = arith.cmpi sge, %add3A_741, %ge3A : i32
        %convert_element_type3A_777 = arith.extui %ge3A_776 : i1 to i32
        %cond3A_778 = arith.constant 0 : i32
        %cond3A_779 = arith.cmpi ne, %convert_element_type3A_777, %cond3A_778 : i32
        scf.if %cond3A_779 {
          %dma_wait3A_787 = arith.constant 1 : i32
          %dma_wait3A_788 = arith.constant 0 : i32
          %dma_wait3A_789 = tpu.memref_slice %arg9[%dma_wait3A_787, %dma_wait3A_788] : memref<2x100xi32, #tpu.memory_space<vmem>> -> memref<1x100xi32, #tpu.memory_space<vmem>>
          %dma_wait3A_790 = tpu.memref_squeeze %dma_wait3A_789 : memref<1x100xi32, #tpu.memory_space<vmem>> -> memref<100xi32, #tpu.memory_space<vmem>>
          %dma_wait3A_791 = arith.constant 0 : i32
          %dma_wait3A_792 = arith.constant 0 : i32
          %dma_wait3A_793 = tpu.memref_slice %arg14[%dma_wait3A_791, %dma_wait3A_792] : memref<10000x128xf32, #tpu.memory_space<vmem_shared>> -> memref<10000x128xf32, #tpu.memory_space<vmem_shared>>
          tpu.wait_indirect_dma semaphore(%arg25 : memref<!tpu.dma_semaphore, #tpu.memory_space<semaphore_mem>>) src(%arg12 : memref<100x128xf32, #tpu.memory_space<vmem>>) dst(%dma_wait3A_793 : memref<10000x128xf32, #tpu.memory_space<vmem_shared>>)
        } else {
        }
        %dma_start3A_780 = arith.constant 0 : i32
        %dma_start3A_781 = arith.constant 0 : i32
        %dma_start3A_782 = tpu.memref_slice %arg6[%dma_start3A_780, %dma_start3A_781] : memref<2x100xi32, #tpu.memory_space<vmem>> -> memref<1x100xi32, #tpu.memory_space<vmem>>
        %dma_start3A_783 = tpu.memref_squeeze %dma_start3A_782 : memref<1x100xi32, #tpu.memory_space<vmem>> -> memref<100xi32, #tpu.memory_space<vmem>>
        %dma_start3A_784 = arith.constant 0 : i32
        %dma_start3A_785 = arith.constant 0 : i32
        %dma_start3A_786 = tpu.memref_slice %arg2[%dma_start3A_784, %dma_start3A_785] : memref<10000x128xf32, #tpu.memory_space<hbm>> -> memref<10000x128xf32, #tpu.memory_space<hbm>>
        tpu.enqueue_indirect_dma source(%dma_start3A_786 : memref<10000x128xf32, #tpu.memory_space<hbm>>) target(%arg12 : memref<100x128xf32, #tpu.memory_space<vmem>>) offsets(%dma_start3A_783 : memref<100xi32, #tpu.memory_space<vmem>>) semaphore(%arg16 : memref<!tpu.dma_semaphore, #tpu.memory_space<semaphore_mem>>)
      } else {
      }
      %dma_start3A_754 = arith.constant 1 : i32
      %dma_start3A_755 = arith.constant 0 : i32
      %dma_start3A_756 = tpu.memref_slice %arg10[%dma_start3A_754, %dma_start3A_755] : memref<2x100xi32, #tpu.memory_space<vmem>> -> memref<1x100xi32, #tpu.memory_space<vmem>>
      %dma_start3A_757 = tpu.memref_squeeze %dma_start3A_756 : memref<1x100xi32, #tpu.memory_space<vmem>> -> memref<100xi32, #tpu.memory_space<vmem>>
      %dma_start3A_758 = arith.constant 0 : i32
      %dma_start3A_759 = arith.constant 0 : i32
      %dma_start3A_760 = tpu.memref_slice %arg14[%dma_start3A_758, %dma_start3A_759] : memref<10000x128xf32, #tpu.memory_space<vmem_shared>> -> memref<10000x128xf32, #tpu.memory_space<vmem_shared>>
      tpu.enqueue_indirect_dma source(%arg13 : memref<100x128xf32, #tpu.memory_space<vmem>>) target(%dma_start3A_760 : memref<10000x128xf32, #tpu.memory_space<vmem_shared>>) offsets(%dma_start3A_757 : memref<100xi32, #tpu.memory_space<vmem>>) semaphore(%arg26 : memref<!tpu.dma_semaphore, #tpu.memory_space<semaphore_mem>>) {add = true}
      %lt3A_761 = arith.constant 96 : i32
      %lt3A_762 = arith.cmpi slt, %add3A_741, %lt3A_761 : i32
      %convert_element_type3A_763 = arith.extui %lt3A_762 : i1 to i32
      %cond3A_764 = arith.constant 0 : i32
      %cond3A_765 = arith.cmpi ne, %convert_element_type3A_763, %cond3A_764 : i32
      scf.if %cond3A_765 {
        %add3A_766 = arith.constant 4 : i32
        %add3A_767 = arith.addi %add3A_741, %add3A_766 : i32
        %dma_start3A_768 = arith.constant 0 : i32
        %dma_start3A_769 = arith.constant 0 : i32
        %dma_start3A_770 = tpu.memref_slice %arg3[%add3A, %add3A_767, %dma_start3A_768, %dma_start3A_769] : memref<32x100x2x100xi32, #tpu.memory_space<hbm>> -> memref<1x1x2x100xi32, #tpu.memory_space<hbm>>
        %dma_start3A_771 = tpu.memref_squeeze %dma_start3A_770 : memref<1x1x2x100xi32, #tpu.memory_space<hbm>> -> memref<2x100xi32, #tpu.memory_space<hbm>>
        %dma_start3A_772 = arith.constant 0 : i32
        %dma_start3A_773 = arith.constant 0 : i32
        %dma_start3A_774 = tpu.memref_slice %arg3[%add3A, %add3A_767, %dma_start3A_772, %dma_start3A_773] : memref<32x100x2x100xi32, #tpu.memory_space<hbm>> -> memref<1x1x2x100xi32, #tpu.memory_space<hbm>>
        %dma_start3A_775 = tpu.memref_squeeze %dma_start3A_774 : memref<1x1x2x100xi32, #tpu.memory_space<hbm>> -> memref<2x100xi32, #tpu.memory_space<hbm>>
        tpu.enqueue_dma source(%dma_start3A_775 : memref<2x100xi32, #tpu.memory_space<hbm>>) target(%arg8 : memref<2x100xi32, #tpu.memory_space<vmem>>) target_semaphore(%arg21 : memref<!tpu.dma_semaphore, #tpu.memory_space<semaphore_mem>>)
      } else {
      }
    }
    %scan3A_265 = arith.constant 16 : i32
    %dma_wait3A_266 = arith.constant 0 : i32
    %dma_wait3A_267 = arith.constant 0 : i32
    %dma_wait3A_268 = tpu.memref_slice %arg5[%dma_wait3A_266, %dma_wait3A_267] : memref<2x100xi32, #tpu.memory_space<vmem>> -> memref<1x100xi32, #tpu.memory_space<vmem>>
    %dma_wait3A_269 = tpu.memref_squeeze %dma_wait3A_268 : memref<1x100xi32, #tpu.memory_space<vmem>> -> memref<100xi32, #tpu.memory_space<vmem>>
    %dma_wait3A_270 = arith.constant 0 : i32
    %dma_wait3A_271 = arith.constant 0 : i32
    %dma_wait3A_272 = tpu.memref_slice %arg2[%dma_wait3A_270, %dma_wait3A_271] : memref<10000x128xf32, #tpu.memory_space<hbm>> -> memref<10000x128xf32, #tpu.memory_space<hbm>>
    tpu.wait_indirect_dma semaphore(%arg15 : memref<!tpu.dma_semaphore, #tpu.memory_space<semaphore_mem>>) src(%dma_wait3A_272 : memref<10000x128xf32, #tpu.memory_space<hbm>>) dst(%arg11 : memref<100x128xf32, #tpu.memory_space<vmem>>)
    %dma_wait3A_273 = arith.constant 98 : i32
    %dma_wait3A_274 = arith.constant 0 : i32
    %dma_wait3A_275 = arith.constant 0 : i32
    %dma_wait3A_276 = tpu.memref_slice %arg3[%add3A, %dma_wait3A_273, %dma_wait3A_274, %dma_wait3A_275] : memref<32x100x2x100xi32, #tpu.memory_space<hbm>> -> memref<1x1x2x100xi32, #tpu.memory_space<hbm>>
    %dma_wait3A_277 = tpu.memref_squeeze %dma_wait3A_276 : memref<1x1x2x100xi32, #tpu.memory_space<hbm>> -> memref<2x100xi32, #tpu.memory_space<hbm>>
    %dma_wait3A_278 = arith.constant 0 : i32
    %dma_wait3A_279 = arith.constant 0 : i32
    %dma_wait3A_280 = tpu.memref_slice %arg3[%add3A, %dma_wait3A_273, %dma_wait3A_278, %dma_wait3A_279] : memref<32x100x2x100xi32, #tpu.memory_space<hbm>> -> memref<1x1x2x100xi32, #tpu.memory_space<hbm>>
    %dma_wait3A_281 = tpu.memref_squeeze %dma_wait3A_280 : memref<1x1x2x100xi32, #tpu.memory_space<hbm>> -> memref<2x100xi32, #tpu.memory_space<hbm>>
    tpu.wait_dma2 semaphore(%arg20 : memref<!tpu.dma_semaphore, #tpu.memory_space<semaphore_mem>>) src(%dma_wait3A_281 : memref<2x100xi32, #tpu.memory_space<hbm>>) dst(%arg7 : memref<2x100xi32, #tpu.memory_space<vmem>>)
    %dma_wait3A_282 = arith.constant 1 : i32
    %dma_wait3A_283 = arith.constant 0 : i32
    %dma_wait3A_284 = tpu.memref_slice %arg10[%dma_wait3A_282, %dma_wait3A_283] : memref<2x100xi32, #tpu.memory_space<vmem>> -> memref<1x100xi32, #tpu.memory_space<vmem>>
    %dma_wait3A_285 = tpu.memref_squeeze %dma_wait3A_284 : memref<1x100xi32, #tpu.memory_space<vmem>> -> memref<100xi32, #tpu.memory_space<vmem>>
    %dma_wait3A_286 = arith.constant 0 : i32
    %dma_wait3A_287 = arith.constant 0 : i32
    %dma_wait3A_288 = tpu.memref_slice %arg14[%dma_wait3A_286, %dma_wait3A_287] : memref<10000x128xf32, #tpu.memory_space<vmem_shared>> -> memref<10000x128xf32, #tpu.memory_space<vmem_shared>>
    tpu.wait_indirect_dma semaphore(%arg26 : memref<!tpu.dma_semaphore, #tpu.memory_space<semaphore_mem>>) src(%arg13 : memref<100x128xf32, #tpu.memory_space<vmem>>) dst(%dma_wait3A_288 : memref<10000x128xf32, #tpu.memory_space<vmem_shared>>)
    %dma_start3A_289 = arith.constant 0 : i32
    %dma_start3A_290 = arith.constant 0 : i32
    %dma_start3A_291 = tpu.memref_slice %arg7[%dma_start3A_289, %dma_start3A_290] : memref<2x100xi32, #tpu.memory_space<vmem>> -> memref<1x100xi32, #tpu.memory_space<vmem>>
    %dma_start3A_292 = tpu.memref_squeeze %dma_start3A_291 : memref<1x100xi32, #tpu.memory_space<vmem>> -> memref<100xi32, #tpu.memory_space<vmem>>
    %dma_start3A_293 = arith.constant 0 : i32
    %dma_start3A_294 = arith.constant 0 : i32
    %dma_start3A_295 = tpu.memref_slice %arg2[%dma_start3A_293, %dma_start3A_294] : memref<10000x128xf32, #tpu.memory_space<hbm>> -> memref<10000x128xf32, #tpu.memory_space<hbm>>
    tpu.enqueue_indirect_dma source(%dma_start3A_295 : memref<10000x128xf32, #tpu.memory_space<hbm>>) target(%arg13 : memref<100x128xf32, #tpu.memory_space<vmem>>) offsets(%dma_start3A_292 : memref<100xi32, #tpu.memory_space<vmem>>) semaphore(%arg17 : memref<!tpu.dma_semaphore, #tpu.memory_space<semaphore_mem>>)
    %dma_start3A_296 = arith.constant 1 : i32
    %dma_start3A_297 = arith.constant 0 : i32
    %dma_start3A_298 = tpu.memref_slice %arg5[%dma_start3A_296, %dma_start3A_297] : memref<2x100xi32, #tpu.memory_space<vmem>> -> memref<1x100xi32, #tpu.memory_space<vmem>>
    %dma_start3A_299 = tpu.memref_squeeze %dma_start3A_298 : memref<1x100xi32, #tpu.memory_space<vmem>> -> memref<100xi32, #tpu.memory_space<vmem>>
    %dma_start3A_300 = arith.constant 0 : i32
    %dma_start3A_301 = arith.constant 0 : i32
    %dma_start3A_302 = tpu.memref_slice %arg14[%dma_start3A_300, %dma_start3A_301] : memref<10000x128xf32, #tpu.memory_space<vmem_shared>> -> memref<10000x128xf32, #tpu.memory_space<vmem_shared>>
    tpu.enqueue_indirect_dma source(%arg11 : memref<100x128xf32, #tpu.memory_space<vmem>>) target(%dma_start3A_302 : memref<10000x128xf32, #tpu.memory_space<vmem_shared>>) offsets(%dma_start3A_299 : memref<100xi32, #tpu.memory_space<vmem>>) semaphore(%arg24 : memref<!tpu.dma_semaphore, #tpu.memory_space<semaphore_mem>>) {add = true}
    %dma_wait3A_303 = arith.constant 0 : i32
    %dma_wait3A_304 = arith.constant 0 : i32
    %dma_wait3A_305 = tpu.memref_slice %arg6[%dma_wait3A_303, %dma_wait3A_304] : memref<2x100xi32, #tpu.memory_space<vmem>> -> memref<1x100xi32, #tpu.memory_space<vmem>>
    %dma_wait3A_306 = tpu.memref_squeeze %dma_wait3A_305 : memref<1x100xi32, #tpu.memory_space<vmem>> -> memref<100xi32, #tpu.memory_space<vmem>>
    %dma_wait3A_307 = arith.constant 0 : i32
    %dma_wait3A_308 = arith.constant 0 : i32
    %dma_wait3A_309 = tpu.memref_slice %arg2[%dma_wait3A_307, %dma_wait3A_308] : memref<10000x128xf32, #tpu.memory_space<hbm>> -> memref<10000x128xf32, #tpu.memory_space<hbm>>
    tpu.wait_indirect_dma semaphore(%arg16 : memref<!tpu.dma_semaphore, #tpu.memory_space<semaphore_mem>>) src(%dma_wait3A_309 : memref<10000x128xf32, #tpu.memory_space<hbm>>) dst(%arg12 : memref<100x128xf32, #tpu.memory_space<vmem>>)
    %dma_wait3A_310 = arith.constant 99 : i32
    %dma_wait3A_311 = arith.constant 0 : i32
    %dma_wait3A_312 = arith.constant 0 : i32
    %dma_wait3A_313 = tpu.memref_slice %arg3[%add3A, %dma_wait3A_310, %dma_wait3A_311, %dma_wait3A_312] : memref<32x100x2x100xi32, #tpu.memory_space<hbm>> -> memref<1x1x2x100xi32, #tpu.memory_space<hbm>>
    %dma_wait3A_314 = tpu.memref_squeeze %dma_wait3A_313 : memref<1x1x2x100xi32, #tpu.memory_space<hbm>> -> memref<2x100xi32, #tpu.memory_space<hbm>>
    %dma_wait3A_315 = arith.constant 0 : i32
    %dma_wait3A_316 = arith.constant 0 : i32
    %dma_wait3A_317 = tpu.memref_slice %arg3[%add3A, %dma_wait3A_310, %dma_wait3A_315, %dma_wait3A_316] : memref<32x100x2x100xi32, #tpu.memory_space<hbm>> -> memref<1x1x2x100xi32, #tpu.memory_space<hbm>>
    %dma_wait3A_318 = tpu.memref_squeeze %dma_wait3A_317 : memref<1x1x2x100xi32, #tpu.memory_space<hbm>> -> memref<2x100xi32, #tpu.memory_space<hbm>>
    tpu.wait_dma2 semaphore(%arg21 : memref<!tpu.dma_semaphore, #tpu.memory_space<semaphore_mem>>) src(%dma_wait3A_318 : memref<2x100xi32, #tpu.memory_space<hbm>>) dst(%arg8 : memref<2x100xi32, #tpu.memory_space<vmem>>)
    %dma_wait3A_319 = arith.constant 1 : i32
    %dma_wait3A_320 = arith.constant 0 : i32
    %dma_wait3A_321 = tpu.memref_slice %arg5[%dma_wait3A_319, %dma_wait3A_320] : memref<2x100xi32, #tpu.memory_space<vmem>> -> memref<1x100xi32, #tpu.memory_space<vmem>>
    %dma_wait3A_322 = tpu.memref_squeeze %dma_wait3A_321 : memref<1x100xi32, #tpu.memory_space<vmem>> -> memref<100xi32, #tpu.memory_space<vmem>>
    %dma_wait3A_323 = arith.constant 0 : i32
    %dma_wait3A_324 = arith.constant 0 : i32
    %dma_wait3A_325 = tpu.memref_slice %arg14[%dma_wait3A_323, %dma_wait3A_324] : memref<10000x128xf32, #tpu.memory_space<vmem_shared>> -> memref<10000x128xf32, #tpu.memory_space<vmem_shared>>
    tpu.wait_indirect_dma semaphore(%arg24 : memref<!tpu.dma_semaphore, #tpu.memory_space<semaphore_mem>>) src(%arg11 : memref<100x128xf32, #tpu.memory_space<vmem>>) dst(%dma_wait3A_325 : memref<10000x128xf32, #tpu.memory_space<vmem_shared>>)
    %dma_start3A_326 = arith.constant 0 : i32
    %dma_start3A_327 = arith.constant 0 : i32
    %dma_start3A_328 = tpu.memref_slice %arg8[%dma_start3A_326, %dma_start3A_327] : memref<2x100xi32, #tpu.memory_space<vmem>> -> memref<1x100xi32, #tpu.memory_space<vmem>>
    %dma_start3A_329 = tpu.memref_squeeze %dma_start3A_328 : memref<1x100xi32, #tpu.memory_space<vmem>> -> memref<100xi32, #tpu.memory_space<vmem>>
    %dma_start3A_330 = arith.constant 0 : i32
    %dma_start3A_331 = arith.constant 0 : i32
    %dma_start3A_332 = tpu.memref_slice %arg2[%dma_start3A_330, %dma_start3A_331] : memref<10000x128xf32, #tpu.memory_space<hbm>> -> memref<10000x128xf32, #tpu.memory_space<hbm>>
    tpu.enqueue_indirect_dma source(%dma_start3A_332 : memref<10000x128xf32, #tpu.memory_space<hbm>>) target(%arg11 : memref<100x128xf32, #tpu.memory_space<vmem>>) offsets(%dma_start3A_329 : memref<100xi32, #tpu.memory_space<vmem>>) semaphore(%arg15 : memref<!tpu.dma_semaphore, #tpu.memory_space<semaphore_mem>>)
    %dma_start3A_333 = arith.constant 1 : i32
    %dma_start3A_334 = arith.constant 0 : i32
    %dma_start3A_335 = tpu.memref_slice %arg6[%dma_start3A_333, %dma_start3A_334] : memref<2x100xi32, #tpu.memory_space<vmem>> -> memref<1x100xi32, #tpu.memory_space<vmem>>
    %dma_start3A_336 = tpu.memref_squeeze %dma_start3A_335 : memref<1x100xi32, #tpu.memory_space<vmem>> -> memref<100xi32, #tpu.memory_space<vmem>>
    %dma_start3A_337 = arith.constant 0 : i32
    %dma_start3A_338 = arith.constant 0 : i32
    %dma_start3A_339 = tpu.memref_slice %arg14[%dma_start3A_337, %dma_start3A_338] : memref<10000x128xf32, #tpu.memory_space<vmem_shared>> -> memref<10000x128xf32, #tpu.memory_space<vmem_shared>>
    tpu.enqueue_indirect_dma source(%arg12 : memref<100x128xf32, #tpu.memory_space<vmem>>) target(%dma_start3A_339 : memref<10000x128xf32, #tpu.memory_space<vmem_shared>>) offsets(%dma_start3A_336 : memref<100xi32, #tpu.memory_space<vmem>>) semaphore(%arg25 : memref<!tpu.dma_semaphore, #tpu.memory_space<semaphore_mem>>) {add = true}
    %dma_wait3A_340 = arith.constant 0 : i32
    %dma_wait3A_341 = arith.constant 0 : i32
    %dma_wait3A_342 = tpu.memref_slice %arg7[%dma_wait3A_340, %dma_wait3A_341] : memref<2x100xi32, #tpu.memory_space<vmem>> -> memref<1x100xi32, #tpu.memory_space<vmem>>
    %dma_wait3A_343 = tpu.memref_squeeze %dma_wait3A_342 : memref<1x100xi32, #tpu.memory_space<vmem>> -> memref<100xi32, #tpu.memory_space<vmem>>
    %dma_wait3A_344 = arith.constant 0 : i32
    %dma_wait3A_345 = arith.constant 0 : i32
    %dma_wait3A_346 = tpu.memref_slice %arg2[%dma_wait3A_344, %dma_wait3A_345] : memref<10000x128xf32, #tpu.memory_space<hbm>> -> memref<10000x128xf32, #tpu.memory_space<hbm>>
    tpu.wait_indirect_dma semaphore(%arg17 : memref<!tpu.dma_semaphore, #tpu.memory_space<semaphore_mem>>) src(%dma_wait3A_346 : memref<10000x128xf32, #tpu.memory_space<hbm>>) dst(%arg13 : memref<100x128xf32, #tpu.memory_space<vmem>>)
    %dma_start3A_347 = arith.constant 1 : i32
    %dma_start3A_348 = arith.constant 0 : i32
    %dma_start3A_349 = tpu.memref_slice %arg7[%dma_start3A_347, %dma_start3A_348] : memref<2x100xi32, #tpu.memory_space<vmem>> -> memref<1x100xi32, #tpu.memory_space<vmem>>
    %dma_start3A_350 = tpu.memref_squeeze %dma_start3A_349 : memref<1x100xi32, #tpu.memory_space<vmem>> -> memref<100xi32, #tpu.memory_space<vmem>>
    %dma_start3A_351 = arith.constant 0 : i32
    %dma_start3A_352 = arith.constant 0 : i32
    %dma_start3A_353 = tpu.memref_slice %arg14[%dma_start3A_351, %dma_start3A_352] : memref<10000x128xf32, #tpu.memory_space<vmem_shared>> -> memref<10000x128xf32, #tpu.memory_space<vmem_shared>>
    tpu.enqueue_indirect_dma source(%arg13 : memref<100x128xf32, #tpu.memory_space<vmem>>) target(%dma_start3A_353 : memref<10000x128xf32, #tpu.memory_space<vmem_shared>>) offsets(%dma_start3A_350 : memref<100xi32, #tpu.memory_space<vmem>>) semaphore(%arg26 : memref<!tpu.dma_semaphore, #tpu.memory_space<semaphore_mem>>) {add = true}
    %dma_wait3A_354 = arith.constant 0 : i32
    %dma_wait3A_355 = arith.constant 0 : i32
    %dma_wait3A_356 = tpu.memref_slice %arg8[%dma_wait3A_354, %dma_wait3A_355] : memref<2x100xi32, #tpu.memory_space<vmem>> -> memref<1x100xi32, #tpu.memory_space<vmem>>
    %dma_wait3A_357 = tpu.memref_squeeze %dma_wait3A_356 : memref<1x100xi32, #tpu.memory_space<vmem>> -> memref<100xi32, #tpu.memory_space<vmem>>
    %dma_wait3A_358 = arith.constant 0 : i32
    %dma_wait3A_359 = arith.constant 0 : i32
    %dma_wait3A_360 = tpu.memref_slice %arg2[%dma_wait3A_358, %dma_wait3A_359] : memref<10000x128xf32, #tpu.memory_space<hbm>> -> memref<10000x128xf32, #tpu.memory_space<hbm>>
    tpu.wait_indirect_dma semaphore(%arg15 : memref<!tpu.dma_semaphore, #tpu.memory_space<semaphore_mem>>) src(%dma_wait3A_360 : memref<10000x128xf32, #tpu.memory_space<hbm>>) dst(%arg11 : memref<100x128xf32, #tpu.memory_space<vmem>>)
    %dma_start3A_361 = arith.constant 1 : i32
    %dma_start3A_362 = arith.constant 0 : i32
    %dma_start3A_363 = tpu.memref_slice %arg8[%dma_start3A_361, %dma_start3A_362] : memref<2x100xi32, #tpu.memory_space<vmem>> -> memref<1x100xi32, #tpu.memory_space<vmem>>
    %dma_start3A_364 = tpu.memref_squeeze %dma_start3A_363 : memref<1x100xi32, #tpu.memory_space<vmem>> -> memref<100xi32, #tpu.memory_space<vmem>>
    %dma_start3A_365 = arith.constant 0 : i32
    %dma_start3A_366 = arith.constant 0 : i32
    %dma_start3A_367 = tpu.memref_slice %arg14[%dma_start3A_365, %dma_start3A_366] : memref<10000x128xf32, #tpu.memory_space<vmem_shared>> -> memref<10000x128xf32, #tpu.memory_space<vmem_shared>>
    tpu.enqueue_indirect_dma source(%arg11 : memref<100x128xf32, #tpu.memory_space<vmem>>) target(%dma_start3A_367 : memref<10000x128xf32, #tpu.memory_space<vmem_shared>>) offsets(%dma_start3A_364 : memref<100xi32, #tpu.memory_space<vmem>>) semaphore(%arg24 : memref<!tpu.dma_semaphore, #tpu.memory_space<semaphore_mem>>) {add = true}
    %dma_wait3A_368 = arith.constant 1 : i32
    %dma_wait3A_369 = arith.constant 0 : i32
    %dma_wait3A_370 = tpu.memref_slice %arg6[%dma_wait3A_368, %dma_wait3A_369] : memref<2x100xi32, #tpu.memory_space<vmem>> -> memref<1x100xi32, #tpu.memory_space<vmem>>
    %dma_wait3A_371 = tpu.memref_squeeze %dma_wait3A_370 : memref<1x100xi32, #tpu.memory_space<vmem>> -> memref<100xi32, #tpu.memory_space<vmem>>
    %dma_wait3A_372 = arith.constant 0 : i32
    %dma_wait3A_373 = arith.constant 0 : i32
    %dma_wait3A_374 = tpu.memref_slice %arg14[%dma_wait3A_372, %dma_wait3A_373] : memref<10000x128xf32, #tpu.memory_space<vmem_shared>> -> memref<10000x128xf32, #tpu.memory_space<vmem_shared>>
    tpu.wait_indirect_dma semaphore(%arg25 : memref<!tpu.dma_semaphore, #tpu.memory_space<semaphore_mem>>) src(%arg12 : memref<100x128xf32, #tpu.memory_space<vmem>>) dst(%dma_wait3A_374 : memref<10000x128xf32, #tpu.memory_space<vmem_shared>>)
    %dma_wait3A_375 = arith.constant 1 : i32
    %dma_wait3A_376 = arith.constant 0 : i32
    %dma_wait3A_377 = tpu.memref_slice %arg7[%dma_wait3A_375, %dma_wait3A_376] : memref<2x100xi32, #tpu.memory_space<vmem>> -> memref<1x100xi32, #tpu.memory_space<vmem>>
    %dma_wait3A_378 = tpu.memref_squeeze %dma_wait3A_377 : memref<1x100xi32, #tpu.memory_space<vmem>> -> memref<100xi32, #tpu.memory_space<vmem>>
    %dma_wait3A_379 = arith.constant 0 : i32
    %dma_wait3A_380 = arith.constant 0 : i32
    %dma_wait3A_381 = tpu.memref_slice %arg14[%dma_wait3A_379, %dma_wait3A_380] : memref<10000x128xf32, #tpu.memory_space<vmem_shared>> -> memref<10000x128xf32, #tpu.memory_space<vmem_shared>>
    tpu.wait_indirect_dma semaphore(%arg26 : memref<!tpu.dma_semaphore, #tpu.memory_space<semaphore_mem>>) src(%arg13 : memref<100x128xf32, #tpu.memory_space<vmem>>) dst(%dma_wait3A_381 : memref<10000x128xf32, #tpu.memory_space<vmem_shared>>)
    %dma_wait3A_382 = arith.constant 1 : i32
    %dma_wait3A_383 = arith.constant 0 : i32
    %dma_wait3A_384 = tpu.memref_slice %arg8[%dma_wait3A_382, %dma_wait3A_383] : memref<2x100xi32, #tpu.memory_space<vmem>> -> memref<1x100xi32, #tpu.memory_space<vmem>>
    %dma_wait3A_385 = tpu.memref_squeeze %dma_wait3A_384 : memref<1x100xi32, #tpu.memory_space<vmem>> -> memref<100xi32, #tpu.memory_space<vmem>>
    %dma_wait3A_386 = arith.constant 0 : i32
    %dma_wait3A_387 = arith.constant 0 : i32
    %dma_wait3A_388 = tpu.memref_slice %arg14[%dma_wait3A_386, %dma_wait3A_387] : memref<10000x128xf32, #tpu.memory_space<vmem_shared>> -> memref<10000x128xf32, #tpu.memory_space<vmem_shared>>
    tpu.wait_indirect_dma semaphore(%arg24 : memref<!tpu.dma_semaphore, #tpu.memory_space<semaphore_mem>>) src(%arg11 : memref<100x128xf32, #tpu.memory_space<vmem>>) dst(%dma_wait3A_388 : memref<10000x128xf32, #tpu.memory_space<vmem_shared>>)
    %barrier3A_389 = arith.constant 0 : index
    tpu.barrier barrier_id(%barrier3A_389)
    %add3A_390 = arith.constant 0 : i32
    %add3A_391 = arith.addi %mul3A_20, %add3A_390 : i32
    "tpu.region"() ({
      %run_scoped3A = tpu.sem_alloc : memref<!tpu.dma_semaphore, #tpu.memory_space<semaphore_mem>>
      %dma_start3A_600 = arith.constant 0 : i32
      %dma_start3A_601 = arith.constant 0 : i32
      %dma_start3A_602 = tpu.memref_slice %arg11[%dma_start3A_600, %dma_start3A_601] : memref<100x128xf32, #tpu.memory_space<vmem>> -> memref<96x128xf32, #tpu.memory_space<vmem>>
      %dma_start3A_603 = arith.constant 0 : i32
      %dma_start3A_604 = tpu.memref_slice %arg14[%add3A_391, %dma_start3A_603] : memref<10000x128xf32, #tpu.memory_space<vmem_shared>> -> memref<96x128xf32, #tpu.memory_space<vmem_shared>>
      %dma_start3A_605 = arith.constant 0 : i32
      %dma_start3A_606 = arith.constant 0 : i32
      %dma_start3A_607 = tpu.memref_slice %arg11[%dma_start3A_605, %dma_start3A_606] : memref<100x128xf32, #tpu.memory_space<vmem>> -> memref<96x128xf32, #tpu.memory_space<vmem>>
      %dma_start3A_608 = arith.constant 0 : i32
      %dma_start3A_609 = tpu.memref_slice %arg14[%add3A_391, %dma_start3A_608] : memref<10000x128xf32, #tpu.memory_space<vmem_shared>> -> memref<96x128xf32, #tpu.memory_space<vmem_shared>>
      tpu.enqueue_dma source(%dma_start3A_609 : memref<96x128xf32, #tpu.memory_space<vmem_shared>>) target(%dma_start3A_607 : memref<96x128xf32, #tpu.memory_space<vmem>>) target_semaphore(%run_scoped3A : memref<!tpu.dma_semaphore, #tpu.memory_space<semaphore_mem>>)
      %dma_wait3A_610 = arith.constant 0 : i32
      %dma_wait3A_611 = arith.constant 0 : i32
      %dma_wait3A_612 = tpu.memref_slice %arg11[%dma_wait3A_610, %dma_wait3A_611] : memref<100x128xf32, #tpu.memory_space<vmem>> -> memref<96x128xf32, #tpu.memory_space<vmem>>
      %dma_wait3A_613 = arith.constant 0 : i32
      %dma_wait3A_614 = tpu.memref_slice %arg14[%add3A_391, %dma_wait3A_613] : memref<10000x128xf32, #tpu.memory_space<vmem_shared>> -> memref<96x128xf32, #tpu.memory_space<vmem_shared>>
      %dma_wait3A_615 = arith.constant 0 : i32
      %dma_wait3A_616 = arith.constant 0 : i32
      %dma_wait3A_617 = tpu.memref_slice %arg11[%dma_wait3A_615, %dma_wait3A_616] : memref<100x128xf32, #tpu.memory_space<vmem>> -> memref<96x128xf32, #tpu.memory_space<vmem>>
      %dma_wait3A_618 = arith.constant 0 : i32
      %dma_wait3A_619 = tpu.memref_slice %arg14[%add3A_391, %dma_wait3A_618] : memref<10000x128xf32, #tpu.memory_space<vmem_shared>> -> memref<96x128xf32, #tpu.memory_space<vmem_shared>>
      tpu.wait_dma2 semaphore(%run_scoped3A : memref<!tpu.dma_semaphore, #tpu.memory_space<semaphore_mem>>) src(%dma_wait3A_619 : memref<96x128xf32, #tpu.memory_space<vmem_shared>>) dst(%dma_wait3A_617 : memref<96x128xf32, #tpu.memory_space<vmem>>)
      tpu.yield
    }) : () -> ()
    %add3A_392 = arith.constant 0 : i32
    %add3A_393 = arith.addi %mul3A_20, %add3A_392 : i32
    %dma_start3A_394 = arith.constant 0 : i32
    %dma_start3A_395 = arith.constant 0 : i32
    %dma_start3A_396 = tpu.memref_slice %arg11[%dma_start3A_394, %dma_start3A_395] : memref<100x128xf32, #tpu.memory_space<vmem>> -> memref<96x128xf32, #tpu.memory_space<vmem>>
    %dma_start3A_397 = arith.constant 0 : i32
    %dma_start3A_398 = tpu.memref_slice %arg4[%arg0, %add3A_393, %dma_start3A_397] : memref<2x10000x128xf32, #tpu.memory_space<hbm>> -> memref<1x96x128xf32, #tpu.memory_space<hbm>>
    %dma_start3A_399 = tpu.memref_squeeze %dma_start3A_398 : memref<1x96x128xf32, #tpu.memory_space<hbm>> -> memref<96x128xf32, #tpu.memory_space<hbm>>
    %dma_start3A_400 = arith.constant 0 : i32
    %dma_start3A_401 = tpu.memref_slice %arg4[%arg0, %add3A_393, %dma_start3A_400] : memref<2x10000x128xf32, #tpu.memory_space<hbm>> -> memref<1x96x128xf32, #tpu.memory_space<hbm>>
    %dma_start3A_402 = tpu.memref_squeeze %dma_start3A_401 : memref<1x96x128xf32, #tpu.memory_space<hbm>> -> memref<96x128xf32, #tpu.memory_space<hbm>>
    %dma_start3A_403 = arith.constant 0 : i32
    %dma_start3A_404 = arith.constant 0 : i32
    %dma_start3A_405 = tpu.memref_slice %arg11[%dma_start3A_403, %dma_start3A_404] : memref<100x128xf32, #tpu.memory_space<vmem>> -> memref<96x128xf32, #tpu.memory_space<vmem>>
    tpu.enqueue_dma source(%dma_start3A_405 : memref<96x128xf32, #tpu.memory_space<vmem>>) target(%dma_start3A_402 : memref<96x128xf32, #tpu.memory_space<hbm>>) target_semaphore(%arg15 : memref<!tpu.dma_semaphore, #tpu.memory_space<semaphore_mem>>)
    %add3A_406 = arith.constant 96 : i32
    %add3A_407 = arith.addi %mul3A_20, %add3A_406 : i32
    "tpu.region"() ({
      %run_scoped3A = tpu.sem_alloc : memref<!tpu.dma_semaphore, #tpu.memory_space<semaphore_mem>>
      %dma_start3A_600 = arith.constant 0 : i32
      %dma_start3A_601 = arith.constant 0 : i32
      %dma_start3A_602 = tpu.memref_slice %arg12[%dma_start3A_600, %dma_start3A_601] : memref<100x128xf32, #tpu.memory_space<vmem>> -> memref<96x128xf32, #tpu.memory_space<vmem>>
      %dma_start3A_603 = arith.constant 0 : i32
      %dma_start3A_604 = tpu.memref_slice %arg14[%add3A_407, %dma_start3A_603] : memref<10000x128xf32, #tpu.memory_space<vmem_shared>> -> memref<96x128xf32, #tpu.memory_space<vmem_shared>>
      %dma_start3A_605 = arith.constant 0 : i32
      %dma_start3A_606 = arith.constant 0 : i32
      %dma_start3A_607 = tpu.memref_slice %arg12[%dma_start3A_605, %dma_start3A_606] : memref<100x128xf32, #tpu.memory_space<vmem>> -> memref<96x128xf32, #tpu.memory_space<vmem>>
      %dma_start3A_608 = arith.constant 0 : i32
      %dma_start3A_609 = tpu.memref_slice %arg14[%add3A_407, %dma_start3A_608] : memref<10000x128xf32, #tpu.memory_space<vmem_shared>> -> memref<96x128xf32, #tpu.memory_space<vmem_shared>>
      tpu.enqueue_dma source(%dma_start3A_609 : memref<96x128xf32, #tpu.memory_space<vmem_shared>>) target(%dma_start3A_607 : memref<96x128xf32, #tpu.memory_space<vmem>>) target_semaphore(%run_scoped3A : memref<!tpu.dma_semaphore, #tpu.memory_space<semaphore_mem>>)
      %dma_wait3A_610 = arith.constant 0 : i32
      %dma_wait3A_611 = arith.constant 0 : i32
      %dma_wait3A_612 = tpu.memref_slice %arg12[%dma_wait3A_610, %dma_wait3A_611] : memref<100x128xf32, #tpu.memory_space<vmem>> -> memref<96x128xf32, #tpu.memory_space<vmem>>
      %dma_wait3A_613 = arith.constant 0 : i32
      %dma_wait3A_614 = tpu.memref_slice %arg14[%add3A_407, %dma_wait3A_613] : memref<10000x128xf32, #tpu.memory_space<vmem_shared>> -> memref<96x128xf32, #tpu.memory_space<vmem_shared>>
      %dma_wait3A_615 = arith.constant 0 : i32
      %dma_wait3A_616 = arith.constant 0 : i32
      %dma_wait3A_617 = tpu.memref_slice %arg12[%dma_wait3A_615, %dma_wait3A_616] : memref<100x128xf32, #tpu.memory_space<vmem>> -> memref<96x128xf32, #tpu.memory_space<vmem>>
      %dma_wait3A_618 = arith.constant 0 : i32
      %dma_wait3A_619 = tpu.memref_slice %arg14[%add3A_407, %dma_wait3A_618] : memref<10000x128xf32, #tpu.memory_space<vmem_shared>> -> memref<96x128xf32, #tpu.memory_space<vmem_shared>>
      tpu.wait_dma2 semaphore(%run_scoped3A : memref<!tpu.dma_semaphore, #tpu.memory_space<semaphore_mem>>) src(%dma_wait3A_619 : memref<96x128xf32, #tpu.memory_space<vmem_shared>>) dst(%dma_wait3A_617 : memref<96x128xf32, #tpu.memory_space<vmem>>)
      tpu.yield
    }) : () -> ()
    %add3A_408 = arith.constant 96 : i32
    %add3A_409 = arith.addi %mul3A_20, %add3A_408 : i32
    %dma_start3A_410 = arith.constant 0 : i32
    %dma_start3A_411 = arith.constant 0 : i32
    %dma_start3A_412 = tpu.memref_slice %arg12[%dma_start3A_410, %dma_start3A_411] : memref<100x128xf32, #tpu.memory_space<vmem>> -> memref<96x128xf32, #tpu.memory_space<vmem>>
    %dma_start3A_413 = arith.constant 0 : i32
    %dma_start3A_414 = tpu.memref_slice %arg4[%arg0, %add3A_409, %dma_start3A_413] : memref<2x10000x128xf32, #tpu.memory_space<hbm>> -> memref<1x96x128xf32, #tpu.memory_space<hbm>>
    %dma_start3A_415 = tpu.memref_squeeze %dma_start3A_414 : memref<1x96x128xf32, #tpu.memory_space<hbm>> -> memref<96x128xf32, #tpu.memory_space<hbm>>
    %dma_start3A_416 = arith.constant 0 : i32
    %dma_start3A_417 = tpu.memref_slice %arg4[%arg0, %add3A_409, %dma_start3A_416] : memref<2x10000x128xf32, #tpu.memory_space<hbm>> -> memref<1x96x128xf32, #tpu.memory_space<hbm>>
    %dma_start3A_418 = tpu.memref_squeeze %dma_start3A_417 : memref<1x96x128xf32, #tpu.memory_space<hbm>> -> memref<96x128xf32, #tpu.memory_space<hbm>>
    %dma_start3A_419 = arith.constant 0 : i32
    %dma_start3A_420 = arith.constant 0 : i32
    %dma_start3A_421 = tpu.memref_slice %arg12[%dma_start3A_419, %dma_start3A_420] : memref<100x128xf32, #tpu.memory_space<vmem>> -> memref<96x128xf32, #tpu.memory_space<vmem>>
    tpu.enqueue_dma source(%dma_start3A_421 : memref<96x128xf32, #tpu.memory_space<vmem>>) target(%dma_start3A_418 : memref<96x128xf32, #tpu.memory_space<hbm>>) target_semaphore(%arg16 : memref<!tpu.dma_semaphore, #tpu.memory_space<semaphore_mem>>)
    %add3A_422 = arith.constant 0 : i32
    %add3A_423 = arith.addi %mul3A_20, %add3A_422 : i32
    %dma_wait3A_424 = arith.constant 0 : i32
    %dma_wait3A_425 = arith.constant 0 : i32
    %dma_wait3A_426 = tpu.memref_slice %arg11[%dma_wait3A_424, %dma_wait3A_425] : memref<100x128xf32, #tpu.memory_space<vmem>> -> memref<96x128xf32, #tpu.memory_space<vmem>>
    %dma_wait3A_427 = arith.constant 0 : i32
    %dma_wait3A_428 = tpu.memref_slice %arg4[%arg0, %add3A_423, %dma_wait3A_427] : memref<2x10000x128xf32, #tpu.memory_space<hbm>> -> memref<1x96x128xf32, #tpu.memory_space<hbm>>
    %dma_wait3A_429 = tpu.memref_squeeze %dma_wait3A_428 : memref<1x96x128xf32, #tpu.memory_space<hbm>> -> memref<96x128xf32, #tpu.memory_space<hbm>>
    %dma_wait3A_430 = arith.constant 0 : i32
    %dma_wait3A_431 = tpu.memref_slice %arg4[%arg0, %add3A_423, %dma_wait3A_430] : memref<2x10000x128xf32, #tpu.memory_space<hbm>> -> memref<1x96x128xf32, #tpu.memory_space<hbm>>
    %dma_wait3A_432 = tpu.memref_squeeze %dma_wait3A_431 : memref<1x96x128xf32, #tpu.memory_space<hbm>> -> memref<96x128xf32, #tpu.memory_space<hbm>>
    %dma_wait3A_433 = arith.constant 0 : i32
    %dma_wait3A_434 = arith.constant 0 : i32
    %dma_wait3A_435 = tpu.memref_slice %arg11[%dma_wait3A_433, %dma_wait3A_434] : memref<100x128xf32, #tpu.memory_space<vmem>> -> memref<96x128xf32, #tpu.memory_space<vmem>>
    tpu.wait_dma2 semaphore(%arg15 : memref<!tpu.dma_semaphore, #tpu.memory_space<semaphore_mem>>) src(%dma_wait3A_435 : memref<96x128xf32, #tpu.memory_space<vmem>>) dst(%dma_wait3A_432 : memref<96x128xf32, #tpu.memory_space<hbm>>)
    %add3A_436 = arith.constant 192 : i32
    %add3A_437 = arith.addi %mul3A_20, %add3A_436 : i32
    "tpu.region"() ({
      %run_scoped3A = tpu.sem_alloc : memref<!tpu.dma_semaphore, #tpu.memory_space<semaphore_mem>>
      %dma_start3A_600 = arith.constant 0 : i32
      %dma_start3A_601 = arith.constant 0 : i32
      %dma_start3A_602 = tpu.memref_slice %arg11[%dma_start3A_600, %dma_start3A_601] : memref<100x128xf32, #tpu.memory_space<vmem>> -> memref<96x128xf32, #tpu.memory_space<vmem>>
      %dma_start3A_603 = arith.constant 0 : i32
      %dma_start3A_604 = tpu.memref_slice %arg14[%add3A_437, %dma_start3A_603] : memref<10000x128xf32, #tpu.memory_space<vmem_shared>> -> memref<96x128xf32, #tpu.memory_space<vmem_shared>>
      %dma_start3A_605 = arith.constant 0 : i32
      %dma_start3A_606 = arith.constant 0 : i32
      %dma_start3A_607 = tpu.memref_slice %arg11[%dma_start3A_605, %dma_start3A_606] : memref<100x128xf32, #tpu.memory_space<vmem>> -> memref<96x128xf32, #tpu.memory_space<vmem>>
      %dma_start3A_608 = arith.constant 0 : i32
      %dma_start3A_609 = tpu.memref_slice %arg14[%add3A_437, %dma_start3A_608] : memref<10000x128xf32, #tpu.memory_space<vmem_shared>> -> memref<96x128xf32, #tpu.memory_space<vmem_shared>>
      tpu.enqueue_dma source(%dma_start3A_609 : memref<96x128xf32, #tpu.memory_space<vmem_shared>>) target(%dma_start3A_607 : memref<96x128xf32, #tpu.memory_space<vmem>>) target_semaphore(%run_scoped3A : memref<!tpu.dma_semaphore, #tpu.memory_space<semaphore_mem>>)
      %dma_wait3A_610 = arith.constant 0 : i32
      %dma_wait3A_611 = arith.constant 0 : i32
      %dma_wait3A_612 = tpu.memref_slice %arg11[%dma_wait3A_610, %dma_wait3A_611] : memref<100x128xf32, #tpu.memory_space<vmem>> -> memref<96x128xf32, #tpu.memory_space<vmem>>
      %dma_wait3A_613 = arith.constant 0 : i32
      %dma_wait3A_614 = tpu.memref_slice %arg14[%add3A_437, %dma_wait3A_613] : memref<10000x128xf32, #tpu.memory_space<vmem_shared>> -> memref<96x128xf32, #tpu.memory_space<vmem_shared>>
      %dma_wait3A_615 = arith.constant 0 : i32
      %dma_wait3A_616 = arith.constant 0 : i32
      %dma_wait3A_617 = tpu.memref_slice %arg11[%dma_wait3A_615, %dma_wait3A_616] : memref<100x128xf32, #tpu.memory_space<vmem>> -> memref<96x128xf32, #tpu.memory_space<vmem>>
      %dma_wait3A_618 = arith.constant 0 : i32
      %dma_wait3A_619 = tpu.memref_slice %arg14[%add3A_437, %dma_wait3A_618] : memref<10000x128xf32, #tpu.memory_space<vmem_shared>> -> memref<96x128xf32, #tpu.memory_space<vmem_shared>>
      tpu.wait_dma2 semaphore(%run_scoped3A : memref<!tpu.dma_semaphore, #tpu.memory_space<semaphore_mem>>) src(%dma_wait3A_619 : memref<96x128xf32, #tpu.memory_space<vmem_shared>>) dst(%dma_wait3A_617 : memref<96x128xf32, #tpu.memory_space<vmem>>)
      tpu.yield
    }) : () -> ()
    %add3A_438 = arith.constant 192 : i32
    %add3A_439 = arith.addi %mul3A_20, %add3A_438 : i32
    %dma_start3A_440 = arith.constant 0 : i32
    %dma_start3A_441 = arith.constant 0 : i32
    %dma_start3A_442 = tpu.memref_slice %arg11[%dma_start3A_440, %dma_start3A_441] : memref<100x128xf32, #tpu.memory_space<vmem>> -> memref<96x128xf32, #tpu.memory_space<vmem>>
    %dma_start3A_443 = arith.constant 0 : i32
    %dma_start3A_444 = tpu.memref_slice %arg4[%arg0, %add3A_439, %dma_start3A_443] : memref<2x10000x128xf32, #tpu.memory_space<hbm>> -> memref<1x96x128xf32, #tpu.memory_space<hbm>>
    %dma_start3A_445 = tpu.memref_squeeze %dma_start3A_444 : memref<1x96x128xf32, #tpu.memory_space<hbm>> -> memref<96x128xf32, #tpu.memory_space<hbm>>
    %dma_start3A_446 = arith.constant 0 : i32
    %dma_start3A_447 = tpu.memref_slice %arg4[%arg0, %add3A_439, %dma_start3A_446] : memref<2x10000x128xf32, #tpu.memory_space<hbm>> -> memref<1x96x128xf32, #tpu.memory_space<hbm>>
    %dma_start3A_448 = tpu.memref_squeeze %dma_start3A_447 : memref<1x96x128xf32, #tpu.memory_space<hbm>> -> memref<96x128xf32, #tpu.memory_space<hbm>>
    %dma_start3A_449 = arith.constant 0 : i32
    %dma_start3A_450 = arith.constant 0 : i32
    %dma_start3A_451 = tpu.memref_slice %arg11[%dma_start3A_449, %dma_start3A_450] : memref<100x128xf32, #tpu.memory_space<vmem>> -> memref<96x128xf32, #tpu.memory_space<vmem>>
    tpu.enqueue_dma source(%dma_start3A_451 : memref<96x128xf32, #tpu.memory_space<vmem>>) target(%dma_start3A_448 : memref<96x128xf32, #tpu.memory_space<hbm>>) target_semaphore(%arg15 : memref<!tpu.dma_semaphore, #tpu.memory_space<semaphore_mem>>)
    %add3A_452 = arith.constant 96 : i32
    %add3A_453 = arith.addi %mul3A_20, %add3A_452 : i32
    %dma_wait3A_454 = arith.constant 0 : i32
    %dma_wait3A_455 = arith.constant 0 : i32
    %dma_wait3A_456 = tpu.memref_slice %arg12[%dma_wait3A_454, %dma_wait3A_455] : memref<100x128xf32, #tpu.memory_space<vmem>> -> memref<96x128xf32, #tpu.memory_space<vmem>>
    %dma_wait3A_457 = arith.constant 0 : i32
    %dma_wait3A_458 = tpu.memref_slice %arg4[%arg0, %add3A_453, %dma_wait3A_457] : memref<2x10000x128xf32, #tpu.memory_space<hbm>> -> memref<1x96x128xf32, #tpu.memory_space<hbm>>
    %dma_wait3A_459 = tpu.memref_squeeze %dma_wait3A_458 : memref<1x96x128xf32, #tpu.memory_space<hbm>> -> memref<96x128xf32, #tpu.memory_space<hbm>>
    %dma_wait3A_460 = arith.constant 0 : i32
    %dma_wait3A_461 = tpu.memref_slice %arg4[%arg0, %add3A_453, %dma_wait3A_460] : memref<2x10000x128xf32, #tpu.memory_space<hbm>> -> memref<1x96x128xf32, #tpu.memory_space<hbm>>
    %dma_wait3A_462 = tpu.memref_squeeze %dma_wait3A_461 : memref<1x96x128xf32, #tpu.memory_space<hbm>> -> memref<96x128xf32, #tpu.memory_space<hbm>>
    %dma_wait3A_463 = arith.constant 0 : i32
    %dma_wait3A_464 = arith.constant 0 : i32
    %dma_wait3A_465 = tpu.memref_slice %arg12[%dma_wait3A_463, %dma_wait3A_464] : memref<100x128xf32, #tpu.memory_space<vmem>> -> memref<96x128xf32, #tpu.memory_space<vmem>>
    tpu.wait_dma2 semaphore(%arg16 : memref<!tpu.dma_semaphore, #tpu.memory_space<semaphore_mem>>) src(%dma_wait3A_465 : memref<96x128xf32, #tpu.memory_space<vmem>>) dst(%dma_wait3A_462 : memref<96x128xf32, #tpu.memory_space<hbm>>)
    %add3A_466 = arith.constant 288 : i32
    %add3A_467 = arith.addi %mul3A_20, %add3A_466 : i32
    "tpu.region"() ({
      %run_scoped3A = tpu.sem_alloc : memref<!tpu.dma_semaphore, #tpu.memory_space<semaphore_mem>>
      %dma_start3A_600 = arith.constant 0 : i32
      %dma_start3A_601 = arith.constant 0 : i32
      %dma_start3A_602 = tpu.memref_slice %arg12[%dma_start3A_600, %dma_start3A_601] : memref<100x128xf32, #tpu.memory_space<vmem>> -> memref<96x128xf32, #tpu.memory_space<vmem>>
      %dma_start3A_603 = arith.constant 0 : i32
      %dma_start3A_604 = tpu.memref_slice %arg14[%add3A_467, %dma_start3A_603] : memref<10000x128xf32, #tpu.memory_space<vmem_shared>> -> memref<96x128xf32, #tpu.memory_space<vmem_shared>>
      %dma_start3A_605 = arith.constant 0 : i32
      %dma_start3A_606 = arith.constant 0 : i32
      %dma_start3A_607 = tpu.memref_slice %arg12[%dma_start3A_605, %dma_start3A_606] : memref<100x128xf32, #tpu.memory_space<vmem>> -> memref<96x128xf32, #tpu.memory_space<vmem>>
      %dma_start3A_608 = arith.constant 0 : i32
      %dma_start3A_609 = tpu.memref_slice %arg14[%add3A_467, %dma_start3A_608] : memref<10000x128xf32, #tpu.memory_space<vmem_shared>> -> memref<96x128xf32, #tpu.memory_space<vmem_shared>>
      tpu.enqueue_dma source(%dma_start3A_609 : memref<96x128xf32, #tpu.memory_space<vmem_shared>>) target(%dma_start3A_607 : memref<96x128xf32, #tpu.memory_space<vmem>>) target_semaphore(%run_scoped3A : memref<!tpu.dma_semaphore, #tpu.memory_space<semaphore_mem>>)
      %dma_wait3A_610 = arith.constant 0 : i32
      %dma_wait3A_611 = arith.constant 0 : i32
      %dma_wait3A_612 = tpu.memref_slice %arg12[%dma_wait3A_610, %dma_wait3A_611] : memref<100x128xf32, #tpu.memory_space<vmem>> -> memref<96x128xf32, #tpu.memory_space<vmem>>
      %dma_wait3A_613 = arith.constant 0 : i32
      %dma_wait3A_614 = tpu.memref_slice %arg14[%add3A_467, %dma_wait3A_613] : memref<10000x128xf32, #tpu.memory_space<vmem_shared>> -> memref<96x128xf32, #tpu.memory_space<vmem_shared>>
      %dma_wait3A_615 = arith.constant 0 : i32
      %dma_wait3A_616 = arith.constant 0 : i32
      %dma_wait3A_617 = tpu.memref_slice %arg12[%dma_wait3A_615, %dma_wait3A_616] : memref<100x128xf32, #tpu.memory_space<vmem>> -> memref<96x128xf32, #tpu.memory_space<vmem>>
      %dma_wait3A_618 = arith.constant 0 : i32
      %dma_wait3A_619 = tpu.memref_slice %arg14[%add3A_467, %dma_wait3A_618] : memref<10000x128xf32, #tpu.memory_space<vmem_shared>> -> memref<96x128xf32, #tpu.memory_space<vmem_shared>>
      tpu.wait_dma2 semaphore(%run_scoped3A : memref<!tpu.dma_semaphore, #tpu.memory_space<semaphore_mem>>) src(%dma_wait3A_619 : memref<96x128xf32, #tpu.memory_space<vmem_shared>>) dst(%dma_wait3A_617 : memref<96x128xf32, #tpu.memory_space<vmem>>)
      tpu.yield
    }) : () -> ()
    %add3A_468 = arith.constant 288 : i32
    %add3A_469 = arith.addi %mul3A_20, %add3A_468 : i32
    %dma_start3A_470 = arith.constant 0 : i32
    %dma_start3A_471 = arith.constant 0 : i32
    %dma_start3A_472 = tpu.memref_slice %arg12[%dma_start3A_470, %dma_start3A_471] : memref<100x128xf32, #tpu.memory_space<vmem>> -> memref<96x128xf32, #tpu.memory_space<vmem>>
    %dma_start3A_473 = arith.constant 0 : i32
    %dma_start3A_474 = tpu.memref_slice %arg4[%arg0, %add3A_469, %dma_start3A_473] : memref<2x10000x128xf32, #tpu.memory_space<hbm>> -> memref<1x96x128xf32, #tpu.memory_space<hbm>>
    %dma_start3A_475 = tpu.memref_squeeze %dma_start3A_474 : memref<1x96x128xf32, #tpu.memory_space<hbm>> -> memref<96x128xf32, #tpu.memory_space<hbm>>
    %dma_start3A_476 = arith.constant 0 : i32
    %dma_start3A_477 = tpu.memref_slice %arg4[%arg0, %add3A_469, %dma_start3A_476] : memref<2x10000x128xf32, #tpu.memory_space<hbm>> -> memref<1x96x128xf32, #tpu.memory_space<hbm>>
    %dma_start3A_478 = tpu.memref_squeeze %dma_start3A_477 : memref<1x96x128xf32, #tpu.memory_space<hbm>> -> memref<96x128xf32, #tpu.memory_space<hbm>>
    %dma_start3A_479 = arith.constant 0 : i32
    %dma_start3A_480 = arith.constant 0 : i32
    %dma_start3A_481 = tpu.memref_slice %arg12[%dma_start3A_479, %dma_start3A_480] : memref<100x128xf32, #tpu.memory_space<vmem>> -> memref<96x128xf32, #tpu.memory_space<vmem>>
    tpu.enqueue_dma source(%dma_start3A_481 : memref<96x128xf32, #tpu.memory_space<vmem>>) target(%dma_start3A_478 : memref<96x128xf32, #tpu.memory_space<hbm>>) target_semaphore(%arg16 : memref<!tpu.dma_semaphore, #tpu.memory_space<semaphore_mem>>)
    %add3A_482 = arith.constant 192 : i32
    %add3A_483 = arith.addi %mul3A_20, %add3A_482 : i32
    %dma_wait3A_484 = arith.constant 0 : i32
    %dma_wait3A_485 = arith.constant 0 : i32
    %dma_wait3A_486 = tpu.memref_slice %arg11[%dma_wait3A_484, %dma_wait3A_485] : memref<100x128xf32, #tpu.memory_space<vmem>> -> memref<96x128xf32, #tpu.memory_space<vmem>>
    %dma_wait3A_487 = arith.constant 0 : i32
    %dma_wait3A_488 = tpu.memref_slice %arg4[%arg0, %add3A_483, %dma_wait3A_487] : memref<2x10000x128xf32, #tpu.memory_space<hbm>> -> memref<1x96x128xf32, #tpu.memory_space<hbm>>
    %dma_wait3A_489 = tpu.memref_squeeze %dma_wait3A_488 : memref<1x96x128xf32, #tpu.memory_space<hbm>> -> memref<96x128xf32, #tpu.memory_space<hbm>>
    %dma_wait3A_490 = arith.constant 0 : i32
    %dma_wait3A_491 = tpu.memref_slice %arg4[%arg0, %add3A_483, %dma_wait3A_490] : memref<2x10000x128xf32, #tpu.memory_space<hbm>> -> memref<1x96x128xf32, #tpu.memory_space<hbm>>
    %dma_wait3A_492 = tpu.memref_squeeze %dma_wait3A_491 : memref<1x96x128xf32, #tpu.memory_space<hbm>> -> memref<96x128xf32, #tpu.memory_space<hbm>>
    %dma_wait3A_493 = arith.constant 0 : i32
    %dma_wait3A_494 = arith.constant 0 : i32
    %dma_wait3A_495 = tpu.memref_slice %arg11[%dma_wait3A_493, %dma_wait3A_494] : memref<100x128xf32, #tpu.memory_space<vmem>> -> memref<96x128xf32, #tpu.memory_space<vmem>>
    tpu.wait_dma2 semaphore(%arg15 : memref<!tpu.dma_semaphore, #tpu.memory_space<semaphore_mem>>) src(%dma_wait3A_495 : memref<96x128xf32, #tpu.memory_space<vmem>>) dst(%dma_wait3A_492 : memref<96x128xf32, #tpu.memory_space<hbm>>)
    %add3A_496 = arith.constant 384 : i32
    %add3A_497 = arith.addi %mul3A_20, %add3A_496 : i32
    "tpu.region"() ({
      %run_scoped3A = tpu.sem_alloc : memref<!tpu.dma_semaphore, #tpu.memory_space<semaphore_mem>>
      %dma_start3A_600 = arith.constant 0 : i32
      %dma_start3A_601 = arith.constant 0 : i32
      %dma_start3A_602 = tpu.memref_slice %arg11[%dma_start3A_600, %dma_start3A_601] : memref<100x128xf32, #tpu.memory_space<vmem>> -> memref<96x128xf32, #tpu.memory_space<vmem>>
      %dma_start3A_603 = arith.constant 0 : i32
      %dma_start3A_604 = tpu.memref_slice %arg14[%add3A_497, %dma_start3A_603] : memref<10000x128xf32, #tpu.memory_space<vmem_shared>> -> memref<96x128xf32, #tpu.memory_space<vmem_shared>>
      %dma_start3A_605 = arith.constant 0 : i32
      %dma_start3A_606 = arith.constant 0 : i32
      %dma_start3A_607 = tpu.memref_slice %arg11[%dma_start3A_605, %dma_start3A_606] : memref<100x128xf32, #tpu.memory_space<vmem>> -> memref<96x128xf32, #tpu.memory_space<vmem>>
      %dma_start3A_608 = arith.constant 0 : i32
      %dma_start3A_609 = tpu.memref_slice %arg14[%add3A_497, %dma_start3A_608] : memref<10000x128xf32, #tpu.memory_space<vmem_shared>> -> memref<96x128xf32, #tpu.memory_space<vmem_shared>>
      tpu.enqueue_dma source(%dma_start3A_609 : memref<96x128xf32, #tpu.memory_space<vmem_shared>>) target(%dma_start3A_607 : memref<96x128xf32, #tpu.memory_space<vmem>>) target_semaphore(%run_scoped3A : memref<!tpu.dma_semaphore, #tpu.memory_space<semaphore_mem>>)
      %dma_wait3A_610 = arith.constant 0 : i32
      %dma_wait3A_611 = arith.constant 0 : i32
      %dma_wait3A_612 = tpu.memref_slice %arg11[%dma_wait3A_610, %dma_wait3A_611] : memref<100x128xf32, #tpu.memory_space<vmem>> -> memref<96x128xf32, #tpu.memory_space<vmem>>
      %dma_wait3A_613 = arith.constant 0 : i32
      %dma_wait3A_614 = tpu.memref_slice %arg14[%add3A_497, %dma_wait3A_613] : memref<10000x128xf32, #tpu.memory_space<vmem_shared>> -> memref<96x128xf32, #tpu.memory_space<vmem_shared>>
      %dma_wait3A_615 = arith.constant 0 : i32
      %dma_wait3A_616 = arith.constant 0 : i32
      %dma_wait3A_617 = tpu.memref_slice %arg11[%dma_wait3A_615, %dma_wait3A_616] : memref<100x128xf32, #tpu.memory_space<vmem>> -> memref<96x128xf32, #tpu.memory_space<vmem>>
      %dma_wait3A_618 = arith.constant 0 : i32
      %dma_wait3A_619 = tpu.memref_slice %arg14[%add3A_497, %dma_wait3A_618] : memref<10000x128xf32, #tpu.memory_space<vmem_shared>> -> memref<96x128xf32, #tpu.memory_space<vmem_shared>>
      tpu.wait_dma2 semaphore(%run_scoped3A : memref<!tpu.dma_semaphore, #tpu.memory_space<semaphore_mem>>) src(%dma_wait3A_619 : memref<96x128xf32, #tpu.memory_space<vmem_shared>>) dst(%dma_wait3A_617 : memref<96x128xf32, #tpu.memory_space<vmem>>)
      tpu.yield
    }) : () -> ()
    %add3A_498 = arith.constant 384 : i32
    %add3A_499 = arith.addi %mul3A_20, %add3A_498 : i32
    %dma_start3A_500 = arith.constant 0 : i32
    %dma_start3A_501 = arith.constant 0 : i32
    %dma_start3A_502 = tpu.memref_slice %arg11[%dma_start3A_500, %dma_start3A_501] : memref<100x128xf32, #tpu.memory_space<vmem>> -> memref<96x128xf32, #tpu.memory_space<vmem>>
    %dma_start3A_503 = arith.constant 0 : i32
    %dma_start3A_504 = tpu.memref_slice %arg4[%arg0, %add3A_499, %dma_start3A_503] : memref<2x10000x128xf32, #tpu.memory_space<hbm>> -> memref<1x96x128xf32, #tpu.memory_space<hbm>>
    %dma_start3A_505 = tpu.memref_squeeze %dma_start3A_504 : memref<1x96x128xf32, #tpu.memory_space<hbm>> -> memref<96x128xf32, #tpu.memory_space<hbm>>
    %dma_start3A_506 = arith.constant 0 : i32
    %dma_start3A_507 = tpu.memref_slice %arg4[%arg0, %add3A_499, %dma_start3A_506] : memref<2x10000x128xf32, #tpu.memory_space<hbm>> -> memref<1x96x128xf32, #tpu.memory_space<hbm>>
    %dma_start3A_508 = tpu.memref_squeeze %dma_start3A_507 : memref<1x96x128xf32, #tpu.memory_space<hbm>> -> memref<96x128xf32, #tpu.memory_space<hbm>>
    %dma_start3A_509 = arith.constant 0 : i32
    %dma_start3A_510 = arith.constant 0 : i32
    %dma_start3A_511 = tpu.memref_slice %arg11[%dma_start3A_509, %dma_start3A_510] : memref<100x128xf32, #tpu.memory_space<vmem>> -> memref<96x128xf32, #tpu.memory_space<vmem>>
    tpu.enqueue_dma source(%dma_start3A_511 : memref<96x128xf32, #tpu.memory_space<vmem>>) target(%dma_start3A_508 : memref<96x128xf32, #tpu.memory_space<hbm>>) target_semaphore(%arg15 : memref<!tpu.dma_semaphore, #tpu.memory_space<semaphore_mem>>)
    %add3A_512 = arith.constant 288 : i32
    %add3A_513 = arith.addi %mul3A_20, %add3A_512 : i32
    %dma_wait3A_514 = arith.constant 0 : i32
    %dma_wait3A_515 = arith.constant 0 : i32
    %dma_wait3A_516 = tpu.memref_slice %arg12[%dma_wait3A_514, %dma_wait3A_515] : memref<100x128xf32, #tpu.memory_space<vmem>> -> memref<96x128xf32, #tpu.memory_space<vmem>>
    %dma_wait3A_517 = arith.constant 0 : i32
    %dma_wait3A_518 = tpu.memref_slice %arg4[%arg0, %add3A_513, %dma_wait3A_517] : memref<2x10000x128xf32, #tpu.memory_space<hbm>> -> memref<1x96x128xf32, #tpu.memory_space<hbm>>
    %dma_wait3A_519 = tpu.memref_squeeze %dma_wait3A_518 : memref<1x96x128xf32, #tpu.memory_space<hbm>> -> memref<96x128xf32, #tpu.memory_space<hbm>>
    %dma_wait3A_520 = arith.constant 0 : i32
    %dma_wait3A_521 = tpu.memref_slice %arg4[%arg0, %add3A_513, %dma_wait3A_520] : memref<2x10000x128xf32, #tpu.memory_space<hbm>> -> memref<1x96x128xf32, #tpu.memory_space<hbm>>
    %dma_wait3A_522 = tpu.memref_squeeze %dma_wait3A_521 : memref<1x96x128xf32, #tpu.memory_space<hbm>> -> memref<96x128xf32, #tpu.memory_space<hbm>>
    %dma_wait3A_523 = arith.constant 0 : i32
    %dma_wait3A_524 = arith.constant 0 : i32
    %dma_wait3A_525 = tpu.memref_slice %arg12[%dma_wait3A_523, %dma_wait3A_524] : memref<100x128xf32, #tpu.memory_space<vmem>> -> memref<96x128xf32, #tpu.memory_space<vmem>>
    tpu.wait_dma2 semaphore(%arg16 : memref<!tpu.dma_semaphore, #tpu.memory_space<semaphore_mem>>) src(%dma_wait3A_525 : memref<96x128xf32, #tpu.memory_space<vmem>>) dst(%dma_wait3A_522 : memref<96x128xf32, #tpu.memory_space<hbm>>)
    %add3A_526 = arith.constant 480 : i32
    %add3A_527 = arith.addi %mul3A_20, %add3A_526 : i32
    "tpu.region"() ({
      %run_scoped3A = tpu.sem_alloc : memref<!tpu.dma_semaphore, #tpu.memory_space<semaphore_mem>>
      %dma_start3A_600 = arith.constant 0 : i32
      %dma_start3A_601 = arith.constant 0 : i32
      %dma_start3A_602 = tpu.memref_slice %arg12[%dma_start3A_600, %dma_start3A_601] : memref<100x128xf32, #tpu.memory_space<vmem>> -> memref<96x128xf32, #tpu.memory_space<vmem>>
      %dma_start3A_603 = arith.constant 0 : i32
      %dma_start3A_604 = tpu.memref_slice %arg14[%add3A_527, %dma_start3A_603] : memref<10000x128xf32, #tpu.memory_space<vmem_shared>> -> memref<96x128xf32, #tpu.memory_space<vmem_shared>>
      %dma_start3A_605 = arith.constant 0 : i32
      %dma_start3A_606 = arith.constant 0 : i32
      %dma_start3A_607 = tpu.memref_slice %arg12[%dma_start3A_605, %dma_start3A_606] : memref<100x128xf32, #tpu.memory_space<vmem>> -> memref<96x128xf32, #tpu.memory_space<vmem>>
      %dma_start3A_608 = arith.constant 0 : i32
      %dma_start3A_609 = tpu.memref_slice %arg14[%add3A_527, %dma_start3A_608] : memref<10000x128xf32, #tpu.memory_space<vmem_shared>> -> memref<96x128xf32, #tpu.memory_space<vmem_shared>>
      tpu.enqueue_dma source(%dma_start3A_609 : memref<96x128xf32, #tpu.memory_space<vmem_shared>>) target(%dma_start3A_607 : memref<96x128xf32, #tpu.memory_space<vmem>>) target_semaphore(%run_scoped3A : memref<!tpu.dma_semaphore, #tpu.memory_space<semaphore_mem>>)
      %dma_wait3A_610 = arith.constant 0 : i32
      %dma_wait3A_611 = arith.constant 0 : i32
      %dma_wait3A_612 = tpu.memref_slice %arg12[%dma_wait3A_610, %dma_wait3A_611] : memref<100x128xf32, #tpu.memory_space<vmem>> -> memref<96x128xf32, #tpu.memory_space<vmem>>
      %dma_wait3A_613 = arith.constant 0 : i32
      %dma_wait3A_614 = tpu.memref_slice %arg14[%add3A_527, %dma_wait3A_613] : memref<10000x128xf32, #tpu.memory_space<vmem_shared>> -> memref<96x128xf32, #tpu.memory_space<vmem_shared>>
      %dma_wait3A_615 = arith.constant 0 : i32
      %dma_wait3A_616 = arith.constant 0 : i32
      %dma_wait3A_617 = tpu.memref_slice %arg12[%dma_wait3A_615, %dma_wait3A_616] : memref<100x128xf32, #tpu.memory_space<vmem>> -> memref<96x128xf32, #tpu.memory_space<vmem>>
      %dma_wait3A_618 = arith.constant 0 : i32
      %dma_wait3A_619 = tpu.memref_slice %arg14[%add3A_527, %dma_wait3A_618] : memref<10000x128xf32, #tpu.memory_space<vmem_shared>> -> memref<96x128xf32, #tpu.memory_space<vmem_shared>>
      tpu.wait_dma2 semaphore(%run_scoped3A : memref<!tpu.dma_semaphore, #tpu.memory_space<semaphore_mem>>) src(%dma_wait3A_619 : memref<96x128xf32, #tpu.memory_space<vmem_shared>>) dst(%dma_wait3A_617 : memref<96x128xf32, #tpu.memory_space<vmem>>)
      tpu.yield
    }) : () -> ()
    %add3A_528 = arith.constant 480 : i32
    %add3A_529 = arith.addi %mul3A_20, %add3A_528 : i32
    %dma_start3A_530 = arith.constant 0 : i32
    %dma_start3A_531 = arith.constant 0 : i32
    %dma_start3A_532 = tpu.memref_slice %arg12[%dma_start3A_530, %dma_start3A_531] : memref<100x128xf32, #tpu.memory_space<vmem>> -> memref<96x128xf32, #tpu.memory_space<vmem>>
    %dma_start3A_533 = arith.constant 0 : i32
    %dma_start3A_534 = tpu.memref_slice %arg4[%arg0, %add3A_529, %dma_start3A_533] : memref<2x10000x128xf32, #tpu.memory_space<hbm>> -> memref<1x96x128xf32, #tpu.memory_space<hbm>>
    %dma_start3A_535 = tpu.memref_squeeze %dma_start3A_534 : memref<1x96x128xf32, #tpu.memory_space<hbm>> -> memref<96x128xf32, #tpu.memory_space<hbm>>
    %dma_start3A_536 = arith.constant 0 : i32
    %dma_start3A_537 = tpu.memref_slice %arg4[%arg0, %add3A_529, %dma_start3A_536] : memref<2x10000x128xf32, #tpu.memory_space<hbm>> -> memref<1x96x128xf32, #tpu.memory_space<hbm>>
    %dma_start3A_538 = tpu.memref_squeeze %dma_start3A_537 : memref<1x96x128xf32, #tpu.memory_space<hbm>> -> memref<96x128xf32, #tpu.memory_space<hbm>>
    %dma_start3A_539 = arith.constant 0 : i32
    %dma_start3A_540 = arith.constant 0 : i32
    %dma_start3A_541 = tpu.memref_slice %arg12[%dma_start3A_539, %dma_start3A_540] : memref<100x128xf32, #tpu.memory_space<vmem>> -> memref<96x128xf32, #tpu.memory_space<vmem>>
    tpu.enqueue_dma source(%dma_start3A_541 : memref<96x128xf32, #tpu.memory_space<vmem>>) target(%dma_start3A_538 : memref<96x128xf32, #tpu.memory_space<hbm>>) target_semaphore(%arg16 : memref<!tpu.dma_semaphore, #tpu.memory_space<semaphore_mem>>)
    %add3A_542 = arith.constant 384 : i32
    %add3A_543 = arith.addi %mul3A_20, %add3A_542 : i32
    %dma_wait3A_544 = arith.constant 0 : i32
    %dma_wait3A_545 = arith.constant 0 : i32
    %dma_wait3A_546 = tpu.memref_slice %arg11[%dma_wait3A_544, %dma_wait3A_545] : memref<100x128xf32, #tpu.memory_space<vmem>> -> memref<96x128xf32, #tpu.memory_space<vmem>>
    %dma_wait3A_547 = arith.constant 0 : i32
    %dma_wait3A_548 = tpu.memref_slice %arg4[%arg0, %add3A_543, %dma_wait3A_547] : memref<2x10000x128xf32, #tpu.memory_space<hbm>> -> memref<1x96x128xf32, #tpu.memory_space<hbm>>
    %dma_wait3A_549 = tpu.memref_squeeze %dma_wait3A_548 : memref<1x96x128xf32, #tpu.memory_space<hbm>> -> memref<96x128xf32, #tpu.memory_space<hbm>>
    %dma_wait3A_550 = arith.constant 0 : i32
    %dma_wait3A_551 = tpu.memref_slice %arg4[%arg0, %add3A_543, %dma_wait3A_550] : memref<2x10000x128xf32, #tpu.memory_space<hbm>> -> memref<1x96x128xf32, #tpu.memory_space<hbm>>
    %dma_wait3A_552 = tpu.memref_squeeze %dma_wait3A_551 : memref<1x96x128xf32, #tpu.memory_space<hbm>> -> memref<96x128xf32, #tpu.memory_space<hbm>>
    %dma_wait3A_553 = arith.constant 0 : i32
    %dma_wait3A_554 = arith.constant 0 : i32
    %dma_wait3A_555 = tpu.memref_slice %arg11[%dma_wait3A_553, %dma_wait3A_554] : memref<100x128xf32, #tpu.memory_space<vmem>> -> memref<96x128xf32, #tpu.memory_space<vmem>>
    tpu.wait_dma2 semaphore(%arg15 : memref<!tpu.dma_semaphore, #tpu.memory_space<semaphore_mem>>) src(%dma_wait3A_555 : memref<96x128xf32, #tpu.memory_space<vmem>>) dst(%dma_wait3A_552 : memref<96x128xf32, #tpu.memory_space<hbm>>)
    %add3A_556 = arith.constant 576 : i32
    %add3A_557 = arith.addi %mul3A_20, %add3A_556 : i32
    "tpu.region"() ({
      %run_scoped3A = tpu.sem_alloc : memref<!tpu.dma_semaphore, #tpu.memory_space<semaphore_mem>>
      %dma_start3A_600 = arith.constant 0 : i32
      %dma_start3A_601 = arith.constant 0 : i32
      %dma_start3A_602 = tpu.memref_slice %arg11[%dma_start3A_600, %dma_start3A_601] : memref<100x128xf32, #tpu.memory_space<vmem>> -> memref<56x128xf32, #tpu.memory_space<vmem>>
      %dma_start3A_603 = arith.constant 0 : i32
      %dma_start3A_604 = tpu.memref_slice %arg14[%add3A_557, %dma_start3A_603] : memref<10000x128xf32, #tpu.memory_space<vmem_shared>> -> memref<56x128xf32, #tpu.memory_space<vmem_shared>>
      %dma_start3A_605 = arith.constant 0 : i32
      %dma_start3A_606 = arith.constant 0 : i32
      %dma_start3A_607 = tpu.memref_slice %arg11[%dma_start3A_605, %dma_start3A_606] : memref<100x128xf32, #tpu.memory_space<vmem>> -> memref<56x128xf32, #tpu.memory_space<vmem>>
      %dma_start3A_608 = arith.constant 0 : i32
      %dma_start3A_609 = tpu.memref_slice %arg14[%add3A_557, %dma_start3A_608] : memref<10000x128xf32, #tpu.memory_space<vmem_shared>> -> memref<56x128xf32, #tpu.memory_space<vmem_shared>>
      tpu.enqueue_dma source(%dma_start3A_609 : memref<56x128xf32, #tpu.memory_space<vmem_shared>>) target(%dma_start3A_607 : memref<56x128xf32, #tpu.memory_space<vmem>>) target_semaphore(%run_scoped3A : memref<!tpu.dma_semaphore, #tpu.memory_space<semaphore_mem>>)
      %dma_wait3A_610 = arith.constant 0 : i32
      %dma_wait3A_611 = arith.constant 0 : i32
      %dma_wait3A_612 = tpu.memref_slice %arg11[%dma_wait3A_610, %dma_wait3A_611] : memref<100x128xf32, #tpu.memory_space<vmem>> -> memref<56x128xf32, #tpu.memory_space<vmem>>
      %dma_wait3A_613 = arith.constant 0 : i32
      %dma_wait3A_614 = tpu.memref_slice %arg14[%add3A_557, %dma_wait3A_613] : memref<10000x128xf32, #tpu.memory_space<vmem_shared>> -> memref<56x128xf32, #tpu.memory_space<vmem_shared>>
      %dma_wait3A_615 = arith.constant 0 : i32
      %dma_wait3A_616 = arith.constant 0 : i32
      %dma_wait3A_617 = tpu.memref_slice %arg11[%dma_wait3A_615, %dma_wait3A_616] : memref<100x128xf32, #tpu.memory_space<vmem>> -> memref<56x128xf32, #tpu.memory_space<vmem>>
      %dma_wait3A_618 = arith.constant 0 : i32
      %dma_wait3A_619 = tpu.memref_slice %arg14[%add3A_557, %dma_wait3A_618] : memref<10000x128xf32, #tpu.memory_space<vmem_shared>> -> memref<56x128xf32, #tpu.memory_space<vmem_shared>>
      tpu.wait_dma2 semaphore(%run_scoped3A : memref<!tpu.dma_semaphore, #tpu.memory_space<semaphore_mem>>) src(%dma_wait3A_619 : memref<56x128xf32, #tpu.memory_space<vmem_shared>>) dst(%dma_wait3A_617 : memref<56x128xf32, #tpu.memory_space<vmem>>)
      tpu.yield
    }) : () -> ()
    %add3A_558 = arith.constant 576 : i32
    %add3A_559 = arith.addi %mul3A_20, %add3A_558 : i32
    %dma_start3A_560 = arith.constant 0 : i32
    %dma_start3A_561 = arith.constant 0 : i32
    %dma_start3A_562 = tpu.memref_slice %arg11[%dma_start3A_560, %dma_start3A_561] : memref<100x128xf32, #tpu.memory_space<vmem>> -> memref<56x128xf32, #tpu.memory_space<vmem>>
    %dma_start3A_563 = arith.constant 0 : i32
    %dma_start3A_564 = tpu.memref_slice %arg4[%arg0, %add3A_559, %dma_start3A_563] : memref<2x10000x128xf32, #tpu.memory_space<hbm>> -> memref<1x56x128xf32, #tpu.memory_space<hbm>>
    %dma_start3A_565 = tpu.memref_squeeze %dma_start3A_564 : memref<1x56x128xf32, #tpu.memory_space<hbm>> -> memref<56x128xf32, #tpu.memory_space<hbm>>
    %dma_start3A_566 = arith.constant 0 : i32
    %dma_start3A_567 = tpu.memref_slice %arg4[%arg0, %add3A_559, %dma_start3A_566] : memref<2x10000x128xf32, #tpu.memory_space<hbm>> -> memref<1x56x128xf32, #tpu.memory_space<hbm>>
    %dma_start3A_568 = tpu.memref_squeeze %dma_start3A_567 : memref<1x56x128xf32, #tpu.memory_space<hbm>> -> memref<56x128xf32, #tpu.memory_space<hbm>>
    %dma_start3A_569 = arith.constant 0 : i32
    %dma_start3A_570 = arith.constant 0 : i32
    %dma_start3A_571 = tpu.memref_slice %arg11[%dma_start3A_569, %dma_start3A_570] : memref<100x128xf32, #tpu.memory_space<vmem>> -> memref<56x128xf32, #tpu.memory_space<vmem>>
    tpu.enqueue_dma source(%dma_start3A_571 : memref<56x128xf32, #tpu.memory_space<vmem>>) target(%dma_start3A_568 : memref<56x128xf32, #tpu.memory_space<hbm>>) target_semaphore(%arg15 : memref<!tpu.dma_semaphore, #tpu.memory_space<semaphore_mem>>)
    %add3A_572 = arith.constant 480 : i32
    %add3A_573 = arith.addi %mul3A_20, %add3A_572 : i32
    %dma_wait3A_574 = arith.constant 0 : i32
    %dma_wait3A_575 = arith.constant 0 : i32
    %dma_wait3A_576 = tpu.memref_slice %arg12[%dma_wait3A_574, %dma_wait3A_575] : memref<100x128xf32, #tpu.memory_space<vmem>> -> memref<96x128xf32, #tpu.memory_space<vmem>>
    %dma_wait3A_577 = arith.constant 0 : i32
    %dma_wait3A_578 = tpu.memref_slice %arg4[%arg0, %add3A_573, %dma_wait3A_577] : memref<2x10000x128xf32, #tpu.memory_space<hbm>> -> memref<1x96x128xf32, #tpu.memory_space<hbm>>
    %dma_wait3A_579 = tpu.memref_squeeze %dma_wait3A_578 : memref<1x96x128xf32, #tpu.memory_space<hbm>> -> memref<96x128xf32, #tpu.memory_space<hbm>>
    %dma_wait3A_580 = arith.constant 0 : i32
    %dma_wait3A_581 = tpu.memref_slice %arg4[%arg0, %add3A_573, %dma_wait3A_580] : memref<2x10000x128xf32, #tpu.memory_space<hbm>> -> memref<1x96x128xf32, #tpu.memory_space<hbm>>
    %dma_wait3A_582 = tpu.memref_squeeze %dma_wait3A_581 : memref<1x96x128xf32, #tpu.memory_space<hbm>> -> memref<96x128xf32, #tpu.memory_space<hbm>>
    %dma_wait3A_583 = arith.constant 0 : i32
    %dma_wait3A_584 = arith.constant 0 : i32
    %dma_wait3A_585 = tpu.memref_slice %arg12[%dma_wait3A_583, %dma_wait3A_584] : memref<100x128xf32, #tpu.memory_space<vmem>> -> memref<96x128xf32, #tpu.memory_space<vmem>>
    tpu.wait_dma2 semaphore(%arg16 : memref<!tpu.dma_semaphore, #tpu.memory_space<semaphore_mem>>) src(%dma_wait3A_585 : memref<96x128xf32, #tpu.memory_space<vmem>>) dst(%dma_wait3A_582 : memref<96x128xf32, #tpu.memory_space<hbm>>)
    %add3A_586 = arith.constant 576 : i32
    %add3A_587 = arith.addi %mul3A_20, %add3A_586 : i32
    %dma_wait3A_588 = arith.constant 0 : i32
    %dma_wait3A_589 = arith.constant 0 : i32
    %dma_wait3A_590 = tpu.memref_slice %arg11[%dma_wait3A_588, %dma_wait3A_589] : memref<100x128xf32, #tpu.memory_space<vmem>> -> memref<56x128xf32, #tpu.memory_space<vmem>>
    %dma_wait3A_591 = arith.constant 0 : i32
    %dma_wait3A_592 = tpu.memref_slice %arg4[%arg0, %add3A_587, %dma_wait3A_591] : memref<2x10000x128xf32, #tpu.memory_space<hbm>> -> memref<1x56x128xf32, #tpu.memory_space<hbm>>
    %dma_wait3A_593 = tpu.memref_squeeze %dma_wait3A_592 : memref<1x56x128xf32, #tpu.memory_space<hbm>> -> memref<56x128xf32, #tpu.memory_space<hbm>>
    %dma_wait3A_594 = arith.constant 0 : i32
    %dma_wait3A_595 = tpu.memref_slice %arg4[%arg0, %add3A_587, %dma_wait3A_594] : memref<2x10000x128xf32, #tpu.memory_space<hbm>> -> memref<1x56x128xf32, #tpu.memory_space<hbm>>
    %dma_wait3A_596 = tpu.memref_squeeze %dma_wait3A_595 : memref<1x56x128xf32, #tpu.memory_space<hbm>> -> memref<56x128xf32, #tpu.memory_space<hbm>>
    %dma_wait3A_597 = arith.constant 0 : i32
    %dma_wait3A_598 = arith.constant 0 : i32
    %dma_wait3A_599 = tpu.memref_slice %arg11[%dma_wait3A_597, %dma_wait3A_598] : memref<100x128xf32, #tpu.memory_space<vmem>> -> memref<56x128xf32, #tpu.memory_space<vmem>>
    tpu.wait_dma2 semaphore(%arg15 : memref<!tpu.dma_semaphore, #tpu.memory_space<semaphore_mem>>) src(%dma_wait3A_599 : memref<56x128xf32, #tpu.memory_space<vmem>>) dst(%dma_wait3A_596 : memref<56x128xf32, #tpu.memory_space<hbm>>)
    return
  }
}

#map = affine_map<(d0, d1) -> (0, 0, 0)>
#map1 = affine_map<(d0, d1) -> (0)>
module attributes {stable_mosaic.version = 14 : i64} {
  func.func @_deg_body(%arg0: i32, %arg1: i32, %arg2: memref<32x100x100xi32, #tpu.memory_space<hbm>>, %arg3: memref<20000xf32, #tpu.memory_space<hbm>>, %arg4: memref<100x100xi32, #tpu.memory_space<vmem>>, %arg5: memref<128xf32, #tpu.memory_space<vmem>>, %arg6: memref<640xf32, #tpu.memory_space<vmem>>, %arg7: memref<10000xf32, #tpu.memory_space<vmem_shared>>, %arg8: memref<!tpu.dma_semaphore, #tpu.memory_space<semaphore_mem>>) attributes {dimension_semantics = [#tpu.dimension_semantics<core_parallel>, #tpu.dimension_semantics<subcore_parallel>], iteration_bounds = array<i64: 2, 16>, scalar_prefetch = 0 : i64, scratch_operands = 5 : i64, tpu.core_type = #tpu.core_type<sc_vector_subcore>, window_params = [{transform_indices = #map}, {transform_indices = #map1}]} {
    %mul3A = arith.constant 16 : i32
    %mul3A_0 = arith.muli %arg0, %mul3A : i32
    %add3A = arith.addi %mul3A_0, %arg1 : i32
    %dma_start3A = arith.constant 0 : i32
    %dma_start3A_1 = arith.constant 0 : i32
    %dma_start3A_2 = tpu.memref_slice %arg2[%add3A, %dma_start3A, %dma_start3A_1] : memref<32x100x100xi32, #tpu.memory_space<hbm>> -> memref<1x100x100xi32, #tpu.memory_space<hbm>>
    %dma_start3A_3 = tpu.memref_squeeze %dma_start3A_2 : memref<1x100x100xi32, #tpu.memory_space<hbm>> -> memref<100x100xi32, #tpu.memory_space<hbm>>
    %dma_start3A_4 = arith.constant 0 : i32
    %dma_start3A_5 = arith.constant 0 : i32
    %dma_start3A_6 = tpu.memref_slice %arg2[%add3A, %dma_start3A_4, %dma_start3A_5] : memref<32x100x100xi32, #tpu.memory_space<hbm>> -> memref<1x100x100xi32, #tpu.memory_space<hbm>>
    %dma_start3A_7 = tpu.memref_squeeze %dma_start3A_6 : memref<1x100x100xi32, #tpu.memory_space<hbm>> -> memref<100x100xi32, #tpu.memory_space<hbm>>
    tpu.enqueue_dma source(%dma_start3A_7 : memref<100x100xi32, #tpu.memory_space<hbm>>) target(%arg4 : memref<100x100xi32, #tpu.memory_space<vmem>>) target_semaphore(%arg8 : memref<!tpu.dma_semaphore, #tpu.memory_space<semaphore_mem>>)
    %broadcast_in_dim3A = arith.constant 1.000000e+00 : f32
    %broadcast_in_dim3A_8 = vector.broadcast %broadcast_in_dim3A : f32 to vector<16xf32>
    %swap3A = arith.constant 0 : index
    %swap3A_9 = tpu.vector_load %arg5[%swap3A] {strides = array<i32>} : memref<128xf32, #tpu.memory_space<vmem>>, vector<16xf32>,
    %swap3A_10 = vector.shape_cast %swap3A_9 : vector<16xf32> to vector<16xf32>
    %swap3A_11 = vector.shape_cast %broadcast_in_dim3A_8 : vector<16xf32> to vector<16xf32>
    tpu.vector_store %arg5[%swap3A], %swap3A_11 {strides = array<i32>} : memref<128xf32, #tpu.memory_space<vmem>>, vector<16xf32>,
    %broadcast_in_dim3A_12 = arith.constant 1.000000e+00 : f32
    %broadcast_in_dim3A_13 = vector.broadcast %broadcast_in_dim3A_12 : f32 to vector<16xf32>
    %swap3A_14 = arith.constant 16 : index
    %swap3A_15 = tpu.vector_load %arg5[%swap3A_14] {strides = array<i32>} : memref<128xf32, #tpu.memory_space<vmem>>, vector<16xf32>,
    %swap3A_16 = vector.shape_cast %swap3A_15 : vector<16xf32> to vector<16xf32>
    %swap3A_17 = vector.shape_cast %broadcast_in_dim3A_13 : vector<16xf32> to vector<16xf32>
    tpu.vector_store %arg5[%swap3A_14], %swap3A_17 {strides = array<i32>} : memref<128xf32, #tpu.memory_space<vmem>>, vector<16xf32>,
    %broadcast_in_dim3A_18 = arith.constant 1.000000e+00 : f32
    %broadcast_in_dim3A_19 = vector.broadcast %broadcast_in_dim3A_18 : f32 to vector<16xf32>
    %swap3A_20 = arith.constant 32 : index
    %swap3A_21 = tpu.vector_load %arg5[%swap3A_20] {strides = array<i32>} : memref<128xf32, #tpu.memory_space<vmem>>, vector<16xf32>,
    %swap3A_22 = vector.shape_cast %swap3A_21 : vector<16xf32> to vector<16xf32>
    %swap3A_23 = vector.shape_cast %broadcast_in_dim3A_19 : vector<16xf32> to vector<16xf32>
    tpu.vector_store %arg5[%swap3A_20], %swap3A_23 {strides = array<i32>} : memref<128xf32, #tpu.memory_space<vmem>>, vector<16xf32>,
    %broadcast_in_dim3A_24 = arith.constant 1.000000e+00 : f32
    %broadcast_in_dim3A_25 = vector.broadcast %broadcast_in_dim3A_24 : f32 to vector<16xf32>
    %swap3A_26 = arith.constant 48 : index
    %swap3A_27 = tpu.vector_load %arg5[%swap3A_26] {strides = array<i32>} : memref<128xf32, #tpu.memory_space<vmem>>, vector<16xf32>,
    %swap3A_28 = vector.shape_cast %swap3A_27 : vector<16xf32> to vector<16xf32>
    %swap3A_29 = vector.shape_cast %broadcast_in_dim3A_25 : vector<16xf32> to vector<16xf32>
    tpu.vector_store %arg5[%swap3A_26], %swap3A_29 {strides = array<i32>} : memref<128xf32, #tpu.memory_space<vmem>>, vector<16xf32>,
    %broadcast_in_dim3A_30 = arith.constant 1.000000e+00 : f32
    %broadcast_in_dim3A_31 = vector.broadcast %broadcast_in_dim3A_30 : f32 to vector<16xf32>
    %swap3A_32 = arith.constant 64 : index
    %swap3A_33 = tpu.vector_load %arg5[%swap3A_32] {strides = array<i32>} : memref<128xf32, #tpu.memory_space<vmem>>, vector<16xf32>,
    %swap3A_34 = vector.shape_cast %swap3A_33 : vector<16xf32> to vector<16xf32>
    %swap3A_35 = vector.shape_cast %broadcast_in_dim3A_31 : vector<16xf32> to vector<16xf32>
    tpu.vector_store %arg5[%swap3A_32], %swap3A_35 {strides = array<i32>} : memref<128xf32, #tpu.memory_space<vmem>>, vector<16xf32>,
    %broadcast_in_dim3A_36 = arith.constant 1.000000e+00 : f32
    %broadcast_in_dim3A_37 = vector.broadcast %broadcast_in_dim3A_36 : f32 to vector<16xf32>
    %swap3A_38 = arith.constant 80 : index
    %swap3A_39 = tpu.vector_load %arg5[%swap3A_38] {strides = array<i32>} : memref<128xf32, #tpu.memory_space<vmem>>, vector<16xf32>,
    %swap3A_40 = vector.shape_cast %swap3A_39 : vector<16xf32> to vector<16xf32>
    %swap3A_41 = vector.shape_cast %broadcast_in_dim3A_37 : vector<16xf32> to vector<16xf32>
    tpu.vector_store %arg5[%swap3A_38], %swap3A_41 {strides = array<i32>} : memref<128xf32, #tpu.memory_space<vmem>>, vector<16xf32>,
    %broadcast_in_dim3A_42 = arith.constant 1.000000e+00 : f32
    %broadcast_in_dim3A_43 = vector.broadcast %broadcast_in_dim3A_42 : f32 to vector<16xf32>
    %swap3A_44 = arith.constant 96 : index
    %swap3A_45 = tpu.vector_load %arg5[%swap3A_44] {strides = array<i32>} : memref<128xf32, #tpu.memory_space<vmem>>, vector<16xf32>,
    %swap3A_46 = vector.shape_cast %swap3A_45 : vector<16xf32> to vector<16xf32>
    %swap3A_47 = vector.shape_cast %broadcast_in_dim3A_43 : vector<16xf32> to vector<16xf32>
    tpu.vector_store %arg5[%swap3A_44], %swap3A_47 {strides = array<i32>} : memref<128xf32, #tpu.memory_space<vmem>>, vector<16xf32>,
    %broadcast_in_dim3A_48 = arith.constant 1.000000e+00 : f32
    %broadcast_in_dim3A_49 = vector.broadcast %broadcast_in_dim3A_48 : f32 to vector<16xf32>
    %swap3A_50 = arith.constant 112 : index
    %swap3A_51 = tpu.vector_load %arg5[%swap3A_50] {strides = array<i32>} : memref<128xf32, #tpu.memory_space<vmem>>, vector<16xf32>,
    %swap3A_52 = vector.shape_cast %swap3A_51 : vector<16xf32> to vector<16xf32>
    %swap3A_53 = vector.shape_cast %broadcast_in_dim3A_49 : vector<16xf32> to vector<16xf32>
    tpu.vector_store %arg5[%swap3A_50], %swap3A_53 {strides = array<i32>} : memref<128xf32, #tpu.memory_space<vmem>>, vector<16xf32>,
    %scan3A = arith.constant 0 : i32
    %scan3A_54 = arith.constant 0 : i32
    %scan3A_55 = arith.constant 40 : i32
    %scan3A_56 = arith.addi %scan3A_54, %scan3A_55 : i32
    %scan3A_57 = arith.constant 1 : i32
    scf.for %scan3A_130 = %scan3A_54 to %scan3A_56 step %scan3A_57  : i32 {
      %broadcast_in_dim3A_131 = arith.constant 0.000000e+00 : f32
      %broadcast_in_dim3A_132 = vector.broadcast %broadcast_in_dim3A_131 : f32 to vector<16xf32>
      %mul3A_133 = arith.constant 16 : i32
      %mul3A_134 = arith.muli %scan3A_130, %mul3A_133 : i32
      %swap3A_135 = arith.index_cast %mul3A_134 : i32 to index
      %swap3A_136 = tpu.vector_load %arg6[%swap3A_135] {strides = array<i32>} : memref<640xf32, #tpu.memory_space<vmem>>, vector<16xf32>,
      %swap3A_137 = vector.shape_cast %swap3A_136 : vector<16xf32> to vector<16xf32>
      %swap3A_138 = vector.shape_cast %broadcast_in_dim3A_132 : vector<16xf32> to vector<16xf32>
      tpu.vector_store %arg6[%swap3A_135], %swap3A_138 {strides = array<i32>} : memref<640xf32, #tpu.memory_space<vmem>>, vector<16xf32>,
    }
    %scan3A_58 = arith.constant 40 : i32
    %mul3A_59 = arith.constant 625 : i32
    %mul3A_60 = arith.muli %arg1, %mul3A_59 : i32
    %jit3A = arith.constant 8 : i32
    %div3A = arith.divsi %mul3A_60, %jit3A : i32
    %sign3A = arith.constant 0 : i32
    %sign3A_61 = arith.cmpi sgt, %mul3A_60, %sign3A : i32
    %sign3A_62 = arith.extui %sign3A_61 : i1 to i32
    %sign3A_63 = arith.constant 0 : i32
    %sign3A_64 = arith.cmpi slt, %mul3A_60, %sign3A_63 : i32
    %sign3A_65 = arith.extui %sign3A_64 : i1 to i32
    %sign3A_66 = arith.subi %sign3A_62, %sign3A_65 : i32
    %sign3A_67 = arith.constant 0 : i32
    %sign3A_68 = arith.cmpi sgt, %jit3A, %sign3A_67 : i32
    %sign3A_69 = arith.extui %sign3A_68 : i1 to i32
    %sign3A_70 = arith.constant 0 : i32
    %sign3A_71 = arith.cmpi slt, %jit3A, %sign3A_70 : i32
    %sign3A_72 = arith.extui %sign3A_71 : i1 to i32
    %sign3A_73 = arith.subi %sign3A_69, %sign3A_72 : i32
    %ne3A = arith.cmpi ne, %sign3A_66, %sign3A_73 : i32
    %rem3A = arith.remsi %mul3A_60, %jit3A : i32
    %ne3A_74 = arith.constant 0 : i32
    %ne3A_75 = arith.cmpi ne, %rem3A, %ne3A_74 : i32
    %and3A = arith.andi %ne3A, %ne3A_75 : i1
    %sub3A = arith.constant 1 : i32
    %sub3A_76 = arith.subi %div3A, %sub3A : i32
    %select_n3A = arith.select %and3A, %sub3A_76, %div3A : i32
    %mul3A_77 = arith.constant 8 : i32
    %mul3A_78 = arith.muli %select_n3A, %mul3A_77 : i32
    "tpu.region"() ({
      %run_scoped3A = tpu.sem_alloc : memref<!tpu.dma_semaphore, #tpu.memory_space<semaphore_mem>>
      %dma_start3A_130 = arith.constant 0 : i32
      %dma_start3A_131 = tpu.memref_slice %arg6[%dma_start3A_130] : memref<640xf32, #tpu.memory_space<vmem>> -> memref<632xf32, #tpu.memory_space<vmem>>
      %dma_start3A_132 = tpu.memref_slice %arg7[%mul3A_78] : memref<10000xf32, #tpu.memory_space<vmem_shared>> -> memref<632xf32, #tpu.memory_space<vmem_shared>>
      %dma_start3A_133 = tpu.memref_slice %arg7[%mul3A_78] : memref<10000xf32, #tpu.memory_space<vmem_shared>> -> memref<632xf32, #tpu.memory_space<vmem_shared>>
      %dma_start3A_134 = arith.constant 0 : i32
      %dma_start3A_135 = tpu.memref_slice %arg6[%dma_start3A_134] : memref<640xf32, #tpu.memory_space<vmem>> -> memref<632xf32, #tpu.memory_space<vmem>>
      tpu.enqueue_dma source(%dma_start3A_135 : memref<632xf32, #tpu.memory_space<vmem>>) target(%dma_start3A_133 : memref<632xf32, #tpu.memory_space<vmem_shared>>) target_semaphore(%run_scoped3A : memref<!tpu.dma_semaphore, #tpu.memory_space<semaphore_mem>>)
      %dma_wait3A_136 = arith.constant 0 : i32
      %dma_wait3A_137 = tpu.memref_slice %arg6[%dma_wait3A_136] : memref<640xf32, #tpu.memory_space<vmem>> -> memref<632xf32, #tpu.memory_space<vmem>>
      %dma_wait3A_138 = tpu.memref_slice %arg7[%mul3A_78] : memref<10000xf32, #tpu.memory_space<vmem_shared>> -> memref<632xf32, #tpu.memory_space<vmem_shared>>
      %dma_wait3A_139 = tpu.memref_slice %arg7[%mul3A_78] : memref<10000xf32, #tpu.memory_space<vmem_shared>> -> memref<632xf32, #tpu.memory_space<vmem_shared>>
      %dma_wait3A_140 = arith.constant 0 : i32
      %dma_wait3A_141 = tpu.memref_slice %arg6[%dma_wait3A_140] : memref<640xf32, #tpu.memory_space<vmem>> -> memref<632xf32, #tpu.memory_space<vmem>>
      tpu.wait_dma2 semaphore(%run_scoped3A : memref<!tpu.dma_semaphore, #tpu.memory_space<semaphore_mem>>) src(%dma_wait3A_141 : memref<632xf32, #tpu.memory_space<vmem>>) dst(%dma_wait3A_139 : memref<632xf32, #tpu.memory_space<vmem_shared>>)
      tpu.yield
    }) : () -> ()
    %barrier3A = arith.constant 0 : index
    tpu.barrier barrier_id(%barrier3A)
    %dma_wait3A = arith.constant 0 : i32
    %dma_wait3A_79 = arith.constant 0 : i32
    %dma_wait3A_80 = tpu.memref_slice %arg2[%add3A, %dma_wait3A, %dma_wait3A_79] : memref<32x100x100xi32, #tpu.memory_space<hbm>> -> memref<1x100x100xi32, #tpu.memory_space<hbm>>
    %dma_wait3A_81 = tpu.memref_squeeze %dma_wait3A_80 : memref<1x100x100xi32, #tpu.memory_space<hbm>> -> memref<100x100xi32, #tpu.memory_space<hbm>>
    %dma_wait3A_82 = arith.constant 0 : i32
    %dma_wait3A_83 = arith.constant 0 : i32
    %dma_wait3A_84 = tpu.memref_slice %arg2[%add3A, %dma_wait3A_82, %dma_wait3A_83] : memref<32x100x100xi32, #tpu.memory_space<hbm>> -> memref<1x100x100xi32, #tpu.memory_space<hbm>>
    %dma_wait3A_85 = tpu.memref_squeeze %dma_wait3A_84 : memref<1x100x100xi32, #tpu.memory_space<hbm>> -> memref<100x100xi32, #tpu.memory_space<hbm>>
    tpu.wait_dma2 semaphore(%arg8 : memref<!tpu.dma_semaphore, #tpu.memory_space<semaphore_mem>>) src(%dma_wait3A_85 : memref<100x100xi32, #tpu.memory_space<hbm>>) dst(%arg4 : memref<100x100xi32, #tpu.memory_space<vmem>>)
    %scan3A_86 = arith.constant 0 : i32
    %scan3A_87 = arith.constant 0 : i32
    %scan3A_88 = arith.constant 100 : i32
    %scan3A_89 = arith.addi %scan3A_87, %scan3A_88 : i32
    %scan3A_90 = arith.constant 1 : i32
    scf.for %scan3A_130 = %scan3A_87 to %scan3A_89 step %scan3A_90  : i32 {
      %dma_start3A_131 = arith.constant 0 : i32
      %dma_start3A_132 = tpu.memref_slice %arg5[%dma_start3A_131] : memref<128xf32, #tpu.memory_space<vmem>> -> memref<100xf32, #tpu.memory_space<vmem>>
      %dma_start3A_133 = arith.constant 0 : i32
      %dma_start3A_134 = tpu.memref_slice %arg4[%scan3A_130, %dma_start3A_133] : memref<100x100xi32, #tpu.memory_space<vmem>> -> memref<1x100xi32, #tpu.memory_space<vmem>>
      %dma_start3A_135 = tpu.memref_squeeze %dma_start3A_134 : memref<1x100xi32, #tpu.memory_space<vmem>> -> memref<100xi32, #tpu.memory_space<vmem>>
      %dma_start3A_136 = arith.constant 0 : i32
      %dma_start3A_137 = tpu.memref_slice %arg7[%dma_start3A_136] : memref<10000xf32, #tpu.memory_space<vmem_shared>> -> memref<10000xf32, #tpu.memory_space<vmem_shared>>
      tpu.enqueue_indirect_dma source(%dma_start3A_132 : memref<100xf32, #tpu.memory_space<vmem>>) target(%dma_start3A_137 : memref<10000xf32, #tpu.memory_space<vmem_shared>>) offsets(%dma_start3A_135 : memref<100xi32, #tpu.memory_space<vmem>>) semaphore(%arg8 : memref<!tpu.dma_semaphore, #tpu.memory_space<semaphore_mem>>) {add = true}
    }
    %scan3A_91 = arith.constant 100 : i32
    %scan3A_92 = arith.constant 0 : i32
    %scan3A_93 = arith.constant 0 : i32
    %scan3A_94 = arith.constant 100 : i32
    %scan3A_95 = arith.addi %scan3A_93, %scan3A_94 : i32
    %scan3A_96 = arith.constant 1 : i32
    scf.for %scan3A_130 = %scan3A_93 to %scan3A_95 step %scan3A_96  : i32 {
      %dma_wait3A_131 = arith.constant 0 : i32
      %dma_wait3A_132 = tpu.memref_slice %arg5[%dma_wait3A_131] : memref<128xf32, #tpu.memory_space<vmem>> -> memref<100xf32, #tpu.memory_space<vmem>>
      %dma_wait3A_133 = arith.constant 0 : i32
      %dma_wait3A_134 = tpu.memref_slice %arg4[%scan3A_130, %dma_wait3A_133] : memref<100x100xi32, #tpu.memory_space<vmem>> -> memref<1x100xi32, #tpu.memory_space<vmem>>
      %dma_wait3A_135 = tpu.memref_squeeze %dma_wait3A_134 : memref<1x100xi32, #tpu.memory_space<vmem>> -> memref<100xi32, #tpu.memory_space<vmem>>
      %dma_wait3A_136 = arith.constant 0 : i32
      %dma_wait3A_137 = tpu.memref_slice %arg7[%dma_wait3A_136] : memref<10000xf32, #tpu.memory_space<vmem_shared>> -> memref<10000xf32, #tpu.memory_space<vmem_shared>>
      tpu.wait_indirect_dma semaphore(%arg8 : memref<!tpu.dma_semaphore, #tpu.memory_space<semaphore_mem>>) src(%dma_wait3A_132 : memref<100xf32, #tpu.memory_space<vmem>>) dst(%dma_wait3A_137 : memref<10000xf32, #tpu.memory_space<vmem_shared>>)
    }
    %scan3A_97 = arith.constant 100 : i32
    %barrier3A_98 = arith.constant 0 : index
    tpu.barrier barrier_id(%barrier3A_98)
    %mul3A_99 = arith.constant 625 : i32
    %mul3A_100 = arith.muli %arg1, %mul3A_99 : i32
    %jit3A_101 = arith.constant 8 : i32
    %div3A_102 = arith.divsi %mul3A_100, %jit3A_101 : i32
    %sign3A_103 = arith.constant 0 : i32
    %sign3A_104 = arith.cmpi sgt, %mul3A_100, %sign3A_103 : i32
    %sign3A_105 = arith.extui %sign3A_104 : i1 to i32
    %sign3A_106 = arith.constant 0 : i32
    %sign3A_107 = arith.cmpi slt, %mul3A_100, %sign3A_106 : i32
    %sign3A_108 = arith.extui %sign3A_107 : i1 to i32
    %sign3A_109 = arith.subi %sign3A_105, %sign3A_108 : i32
    %sign3A_110 = arith.constant 0 : i32
    %sign3A_111 = arith.cmpi sgt, %jit3A_101, %sign3A_110 : i32
    %sign3A_112 = arith.extui %sign3A_111 : i1 to i32
    %sign3A_113 = arith.constant 0 : i32
    %sign3A_114 = arith.cmpi slt, %jit3A_101, %sign3A_113 : i32
    %sign3A_115 = arith.extui %sign3A_114 : i1 to i32
    %sign3A_116 = arith.subi %sign3A_112, %sign3A_115 : i32
    %ne3A_117 = arith.cmpi ne, %sign3A_109, %sign3A_116 : i32
    %rem3A_118 = arith.remsi %mul3A_100, %jit3A_101 : i32
    %ne3A_119 = arith.constant 0 : i32
    %ne3A_120 = arith.cmpi ne, %rem3A_118, %ne3A_119 : i32
    %and3A_121 = arith.andi %ne3A_117, %ne3A_120 : i1
    %sub3A_122 = arith.constant 1 : i32
    %sub3A_123 = arith.subi %div3A_102, %sub3A_122 : i32
    %select_n3A_124 = arith.select %and3A_121, %sub3A_123, %div3A_102 : i32
    %mul3A_125 = arith.constant 8 : i32
    %mul3A_126 = arith.muli %select_n3A_124, %mul3A_125 : i32
    "tpu.region"() ({
      %run_scoped3A = tpu.sem_alloc : memref<!tpu.dma_semaphore, #tpu.memory_space<semaphore_mem>>
      %dma_start3A_130 = arith.constant 0 : i32
      %dma_start3A_131 = tpu.memref_slice %arg6[%dma_start3A_130] : memref<640xf32, #tpu.memory_space<vmem>> -> memref<632xf32, #tpu.memory_space<vmem>>
      %dma_start3A_132 = tpu.memref_slice %arg7[%mul3A_126] : memref<10000xf32, #tpu.memory_space<vmem_shared>> -> memref<632xf32, #tpu.memory_space<vmem_shared>>
      %dma_start3A_133 = arith.constant 0 : i32
      %dma_start3A_134 = tpu.memref_slice %arg6[%dma_start3A_133] : memref<640xf32, #tpu.memory_space<vmem>> -> memref<632xf32, #tpu.memory_space<vmem>>
      %dma_start3A_135 = tpu.memref_slice %arg7[%mul3A_126] : memref<10000xf32, #tpu.memory_space<vmem_shared>> -> memref<632xf32, #tpu.memory_space<vmem_shared>>
      tpu.enqueue_dma source(%dma_start3A_135 : memref<632xf32, #tpu.memory_space<vmem_shared>>) target(%dma_start3A_134 : memref<632xf32, #tpu.memory_space<vmem>>) target_semaphore(%run_scoped3A : memref<!tpu.dma_semaphore, #tpu.memory_space<semaphore_mem>>)
      %dma_wait3A_136 = arith.constant 0 : i32
      %dma_wait3A_137 = tpu.memref_slice %arg6[%dma_wait3A_136] : memref<640xf32, #tpu.memory_space<vmem>> -> memref<632xf32, #tpu.memory_space<vmem>>
      %dma_wait3A_138 = tpu.memref_slice %arg7[%mul3A_126] : memref<10000xf32, #tpu.memory_space<vmem_shared>> -> memref<632xf32, #tpu.memory_space<vmem_shared>>
      %dma_wait3A_139 = arith.constant 0 : i32
      %dma_wait3A_140 = tpu.memref_slice %arg6[%dma_wait3A_139] : memref<640xf32, #tpu.memory_space<vmem>> -> memref<632xf32, #tpu.memory_space<vmem>>
      %dma_wait3A_141 = tpu.memref_slice %arg7[%mul3A_126] : memref<10000xf32, #tpu.memory_space<vmem_shared>> -> memref<632xf32, #tpu.memory_space<vmem_shared>>
      tpu.wait_dma2 semaphore(%run_scoped3A : memref<!tpu.dma_semaphore, #tpu.memory_space<semaphore_mem>>) src(%dma_wait3A_141 : memref<632xf32, #tpu.memory_space<vmem_shared>>) dst(%dma_wait3A_140 : memref<632xf32, #tpu.memory_space<vmem>>)
      tpu.yield
    }) : () -> ()
    %mul3A_127 = arith.constant 10000 : i32
    %mul3A_128 = arith.muli %arg0, %mul3A_127 : i32
    %add3A_129 = arith.addi %mul3A_128, %mul3A_126 : i32
    "tpu.region"() ({
      %run_scoped3A = tpu.sem_alloc : memref<!tpu.dma_semaphore, #tpu.memory_space<semaphore_mem>>
      %dma_start3A_130 = arith.constant 0 : i32
      %dma_start3A_131 = tpu.memref_slice %arg6[%dma_start3A_130] : memref<640xf32, #tpu.memory_space<vmem>> -> memref<632xf32, #tpu.memory_space<vmem>>
      %dma_start3A_132 = tpu.memref_slice %arg3[%add3A_129] : memref<20000xf32, #tpu.memory_space<hbm>> -> memref<632xf32, #tpu.memory_space<hbm>>
      %dma_start3A_133 = tpu.memref_slice %arg3[%add3A_129] : memref<20000xf32, #tpu.memory_space<hbm>> -> memref<632xf32, #tpu.memory_space<hbm>>
      %dma_start3A_134 = arith.constant 0 : i32
      %dma_start3A_135 = tpu.memref_slice %arg6[%dma_start3A_134] : memref<640xf32, #tpu.memory_space<vmem>> -> memref<632xf32, #tpu.memory_space<vmem>>
      tpu.enqueue_dma source(%dma_start3A_135 : memref<632xf32, #tpu.memory_space<vmem>>) target(%dma_start3A_133 : memref<632xf32, #tpu.memory_space<hbm>>) target_semaphore(%run_scoped3A : memref<!tpu.dma_semaphore, #tpu.memory_space<semaphore_mem>>)
      %dma_wait3A_136 = arith.constant 0 : i32
      %dma_wait3A_137 = tpu.memref_slice %arg6[%dma_wait3A_136] : memref<640xf32, #tpu.memory_space<vmem>> -> memref<632xf32, #tpu.memory_space<vmem>>
      %dma_wait3A_138 = tpu.memref_slice %arg3[%add3A_129] : memref<20000xf32, #tpu.memory_space<hbm>> -> memref<632xf32, #tpu.memory_space<hbm>>
      %dma_wait3A_139 = tpu.memref_slice %arg3[%add3A_129] : memref<20000xf32, #tpu.memory_space<hbm>> -> memref<632xf32, #tpu.memory_space<hbm>>
      %dma_wait3A_140 = arith.constant 0 : i32
      %dma_wait3A_141 = tpu.memref_slice %arg6[%dma_wait3A_140] : memref<640xf32, #tpu.memory_space<vmem>> -> memref<632xf32, #tpu.memory_space<vmem>>
      tpu.wait_dma2 semaphore(%run_scoped3A : memref<!tpu.dma_semaphore, #tpu.memory_space<semaphore_mem>>) src(%dma_wait3A_141 : memref<632xf32, #tpu.memory_space<vmem>>) dst(%dma_wait3A_139 : memref<632xf32, #tpu.memory_space<hbm>>)
      tpu.yield
    }) : () -> ()
    return
  }
}

module attributes {stable_mosaic.version = 14 : i64} {
  func.func @_enc_body(%arg0: i32, %arg1: memref<2000x128xf32, #tpu.memory_space<vmem>>, %arg2: memref<128x128xf32, #tpu.memory_space<vmem>>, %arg3: memref<1x128xf32, #tpu.memory_space<vmem>>, %arg4: memref<1x128xf32, #tpu.memory_space<vmem>>, %arg5: memref<128x128xf32, #tpu.memory_space<vmem>>, %arg6: memref<1x128xf32, #tpu.memory_space<vmem>>, %arg7: memref<2000x2xf32, #tpu.memory_space<vmem>>, %arg8: memref<2000x128xf32, #tpu.memory_space<vmem>>, %arg9: memref<1x128xf32, #tpu.memory_space<vmem>>, %arg10: memref<2000x128xf32, #tpu.memory_space<vmem>>) attributes {dimension_semantics = [#tpu.dimension_semantics<arbitrary>], iteration_bounds = array<i64: 5>, scalar_prefetch = 0 : i64, scratch_operands = 0 : i64, tpu.core_type = #tpu.core_type<tc>, window_params = [{transform_indices = @transform_0, window_bounds = array<i64: 2000, 128>}, {pipeline_mode = #tpu.pipeline_mode<synchronous>, transform_indices = @transform_1, window_bounds = array<i64: 128, 128>}, {pipeline_mode = #tpu.pipeline_mode<synchronous>, transform_indices = @transform_2, window_bounds = array<i64: 1, 128>}, {pipeline_mode = #tpu.pipeline_mode<synchronous>, transform_indices = @transform_3, window_bounds = array<i64: 1, 128>}, {pipeline_mode = #tpu.pipeline_mode<synchronous>, transform_indices = @transform_4, window_bounds = array<i64: 128, 128>}, {pipeline_mode = #tpu.pipeline_mode<synchronous>, transform_indices = @transform_5, window_bounds = array<i64: 1, 128>}, {transform_indices = @transform_6, window_bounds = array<i64: 2000, 2>}, {transform_indices = @transform_7, window_bounds = array<i64: 2000, 128>}, {pipeline_mode = #tpu.pipeline_mode<synchronous>, transform_indices = @transform_8, window_bounds = array<i64: 1, 128>}, {transform_indices = @transform_9, window_bounds = array<i64: 2000, 128>}]} {
    %get3A = arith.constant 0 : index
    %get3A_0 = arith.constant 0 : index
    %get3A_1 = vector.load %arg1[%get3A, %get3A_0] : memref<2000x128xf32, #tpu.memory_space<vmem>>, vector<2000x128xf32>
    %get3A_2 = arith.constant 0 : index
    %get3A_3 = arith.constant 0 : index
    %get3A_4 = vector.load %arg2[%get3A_2, %get3A_3] : memref<128x128xf32, #tpu.memory_space<vmem>>, vector<128x128xf32>
    %dot_general3A = arith.constant dense<0.000000e+00> : vector<2000x128xf32>
    %dot_general3A_5 = tpu.matmul %get3A_1, %get3A_4, %dot_general3A {dimension_numbers = #tpu.dot_dimension_numbers<[1], [1], [0], [0], [0, 0, 1, 0], [], []>, transpose_lhs_hint = false} : vector<2000x128xf32>, vector<128x128xf32>, vector<2000x128xf32> -> vector<2000x128xf32>
    %get3A_6 = arith.constant 0 : index
    %get3A_7 = arith.constant 0 : index
    %get3A_8 = vector.load %arg3[%get3A_6, %get3A_7] : memref<1x128xf32, #tpu.memory_space<vmem>>, vector<1x128xf32>
    %add3A = vector.broadcast %get3A_8 : vector<1x128xf32> to vector<2000x128xf32>
    %add3A_9 = arith.addf %dot_general3A_5, %add3A : vector<2000x128xf32>
    %swap3A = arith.constant 0 : index
    %swap3A_10 = arith.constant 0 : index
    %swap3A_11 = vector.load %arg8[%swap3A, %swap3A_10] : memref<2000x128xf32, #tpu.memory_space<vmem>>, vector<2000x128xf32>
    tpu.vector_store %arg8[%swap3A, %swap3A_10], %add3A_9 {strides = array<i32>} : memref<2000x128xf32, #tpu.memory_space<vmem>>, vector<2000x128xf32>,
    %get3A_12 = arith.constant 0 : index
    %get3A_13 = arith.constant 0 : index
    %get3A_14 = vector.load %arg7[%get3A_12, %get3A_13] : memref<2000x2xf32, #tpu.memory_space<vmem>>, vector<2000x1xf32>
    %get3A_15 = vector.shape_cast %get3A_14 : vector<2000x1xf32> to vector<2000xf32>
    %add3A_16 = arith.constant 1.000000e+00 : f32
    %add3A_17 = vector.broadcast %add3A_16 : f32 to vector<2000xf32>
    %add3A_18 = arith.addf %add3A_17, %get3A_15 : vector<2000xf32>
    %get3A_19 = arith.constant 0 : index
    %get3A_20 = arith.constant 1 : index
    %get3A_21 = vector.load %arg7[%get3A_19, %get3A_20] : memref<2000x2xf32, #tpu.memory_space<vmem>>, vector<2000x1xf32>
    %get3A_22 = vector.shape_cast %get3A_21 : vector<2000x1xf32> to vector<2000xf32>
    %add3A_23 = arith.addf %add3A_18, %get3A_22 : vector<2000xf32>
    %rsqrt3A = math.rsqrt %add3A_23 : vector<2000xf32>
    %broadcast_in_dim3A = vector.shape_cast %rsqrt3A : vector<2000xf32> to vector<2000x1xf32>
    %mul3A = vector.broadcast %broadcast_in_dim3A : vector<2000x1xf32> to vector<2000x128xf32>
    %mul3A_24 = arith.mulf %add3A_9, %mul3A : vector<2000x128xf32>
    %swap3A_25 = arith.constant 0 : index
    %swap3A_26 = arith.constant 0 : index
    %swap3A_27 = vector.load %arg10[%swap3A_25, %swap3A_26] : memref<2000x128xf32, #tpu.memory_space<vmem>>, vector<2000x128xf32>
    tpu.vector_store %arg10[%swap3A_25, %swap3A_26], %mul3A_24 {strides = array<i32>} : memref<2000x128xf32, #tpu.memory_space<vmem>>, vector<2000x128xf32>,
    %get3A_28 = arith.constant 0 : index
    %get3A_29 = arith.constant 0 : index
    %get3A_30 = vector.load %arg4[%get3A_28, %get3A_29] : memref<1x128xf32, #tpu.memory_space<vmem>>, vector<1x128xf32>
    %get3A_31 = arith.constant 0 : index
    %get3A_32 = arith.constant 0 : index
    %get3A_33 = vector.load %arg5[%get3A_31, %get3A_32] : memref<128x128xf32, #tpu.memory_space<vmem>>, vector<128x128xf32>
    %dot_general3A_34 = arith.constant dense<0.000000e+00> : vector<1x128xf32>
    %dot_general3A_35 = tpu.matmul %get3A_30, %get3A_33, %dot_general3A_34 {dimension_numbers = #tpu.dot_dimension_numbers<[1], [1], [0], [0], [0, 0, 1, 0], [], []>, transpose_lhs_hint = false} : vector<1x128xf32>, vector<128x128xf32>, vector<1x128xf32> -> vector<1x128xf32>
    %get3A_36 = arith.constant 0 : index
    %get3A_37 = arith.constant 0 : index
    %get3A_38 = vector.load %arg6[%get3A_36, %get3A_37] : memref<1x128xf32, #tpu.memory_space<vmem>>, vector<1x128xf32>
    %add3A_39 = arith.addf %dot_general3A_35, %get3A_38 : vector<1x128xf32>
    %swap3A_40 = arith.constant 0 : index
    %swap3A_41 = arith.constant 0 : index
    %swap3A_42 = vector.load %arg9[%swap3A_40, %swap3A_41] : memref<1x128xf32, #tpu.memory_space<vmem>>, vector<1x128xf32>
    tpu.vector_store %arg9[%swap3A_40, %swap3A_41], %add3A_39 {strides = array<i32>} : memref<1x128xf32, #tpu.memory_space<vmem>>, vector<1x128xf32>,
    return
  }
  func.func @transform_0(%arg0: i32) -> (i32, i32) {
    %c0_i32 = arith.constant 0 : i32
    %c0_i32_0 = arith.constant 0 : i32
    return %arg0, %c0_i32 : i32, i32
  }
  func.func @transform_1(%arg0: i32) -> (i32, i32) {
    %c0_i32 = arith.constant 0 : i32
    %c0_i32_0 = arith.constant 0 : i32
    %c0_i32_1 = arith.constant 0 : i32
    return %c0_i32, %c0_i32_0 : i32, i32
  }
  func.func @transform_2(%arg0: i32) -> (i32, i32) {
    %c0_i32 = arith.constant 0 : i32
    %c0_i32_0 = arith.constant 0 : i32
    %c0_i32_1 = arith.constant 0 : i32
    return %c0_i32, %c0_i32_0 : i32, i32
  }
  func.func @transform_3(%arg0: i32) -> (i32, i32) {
    %c0_i32 = arith.constant 0 : i32
    %c0_i32_0 = arith.constant 0 : i32
    %c0_i32_1 = arith.constant 0 : i32
    return %c0_i32, %c0_i32_0 : i32, i32
  }
  func.func @transform_4(%arg0: i32) -> (i32, i32) {
    %c0_i32 = arith.constant 0 : i32
    %c0_i32_0 = arith.constant 0 : i32
    %c0_i32_1 = arith.constant 0 : i32
    return %c0_i32, %c0_i32_0 : i32, i32
  }
  func.func @transform_5(%arg0: i32) -> (i32, i32) {
    %c0_i32 = arith.constant 0 : i32
    %c0_i32_0 = arith.constant 0 : i32
    %c0_i32_1 = arith.constant 0 : i32
    return %c0_i32, %c0_i32_0 : i32, i32
  }
  func.func @transform_6(%arg0: i32) -> (i32, i32) {
    %c0_i32 = arith.constant 0 : i32
    %c0_i32_0 = arith.constant 0 : i32
    return %arg0, %c0_i32 : i32, i32
  }
  func.func @transform_7(%arg0: i32) -> (i32, i32) {
    %c0_i32 = arith.constant 0 : i32
    %c0_i32_0 = arith.constant 0 : i32
    return %arg0, %c0_i32 : i32, i32
  }
  func.func @transform_8(%arg0: i32) -> (i32, i32) {
    %c0_i32 = arith.constant 0 : i32
    %c0_i32_0 = arith.constant 0 : i32
    %c0_i32_1 = arith.constant 0 : i32
    return %c0_i32, %c0_i32_0 : i32, i32
  }
  func.func @transform_9(%arg0: i32) -> (i32, i32) {
    %c0_i32 = arith.constant 0 : i32
    %c0_i32_0 = arith.constant 0 : i32
    return %arg0, %c0_i32 : i32, i32
  }
}

module attributes {stable_mosaic.version = 14 : i64} {
  func.func @_blend_body(%arg0: i32, %arg1: memref<2000x2xf32, #tpu.memory_space<vmem>>, %arg2: memref<2x2000x128xf32, #tpu.memory_space<vmem>>, %arg3: memref<2000x128xf32, #tpu.memory_space<vmem>>, %arg4: memref<2000x128xf32, #tpu.memory_space<vmem>>, %arg5: memref<2000x128xf32, #tpu.memory_space<vmem>>) attributes {dimension_semantics = [#tpu.dimension_semantics<arbitrary>], iteration_bounds = array<i64: 5>, scalar_prefetch = 0 : i64, scratch_operands = 0 : i64, tpu.core_type = #tpu.core_type<tc>, window_params = [{transform_indices = @transform_0, window_bounds = array<i64: 2000, 2>}, {transform_indices = @transform_1, window_bounds = array<i64: 2, 2000, 128>}, {transform_indices = @transform_2, window_bounds = array<i64: 2000, 128>}, {transform_indices = @transform_3, window_bounds = array<i64: 2000, 128>}, {transform_indices = @transform_4, window_bounds = array<i64: 2000, 128>}]} {
    %get3A = arith.constant 0 : index
    %get3A_0 = arith.constant 0 : index
    %get3A_1 = vector.load %arg1[%get3A, %get3A_0] : memref<2000x2xf32, #tpu.memory_space<vmem>>, vector<2000x1xf32>
    %get3A_2 = vector.shape_cast %get3A_1 : vector<2000x1xf32> to vector<2000xf32>
    %add3A = arith.constant 1.000000e+00 : f32
    %add3A_3 = vector.broadcast %add3A : f32 to vector<2000xf32>
    %add3A_4 = arith.addf %add3A_3, %get3A_2 : vector<2000xf32>
    %get3A_5 = arith.constant 0 : index
    %get3A_6 = arith.constant 1 : index
    %get3A_7 = vector.load %arg1[%get3A_5, %get3A_6] : memref<2000x2xf32, #tpu.memory_space<vmem>>, vector<2000x1xf32>
    %get3A_8 = vector.shape_cast %get3A_7 : vector<2000x1xf32> to vector<2000xf32>
    %add3A_9 = arith.addf %add3A_4, %get3A_8 : vector<2000xf32>
    %rsqrt3A = math.rsqrt %add3A_9 : vector<2000xf32>
    %broadcast_in_dim3A = vector.shape_cast %rsqrt3A : vector<2000xf32> to vector<2000x1xf32>
    %get3A_10 = arith.constant 0 : index
    %get3A_11 = arith.constant 0 : index
    %get3A_12 = arith.constant 0 : index
    %get3A_13 = vector.load %arg2[%get3A_10, %get3A_11, %get3A_12] : memref<2x2000x128xf32, #tpu.memory_space<vmem>>, vector<1x2000x128xf32>
    %get3A_14 = vector.shape_cast %get3A_13 : vector<1x2000x128xf32> to vector<2000x128xf32>
    %get3A_15 = arith.constant 1 : index
    %get3A_16 = arith.constant 0 : index
    %get3A_17 = arith.constant 0 : index
    %get3A_18 = vector.load %arg2[%get3A_15, %get3A_16, %get3A_17] : memref<2x2000x128xf32, #tpu.memory_space<vmem>>, vector<1x2000x128xf32>
    %get3A_19 = vector.shape_cast %get3A_18 : vector<1x2000x128xf32> to vector<2000x128xf32>
    %add3A_20 = arith.addf %get3A_14, %get3A_19 : vector<2000x128xf32>
    %get3A_21 = arith.constant 0 : index
    %get3A_22 = arith.constant 0 : index
    %get3A_23 = vector.load %arg3[%get3A_21, %get3A_22] : memref<2000x128xf32, #tpu.memory_space<vmem>>, vector<2000x128xf32>
    %add3A_24 = arith.addf %add3A_20, %get3A_23 : vector<2000x128xf32>
    %mul3A = vector.broadcast %broadcast_in_dim3A : vector<2000x1xf32> to vector<2000x128xf32>
    %mul3A_25 = arith.mulf %mul3A, %add3A_24 : vector<2000x128xf32>
    %mul3A_26 = arith.constant 0.899999976 : f32
    %mul3A_27 = vector.broadcast %mul3A_26 : f32 to vector<2000x128xf32>
    %mul3A_28 = arith.mulf %mul3A_27, %mul3A_25 : vector<2000x128xf32>
    %get3A_29 = arith.constant 0 : index
    %get3A_30 = arith.constant 0 : index
    %get3A_31 = vector.load %arg4[%get3A_29, %get3A_30] : memref<2000x128xf32, #tpu.memory_space<vmem>>, vector<2000x128xf32>
    %mul3A_32 = arith.constant 1.000000e-01 : f32
    %mul3A_33 = vector.broadcast %mul3A_32 : f32 to vector<2000x128xf32>
    %mul3A_34 = arith.mulf %mul3A_33, %get3A_31 : vector<2000x128xf32>
    %add3A_35 = arith.addf %mul3A_28, %mul3A_34 : vector<2000x128xf32>
    %mul3A_36 = vector.broadcast %broadcast_in_dim3A : vector<2000x1xf32> to vector<2000x128xf32>
    %mul3A_37 = arith.mulf %add3A_35, %mul3A_36 : vector<2000x128xf32>
    %swap3A = arith.constant 0 : index
    %swap3A_38 = arith.constant 0 : index
    %swap3A_39 = vector.load %arg5[%swap3A, %swap3A_38] : memref<2000x128xf32, #tpu.memory_space<vmem>>, vector<2000x128xf32>
    tpu.vector_store %arg5[%swap3A, %swap3A_38], %mul3A_37 {strides = array<i32>} : memref<2000x128xf32, #tpu.memory_space<vmem>>, vector<2000x128xf32>,
    return
  }
  func.func @transform_0(%arg0: i32) -> (i32, i32) {
    %c0_i32 = arith.constant 0 : i32
    %c0_i32_0 = arith.constant 0 : i32
    return %arg0, %c0_i32 : i32, i32
  }
  func.func @transform_1(%arg0: i32) -> (i32, i32, i32) {
    %c0_i32 = arith.constant 0 : i32
    %c0_i32_0 = arith.constant 0 : i32
    %c0_i32_1 = arith.constant 0 : i32
    return %c0_i32, %arg0, %c0_i32_0 : i32, i32, i32
  }
  func.func @transform_2(%arg0: i32) -> (i32, i32) {
    %c0_i32 = arith.constant 0 : i32
    %c0_i32_0 = arith.constant 0 : i32
    return %arg0, %c0_i32 : i32, i32
  }
  func.func @transform_3(%arg0: i32) -> (i32, i32) {
    %c0_i32 = arith.constant 0 : i32
    %c0_i32_0 = arith.constant 0 : i32
    return %arg0, %c0_i32 : i32, i32
  }
  func.func @transform_4(%arg0: i32) -> (i32, i32) {
    %c0_i32 = arith.constant 0 : i32
    %c0_i32_0 = arith.constant 0 : i32
    return %arg0, %c0_i32 : i32, i32
  }
}

module attributes {stable_mosaic.version = 14 : i64} {
  func.func @_blend_body(%arg0: i32, %arg1: memref<2000x2xf32, #tpu.memory_space<vmem>>, %arg2: memref<2x2000x128xf32, #tpu.memory_space<vmem>>, %arg3: memref<2000x128xf32, #tpu.memory_space<vmem>>, %arg4: memref<2000x128xf32, #tpu.memory_space<vmem>>, %arg5: memref<2000x128xf32, #tpu.memory_space<vmem>>) attributes {dimension_semantics = [#tpu.dimension_semantics<arbitrary>], iteration_bounds = array<i64: 5>, scalar_prefetch = 0 : i64, scratch_operands = 0 : i64, tpu.core_type = #tpu.core_type<tc>, window_params = [{transform_indices = @transform_0, window_bounds = array<i64: 2000, 2>}, {transform_indices = @transform_1, window_bounds = array<i64: 2, 2000, 128>}, {transform_indices = @transform_2, window_bounds = array<i64: 2000, 128>}, {transform_indices = @transform_3, window_bounds = array<i64: 2000, 128>}, {transform_indices = @transform_4, window_bounds = array<i64: 2000, 128>}]} {
    %get3A = arith.constant 0 : index
    %get3A_0 = arith.constant 0 : index
    %get3A_1 = vector.load %arg1[%get3A, %get3A_0] : memref<2000x2xf32, #tpu.memory_space<vmem>>, vector<2000x1xf32>
    %get3A_2 = vector.shape_cast %get3A_1 : vector<2000x1xf32> to vector<2000xf32>
    %add3A = arith.constant 1.000000e+00 : f32
    %add3A_3 = vector.broadcast %add3A : f32 to vector<2000xf32>
    %add3A_4 = arith.addf %add3A_3, %get3A_2 : vector<2000xf32>
    %get3A_5 = arith.constant 0 : index
    %get3A_6 = arith.constant 1 : index
    %get3A_7 = vector.load %arg1[%get3A_5, %get3A_6] : memref<2000x2xf32, #tpu.memory_space<vmem>>, vector<2000x1xf32>
    %get3A_8 = vector.shape_cast %get3A_7 : vector<2000x1xf32> to vector<2000xf32>
    %add3A_9 = arith.addf %add3A_4, %get3A_8 : vector<2000xf32>
    %rsqrt3A = math.rsqrt %add3A_9 : vector<2000xf32>
    %broadcast_in_dim3A = vector.shape_cast %rsqrt3A : vector<2000xf32> to vector<2000x1xf32>
    %get3A_10 = arith.constant 0 : index
    %get3A_11 = arith.constant 0 : index
    %get3A_12 = arith.constant 0 : index
    %get3A_13 = vector.load %arg2[%get3A_10, %get3A_11, %get3A_12] : memref<2x2000x128xf32, #tpu.memory_space<vmem>>, vector<1x2000x128xf32>
    %get3A_14 = vector.shape_cast %get3A_13 : vector<1x2000x128xf32> to vector<2000x128xf32>
    %get3A_15 = arith.constant 1 : index
    %get3A_16 = arith.constant 0 : index
    %get3A_17 = arith.constant 0 : index
    %get3A_18 = vector.load %arg2[%get3A_15, %get3A_16, %get3A_17] : memref<2x2000x128xf32, #tpu.memory_space<vmem>>, vector<1x2000x128xf32>
    %get3A_19 = vector.shape_cast %get3A_18 : vector<1x2000x128xf32> to vector<2000x128xf32>
    %add3A_20 = arith.addf %get3A_14, %get3A_19 : vector<2000x128xf32>
    %get3A_21 = arith.constant 0 : index
    %get3A_22 = arith.constant 0 : index
    %get3A_23 = vector.load %arg3[%get3A_21, %get3A_22] : memref<2000x128xf32, #tpu.memory_space<vmem>>, vector<2000x128xf32>
    %add3A_24 = arith.addf %add3A_20, %get3A_23 : vector<2000x128xf32>
    %mul3A = vector.broadcast %broadcast_in_dim3A : vector<2000x1xf32> to vector<2000x128xf32>
    %mul3A_25 = arith.mulf %mul3A, %add3A_24 : vector<2000x128xf32>
    %mul3A_26 = arith.constant 0.899999976 : f32
    %mul3A_27 = vector.broadcast %mul3A_26 : f32 to vector<2000x128xf32>
    %mul3A_28 = arith.mulf %mul3A_27, %mul3A_25 : vector<2000x128xf32>
    %get3A_29 = arith.constant 0 : index
    %get3A_30 = arith.constant 0 : index
    %get3A_31 = vector.load %arg4[%get3A_29, %get3A_30] : memref<2000x128xf32, #tpu.memory_space<vmem>>, vector<2000x128xf32>
    %mul3A_32 = arith.constant 1.000000e-01 : f32
    %mul3A_33 = vector.broadcast %mul3A_32 : f32 to vector<2000x128xf32>
    %mul3A_34 = arith.mulf %mul3A_33, %get3A_31 : vector<2000x128xf32>
    %add3A_35 = arith.addf %mul3A_28, %mul3A_34 : vector<2000x128xf32>
    %swap3A = arith.constant 0 : index
    %swap3A_36 = arith.constant 0 : index
    %swap3A_37 = vector.load %arg5[%swap3A, %swap3A_36] : memref<2000x128xf32, #tpu.memory_space<vmem>>, vector<2000x128xf32>
    tpu.vector_store %arg5[%swap3A, %swap3A_36], %add3A_35 {strides = array<i32>} : memref<2000x128xf32, #tpu.memory_space<vmem>>, vector<2000x128xf32>,
    return
  }
  func.func @transform_0(%arg0: i32) -> (i32, i32) {
    %c0_i32 = arith.constant 0 : i32
    %c0_i32_0 = arith.constant 0 : i32
    return %arg0, %c0_i32 : i32, i32
  }
  func.func @transform_1(%arg0: i32) -> (i32, i32, i32) {
    %c0_i32 = arith.constant 0 : i32
    %c0_i32_0 = arith.constant 0 : i32
    %c0_i32_1 = arith.constant 0 : i32
    return %c0_i32, %arg0, %c0_i32_0 : i32, i32, i32
  }
  func.func @transform_2(%arg0: i32) -> (i32, i32) {
    %c0_i32 = arith.constant 0 : i32
    %c0_i32_0 = arith.constant 0 : i32
    return %arg0, %c0_i32 : i32, i32
  }
  func.func @transform_3(%arg0: i32) -> (i32, i32) {
    %c0_i32 = arith.constant 0 : i32
    %c0_i32_0 = arith.constant 0 : i32
    return %arg0, %c0_i32 : i32, i32
  }
  func.func @transform_4(%arg0: i32) -> (i32, i32) {
    %c0_i32 = arith.constant 0 : i32
    %c0_i32_0 = arith.constant 0 : i32
    return %arg0, %c0_i32 : i32, i32
  }
}

</mosaic_0001>

<sc_bundles>
// kernel: kernel.11.cloned.1.call-start
scs
__scs_entry_jumppad:
0x0: {  	(pc) =	sbr.rel $0x88, $3  }
0x1: {  	(tag) =	ssettag $0x0;
	lr =	simm.s32 $0x1  }
0x2: {  	[smem:$0x3F9A] =	sst lr;
	_ =	strace $0xD0000000  }
0x3: {  	_ = 	snop  }
0x4: {  	_ = 	snop  }
0x5: {  	_ = 	snop  }
0x6: {  	_ = 	snop  }
0x7: {  	_ = 	snop  }
__scs_overlays_trampoline_lowered:
0x8: {  	[smem:$0x3FA9] =	sst s0  }
0x9: {  	[smem:$0x3FAA] =	sst s1  }
0xa: {  	[smem:$0x3FAB] =	sst s2  }
0xb: {  	[smem:$0x3FAC] =	sst s3  }
0xc: {  	[smem:$0x3FAD] =	sst s4  }
0xd: {  	[smem:$0x3FAE] =	sst s5  }
0xe: {  	[smem:$0x3FAF] =	sst s6  }
0xf: {  	[smem:$0x3FB0] =	sst s7  }
0x10: {  	[smem:$0x3FB1] =	sst s8  }
0x11: {  	[smem:$0x3FB2] =	sst s9;
	s0 =	simm.s32 @!p0 $0x0  }
0x12: {  	s1 =	sld [smem:$0x3F98];
	s0 =	simm.s32 @p0 $0x1  }
0x13: {  	[smem:$0x3FB3] =	sst s0;
	s0 =	simm.s32 @!p1 $0x0  }
0x14: {  	s2 =	sld [smem:$0x3F97];
	s0 =	simm.s32 @p1 $0x1  }
0x15: {  	[smem:$0x3FB4] =	sst s0;
	s0 =	simm.s32 @!p2 $0x0  }
0x16: {  	s3 =	sld [smem:$0x3FDB];
	s0 =	simm.s32 @p2 $0x1  }
0x17: {  	s4 =	simm.s32 $0x1BF5;
	[smem:$0x3FB6] =	sst s0  }
0x18: {  	s0 =	sld [smem:$0x3F99];
	_ =	swait.ge [sflag:s4], $0x0  }
0x19: {  	s7 =	sld [smem:$0x3F9A]  }
0x1a: {  	s8 =	sadd.s32 $0xFFFFE003, lr  }
0x1b: {  	s9 =	sadd.s32 $0xFFFFFEF7, lr;
	s5 =	simm.s32 $0xFFFFFFFF;
	p2 =	slt.u32 s8, $0xFFFFF086  }
0x1c: {  	p1 =	slt.u32 s9, $0xF7A;
	s5 =	simm.s32 @!p2 $0x0  }
0x1d: {  	s5 =	simm.s32 @p1 $0x1;
	p0 =	seq.s32 s7, s2  }
0x1e: {  	s7 =	smul.u32 @!p0 $0xF7A, s2;
	p2 =	seq.s32 @!p0 s5, $0x0  }
0x1f: {  	s9 =	smul.u32 $0xF7A, s1;
	s8 =	simm.s32 @!p0 $0x1BF5;
	p2 =	por !p2, p0  }
0x20: {  	[sflag:s8] =	ssyncset.s32 @!p0 $0xFFFFF086;
	s6 =	sadd.s32 @!p0 s3, s7;
	s7 =	simm.s32 @!p0 $0x108  }
0x21: {  	s3 =	sadd.s32 s3, s9;
	s6 =	sadd.s32 @!p0 $0x88, s6;
	s7 =	simm.s32 @p2 $0x1082  }
0x22: {  	[simem:s7], [sflag:s8] =	dma.local @!p0 [hbm:s6], $0xF7A  }
0x23: {  	s9 =	sor.u32 $0xD0000000, s2;
	s6 =	simm.s32 $0x108;
	_ =	swait.ge @!p0 [sflag:s8], $0x0  }
0x24: {  	s3 =	sadd.s32 $0x88, s3;
	s6 =	simm.s32 @!p1 $0x1082;
	[sflag:s4] =	ssyncset.s32 $0xFFFFF086  }
0x25: {  	[simem:s6], [sflag:s4] =	dma.local [hbm:s3], $0xF7A  }
0x26: {  	[smem:$0x3F9A] =	sst s1;
	(tag) =	ssettag s2;
	_ =	strace s9  }
0x27: {  	s1 =	sld [smem:$0x3FAA]  }
0x28: {  	s2 =	sld [smem:$0x3FAB]  }
0x29: {  	s4 =	sld [smem:$0x3FAD]  }
0x2a: {  	p0 =	seq.s32 s5, $0x0;
	s5 =	sld [smem:$0x3FAE]  }
0x2b: {  	s6 =	sld [smem:$0x3FAF]  }
0x2c: {  	s7 =	sld [smem:$0x3FB0]  }
0x2d: {  	s3 =	simm.s32 $0x108;
	s8 =	sld [smem:$0x3FB1]  }
0x2e: {  	s3 =	simm.s32 @!p0 $0x1082;
	s9 =	sld [smem:$0x3FB2]  }
0x2f: {  	lr =	sadd.s32 s0, s3;
	s0 =	sld [smem:$0x3FA9]  }
0x30: {  	s3 =	sld [smem:$0x3FAC]  }
0x31: {  	[smem:$0x3FB5] =	sst s10  }
0x32: {  	s10 =	sld [smem:$0x3FB3];
	_ =	sdelay $0x3  }
0x33: {  	p0 =	seq.s32 s10, $0x1;
	s10 =	sld [smem:$0x3FB5];
	_ =	sdelay $0x3  }
0x34: {  	[smem:$0x3FB5] =	sst s10  }
0x35: {  	s10 =	sld [smem:$0x3FB4];
	_ =	sdelay $0x3  }
0x36: {  	p1 =	seq.s32 s10, $0x1;
	s10 =	sld [smem:$0x3FB5];
	_ =	sdelay $0x3  }
0x37: {  	[smem:$0x3FB5] =	sst s10  }
0x38: {  	s10 =	sld [smem:$0x3FB6]  }
0x39: {  	_ = 	snop;
	(pc) =	sbr.ind lr, $3  }
0x3a: {  	_ = 	snop  }
0x3b: {  	_ = 	snop  }
0x3c: {  	p2 =	seq.s32 s10, $0x1;
	s10 =	sld [smem:$0x3FB5]  }
0x3d: {  	_ =	shalt  }
0x3e: {  	_ =	shalt  }
0x3f: {  	_ =	shalt  }
0x40: {  	_ =	shalt  }
0x41: {  	_ =	shalt  }
0x42: {  	_ =	shalt  }
0x43: {  	_ =	shalt  }
0x44: {  	_ =	shalt  }
0x45: {  	_ =	shalt  }
0x46: {  	_ =	shalt  }
0x47: {  	_ =	shalt  }
0x48: {  	_ =	shalt  }
0x49: {  	_ =	shalt  }
0x4a: {  	_ =	shalt  }
0x4b: {  	_ =	shalt  }
0x4c: {  	_ =	shalt  }
0x4d: {  	_ =	shalt  }
0x4e: {  	_ =	shalt  }
0x4f: {  	_ =	shalt  }
0x50: {  	_ =	shalt  }
0x51: {  	_ =	shalt  }
0x52: {  	_ =	shalt  }
0x53: {  	_ =	shalt  }
0x54: {  	_ =	shalt  }
0x55: {  	_ =	shalt  }
0x56: {  	_ =	shalt  }
0x57: {  	_ =	shalt  }
0x58: {  	_ =	shalt  }
0x59: {  	_ =	shalt  }
0x5a: {  	_ =	shalt  }
0x5b: {  	_ =	shalt  }
0x5c: {  	_ =	shalt  }
0x5d: {  	_ =	shalt  }
0x5e: {  	_ =	shalt  }
0x5f: {  	_ =	shalt  }
0x60: {  	_ =	shalt  }
0x61: {  	_ =	shalt  }
0x62: {  	_ =	shalt  }
0x63: {  	_ =	shalt  }
0x64: {  	_ =	shalt  }
0x65: {  	_ =	shalt  }
0x66: {  	_ =	shalt  }
0x67: {  	_ =	shalt  }
0x68: {  	_ =	shalt  }
0x69: {  	_ =	shalt  }
0x6a: {  	_ =	shalt  }
0x6b: {  	_ =	shalt  }
0x6c: {  	_ =	shalt  }
0x6d: {  	_ =	shalt  }
0x6e: {  	_ =	shalt  }
0x6f: {  	_ =	shalt  }
0x70: {  	_ =	shalt  }
0x71: {  	_ =	shalt  }
0x72: {  	_ =	shalt  }
0x73: {  	_ =	shalt  }
0x74: {  	_ =	shalt  }
0x75: {  	_ =	shalt  }
0x76: {  	_ =	shalt  }
0x77: {  	_ =	shalt  }
0x78: {  	_ =	shalt  }
0x79: {  	_ =	shalt  }
0x7a: {  	_ =	shalt  }
0x7b: {  	_ =	shalt  }
0x7c: {  	_ =	shalt  }
0x7d: {  	_ =	shalt  }
0x7e: {  	_ =	shalt  }
0x7f: {  	_ =	shalt  }
0x80: {  	_ =	shalt  }
0x81: {  	_ =	shalt  }
0x82: {  	_ =	shalt  }
0x83: {  	_ =	shalt  }
0x84: {  	_ =	shalt  }
0x85: {  	_ =	shalt  }
0x86: {  	_ =	shalt  }
0x87: {  	_ =	shalt  }
.Lfunc_end0:
.L_simem_size_0:
called_computation.1_lowered:
.L_overlay_start_0:
0x88: {  	s2 =	sld [smem:$0x3FD9]  }
0x89: {  	s3 =	sld [smem:$0x3FFE];
	_ =	sdelay $0x1  }
0x8a: {  	s1 =	srdreg.scid  }
0x8b: {  	s0 =	sand.u32 $0x1, s1  }
0x8c: {  	s14 =	sshll.u32 s0, $0xA;
	s2 =	sadd.s32 s3, s2  }
0x8d: {  	s2 =	sadd.s32 s2, s14  }
0x8e: {  	[smem:$0x3FC1] =	sst s2  }
0x8f: {  	_ = 	snop  }
0x90: {  	s2 =	sld [smem:$0x3FD0];
	_ =	sdelay $0x2  }
0x91: {  	s15 =	simm.s32 $0xA;
	s4 =	simm.s32 $0x10  }
0x92: {  	[smem:s4], [sflag:s15] =	dma.local [hbm:s2], $0x1  }
0x93: {  	_ =	swait.eq [sflag:s15], $0x1  }
0x94: {  	[sflag:s15] =	ssyncset.done $0x0  }
0x95: {  	[sflag:s15] =	ssyncadd.s32 $0xFFFFFFFF  }
0x96: {  	s16 =	sld [smem:$0x11];
	(tm) =	ssettm $0x1  }
0x97: {  	s17 =	sld [smem:$0x3FFB];
	_ =	sdelay $0x3  }
0x98: {  	_ =	strace s17  }
0x99: {  	s3 =	sld [smem:$0x3FFC];
	_ =	sdelay $0x3  }
0x9a: {  	_ =	strace s3  }
0x9b: {  	s3 =	sld [smem:$0x3FFD];
	_ =	sdelay $0x3  }
0x9c: {  	_ =	strace s3  }
0x9d: {  	_ =	strace $0x8FFFFFFF  }
0x9e: {  	s18 =	sld [smem:$0x3FDB];
	_ =	sdelay $0x1  }
0x9f: {  	s19 =	simm.s32 $_scs_section_size  }
0xa0: {  	s5 =	simm.s32 $_size__tile_overlayer_lowered;
	s6 =	simm.s32 $_tile_overlayer_lowered  }
0xa1: {  	s22 =	simm.s32 $0x1BFF;
	s21 =	sshll.u32 s6, $0x1;
	s3 =	sadd.s32 s19, s18  }
0xa2: {  	s7 =	simm.s32 $0x0;
	s20 =	sshll.u32 s5, $0x1;
	s5 =	sadd.s32 s21, s3  }
0xa3: {  	[timem:s7], [sflag:s22] =	dma.local [hbm:s5], s20  }
0xa4: {  	_ =	swait.ge [sflag:s22], s20  }
0xa5: {  	s4 =	ssub.s32 $0x0, s20;
	[sflag:s22] =	ssyncset.done $0x0  }
0xa6: {  	[sflag:s22] =	ssyncadd.s32 s4;
	_ =	sdelay $0x1  }
0xa7: {  	s23 =	simm.s32 $0x1B8B  }
0xa8: {  	_ =	swait.ge [sflag:s23], $0x1  }
0xa9: {  	[sflag:s23] =	ssyncset.done $0x0  }
0xaa: {  	s25 =	simm.s32 $0x1B8E;
	s24 =	sld [smem:$0x3FFE];
	[sflag:s23] =	ssyncadd.s32 $0xFFFFFFFF  }
0xab: {  	s26 =	simm.s32 $execute0_lowered;
	[smem:$0x3FD2] =	sst s25  }
0xac: {  	s5 =	sshll.u32 s26, $0x1;
	_ =	strace $0x80000049;
	[dreg:$0x1] =	wrdreg $0xFFFFFFFF  }
0xad: {  	s28 =	simm.s32 $_size_execute0_lowered;
	s3 =	sadd.s32 s3, s5;
	[dreg:$0x0] =	wrdreg $0x0  }
0xae: {  	s5 =	sshll.u32 s28, $0x1;
	[dreg:$0x2] =	wrdreg s3  }
0xaf: {  	[dreg:$0x3] =	wrdreg s5  }
0xb0: {  	[dreg:$0x4] =	wrdreg $0xC0  }
0xb1: {  	_ =	task [dreg:s7], $0x5FFFF  }
0xb2: {  	[dreg:$0x1] =	wrdreg $0xFFFFFFFF  }
0xb3: {  	[dreg:$0x0] =	wrdreg $0x60  }
0xb4: {  	[dreg:$0x2] =	wrdreg s16  }
0xb5: {  	[dreg:$0x3] =	wrdreg s24  }
0xb6: {  	[dreg:$0x4] =	wrdreg $0xA2000  }
0xb7: {  	[dreg:$0x5] =	wrdreg $0x9  }
0xb8: {  	_ =	task.clear_ibuf [dreg:s7], $0x6FFFF;
	_ =	strace $0x90000049  }
0xb9: {  	s29 =	simm.s32 $0x9;
	_ =	strace $0x8000004B  }
0xba: {  	_ =	swait.ge [sflag:s29], $0x1  }
0xbb: {  	[sflag:s29] =	ssyncadd.s32 $0xFFFFFFFF  }
0xbc: {  	_ =	strace $0x9000004B  }
0xbd: {  	_ =	sfence  }
0xbe: {  	s30 =	sld [smem:$0x0];
	_ =	sdelay $0x2  }
0xbf: {  	s31 =	sshll.u32 s1, $0xD;
	s1 =	sshrl.u32 s1, $0x2  }
0xc0: {  	s3 =	sand.u32 $0x4000, s31;
	s1 =	sadd.s32 s1, s30  }
0xc1: {  	s0 =	sor.u32 s3, s0;
	s1 =	sshll.u32 s1, $0x11  }
0xc2: {  	s0 =	sor.u32 s1, s0  }
0xc3: {  	s0 =	sadd.s32 $0x8F2B, s0  }
0xc4: {  	[sflag:s0] =	ssyncadd.remote.s32 $0x1  }
0xc5: {  	_ =	sfence.sel $0xFFFF  }
0xc6: {  	[dreg:$0x0] =	wrdreg $0xFFFFFFFF;
	(pc) =	sbr.abs _section_cstart, $3  }
0xc7: {  	[dreg:$0x1] =	wrdreg $0xFFFFFFFF  }
0xc8: {  	_ =	task.clear_ibuf [dreg:s7], $0x2FFFF;
	_ =	strace $0x9FFFFFFF  }
0xc9: {  	(tm) =	ssettm $0x7FFFFFFF  }
tec
execute0_lowered:
.L_overlay_start_1:
0x0: {  	(tag) =	ssettag $0x1  }
0x1: {  	s1 =	rddreg [dreg:$0x0]  }
0x2: {  	s0 =	rddreg [dreg:$0x1]  }
0x3: {  	s2 =	rddreg [dreg:$0x2];
	s3 =	srdreg.scid  }
0x4: {  	s4 =	simm.s32 $0x0;
	s17 =	stileid.u32;
	s28 =	simm.s32 $0x200  }
0x5: {  	s29 =	simm.s32 $0x300;
	s30 =	simm.s32 $0x4;
	s31 =	simm.s32 $0x64  }
0x6: {  	s3 =	sand.u32 $0x1, s3;
	[smem:$0x7FF] =	sst s4;
	s9 =	smul.u32 $0x271, s17  }
0x7: {  	s22 =	sadd.s32 $0x3000, s0;
	s10 =	sadd.s32 $0x1C000, s0;
	s11 =	smul.u32 $0x138800, s3  }
0x8: {  	s5 =	sshll.u32 s3, $0x4;
	s6 =	ssub.s32 $0x2, s3;
	s3 =	smul.u32 $0x64000, s3  }
0x9: {  	_ =	strace $0x8000004A;
	s5 =	sor.u32 s17, s5;
	s17 =	smul.u32 $0x6400, s17  }
0xa: {  	s8 =	sshrl.u32 s6, $0x1;
	s16 =	sshll.u32 s9, $0x7;
	s7 =	smul.u32 $0x6400, s5  }
0xb: {  	s15 =	sand.u32 $0x3FF8, s9;
	s0 =	ssub.s32 s6, s8;
	s6 =	sand.u32 $0x1FFC00, s16  }
0xc: {  	s3 =	sadd.s32 s17, s3;
	s0 =	smax.u32 s0, $0x1;
	s14 =	sshrl.u32 s7, $0x3  }
0xd: {  	s7 =	sshll.u32 s15, $0x7;
	s15 =	sadd.s32 s11, s6;
	s25 =	sadd.s32 $0x900, s3  }
0xe: {  	s17 =	sadd.s32 $0x800, s3;
	[dreg:$0x1d] =	wrdreg s0;
	s0 =	simm.s32 $0x600  }
0xf: {  	s18 =	sadd.s32 s22, s14;
	s8 =	sadd.s32 $0x3000, s7;
	s9 =	sadd.s32 $0x6000, s7  }
0x10: {  	s12 =	sadd.s32 $0x9000, s7;
	s13 =	sadd.s32 $0xC000, s7;
	s14 =	sadd.s32 $0xF000, s7  }
0x11: {  	s7 =	sadd.s32 $0x12000, s7;
	s15 =	sshrl.u32 s15, $0x3;
	s5 =	sshrl.u32 s17, $0x3  }
0x12: {  	s19 =	sadd.s32 $0x20, s18;
	s16 =	sadd.s32 s11, s8;
	s15 =	sadd.s32 s10, s15  }
0x13: {  	s21 =	sadd.s32 s11, s9;
	s24 =	sadd.s32 s11, s12;
	[dreg:$0xb] =	wrdreg s18  }
0x14: {  	s17 =	sadd.s32 s5, s22;
	s5 =	simm.s32 $0x480;
	[dreg:$0xc] =	wrdreg s19  }
0x15: {  	[dreg:$0xd] =	wrdreg s15;
	s20 =	sshrl.u32 s16, $0x3;
	s23 =	sshrl.u32 s21, $0x3  }
0x16: {  	s16 =	sshrl.u32 s25, $0x3;
	s19 =	sadd.s32 $0x700, s3;
	[dreg:$0x5] =	wrdreg s17  }
0x17: {  	s21 =	sadd.s32 $0x500, s3;
	s25 =	sadd.s32 s11, s14;
	[dreg:$0x9] =	wrdreg s5  }
0x18: {  	s5 =	simm.s32 $0x0;
	s15 =	sadd.s32 s10, s20;
	s26 =	sadd.s32 s16, s22  }
0x19: {  	s20 =	sshrl.u32 s19, $0x3;
	s16 =	sshrl.u32 s21, $0x3;
	[dreg:$0xe] =	wrdreg s15  }
0x1a: {  	s19 =	sadd.s32 $0x60, s18;
	s21 =	sadd.s32 s13, s2;
	[dreg:$0x4] =	wrdreg s26  }
0x1b: {  	s15 =	sadd.s32 s10, s23;
	s23 =	sadd.s32 s11, s13;
	[dreg:$0x15] =	wrdreg s19  }
0x1c: {  	s26 =	sadd.s32 $0x400, s3;
	s11 =	sadd.s32 s11, s7;
	[dreg:$0x1a] =	wrdreg s21  }
0x1d: {  	s19 =	sadd.s32 s8, s2;
	s8 =	simm.s32 $0x6E00;
	[dreg:$0xf] =	wrdreg s15  }
0x1e: {  	s15 =	sshrl.u32 s24, $0x3;
	s24 =	sadd.s32 s16, s22;
	[dreg:$0x17] =	wrdreg s19  }
0x1f: {  	s17 =	sshrl.u32 s23, $0x3;
	s23 =	sadd.s32 s14, s2;
	[dreg:$0x7] =	wrdreg s24  }
0x20: {  	s16 =	sshrl.u32 s25, $0x3;
	s25 =	sadd.s32 s9, s2;
	[dreg:$0x1b] =	wrdreg s23  }
0x21: {  	s13 =	simm.s32 $0x2;
	s15 =	sadd.s32 s10, s15;
	[dreg:$0x18] =	wrdreg s25  }
0x22: {  	s21 =	simm.s32 $0xC;
	s17 =	sadd.s32 s10, s17;
	[dreg:$0x10] =	wrdreg s15  }
0x23: {  	s11 =	sshrl.u32 s11, $0x3;
	s16 =	sadd.s32 s10, s16;
	[dreg:$0x11] =	wrdreg s17  }
0x24: {  	s9 =	simm.s32 $0xA;
	s10 =	sadd.s32 s10, s11;
	[dreg:$0x12] =	wrdreg s16  }
0x25: {  	s14 =	simm.s32 $0x7;
	s24 =	sadd.s32 s7, s2;
	[dreg:$0x13] =	wrdreg s10  }
0x26: {  	s7 =	simm.s32 $0x3A00;
	s15 =	sadd.s32 s20, s22;
	[dreg:$0x1c] =	wrdreg s24  }
0x27: {  	s11 =	simm.s32 $0x6;
	s17 =	sadd.s32 $0x40, s18;
	[dreg:$0x6] =	wrdreg s15  }
0x28: {  	s16 =	simm.s32 $0x580;
	s20 =	sadd.s32 s12, s2;
	[dreg:$0x14] =	wrdreg s17  }
0x29: {  	s10 =	simm.s32 $0x1;
	s24 =	simm.s32 $0x3;
	[dreg:$0xa] =	wrdreg s16  }
0x2a: {  	s18 =	simm.s32 $0xB;
	s15 =	sshrl.u32 s26, $0x3;
	[dreg:$0x19] =	wrdreg s20  }
0x2b: {  	s26 =	sadd.s32 $0x600, s3;
	s3 =	simm.s32 $0x5;
	s16 =	simm.s32 $0x500  }
0x2c: {  	s17 =	simm.s32 $0x8;
	s15 =	sadd.s32 s15, s22;
	[dreg:$0x1e] =	wrdreg s26  }
0x2d: {  	s20 =	simm.s32 $0x9;
	[dreg:$0x8] =	wrdreg s15;
	s15 =	sadd.s32 s6, s2  }
0x2e: {  	v0 =	vimm.f32 $0.0e+00;
	s26 =	simm.s32 $0x100;
	s6 =	simm.s32 $0x400;
	[dreg:$0x16] =	wrdreg s15  }
.LBB2_1:
0x2f: {  	[dreg:$0x1f] =	wrdreg s5  }
0x30: {  	s12 =	rddreg [dreg:$0xb]  }
0x31: {  	[tilespmem:s4], [sflag:$0x4] =	stream.linear.gather [hbm4b:s12+s4], $0x100, $0x38;
	[tilespmem:$0x1DA80] =	vst v63  }
0x32: {  	s23 =	rddreg [dreg:$0xc]  }
0x33: {  	[tilespmem:s26], [sflag:$0x5] =	stream.linear.gather [hbm4b:s23+s4], $0x100, $0x38;
	[tilespmem:$0x1DA80] =	vst v63  }
0x34: {  	s5 =	rddreg [dreg:$0x14]  }
0x35: {  	[tilespmem:s28], [sflag:$0x6] =	stream.linear.gather [hbm4b:s5+s4], $0x100, $0x38;
	[tilespmem:$0x1DA80] =	vst v63  }
0x36: {  	s23 =	rddreg [dreg:$0x15]  }
0x37: {  	[tilespmem:s29], [sflag:$0x7] =	stream.linear.gather [hbm4b:s23+s4], $0x100, $0x38;
	[tilespmem:$0x1DA80] =	vst v63  }
0x38: {  	s12 =	simm.s32 $0x0;
	s23 =	simm.s32 $0x200  }
.LBB2_2:
0x39: {  	p0 =	sne.s32 s23, $0xC600;
	[tilespmem:s12+$0x6E70] =	vst v0  }
0x3a: {  	[tilespmem:s12+$0x6E00] =	vst v0  }
0x3b: {  	[tilespmem:s12+$0x6E10] =	vst v0  }
.Ltmp0:
0x3c: {  	[tilespmem:s12+$0x6E20] =	vst v0;
	(pc) =	sbr.rel @p0 .LBB2_2-.Ltmp0, $4  }
0x3d: {  	[tilespmem:s12+$0x6E30] =	vst v0  }
0x3e: {  	[tilespmem:s12+$0x6E40] =	vst v0  }
0x3f: {  	[tilespmem:s12+$0x6E50] =	vst v0  }
0x40: {  	[tilespmem:s12+$0x6E60] =	vst v0;
	s12 =	sshra.s32 s23, $0x2;
	s23 =	sadd.s32 $0x200, s23  }
0x41: {  	[tilespmem:s12+$0x6E70] =	vst v0  }
0x42: {  	[tilespmem:s12+$0x6E00] =	vst v0  }
0x43: {  	[tilespmem:s12+$0x6E10] =	vst v0  }
0x44: {  	[tilespmem:s12+$0x6E20] =	vst v0  }
0x45: {  	[tilespmem:s12+$0x6E30] =	vst v0  }
0x46: {  	[tilespmem:s12+$0x6E40] =	vst v0  }
0x47: {  	[tilespmem:s12+$0x6E50] =	vst v0  }
0x48: {  	[tilespmem:s12+$0x6E60] =	vst v0  }
0x49: {  	_ =	swait.ge [sflag:s30], $0x100  }
0x4a: {  	[sflag:s30] =	ssyncset.done $0x0  }
0x4b: {  	s5 =	simm.s32 $0x0;
	[sflag:s30] =	ssyncadd.s32 $0xFFFFFF00  }
0x4c: {  	[tilespmem:s0], [sflag:$0x1] =	stream.indirect.gather [hbm4b:s1+s31], $0x80, s5, s31, $0xb8;
	[tilespmem:$0x1DA80] =	vst v63  }
0x4d: {  	_ =	swait.ge [sflag:s3], $0x100  }
0x4e: {  	[sflag:s3] =	ssyncset.done $0x0  }
0x4f: {  	[sflag:s3] =	ssyncadd.s32 $0xFFFFFF00  }
0x50: {  	[tilespmem:s7], [sflag:$0x2] =	stream.indirect.gather [hbm4b:s1+s31], $0x80, s26, s31, $0xb8;
	[tilespmem:$0x1DA80] =	vst v63  }
0x51: {  	_ = 	snop  }
0x52: {  	[spmem:s15] =	stream.linear.scatter [tilespmem:s8], [sflag:$0xA], $0x3000, $0x38;
	[tilespmem:$0x1DA80] =	vst v63  }
0x53: {  	_ = 	snop  }
0x54: {  	[spmem:s19] =	stream.linear.scatter [tilespmem:s8], [sflag:$0xA], $0x3000, $0x38;
	[tilespmem:$0x1DA80] =	vst v63  }
0x55: {  	_ = 	snop  }
0x56: {  	[spmem:s25] =	stream.linear.scatter [tilespmem:s8], [sflag:$0xA], $0x3000, $0x38;
	[tilespmem:$0x1DA80] =	vst v63  }
0x57: {  	s15 =	rddreg [dreg:$0x19]  }
0x58: {  	[spmem:s15] =	stream.linear.scatter [tilespmem:s8], [sflag:$0xA], $0x3000, $0x38;
	[tilespmem:$0x1DA80] =	vst v63  }
0x59: {  	s19 =	rddreg [dreg:$0x1a]  }
0x5a: {  	[spmem:s19] =	stream.linear.scatter [tilespmem:s8], [sflag:$0xA], $0x3000, $0x38;
	[tilespmem:$0x1DA80] =	vst v63  }
0x5b: {  	s23 =	rddreg [dreg:$0x1b]  }
0x5c: {  	[spmem:s23] =	stream.linear.scatter [tilespmem:s8], [sflag:$0xA], $0x3000, $0x38;
	[tilespmem:$0x1DA80] =	vst v63  }
0x5d: {  	s25 =	rddreg [dreg:$0x1c]  }
0x5e: {  	[spmem:s25] =	stream.linear.scatter [tilespmem:s8], [sflag:$0xA], $0x1C00, $0x38;
	[tilespmem:$0x1DA80] =	vst v63  }
0x5f: {  	_ =	swait.ge [sflag:s9], $0x3000  }
0x60: {  	[sflag:s9] =	ssyncset.done $0x0  }
0x61: {  	[sflag:s9] =	ssyncadd.s32 $0xFFFFD000  }
0x62: {  	_ =	swait.ge [sflag:s9], $0x3000  }
0x63: {  	[sflag:s9] =	ssyncset.done $0x0  }
0x64: {  	[sflag:s9] =	ssyncadd.s32 $0xFFFFD000  }
0x65: {  	_ =	swait.ge [sflag:s9], $0x3000  }
0x66: {  	[sflag:s9] =	ssyncset.done $0x0  }
0x67: {  	[sflag:s9] =	ssyncadd.s32 $0xFFFFD000  }
0x68: {  	_ =	swait.ge [sflag:s9], $0x3000  }
0x69: {  	[sflag:s9] =	ssyncset.done $0x0  }
0x6a: {  	[sflag:s9] =	ssyncadd.s32 $0xFFFFD000  }
0x6b: {  	_ =	swait.ge [sflag:s9], $0x3000  }
0x6c: {  	[sflag:s9] =	ssyncset.done $0x0  }
0x6d: {  	[sflag:s9] =	ssyncadd.s32 $0xFFFFD000  }
0x6e: {  	_ =	swait.ge [sflag:s9], $0x3000  }
0x6f: {  	[sflag:s9] =	ssyncset.done $0x0  }
0x70: {  	[sflag:s9] =	ssyncadd.s32 $0xFFFFD000  }
0x71: {  	_ =	swait.ge [sflag:s9], $0x1C00  }
0x72: {  	[sflag:s9] =	ssyncset.done $0x0  }
0x73: {  	[sflag:s9] =	ssyncadd.s32 $0xFFFFE400  }
0x74: {  	[bflag:$0x0] =	sbarrier.arrive $0xFFFF  }
0x75: {  	_ =	swait.ge [sflag:s10], $0x3200  }
0x76: {  	[sflag:s10] =	ssyncset.done $0x0  }
0x77: {  	[sflag:s10] =	ssyncadd.s32 $0xFFFFCE00  }
0x78: {  	_ =	swait.ge [sflag:s11], $0x100  }
0x79: {  	p0 =	por $0x1, $0x1;
	[sflag:s11] =	ssyncset.done $0x0  }
0x7a: {  	s12 =	simm.s32 @!p0 $0xC;
	[sflag:s11] =	ssyncadd.s32 $0xFFFFFF00  }
0x7b: {  	_ =	swait.ge @!p0 [sflag:s12], $0x3200  }
0x7c: {  	[sflag:s12] =	ssyncset.done @!p0 $0x0  }
0x7d: {  	[sflag:s12] =	ssyncadd.s32 @!p0 $0xFFFFCE00  }
0x7e: {  	[tilespmem:s8], [sflag:$0x3] =	stream.indirect.gather [hbm4b:s1+s31], $0x80, s28, s31, $0xb8;
	[tilespmem:$0x1DA80] =	vst v63  }
0x7f: {  	s19 =	simm.s32 $0x80;
	s5 =	rddreg [dreg:$0x8]  }
0x80: {  	[spmem:s2] =	stream.indirect.scatter.add.f32 [tilespmem:s0], [sflag:$0xA], $0x80, s19, s31, $0xb8;
	[tilespmem:$0x1DA80] =	vst v63  }
0x81: {  	s12 =	sadd.s32 $0x0, s5  }
0x82: {  	[tilespmem:s6], [sflag:$0x8] =	stream.linear.gather [hbm4b:s12+s4], $0x100, $0x38;
	[tilespmem:$0x1DA80] =	vst v63  }
0x83: {  	_ =	swait.ge [sflag:s13], $0x3200  }
0x84: {  	[sflag:s13] =	ssyncset.done $0x0  }
0x85: {  	[sflag:s13] =	ssyncadd.s32 $0xFFFFCE00  }
0x86: {  	_ =	swait.ge [sflag:s14], $0x100  }
0x87: {  	[sflag:s14] =	ssyncset.done $0x0  }
0x88: {  	[sflag:s14] =	ssyncadd.s32 $0xFFFFFF00  }
0x89: {  	_ =	swait.ge [sflag:s9], $0x3200  }
0x8a: {  	[sflag:s9] =	ssyncset.done $0x0  }
0x8b: {  	[sflag:s9] =	ssyncadd.s32 $0xFFFFCE00  }
0x8c: {  	[tilespmem:s0], [sflag:$0x1] =	stream.indirect.gather [hbm4b:s1+s31], $0x80, s29, s31, $0xb8;
	[tilespmem:$0x1DA80] =	vst v63  }
0x8d: {  	s5 =	simm.s32 $0x180;
	s15 =	rddreg [dreg:$0x7]  }
0x8e: {  	[spmem:s2] =	stream.indirect.scatter.add.f32 [tilespmem:s7], [sflag:$0xB], $0x80, s5, s31, $0xb8;
	[tilespmem:$0x1DA80] =	vst v63  }
0x8f: {  	s12 =	sadd.s32 $0x0, s15  }
0x90: {  	[tilespmem:s16], [sflag:$0x9] =	stream.linear.gather [hbm4b:s12+s4], $0x100, $0x38;
	[tilespmem:$0x1DA80] =	vst v63  }
0x91: {  	_ =	swait.ge [sflag:s24], $0x3200  }
0x92: {  	[sflag:s24] =	ssyncset.done $0x0  }
0x93: {  	[sflag:s24] =	ssyncadd.s32 $0xFFFFCE00  }
0x94: {  	_ =	swait.ge [sflag:s17], $0x100  }
0x95: {  	[sflag:s17] =	ssyncset.done $0x0  }
0x96: {  	[sflag:s17] =	ssyncadd.s32 $0xFFFFFF00  }
0x97: {  	_ =	swait.ge [sflag:s18], $0x3200  }
0x98: {  	[sflag:s18] =	ssyncset.done $0x0  }
0x99: {  	s15 =	rddreg [dreg:$0x1e];
	[sflag:s18] =	ssyncadd.s32 $0xFFFFCE00  }
0x9a: {  	[tilespmem:s7], [sflag:$0x2] =	stream.indirect.gather [hbm4b:s1+s31], $0x80, s6, s31, $0xb8;
	[tilespmem:$0x1DA80] =	vst v63  }
0x9b: {  	s25 =	simm.s32 $0x280;
	s23 =	sshrl.u32 s15, $0x3  }
0x9c: {  	[spmem:s2] =	stream.indirect.scatter.add.f32 [tilespmem:s8], [sflag:$0xC], $0x80, s25, s31, $0xb8;
	[tilespmem:$0x1DA80] =	vst v63  }
0x9d: {  	s12 =	sadd.s32 s22, s23  }
0x9e: {  	[tilespmem:s4], [sflag:$0x4] =	stream.linear.gather [hbm4b:s12+s4], $0x100, $0x38;
	[tilespmem:$0x1DA80] =	vst v63  }
0x9f: {  	_ =	swait.ge [sflag:s10], $0x3200  }
0xa0: {  	[sflag:s10] =	ssyncset.done $0x0  }
0xa1: {  	[sflag:s10] =	ssyncadd.s32 $0xFFFFCE00  }
0xa2: {  	_ =	swait.ge [sflag:s20], $0x100  }
0xa3: {  	[sflag:s20] =	ssyncset.done $0x0  }
0xa4: {  	[sflag:s20] =	ssyncadd.s32 $0xFFFFFF00  }
0xa5: {  	_ =	swait.ge [sflag:s21], $0x3200  }
0xa6: {  	[sflag:s21] =	ssyncset.done $0x0  }
0xa7: {  	[sflag:s21] =	ssyncadd.s32 $0xFFFFCE00  }
0xa8: {  	[tilespmem:s8], [sflag:$0x3] =	stream.indirect.gather [hbm4b:s1+s31], $0x80, s16, s31, $0xb8;
	[tilespmem:$0x1DA80] =	vst v63  }
0xa9: {  	s5 =	simm.s32 $0x380;
	s23 =	rddreg [dreg:$0x6]  }
0xaa: {  	[spmem:s2] =	stream.indirect.scatter.add.f32 [tilespmem:s0], [sflag:$0xA], $0x80, s5, s31, $0xb8;
	[tilespmem:$0x1DA80] =	vst v63  }
0xab: {  	s12 =	sadd.s32 $0x0, s23  }
0xac: {  	[tilespmem:s26], [sflag:$0x5] =	stream.linear.gather [hbm4b:s12+s4], $0x100, $0x38;
	[tilespmem:$0x1DA80] =	vst v63  }
0xad: {  	_ =	swait.ge [sflag:s13], $0x3200  }
0xae: {  	[sflag:s13] =	ssyncset.done $0x0  }
0xaf: {  	[sflag:s13] =	ssyncadd.s32 $0xFFFFCE00  }
0xb0: {  	_ =	swait.ge [sflag:s30], $0x100  }
0xb1: {  	[sflag:s30] =	ssyncset.done $0x0  }
0xb2: {  	[sflag:s30] =	ssyncadd.s32 $0xFFFFFF00  }
0xb3: {  	_ =	swait.ge [sflag:s9], $0x3200  }
0xb4: {  	[sflag:s9] =	ssyncset.done $0x0  }
0xb5: {  	s25 =	rddreg [dreg:$0x5];
	[sflag:s9] =	ssyncadd.s32 $0xFFFFCE00  }
0xb6: {  	[tilespmem:s0], [sflag:$0x1] =	stream.indirect.gather [hbm4b:s1+s31], $0x80, s4, s31, $0xb8;
	[tilespmem:$0x1DA80] =	vst v63  }
0xb7: {  	s23 =	rddreg [dreg:$0x9]  }
0xb8: {  	[spmem:s2] =	stream.indirect.scatter.add.f32 [tilespmem:s7], [sflag:$0xB], $0x80, s23, s31, $0xb8;
	[tilespmem:$0x1DA80] =	vst v63  }
0xb9: {  	s12 =	sadd.s32 $0x0, s25  }
0xba: {  	[tilespmem:s28], [sflag:$0x6] =	stream.linear.gather [hbm4b:s12+s4], $0x100, $0x38;
	[tilespmem:$0x1DA80] =	vst v63  }
0xbb: {  	_ =	swait.ge [sflag:s24], $0x3200  }
0xbc: {  	[sflag:s24] =	ssyncset.done $0x0  }
0xbd: {  	[sflag:s24] =	ssyncadd.s32 $0xFFFFCE00  }
0xbe: {  	_ =	swait.ge [sflag:s3], $0x100  }
0xbf: {  	[sflag:s3] =	ssyncset.done $0x0  }
0xc0: {  	[sflag:s3] =	ssyncadd.s32 $0xFFFFFF00  }
0xc1: {  	_ =	swait.ge [sflag:s18], $0x3200  }
0xc2: {  	[sflag:s18] =	ssyncset.done $0x0  }
0xc3: {  	s25 =	rddreg [dreg:$0xa];
	[sflag:s18] =	ssyncadd.s32 $0xFFFFCE00  }
0xc4: {  	[tilespmem:s7], [sflag:$0x2] =	stream.indirect.gather [hbm4b:s1+s31], $0x80, s26, s31, $0xb8;
	[tilespmem:$0x1DA80] =	vst v63  }
0xc5: {  	s23 =	rddreg [dreg:$0x4]  }
0xc6: {  	[spmem:s2] =	stream.indirect.scatter.add.f32 [tilespmem:s8], [sflag:$0xC], $0x80, s25, s31, $0xb8;
	[tilespmem:$0x1DA80] =	vst v63  }
0xc7: {  	s12 =	sadd.s32 $0x0, s23;
	s23 =	sadd.s32 $0x600, s15;
	s25 =	simm.s32 $0xC0  }
.LBB2_4:
0xc8: {  	[tilespmem:s29], [sflag:$0x7] =	stream.linear.gather [hbm4b:s12+s4], $0x100, $0x38;
	[tilespmem:$0x1DA80] =	vst v63  }
0xc9: {  	_ =	swait.ge [sflag:s10], $0x3200  }
0xca: {  	[sflag:s10] =	ssyncset.done $0x0  }
0xcb: {  	[sflag:s10] =	ssyncadd.s32 $0xFFFFCE00  }
0xcc: {  	s12 =	smov.u32 s25;
	_ =	swait.ge [sflag:s11], $0x100  }
0xcd: {  	p1 =	seq.s32 s12, $0x0;
	[sflag:s11] =	ssyncset.done $0x0  }
0xce: {  	s15 =	simm.s32 @!p1 $0xC;
	[sflag:s11] =	ssyncadd.s32 $0xFFFFFF00  }
0xcf: {  	_ =	swait.ge @!p1 [sflag:s15], $0x3200  }
0xd0: {  	[sflag:s15] =	ssyncset.done @!p1 $0x0  }
0xd1: {  	[sflag:s15] =	ssyncadd.s32 @!p1 $0xFFFFCE00  }
0xd2: {  	[tilespmem:s8], [sflag:$0x3] =	stream.indirect.gather [hbm4b:s1+s31], $0x80, s28, s31, $0xb8;
	[tilespmem:$0x1DA80] =	vst v63  }
0xd3: {  	s15 =	rddreg [dreg:$0x8]  }
0xd4: {  	[spmem:s2] =	stream.indirect.scatter.add.f32 [tilespmem:s0], [sflag:$0xA], $0x80, s19, s31, $0xb8;
	[tilespmem:$0x1DA80] =	vst v63  }
0xd5: {  	s15 =	sadd.s32 s12, s15  }
0xd6: {  	[tilespmem:s6], [sflag:$0x8] =	stream.linear.gather [hbm4b:s15+s4], $0x100, $0x38;
	[tilespmem:$0x1DA80] =	vst v63  }
0xd7: {  	_ =	swait.ge [sflag:s13], $0x3200  }
0xd8: {  	[sflag:s13] =	ssyncset.done $0x0  }
0xd9: {  	[sflag:s13] =	ssyncadd.s32 $0xFFFFCE00  }
0xda: {  	_ =	swait.ge [sflag:s14], $0x100  }
0xdb: {  	[sflag:s14] =	ssyncset.done $0x0  }
0xdc: {  	[sflag:s14] =	ssyncadd.s32 $0xFFFFFF00  }
0xdd: {  	_ =	swait.ge [sflag:s9], $0x3200  }
0xde: {  	[sflag:s9] =	ssyncset.done $0x0  }
0xdf: {  	[sflag:s9] =	ssyncadd.s32 $0xFFFFCE00  }
0xe0: {  	[tilespmem:s0], [sflag:$0x1] =	stream.indirect.gather [hbm4b:s1+s31], $0x80, s29, s31, $0xb8;
	[tilespmem:$0x1DA80] =	vst v63  }
0xe1: {  	s19 =	simm.s32 $0x180;
	s15 =	rddreg [dreg:$0x7]  }
0xe2: {  	[spmem:s2] =	stream.indirect.scatter.add.f32 [tilespmem:s7], [sflag:$0xB], $0x80, s19, s31, $0xb8;
	[tilespmem:$0x1DA80] =	vst v63  }
0xe3: {  	s15 =	sadd.s32 s12, s15  }
0xe4: {  	[tilespmem:s16], [sflag:$0x9] =	stream.linear.gather [hbm4b:s15+s4], $0x100, $0x38;
	[tilespmem:$0x1DA80] =	vst v63  }
0xe5: {  	_ =	swait.ge [sflag:s24], $0x3200  }
0xe6: {  	[sflag:s24] =	ssyncset.done $0x0  }
0xe7: {  	[sflag:s24] =	ssyncadd.s32 $0xFFFFCE00  }
0xe8: {  	_ =	swait.ge [sflag:s17], $0x100  }
0xe9: {  	[sflag:s17] =	ssyncset.done $0x0  }
0xea: {  	[sflag:s17] =	ssyncadd.s32 $0xFFFFFF00  }
0xeb: {  	_ =	swait.ge [sflag:s18], $0x3200  }
0xec: {  	[sflag:s18] =	ssyncset.done $0x0  }
0xed: {  	[sflag:s18] =	ssyncadd.s32 $0xFFFFCE00  }
0xee: {  	[tilespmem:s7], [sflag:$0x2] =	stream.indirect.gather [hbm4b:s1+s31], $0x80, s6, s31, $0xb8;
	[tilespmem:$0x1DA80] =	vst v63  }
0xef: {  	s19 =	simm.s32 $0x280;
	s15 =	sshrl.u32 s23, $0x3  }
0xf0: {  	[spmem:s2] =	stream.indirect.scatter.add.f32 [tilespmem:s8], [sflag:$0xC], $0x80, s19, s31, $0xb8;
	[tilespmem:$0x1DA80] =	vst v63  }
0xf1: {  	s15 =	sadd.s32 s22, s15  }
0xf2: {  	[tilespmem:s4], [sflag:$0x4] =	stream.linear.gather [hbm4b:s15+s4], $0x100, $0x38;
	[tilespmem:$0x1DA80] =	vst v63  }
0xf3: {  	_ =	swait.ge [sflag:s10], $0x3200  }
0xf4: {  	[sflag:s10] =	ssyncset.done $0x0  }
0xf5: {  	[sflag:s10] =	ssyncadd.s32 $0xFFFFCE00  }
0xf6: {  	_ =	swait.ge [sflag:s20], $0x100  }
0xf7: {  	[sflag:s20] =	ssyncset.done $0x0  }
0xf8: {  	[sflag:s20] =	ssyncadd.s32 $0xFFFFFF00  }
0xf9: {  	_ =	swait.ge [sflag:s21], $0x3200  }
0xfa: {  	[sflag:s21] =	ssyncset.done $0x0  }
0xfb: {  	[sflag:s21] =	ssyncadd.s32 $0xFFFFCE00  }
0xfc: {  	[tilespmem:s8], [sflag:$0x3] =	stream.indirect.gather [hbm4b:s1+s31], $0x80, s16, s31, $0xb8;
	[tilespmem:$0x1DA80] =	vst v63  }
0xfd: {  	s19 =	rddreg [dreg:$0x6]  }
0xfe: {  	[spmem:s2] =	stream.indirect.scatter.add.f32 [tilespmem:s0], [sflag:$0xA], $0x80, s5, s31, $0xb8;
	[tilespmem:$0x1DA80] =	vst v63  }
0xff: {  	s15 =	sadd.s32 s12, s19  }
0x100: {  	[tilespmem:s26], [sflag:$0x5] =	stream.linear.gather [hbm4b:s15+s4], $0x100, $0x38;
	[tilespmem:$0x1DA80] =	vst v63  }
0x101: {  	_ =	swait.ge [sflag:s13], $0x3200  }
0x102: {  	[sflag:s13] =	ssyncset.done $0x0  }
0x103: {  	[sflag:s13] =	ssyncadd.s32 $0xFFFFCE00  }
0x104: {  	_ =	swait.ge [sflag:s30], $0x100  }
0x105: {  	[sflag:s30] =	ssyncset.done $0x0  }
0x106: {  	[sflag:s30] =	ssyncadd.s32 $0xFFFFFF00  }
0x107: {  	_ =	swait.ge [sflag:s9], $0x3200  }
0x108: {  	[sflag:s9] =	ssyncset.done $0x0  }
0x109: {  	s15 =	rddreg [dreg:$0x5];
	[sflag:s9] =	ssyncadd.s32 $0xFFFFCE00  }
0x10a: {  	[tilespmem:s0], [sflag:$0x1] =	stream.indirect.gather [hbm4b:s1+s31], $0x80, s4, s31, $0xb8;
	[tilespmem:$0x1DA80] =	vst v63  }
0x10b: {  	s19 =	rddreg [dreg:$0x9]  }
0x10c: {  	[spmem:s2] =	stream.indirect.scatter.add.f32 [tilespmem:s7], [sflag:$0xB], $0x80, s19, s31, $0xb8;
	[tilespmem:$0x1DA80] =	vst v63  }
0x10d: {  	s15 =	sadd.s32 s12, s15  }
0x10e: {  	[tilespmem:s28], [sflag:$0x6] =	stream.linear.gather [hbm4b:s15+s4], $0x100, $0x38;
	[tilespmem:$0x1DA80] =	vst v63  }
0x10f: {  	_ =	swait.ge [sflag:s24], $0x3200  }
0x110: {  	[sflag:s24] =	ssyncset.done $0x0  }
0x111: {  	[sflag:s24] =	ssyncadd.s32 $0xFFFFCE00  }
0x112: {  	_ =	swait.ge [sflag:s3], $0x100  }
0x113: {  	[sflag:s3] =	ssyncset.done $0x0  }
0x114: {  	[sflag:s3] =	ssyncadd.s32 $0xFFFFFF00  }
0x115: {  	s25 =	sadd.s32 $0xC0, s25;
	_ =	swait.ge [sflag:s18], $0x3200  }
0x116: {  	p0 =	sne.s32 s25, $0xC00;
	[sflag:s18] =	ssyncset.done $0x0  }
.Ltmp1:
0x117: {  	s15 =	rddreg [dreg:$0x4];
	[sflag:s18] =	ssyncadd.s32 $0xFFFFCE00;
	(pc) =	sbr.rel @p0 .LBB2_4-.Ltmp1, $4  }
0x118: {  	[tilespmem:s7], [sflag:$0x2] =	stream.indirect.gather [hbm4b:s1+s31], $0x80, s26, s31, $0xb8;
	[tilespmem:$0x1DA80] =	vst v63  }
0x119: {  	s19 =	rddreg [dreg:$0xa]  }
0x11a: {  	[spmem:s2] =	stream.indirect.scatter.add.f32 [tilespmem:s8], [sflag:$0xC], $0x80, s19, s31, $0xb8;
	[tilespmem:$0x1DA80] =	vst v63  }
0x11b: {  	s23 =	sadd.s32 $0x600, s23;
	s12 =	sadd.s32 s12, s15;
	s19 =	simm.s32 $0x80  }
0x11c: {  	[tilespmem:s29], [sflag:$0x7] =	stream.linear.gather [hbm4b:s12+s4], $0x100, $0x38;
	[tilespmem:$0x1DA80] =	vst v63  }
0x11d: {  	_ =	swait.ge [sflag:s10], $0x3200  }
0x11e: {  	[sflag:s10] =	ssyncset.done $0x0  }
0x11f: {  	[sflag:s10] =	ssyncadd.s32 $0xFFFFCE00  }
0x120: {  	_ =	swait.ge [sflag:s11], $0x100  }
0x121: {  	[sflag:s11] =	ssyncset.done $0x0  }
0x122: {  	[sflag:s11] =	ssyncadd.s32 $0xFFFFFF00  }
0x123: {  	_ =	swait.ge [sflag:s21], $0x3200  }
0x124: {  	[sflag:s21] =	ssyncset.done $0x0  }
0x125: {  	[sflag:s21] =	ssyncadd.s32 $0xFFFFCE00  }
0x126: {  	[tilespmem:s8], [sflag:$0x3] =	stream.indirect.gather [hbm4b:s1+s31], $0x80, s28, s31, $0xb8;
	[tilespmem:$0x1DA80] =	vst v63  }
0x127: {  	_ = 	snop  }
0x128: {  	[spmem:s2] =	stream.indirect.scatter.add.f32 [tilespmem:s0], [sflag:$0xA], $0x80, s19, s31, $0xb8;
	[tilespmem:$0x1DA80] =	vst v63  }
0x129: {  	_ =	swait.ge [sflag:s13], $0x3200  }
0x12a: {  	[sflag:s13] =	ssyncset.done $0x0  }
0x12b: {  	[sflag:s13] =	ssyncadd.s32 $0xFFFFCE00  }
0x12c: {  	_ =	swait.ge [sflag:s14], $0x100  }
0x12d: {  	[sflag:s14] =	ssyncset.done $0x0  }
0x12e: {  	[sflag:s14] =	ssyncadd.s32 $0xFFFFFF00  }
0x12f: {  	_ =	swait.ge [sflag:s9], $0x3200  }
0x130: {  	[sflag:s9] =	ssyncset.done $0x0  }
0x131: {  	[sflag:s9] =	ssyncadd.s32 $0xFFFFCE00  }
0x132: {  	[tilespmem:s0], [sflag:$0x1] =	stream.indirect.gather [hbm4b:s1+s31], $0x80, s29, s31, $0xb8;
	[tilespmem:$0x1DA80] =	vst v63  }
0x133: {  	s15 =	simm.s32 $0x180  }
0x134: {  	[spmem:s2] =	stream.indirect.scatter.add.f32 [tilespmem:s7], [sflag:$0xB], $0x80, s15, s31, $0xb8;
	[tilespmem:$0x1DA80] =	vst v63  }
0x135: {  	_ =	swait.ge [sflag:s24], $0x3200  }
0x136: {  	[sflag:s24] =	ssyncset.done $0x0  }
0x137: {  	s19 =	simm.s32 $0x280;
	[sflag:s24] =	ssyncadd.s32 $0xFFFFCE00  }
0x138: {  	[spmem:s2] =	stream.indirect.scatter.add.f32 [tilespmem:s8], [sflag:$0xC], $0x80, s19, s31, $0xb8;
	[tilespmem:$0x1DA80] =	vst v63  }
0x139: {  	_ =	swait.ge [sflag:s10], $0x3200  }
0x13a: {  	[sflag:s10] =	ssyncset.done $0x0  }
0x13b: {  	[sflag:s10] =	ssyncadd.s32 $0xFFFFCE00  }
0x13c: {  	[spmem:s2] =	stream.indirect.scatter.add.f32 [tilespmem:s0], [sflag:$0xA], $0x80, s5, s31, $0xb8;
	[tilespmem:$0x1DA80] =	vst v63  }
0x13d: {  	_ =	swait.ge [sflag:s18], $0x3200  }
0x13e: {  	[sflag:s18] =	ssyncset.done $0x0  }
0x13f: {  	[sflag:s18] =	ssyncadd.s32 $0xFFFFCE00  }
0x140: {  	_ =	swait.ge [sflag:s21], $0x3200  }
0x141: {  	[sflag:s21] =	ssyncset.done $0x0  }
0x142: {  	[sflag:s21] =	ssyncadd.s32 $0xFFFFCE00  }
0x143: {  	_ =	swait.ge [sflag:s9], $0x3200  }
0x144: {  	[sflag:s9] =	ssyncset.done $0x0  }
0x145: {  	[sflag:s9] =	ssyncadd.s32 $0xFFFFCE00  }
0x146: {  	[bflag:$0x0] =	sbarrier.arrive $0xFFFF  }
0x147: {  	s5 =	simm.s32 $0xD;
	s15 =	rddreg [dreg:$0x16]  }
0x148: {  	[tilespmem:s0], [sflag:$0xD] =	stream.linear.gather [spmem:s15], $0x3000, $0x38;
	[tilespmem:$0x1DA80] =	vst v63  }
0x149: {  	_ =	swait.ge [sflag:s5], $0x3000  }
0x14a: {  	[sflag:s5] =	ssyncset.done $0x0  }
0x14b: {  	s23 =	rddreg [dreg:$0xd];
	[sflag:s5] =	ssyncadd.s32 $0xFFFFD000  }
0x14c: {  	[hbm4b:s23+s4] =	stream.linear.scatter [tilespmem:s0], [sflag:$0x1], $0x3000, $0x38;
	[tilespmem:$0x1DA80] =	vst v63  }
0x14d: {  	s19 =	rddreg [dreg:$0x17]  }
0x14e: {  	[tilespmem:s7], [sflag:$0xD] =	stream.linear.gather [spmem:s19], $0x3000, $0x38;
	[tilespmem:$0x1DA80] =	vst v63  }
0x14f: {  	_ =	swait.ge [sflag:s5], $0x3000  }
0x150: {  	[sflag:s5] =	ssyncset.done $0x0  }
0x151: {  	s25 =	rddreg [dreg:$0xe];
	[sflag:s5] =	ssyncadd.s32 $0xFFFFD000  }
0x152: {  	[hbm4b:s25+s4] =	stream.linear.scatter [tilespmem:s7], [sflag:$0x2], $0x3000, $0x38;
	[tilespmem:$0x1DA80] =	vst v63  }
0x153: {  	_ =	swait.ge [sflag:s10], $0x3000  }
0x154: {  	[sflag:s10] =	ssyncset.done $0x0  }
0x155: {  	s25 =	rddreg [dreg:$0x18];
	[sflag:s10] =	ssyncadd.s32 $0xFFFFD000  }
0x156: {  	[tilespmem:s0], [sflag:$0xD] =	stream.linear.gather [spmem:s25], $0x3000, $0x38;
	[tilespmem:$0x1DA80] =	vst v63  }
0x157: {  	_ =	swait.ge [sflag:s5], $0x3000  }
0x158: {  	[sflag:s5] =	ssyncset.done $0x0  }
0x159: {  	s23 =	rddreg [dreg:$0xf];
	[sflag:s5] =	ssyncadd.s32 $0xFFFFD000  }
0x15a: {  	[hbm4b:s23+s4] =	stream.linear.scatter [tilespmem:s0], [sflag:$0x1], $0x3000, $0x38;
	[tilespmem:$0x1DA80] =	vst v63  }
0x15b: {  	_ =	swait.ge [sflag:s13], $0x3000  }
0x15c: {  	[sflag:s13] =	ssyncset.done $0x0  }
0x15d: {  	s23 =	rddreg [dreg:$0x19];
	[sflag:s13] =	ssyncadd.s32 $0xFFFFD000  }
0x15e: {  	[tilespmem:s7], [sflag:$0xD] =	stream.linear.gather [spmem:s23], $0x3000, $0x38;
	[tilespmem:$0x1DA80] =	vst v63  }
0x15f: {  	_ =	swait.ge [sflag:s5], $0x3000  }
0x160: {  	[sflag:s5] =	ssyncset.done $0x0  }
0x161: {  	s23 =	rddreg [dreg:$0x10];
	[sflag:s5] =	ssyncadd.s32 $0xFFFFD000  }
0x162: {  	[hbm4b:s23+s4] =	stream.linear.scatter [tilespmem:s7], [sflag:$0x2], $0x3000, $0x38;
	[tilespmem:$0x1DA80] =	vst v63  }
0x163: {  	_ =	swait.ge [sflag:s10], $0x3000  }
0x164: {  	[sflag:s10] =	ssyncset.done $0x0  }
0x165: {  	s23 =	rddreg [dreg:$0x1a];
	[sflag:s10] =	ssyncadd.s32 $0xFFFFD000  }
0x166: {  	[tilespmem:s0], [sflag:$0xD] =	stream.linear.gather [spmem:s23], $0x3000, $0x38;
	[tilespmem:$0x1DA80] =	vst v63  }
0x167: {  	_ =	swait.ge [sflag:s5], $0x3000  }
0x168: {  	[sflag:s5] =	ssyncset.done $0x0  }
0x169: {  	s23 =	rddreg [dreg:$0x11];
	[sflag:s5] =	ssyncadd.s32 $0xFFFFD000  }
0x16a: {  	[hbm4b:s23+s4] =	stream.linear.scatter [tilespmem:s0], [sflag:$0x1], $0x3000, $0x38;
	[tilespmem:$0x1DA80] =	vst v63  }
0x16b: {  	_ =	swait.ge [sflag:s13], $0x3000  }
0x16c: {  	[sflag:s13] =	ssyncset.done $0x0  }
0x16d: {  	s23 =	rddreg [dreg:$0x1b];
	[sflag:s13] =	ssyncadd.s32 $0xFFFFD000  }
0x16e: {  	[tilespmem:s7], [sflag:$0xD] =	stream.linear.gather [spmem:s23], $0x3000, $0x38;
	[tilespmem:$0x1DA80] =	vst v63  }
0x16f: {  	_ =	swait.ge [sflag:s5], $0x3000  }
0x170: {  	[sflag:s5] =	ssyncset.done $0x0  }
0x171: {  	s23 =	rddreg [dreg:$0x12];
	[sflag:s5] =	ssyncadd.s32 $0xFFFFD000  }
0x172: {  	[hbm4b:s23+s4] =	stream.linear.scatter [tilespmem:s7], [sflag:$0x2], $0x3000, $0x38;
	[tilespmem:$0x1DA80] =	vst v63  }
0x173: {  	_ =	swait.ge [sflag:s10], $0x3000  }
0x174: {  	[sflag:s10] =	ssyncset.done $0x0  }
0x175: {  	s23 =	rddreg [dreg:$0x1c];
	[sflag:s10] =	ssyncadd.s32 $0xFFFFD000  }
0x176: {  	[tilespmem:s0], [sflag:$0xD] =	stream.linear.gather [spmem:s23], $0x1C00, $0x38;
	[tilespmem:$0x1DA80] =	vst v63  }
0x177: {  	_ =	swait.ge [sflag:s5], $0x1C00  }
0x178: {  	[sflag:s5] =	ssyncset.done $0x0  }
0x179: {  	[sflag:s5] =	ssyncadd.s32 $0xFFFFE400;
	s5 =	rddreg [dreg:$0x13]  }
0x17a: {  	[hbm4b:s5+s4] =	stream.linear.scatter [tilespmem:s0], [sflag:$0x1], $0x1C00, $0x38;
	[tilespmem:$0x1DA80] =	vst v63  }
0x17b: {  	_ =	swait.ge [sflag:s13], $0x3000  }
0x17c: {  	[sflag:s13] =	ssyncset.done $0x0  }
0x17d: {  	[sflag:s13] =	ssyncadd.s32 $0xFFFFD000  }
0x17e: {  	_ =	swait.ge [sflag:s10], $0x1C00  }
0x17f: {  	s12 =	rddreg [dreg:$0x1f]  }
0x180: {  	s23 =	rddreg [dreg:$0x1d];
	s5 =	sadd.s32 $0x1, s12  }
0x181: {  	p0 =	sne.s32 s5, s23  }
.Ltmp2:
0x182: {  	_ = 	snop;
	(pc) =	sbr.rel @p0 .LBB2_1-.Ltmp2, $3  }
0x183: {  	_ =	sdelay $0x1  }
0x184: {  	[sflag:s10] =	ssyncset.done $0x0  }
0x185: {  	[sflag:s10] =	ssyncadd.s32 $0xFFFFE400  }
0x186: {  	_ =	sfence.sel $0x180000  }
0x187: {  	[bflag:$0x0] =	sbarrier.arrive $0xFFFF  }
0x188: {  	_ =	strace $0x9000004A  }
0x189: {  	s0 =	stileid.u32;
	[bflag:$0x2] =	sbarrier.arrive $0xFFFF  }
0x18a: {  	p0 =	sne.s32 s0, $0x0;
	s0 =	rddreg [dreg:$0x3]  }
0x18b: {  	s0 =	sadd.s32 @!p0 $0x100000, s0  }
0x18c: {  	[sflag:s0] =	ssyncadd.tile.s32 @!p0 $0x1;
	_ =	shalt  }
.Lfunc_end2:
_tile_overlayer_lowered:
.L_overlay_start_2:
0x18d: {  	(tag) =	ssettag $0x2  }
0x18e: {  	s0 =	rddreg [dreg:$0x0];
	s2 =	stileid.u32  }
0x18f: {  	s1 =	rddreg [dreg:$0x1];
	p0 =	sne.s32 s2, $0x0  }
0x190: {  	s3 =	rddreg [dreg:$0x2];
	[bflag:$0x3] =	sbarrier.arrive $0xFFFF;
	s2 =	simm.s32 @!p0 $0x1C0D  }
0x191: {  	[timem:s3], [sflag:s2] =	dma.local @!p0 [hbm:s0], s1  }
0x192: {  	s0 =	simm.s32 @!p0 $0xD  }
0x193: {  	_ =	swait.ge @!p0 [sflag:s0], s1  }
0x194: {  	s1 =	ssub.s32 @!p0 $0x0, s1;
	[sflag:s0] =	ssyncset.done @!p0 $0x0  }
0x195: {  	[sflag:s0] =	ssyncadd.s32 @!p0 s1  }
0x196: {  	[bflag:$0x3] =	sbarrier.arrive $0xFFFF  }
0x197: {  	_ =	shalt  }

// kernel: kernel.14.cloned.1.call-start
scs
__scs_entry_jumppad:
0x0: {  	(pc) =	sbr.rel $0x88, $3  }
0x1: {  	(tag) =	ssettag $0x0;
	lr =	simm.s32 $0x1  }
0x2: {  	[smem:$0x3F9A] =	sst lr;
	_ =	strace $0xD0000000  }
0x3: {  	_ = 	snop  }
0x4: {  	_ = 	snop  }
0x5: {  	_ = 	snop  }
0x6: {  	_ = 	snop  }
0x7: {  	_ = 	snop  }
__scs_overlays_trampoline_lowered:
0x8: {  	[smem:$0x3FA9] =	sst s0  }
0x9: {  	[smem:$0x3FAA] =	sst s1  }
0xa: {  	[smem:$0x3FAB] =	sst s2  }
0xb: {  	[smem:$0x3FAC] =	sst s3  }
0xc: {  	[smem:$0x3FAD] =	sst s4  }
0xd: {  	[smem:$0x3FAE] =	sst s5  }
0xe: {  	[smem:$0x3FAF] =	sst s6  }
0xf: {  	[smem:$0x3FB0] =	sst s7  }
0x10: {  	[smem:$0x3FB1] =	sst s8  }
0x11: {  	[smem:$0x3FB2] =	sst s9;
	s0 =	simm.s32 @!p0 $0x0  }
0x12: {  	s1 =	sld [smem:$0x3F98];
	s0 =	simm.s32 @p0 $0x1  }
0x13: {  	[smem:$0x3FB3] =	sst s0;
	s0 =	simm.s32 @!p1 $0x0  }
0x14: {  	s2 =	sld [smem:$0x3F97];
	s0 =	simm.s32 @p1 $0x1  }
0x15: {  	[smem:$0x3FB4] =	sst s0;
	s0 =	simm.s32 @!p2 $0x0  }
0x16: {  	s3 =	sld [smem:$0x3FDB];
	s0 =	simm.s32 @p2 $0x1  }
0x17: {  	s4 =	simm.s32 $0x1BF5;
	[smem:$0x3FB6] =	sst s0  }
0x18: {  	s0 =	sld [smem:$0x3F99];
	_ =	swait.ge [sflag:s4], $0x0  }
0x19: {  	s7 =	sld [smem:$0x3F9A]  }
0x1a: {  	s8 =	sadd.s32 $0xFFFFE003, lr  }
0x1b: {  	s9 =	sadd.s32 $0xFFFFFEF7, lr;
	s5 =	simm.s32 $0xFFFFFFFF;
	p2 =	slt.u32 s8, $0xFFFFF086  }
0x1c: {  	p1 =	slt.u32 s9, $0xF7A;
	s5 =	simm.s32 @!p2 $0x0  }
0x1d: {  	s5 =	simm.s32 @p1 $0x1;
	p0 =	seq.s32 s7, s2  }
0x1e: {  	s7 =	smul.u32 @!p0 $0xF7A, s2;
	p2 =	seq.s32 @!p0 s5, $0x0  }
0x1f: {  	s9 =	smul.u32 $0xF7A, s1;
	s8 =	simm.s32 @!p0 $0x1BF5;
	p2 =	por !p2, p0  }
0x20: {  	[sflag:s8] =	ssyncset.s32 @!p0 $0xFFFFF086;
	s6 =	sadd.s32 @!p0 s3, s7;
	s7 =	simm.s32 @!p0 $0x108  }
0x21: {  	s3 =	sadd.s32 s3, s9;
	s6 =	sadd.s32 @!p0 $0x88, s6;
	s7 =	simm.s32 @p2 $0x1082  }
0x22: {  	[simem:s7], [sflag:s8] =	dma.local @!p0 [hbm:s6], $0xF7A  }
0x23: {  	s9 =	sor.u32 $0xD0000000, s2;
	s6 =	simm.s32 $0x108;
	_ =	swait.ge @!p0 [sflag:s8], $0x0  }
0x24: {  	s3 =	sadd.s32 $0x88, s3;
	s6 =	simm.s32 @!p1 $0x1082;
	[sflag:s4] =	ssyncset.s32 $0xFFFFF086  }
0x25: {  	[simem:s6], [sflag:s4] =	dma.local [hbm:s3], $0xF7A  }
0x26: {  	[smem:$0x3F9A] =	sst s1;
	(tag) =	ssettag s2;
	_ =	strace s9  }
0x27: {  	s1 =	sld [smem:$0x3FAA]  }
0x28: {  	s2 =	sld [smem:$0x3FAB]  }
0x29: {  	s4 =	sld [smem:$0x3FAD]  }
0x2a: {  	p0 =	seq.s32 s5, $0x0;
	s5 =	sld [smem:$0x3FAE]  }
0x2b: {  	s6 =	sld [smem:$0x3FAF]  }
0x2c: {  	s7 =	sld [smem:$0x3FB0]  }
0x2d: {  	s3 =	simm.s32 $0x108;
	s8 =	sld [smem:$0x3FB1]  }
0x2e: {  	s3 =	simm.s32 @!p0 $0x1082;
	s9 =	sld [smem:$0x3FB2]  }
0x2f: {  	lr =	sadd.s32 s0, s3;
	s0 =	sld [smem:$0x3FA9]  }
0x30: {  	s3 =	sld [smem:$0x3FAC]  }
0x31: {  	[smem:$0x3FB5] =	sst s10  }
0x32: {  	s10 =	sld [smem:$0x3FB3];
	_ =	sdelay $0x3  }
0x33: {  	p0 =	seq.s32 s10, $0x1;
	s10 =	sld [smem:$0x3FB5];
	_ =	sdelay $0x3  }
0x34: {  	[smem:$0x3FB5] =	sst s10  }
0x35: {  	s10 =	sld [smem:$0x3FB4];
	_ =	sdelay $0x3  }
0x36: {  	p1 =	seq.s32 s10, $0x1;
	s10 =	sld [smem:$0x3FB5];
	_ =	sdelay $0x3  }
0x37: {  	[smem:$0x3FB5] =	sst s10  }
0x38: {  	s10 =	sld [smem:$0x3FB6]  }
0x39: {  	_ = 	snop;
	(pc) =	sbr.ind lr, $3  }
0x3a: {  	_ = 	snop  }
0x3b: {  	_ = 	snop  }
0x3c: {  	p2 =	seq.s32 s10, $0x1;
	s10 =	sld [smem:$0x3FB5]  }
0x3d: {  	_ =	shalt  }
0x3e: {  	_ =	shalt  }
0x3f: {  	_ =	shalt  }
0x40: {  	_ =	shalt  }
0x41: {  	_ =	shalt  }
0x42: {  	_ =	shalt  }
0x43: {  	_ =	shalt  }
0x44: {  	_ =	shalt  }
0x45: {  	_ =	shalt  }
0x46: {  	_ =	shalt  }
0x47: {  	_ =	shalt  }
0x48: {  	_ =	shalt  }
0x49: {  	_ =	shalt  }
0x4a: {  	_ =	shalt  }
0x4b: {  	_ =	shalt  }
0x4c: {  	_ =	shalt  }
0x4d: {  	_ =	shalt  }
0x4e: {  	_ =	shalt  }
0x4f: {  	_ =	shalt  }
0x50: {  	_ =	shalt  }
0x51: {  	_ =	shalt  }
0x52: {  	_ =	shalt  }
0x53: {  	_ =	shalt  }
0x54: {  	_ =	shalt  }
0x55: {  	_ =	shalt  }
0x56: {  	_ =	shalt  }
0x57: {  	_ =	shalt  }
0x58: {  	_ =	shalt  }
0x59: {  	_ =	shalt  }
0x5a: {  	_ =	shalt  }
0x5b: {  	_ =	shalt  }
0x5c: {  	_ =	shalt  }
0x5d: {  	_ =	shalt  }
0x5e: {  	_ =	shalt  }
0x5f: {  	_ =	shalt  }
0x60: {  	_ =	shalt  }
0x61: {  	_ =	shalt  }
0x62: {  	_ =	shalt  }
0x63: {  	_ =	shalt  }
0x64: {  	_ =	shalt  }
0x65: {  	_ =	shalt  }
0x66: {  	_ =	shalt  }
0x67: {  	_ =	shalt  }
0x68: {  	_ =	shalt  }
0x69: {  	_ =	shalt  }
0x6a: {  	_ =	shalt  }
0x6b: {  	_ =	shalt  }
0x6c: {  	_ =	shalt  }
0x6d: {  	_ =	shalt  }
0x6e: {  	_ =	shalt  }
0x6f: {  	_ =	shalt  }
0x70: {  	_ =	shalt  }
0x71: {  	_ =	shalt  }
0x72: {  	_ =	shalt  }
0x73: {  	_ =	shalt  }
0x74: {  	_ =	shalt  }
0x75: {  	_ =	shalt  }
0x76: {  	_ =	shalt  }
0x77: {  	_ =	shalt  }
0x78: {  	_ =	shalt  }
0x79: {  	_ =	shalt  }
0x7a: {  	_ =	shalt  }
0x7b: {  	_ =	shalt  }
0x7c: {  	_ =	shalt  }
0x7d: {  	_ =	shalt  }
0x7e: {  	_ =	shalt  }
0x7f: {  	_ =	shalt  }
0x80: {  	_ =	shalt  }
0x81: {  	_ =	shalt  }
0x82: {  	_ =	shalt  }
0x83: {  	_ =	shalt  }
0x84: {  	_ =	shalt  }
0x85: {  	_ =	shalt  }
0x86: {  	_ =	shalt  }
0x87: {  	_ =	shalt  }
.Lfunc_end0:
.L_simem_size_0:
called_computation.2_lowered:
.L_overlay_start_0:
0x88: {  	s2 =	sld [smem:$0x3FD9]  }
0x89: {  	s3 =	sld [smem:$0x3FFE];
	_ =	sdelay $0x1  }
0x8a: {  	s1 =	srdreg.scid  }
0x8b: {  	s0 =	sand.u32 $0x1, s1  }
0x8c: {  	s14 =	sshll.u32 s0, $0xA;
	s2 =	sadd.s32 s3, s2  }
0x8d: {  	s2 =	sadd.s32 s2, s14  }
0x8e: {  	[smem:$0x3FC1] =	sst s2  }
0x8f: {  	_ = 	snop  }
0x90: {  	s2 =	sld [smem:$0x3FD0];
	_ =	sdelay $0x2  }
0x91: {  	s15 =	simm.s32 $0xA;
	s4 =	simm.s32 $0x10  }
0x92: {  	[smem:s4], [sflag:s15] =	dma.local [hbm:s2], $0x1  }
0x93: {  	_ =	swait.eq [sflag:s15], $0x1  }
0x94: {  	[sflag:s15] =	ssyncset.done $0x0  }
0x95: {  	[sflag:s15] =	ssyncadd.s32 $0xFFFFFFFF  }
0x96: {  	s16 =	sld [smem:$0x11];
	(tm) =	ssettm $0x1  }
0x97: {  	s17 =	sld [smem:$0x3FFB];
	_ =	sdelay $0x3  }
0x98: {  	_ =	strace s17  }
0x99: {  	s3 =	sld [smem:$0x3FFC];
	_ =	sdelay $0x3  }
0x9a: {  	_ =	strace s3  }
0x9b: {  	s3 =	sld [smem:$0x3FFD];
	_ =	sdelay $0x3  }
0x9c: {  	_ =	strace s3  }
0x9d: {  	_ =	strace $0x8FFFFFFF  }
0x9e: {  	s18 =	sld [smem:$0x3FDB];
	_ =	sdelay $0x1  }
0x9f: {  	s19 =	simm.s32 $_scs_section_size  }
0xa0: {  	s5 =	simm.s32 $_size__tile_overlayer_lowered;
	s6 =	simm.s32 $_tile_overlayer_lowered  }
0xa1: {  	s22 =	simm.s32 $0x1BFF;
	s21 =	sshll.u32 s6, $0x1;
	s3 =	sadd.s32 s19, s18  }
0xa2: {  	s7 =	simm.s32 $0x0;
	s20 =	sshll.u32 s5, $0x1;
	s5 =	sadd.s32 s21, s3  }
0xa3: {  	[timem:s7], [sflag:s22] =	dma.local [hbm:s5], s20  }
0xa4: {  	_ =	swait.ge [sflag:s22], s20  }
0xa5: {  	s4 =	ssub.s32 $0x0, s20;
	[sflag:s22] =	ssyncset.done $0x0  }
0xa6: {  	[sflag:s22] =	ssyncadd.s32 s4;
	_ =	sdelay $0x1  }
0xa7: {  	s23 =	simm.s32 $0x1B8B  }
0xa8: {  	_ =	swait.ge [sflag:s23], $0x1  }
0xa9: {  	[sflag:s23] =	ssyncset.done $0x0  }
0xaa: {  	s25 =	simm.s32 $0x1B8E;
	s24 =	sld [smem:$0x3FFE];
	[sflag:s23] =	ssyncadd.s32 $0xFFFFFFFF  }
0xab: {  	s26 =	simm.s32 $execute0_lowered;
	[smem:$0x3FD2] =	sst s25  }
0xac: {  	s5 =	sshll.u32 s26, $0x1;
	_ =	strace $0x8000004C;
	[dreg:$0x1] =	wrdreg $0xFFFFFFFF  }
0xad: {  	s28 =	simm.s32 $_size_execute0_lowered;
	s3 =	sadd.s32 s3, s5;
	[dreg:$0x0] =	wrdreg $0x0  }
0xae: {  	s5 =	sshll.u32 s28, $0x1;
	[dreg:$0x2] =	wrdreg s3  }
0xaf: {  	[dreg:$0x3] =	wrdreg s5  }
0xb0: {  	[dreg:$0x4] =	wrdreg $0xC0  }
0xb1: {  	_ =	task [dreg:s7], $0x5FFFF  }
0xb2: {  	[dreg:$0x1] =	wrdreg $0xFFFFFFFF  }
0xb3: {  	[dreg:$0x0] =	wrdreg $0x60  }
0xb4: {  	[dreg:$0x2] =	wrdreg s16  }
0xb5: {  	[dreg:$0x3] =	wrdreg s24  }
0xb6: {  	[dreg:$0x4] =	wrdreg $0xA2000  }
0xb7: {  	[dreg:$0x5] =	wrdreg $0x9  }
0xb8: {  	_ =	task.clear_ibuf [dreg:s7], $0x6FFFF;
	_ =	strace $0x9000004C  }
0xb9: {  	s29 =	simm.s32 $0x9;
	_ =	strace $0x8000004E  }
0xba: {  	_ =	swait.ge [sflag:s29], $0x1  }
0xbb: {  	[sflag:s29] =	ssyncadd.s32 $0xFFFFFFFF  }
0xbc: {  	_ =	strace $0x9000004E  }
0xbd: {  	_ =	sfence  }
0xbe: {  	s30 =	sld [smem:$0x0];
	_ =	sdelay $0x2  }
0xbf: {  	s31 =	sshll.u32 s1, $0xD;
	s1 =	sshrl.u32 s1, $0x2  }
0xc0: {  	s3 =	sand.u32 $0x4000, s31;
	s1 =	sadd.s32 s1, s30  }
0xc1: {  	s0 =	sor.u32 s3, s0;
	s1 =	sshll.u32 s1, $0x11  }
0xc2: {  	s0 =	sor.u32 s1, s0  }
0xc3: {  	s0 =	sadd.s32 $0x8F2B, s0  }
0xc4: {  	[sflag:s0] =	ssyncadd.remote.s32 $0x1  }
0xc5: {  	_ =	sfence.sel $0xFFFF  }
0xc6: {  	[dreg:$0x0] =	wrdreg $0xFFFFFFFF;
	(pc) =	sbr.abs _section_cstart, $3  }
0xc7: {  	[dreg:$0x1] =	wrdreg $0xFFFFFFFF  }
0xc8: {  	_ =	task.clear_ibuf [dreg:s7], $0x2FFFF;
	_ =	strace $0x9FFFFFFF  }
0xc9: {  	(tm) =	ssettm $0x7FFFFFFF  }
tec
execute0_lowered:
.L_overlay_start_1:
0x0: {  	(tag) =	ssettag $0x1  }
0x1: {  	s1 =	rddreg [dreg:$0x0]  }
0x2: {  	s0 =	rddreg [dreg:$0x1]  }
0x3: {  	s2 =	rddreg [dreg:$0x2];
	s3 =	srdreg.scid  }
0x4: {  	s4 =	simm.s32 $0x0;
	s17 =	stileid.u32;
	s28 =	simm.s32 $0x200  }
0x5: {  	s29 =	simm.s32 $0x300;
	s30 =	simm.s32 $0x4;
	s31 =	simm.s32 $0x64  }
0x6: {  	s3 =	sand.u32 $0x1, s3;
	[smem:$0x7FF] =	sst s4;
	s9 =	smul.u32 $0x271, s17  }
0x7: {  	s22 =	sadd.s32 $0x3000, s0;
	s10 =	sadd.s32 $0x1C000, s0;
	s11 =	smul.u32 $0x138800, s3  }
0x8: {  	s5 =	sshll.u32 s3, $0x4;
	s6 =	ssub.s32 $0x2, s3;
	s3 =	smul.u32 $0x64000, s3  }
0x9: {  	_ =	strace $0x8000004D;
	s5 =	sor.u32 s17, s5;
	s17 =	smul.u32 $0x6400, s17  }
0xa: {  	s8 =	sshrl.u32 s6, $0x1;
	s16 =	sshll.u32 s9, $0x7;
	s7 =	smul.u32 $0x6400, s5  }
0xb: {  	s15 =	sand.u32 $0x3FF8, s9;
	s0 =	ssub.s32 s6, s8;
	s6 =	sand.u32 $0x1FFC00, s16  }
0xc: {  	s3 =	sadd.s32 s17, s3;
	s0 =	smax.u32 s0, $0x1;
	s14 =	sshrl.u32 s7, $0x3  }
0xd: {  	s7 =	sshll.u32 s15, $0x7;
	s15 =	sadd.s32 s11, s6;
	s25 =	sadd.s32 $0x900, s3  }
0xe: {  	s17 =	sadd.s32 $0x800, s3;
	[dreg:$0x1d] =	wrdreg s0;
	s0 =	simm.s32 $0x600  }
0xf: {  	s18 =	sadd.s32 s22, s14;
	s8 =	sadd.s32 $0x3000, s7;
	s9 =	sadd.s32 $0x6000, s7  }
0x10: {  	s12 =	sadd.s32 $0x9000, s7;
	s13 =	sadd.s32 $0xC000, s7;
	s14 =	sadd.s32 $0xF000, s7  }
0x11: {  	s7 =	sadd.s32 $0x12000, s7;
	s15 =	sshrl.u32 s15, $0x3;
	s5 =	sshrl.u32 s17, $0x3  }
0x12: {  	s19 =	sadd.s32 $0x20, s18;
	s16 =	sadd.s32 s11, s8;
	s15 =	sadd.s32 s10, s15  }
0x13: {  	s21 =	sadd.s32 s11, s9;
	s24 =	sadd.s32 s11, s12;
	[dreg:$0xb] =	wrdreg s18  }
0x14: {  	s17 =	sadd.s32 s5, s22;
	s5 =	simm.s32 $0x480;
	[dreg:$0xc] =	wrdreg s19  }
0x15: {  	[dreg:$0xd] =	wrdreg s15;
	s20 =	sshrl.u32 s16, $0x3;
	s23 =	sshrl.u32 s21, $0x3  }
0x16: {  	s16 =	sshrl.u32 s25, $0x3;
	s19 =	sadd.s32 $0x700, s3;
	[dreg:$0x5] =	wrdreg s17  }
0x17: {  	s21 =	sadd.s32 $0x500, s3;
	s25 =	sadd.s32 s11, s14;
	[dreg:$0x9] =	wrdreg s5  }
0x18: {  	s5 =	simm.s32 $0x0;
	s15 =	sadd.s32 s10, s20;
	s26 =	sadd.s32 s16, s22  }
0x19: {  	s20 =	sshrl.u32 s19, $0x3;
	s16 =	sshrl.u32 s21, $0x3;
	[dreg:$0xe] =	wrdreg s15  }
0x1a: {  	s19 =	sadd.s32 $0x60, s18;
	s21 =	sadd.s32 s13, s2;
	[dreg:$0x4] =	wrdreg s26  }
0x1b: {  	s15 =	sadd.s32 s10, s23;
	s23 =	sadd.s32 s11, s13;
	[dreg:$0x15] =	wrdreg s19  }
0x1c: {  	s26 =	sadd.s32 $0x400, s3;
	s11 =	sadd.s32 s11, s7;
	[dreg:$0x1a] =	wrdreg s21  }
0x1d: {  	s19 =	sadd.s32 s8, s2;
	s8 =	simm.s32 $0x6E00;
	[dreg:$0xf] =	wrdreg s15  }
0x1e: {  	s15 =	sshrl.u32 s24, $0x3;
	s24 =	sadd.s32 s16, s22;
	[dreg:$0x17] =	wrdreg s19  }
0x1f: {  	s17 =	sshrl.u32 s23, $0x3;
	s23 =	sadd.s32 s14, s2;
	[dreg:$0x7] =	wrdreg s24  }
0x20: {  	s16 =	sshrl.u32 s25, $0x3;
	s25 =	sadd.s32 s9, s2;
	[dreg:$0x1b] =	wrdreg s23  }
0x21: {  	s13 =	simm.s32 $0x2;
	s15 =	sadd.s32 s10, s15;
	[dreg:$0x18] =	wrdreg s25  }
0x22: {  	s21 =	simm.s32 $0xC;
	s17 =	sadd.s32 s10, s17;
	[dreg:$0x10] =	wrdreg s15  }
0x23: {  	s11 =	sshrl.u32 s11, $0x3;
	s16 =	sadd.s32 s10, s16;
	[dreg:$0x11] =	wrdreg s17  }
0x24: {  	s9 =	simm.s32 $0xA;
	s10 =	sadd.s32 s10, s11;
	[dreg:$0x12] =	wrdreg s16  }
0x25: {  	s14 =	simm.s32 $0x7;
	s24 =	sadd.s32 s7, s2;
	[dreg:$0x13] =	wrdreg s10  }
0x26: {  	s7 =	simm.s32 $0x3A00;
	s15 =	sadd.s32 s20, s22;
	[dreg:$0x1c] =	wrdreg s24  }
0x27: {  	s11 =	simm.s32 $0x6;
	s17 =	sadd.s32 $0x40, s18;
	[dreg:$0x6] =	wrdreg s15  }
0x28: {  	s16 =	simm.s32 $0x580;
	s20 =	sadd.s32 s12, s2;
	[dreg:$0x14] =	wrdreg s17  }
0x29: {  	s10 =	simm.s32 $0x1;
	s24 =	simm.s32 $0x3;
	[dreg:$0xa] =	wrdreg s16  }
0x2a: {  	s18 =	simm.s32 $0xB;
	s15 =	sshrl.u32 s26, $0x3;
	[dreg:$0x19] =	wrdreg s20  }
0x2b: {  	s26 =	sadd.s32 $0x600, s3;
	s3 =	simm.s32 $0x5;
	s16 =	simm.s32 $0x500  }
0x2c: {  	s17 =	simm.s32 $0x8;
	s15 =	sadd.s32 s15, s22;
	[dreg:$0x1e] =	wrdreg s26  }
0x2d: {  	s20 =	simm.s32 $0x9;
	[dreg:$0x8] =	wrdreg s15;
	s15 =	sadd.s32 s6, s2  }
0x2e: {  	v0 =	vimm.f32 $0.0e+00;
	s26 =	simm.s32 $0x100;
	s6 =	simm.s32 $0x400;
	[dreg:$0x16] =	wrdreg s15  }
.LBB2_1:
0x2f: {  	[dreg:$0x1f] =	wrdreg s5  }
0x30: {  	s12 =	rddreg [dreg:$0xb]  }
0x31: {  	[tilespmem:s4], [sflag:$0x4] =	stream.linear.gather [hbm4b:s12+s4], $0x100, $0x38;
	[tilespmem:$0x1DA80] =	vst v63  }
0x32: {  	s23 =	rddreg [dreg:$0xc]  }
0x33: {  	[tilespmem:s26], [sflag:$0x5] =	stream.linear.gather [hbm4b:s23+s4], $0x100, $0x38;
	[tilespmem:$0x1DA80] =	vst v63  }
0x34: {  	s5 =	rddreg [dreg:$0x14]  }
0x35: {  	[tilespmem:s28], [sflag:$0x6] =	stream.linear.gather [hbm4b:s5+s4], $0x100, $0x38;
	[tilespmem:$0x1DA80] =	vst v63  }
0x36: {  	s23 =	rddreg [dreg:$0x15]  }
0x37: {  	[tilespmem:s29], [sflag:$0x7] =	stream.linear.gather [hbm4b:s23+s4], $0x100, $0x38;
	[tilespmem:$0x1DA80] =	vst v63  }
0x38: {  	s12 =	simm.s32 $0x0;
	s23 =	simm.s32 $0x200  }
.LBB2_2:
0x39: {  	p0 =	sne.s32 s23, $0xC600;
	[tilespmem:s12+$0x6E70] =	vst v0  }
0x3a: {  	[tilespmem:s12+$0x6E00] =	vst v0  }
0x3b: {  	[tilespmem:s12+$0x6E10] =	vst v0  }
.Ltmp0:
0x3c: {  	[tilespmem:s12+$0x6E20] =	vst v0;
	(pc) =	sbr.rel @p0 .LBB2_2-.Ltmp0, $4  }
0x3d: {  	[tilespmem:s12+$0x6E30] =	vst v0  }
0x3e: {  	[tilespmem:s12+$0x6E40] =	vst v0  }
0x3f: {  	[tilespmem:s12+$0x6E50] =	vst v0  }
0x40: {  	[tilespmem:s12+$0x6E60] =	vst v0;
	s12 =	sshra.s32 s23, $0x2;
	s23 =	sadd.s32 $0x200, s23  }
0x41: {  	[tilespmem:s12+$0x6E70] =	vst v0  }
0x42: {  	[tilespmem:s12+$0x6E00] =	vst v0  }
0x43: {  	[tilespmem:s12+$0x6E10] =	vst v0  }
0x44: {  	[tilespmem:s12+$0x6E20] =	vst v0  }
0x45: {  	[tilespmem:s12+$0x6E30] =	vst v0  }
0x46: {  	[tilespmem:s12+$0x6E40] =	vst v0  }
0x47: {  	[tilespmem:s12+$0x6E50] =	vst v0  }
0x48: {  	[tilespmem:s12+$0x6E60] =	vst v0  }
0x49: {  	_ =	swait.ge [sflag:s30], $0x100  }
0x4a: {  	[sflag:s30] =	ssyncset.done $0x0  }
0x4b: {  	s5 =	simm.s32 $0x0;
	[sflag:s30] =	ssyncadd.s32 $0xFFFFFF00  }
0x4c: {  	[tilespmem:s0], [sflag:$0x1] =	stream.indirect.gather [hbm4b:s1+s31], $0x80, s5, s31, $0xb8;
	[tilespmem:$0x1DA80] =	vst v63  }
0x4d: {  	_ =	swait.ge [sflag:s3], $0x100  }
0x4e: {  	[sflag:s3] =	ssyncset.done $0x0  }
0x4f: {  	[sflag:s3] =	ssyncadd.s32 $0xFFFFFF00  }
0x50: {  	[tilespmem:s7], [sflag:$0x2] =	stream.indirect.gather [hbm4b:s1+s31], $0x80, s26, s31, $0xb8;
	[tilespmem:$0x1DA80] =	vst v63  }
0x51: {  	_ = 	snop  }
0x52: {  	[spmem:s15] =	stream.linear.scatter [tilespmem:s8], [sflag:$0xA], $0x3000, $0x38;
	[tilespmem:$0x1DA80] =	vst v63  }
0x53: {  	_ = 	snop  }
0x54: {  	[spmem:s19] =	stream.linear.scatter [tilespmem:s8], [sflag:$0xA], $0x3000, $0x38;
	[tilespmem:$0x1DA80] =	vst v63  }
0x55: {  	_ = 	snop  }
0x56: {  	[spmem:s25] =	stream.linear.scatter [tilespmem:s8], [sflag:$0xA], $0x3000, $0x38;
	[tilespmem:$0x1DA80] =	vst v63  }
0x57: {  	s15 =	rddreg [dreg:$0x19]  }
0x58: {  	[spmem:s15] =	stream.linear.scatter [tilespmem:s8], [sflag:$0xA], $0x3000, $0x38;
	[tilespmem:$0x1DA80] =	vst v63  }
0x59: {  	s19 =	rddreg [dreg:$0x1a]  }
0x5a: {  	[spmem:s19] =	stream.linear.scatter [tilespmem:s8], [sflag:$0xA], $0x3000, $0x38;
	[tilespmem:$0x1DA80] =	vst v63  }
0x5b: {  	s23 =	rddreg [dreg:$0x1b]  }
0x5c: {  	[spmem:s23] =	stream.linear.scatter [tilespmem:s8], [sflag:$0xA], $0x3000, $0x38;
	[tilespmem:$0x1DA80] =	vst v63  }
0x5d: {  	s25 =	rddreg [dreg:$0x1c]  }
0x5e: {  	[spmem:s25] =	stream.linear.scatter [tilespmem:s8], [sflag:$0xA], $0x1C00, $0x38;
	[tilespmem:$0x1DA80] =	vst v63  }
0x5f: {  	_ =	swait.ge [sflag:s9], $0x3000  }
0x60: {  	[sflag:s9] =	ssyncset.done $0x0  }
0x61: {  	[sflag:s9] =	ssyncadd.s32 $0xFFFFD000  }
0x62: {  	_ =	swait.ge [sflag:s9], $0x3000  }
0x63: {  	[sflag:s9] =	ssyncset.done $0x0  }
0x64: {  	[sflag:s9] =	ssyncadd.s32 $0xFFFFD000  }
0x65: {  	_ =	swait.ge [sflag:s9], $0x3000  }
0x66: {  	[sflag:s9] =	ssyncset.done $0x0  }
0x67: {  	[sflag:s9] =	ssyncadd.s32 $0xFFFFD000  }
0x68: {  	_ =	swait.ge [sflag:s9], $0x3000  }
0x69: {  	[sflag:s9] =	ssyncset.done $0x0  }
0x6a: {  	[sflag:s9] =	ssyncadd.s32 $0xFFFFD000  }
0x6b: {  	_ =	swait.ge [sflag:s9], $0x3000  }
0x6c: {  	[sflag:s9] =	ssyncset.done $0x0  }
0x6d: {  	[sflag:s9] =	ssyncadd.s32 $0xFFFFD000  }
0x6e: {  	_ =	swait.ge [sflag:s9], $0x3000  }
0x6f: {  	[sflag:s9] =	ssyncset.done $0x0  }
0x70: {  	[sflag:s9] =	ssyncadd.s32 $0xFFFFD000  }
0x71: {  	_ =	swait.ge [sflag:s9], $0x1C00  }
0x72: {  	[sflag:s9] =	ssyncset.done $0x0  }
0x73: {  	[sflag:s9] =	ssyncadd.s32 $0xFFFFE400  }
0x74: {  	[bflag:$0x0] =	sbarrier.arrive $0xFFFF  }
0x75: {  	_ =	swait.ge [sflag:s10], $0x3200  }
0x76: {  	[sflag:s10] =	ssyncset.done $0x0  }
0x77: {  	[sflag:s10] =	ssyncadd.s32 $0xFFFFCE00  }
0x78: {  	_ =	swait.ge [sflag:s11], $0x100  }
0x79: {  	p0 =	por $0x1, $0x1;
	[sflag:s11] =	ssyncset.done $0x0  }
0x7a: {  	s12 =	simm.s32 @!p0 $0xC;
	[sflag:s11] =	ssyncadd.s32 $0xFFFFFF00  }
0x7b: {  	_ =	swait.ge @!p0 [sflag:s12], $0x3200  }
0x7c: {  	[sflag:s12] =	ssyncset.done @!p0 $0x0  }
0x7d: {  	[sflag:s12] =	ssyncadd.s32 @!p0 $0xFFFFCE00  }
0x7e: {  	[tilespmem:s8], [sflag:$0x3] =	stream.indirect.gather [hbm4b:s1+s31], $0x80, s28, s31, $0xb8;
	[tilespmem:$0x1DA80] =	vst v63  }
0x7f: {  	s19 =	simm.s32 $0x80;
	s5 =	rddreg [dreg:$0x8]  }
0x80: {  	[spmem:s2] =	stream.indirect.scatter.add.f32 [tilespmem:s0], [sflag:$0xA], $0x80, s19, s31, $0xb8;
	[tilespmem:$0x1DA80] =	vst v63  }
0x81: {  	s12 =	sadd.s32 $0x0, s5  }
0x82: {  	[tilespmem:s6], [sflag:$0x8] =	stream.linear.gather [hbm4b:s12+s4], $0x100, $0x38;
	[tilespmem:$0x1DA80] =	vst v63  }
0x83: {  	_ =	swait.ge [sflag:s13], $0x3200  }
0x84: {  	[sflag:s13] =	ssyncset.done $0x0  }
0x85: {  	[sflag:s13] =	ssyncadd.s32 $0xFFFFCE00  }
0x86: {  	_ =	swait.ge [sflag:s14], $0x100  }
0x87: {  	[sflag:s14] =	ssyncset.done $0x0  }
0x88: {  	[sflag:s14] =	ssyncadd.s32 $0xFFFFFF00  }
0x89: {  	_ =	swait.ge [sflag:s9], $0x3200  }
0x8a: {  	[sflag:s9] =	ssyncset.done $0x0  }
0x8b: {  	[sflag:s9] =	ssyncadd.s32 $0xFFFFCE00  }
0x8c: {  	[tilespmem:s0], [sflag:$0x1] =	stream.indirect.gather [hbm4b:s1+s31], $0x80, s29, s31, $0xb8;
	[tilespmem:$0x1DA80] =	vst v63  }
0x8d: {  	s5 =	simm.s32 $0x180;
	s15 =	rddreg [dreg:$0x7]  }
0x8e: {  	[spmem:s2] =	stream.indirect.scatter.add.f32 [tilespmem:s7], [sflag:$0xB], $0x80, s5, s31, $0xb8;
	[tilespmem:$0x1DA80] =	vst v63  }
0x8f: {  	s12 =	sadd.s32 $0x0, s15  }
0x90: {  	[tilespmem:s16], [sflag:$0x9] =	stream.linear.gather [hbm4b:s12+s4], $0x100, $0x38;
	[tilespmem:$0x1DA80] =	vst v63  }
0x91: {  	_ =	swait.ge [sflag:s24], $0x3200  }
0x92: {  	[sflag:s24] =	ssyncset.done $0x0  }
0x93: {  	[sflag:s24] =	ssyncadd.s32 $0xFFFFCE00  }
0x94: {  	_ =	swait.ge [sflag:s17], $0x100  }
0x95: {  	[sflag:s17] =	ssyncset.done $0x0  }
0x96: {  	[sflag:s17] =	ssyncadd.s32 $0xFFFFFF00  }
0x97: {  	_ =	swait.ge [sflag:s18], $0x3200  }
0x98: {  	[sflag:s18] =	ssyncset.done $0x0  }
0x99: {  	s15 =	rddreg [dreg:$0x1e];
	[sflag:s18] =	ssyncadd.s32 $0xFFFFCE00  }
0x9a: {  	[tilespmem:s7], [sflag:$0x2] =	stream.indirect.gather [hbm4b:s1+s31], $0x80, s6, s31, $0xb8;
	[tilespmem:$0x1DA80] =	vst v63  }
0x9b: {  	s25 =	simm.s32 $0x280;
	s23 =	sshrl.u32 s15, $0x3  }
0x9c: {  	[spmem:s2] =	stream.indirect.scatter.add.f32 [tilespmem:s8], [sflag:$0xC], $0x80, s25, s31, $0xb8;
	[tilespmem:$0x1DA80] =	vst v63  }
0x9d: {  	s12 =	sadd.s32 s22, s23  }
0x9e: {  	[tilespmem:s4], [sflag:$0x4] =	stream.linear.gather [hbm4b:s12+s4], $0x100, $0x38;
	[tilespmem:$0x1DA80] =	vst v63  }
0x9f: {  	_ =	swait.ge [sflag:s10], $0x3200  }
0xa0: {  	[sflag:s10] =	ssyncset.done $0x0  }
0xa1: {  	[sflag:s10] =	ssyncadd.s32 $0xFFFFCE00  }
0xa2: {  	_ =	swait.ge [sflag:s20], $0x100  }
0xa3: {  	[sflag:s20] =	ssyncset.done $0x0  }
0xa4: {  	[sflag:s20] =	ssyncadd.s32 $0xFFFFFF00  }
0xa5: {  	_ =	swait.ge [sflag:s21], $0x3200  }
0xa6: {  	[sflag:s21] =	ssyncset.done $0x0  }
0xa7: {  	[sflag:s21] =	ssyncadd.s32 $0xFFFFCE00  }
0xa8: {  	[tilespmem:s8], [sflag:$0x3] =	stream.indirect.gather [hbm4b:s1+s31], $0x80, s16, s31, $0xb8;
	[tilespmem:$0x1DA80] =	vst v63  }
0xa9: {  	s5 =	simm.s32 $0x380;
	s23 =	rddreg [dreg:$0x6]  }
0xaa: {  	[spmem:s2] =	stream.indirect.scatter.add.f32 [tilespmem:s0], [sflag:$0xA], $0x80, s5, s31, $0xb8;
	[tilespmem:$0x1DA80] =	vst v63  }
0xab: {  	s12 =	sadd.s32 $0x0, s23  }
0xac: {  	[tilespmem:s26], [sflag:$0x5] =	stream.linear.gather [hbm4b:s12+s4], $0x100, $0x38;
	[tilespmem:$0x1DA80] =	vst v63  }
0xad: {  	_ =	swait.ge [sflag:s13], $0x3200  }
0xae: {  	[sflag:s13] =	ssyncset.done $0x0  }
0xaf: {  	[sflag:s13] =	ssyncadd.s32 $0xFFFFCE00  }
0xb0: {  	_ =	swait.ge [sflag:s30], $0x100  }
0xb1: {  	[sflag:s30] =	ssyncset.done $0x0  }
0xb2: {  	[sflag:s30] =	ssyncadd.s32 $0xFFFFFF00  }
0xb3: {  	_ =	swait.ge [sflag:s9], $0x3200  }
0xb4: {  	[sflag:s9] =	ssyncset.done $0x0  }
0xb5: {  	s25 =	rddreg [dreg:$0x5];
	[sflag:s9] =	ssyncadd.s32 $0xFFFFCE00  }
0xb6: {  	[tilespmem:s0], [sflag:$0x1] =	stream.indirect.gather [hbm4b:s1+s31], $0x80, s4, s31, $0xb8;
	[tilespmem:$0x1DA80] =	vst v63  }
0xb7: {  	s23 =	rddreg [dreg:$0x9]  }
0xb8: {  	[spmem:s2] =	stream.indirect.scatter.add.f32 [tilespmem:s7], [sflag:$0xB], $0x80, s23, s31, $0xb8;
	[tilespmem:$0x1DA80] =	vst v63  }
0xb9: {  	s12 =	sadd.s32 $0x0, s25  }
0xba: {  	[tilespmem:s28], [sflag:$0x6] =	stream.linear.gather [hbm4b:s12+s4], $0x100, $0x38;
	[tilespmem:$0x1DA80] =	vst v63  }
0xbb: {  	_ =	swait.ge [sflag:s24], $0x3200  }
0xbc: {  	[sflag:s24] =	ssyncset.done $0x0  }
0xbd: {  	[sflag:s24] =	ssyncadd.s32 $0xFFFFCE00  }
0xbe: {  	_ =	swait.ge [sflag:s3], $0x100  }
0xbf: {  	[sflag:s3] =	ssyncset.done $0x0  }
0xc0: {  	[sflag:s3] =	ssyncadd.s32 $0xFFFFFF00  }
0xc1: {  	_ =	swait.ge [sflag:s18], $0x3200  }
0xc2: {  	[sflag:s18] =	ssyncset.done $0x0  }
0xc3: {  	s25 =	rddreg [dreg:$0xa];
	[sflag:s18] =	ssyncadd.s32 $0xFFFFCE00  }
0xc4: {  	[tilespmem:s7], [sflag:$0x2] =	stream.indirect.gather [hbm4b:s1+s31], $0x80, s26, s31, $0xb8;
	[tilespmem:$0x1DA80] =	vst v63  }
0xc5: {  	s23 =	rddreg [dreg:$0x4]  }
0xc6: {  	[spmem:s2] =	stream.indirect.scatter.add.f32 [tilespmem:s8], [sflag:$0xC], $0x80, s25, s31, $0xb8;
	[tilespmem:$0x1DA80] =	vst v63  }
0xc7: {  	s12 =	sadd.s32 $0x0, s23;
	s23 =	sadd.s32 $0x600, s15;
	s25 =	simm.s32 $0xC0  }
.LBB2_4:
0xc8: {  	[tilespmem:s29], [sflag:$0x7] =	stream.linear.gather [hbm4b:s12+s4], $0x100, $0x38;
	[tilespmem:$0x1DA80] =	vst v63  }
0xc9: {  	_ =	swait.ge [sflag:s10], $0x3200  }
0xca: {  	[sflag:s10] =	ssyncset.done $0x0  }
0xcb: {  	[sflag:s10] =	ssyncadd.s32 $0xFFFFCE00  }
0xcc: {  	s12 =	smov.u32 s25;
	_ =	swait.ge [sflag:s11], $0x100  }
0xcd: {  	p1 =	seq.s32 s12, $0x0;
	[sflag:s11] =	ssyncset.done $0x0  }
0xce: {  	s15 =	simm.s32 @!p1 $0xC;
	[sflag:s11] =	ssyncadd.s32 $0xFFFFFF00  }
0xcf: {  	_ =	swait.ge @!p1 [sflag:s15], $0x3200  }
0xd0: {  	[sflag:s15] =	ssyncset.done @!p1 $0x0  }
0xd1: {  	[sflag:s15] =	ssyncadd.s32 @!p1 $0xFFFFCE00  }
0xd2: {  	[tilespmem:s8], [sflag:$0x3] =	stream.indirect.gather [hbm4b:s1+s31], $0x80, s28, s31, $0xb8;
	[tilespmem:$0x1DA80] =	vst v63  }
0xd3: {  	s15 =	rddreg [dreg:$0x8]  }
0xd4: {  	[spmem:s2] =	stream.indirect.scatter.add.f32 [tilespmem:s0], [sflag:$0xA], $0x80, s19, s31, $0xb8;
	[tilespmem:$0x1DA80] =	vst v63  }
0xd5: {  	s15 =	sadd.s32 s12, s15  }
0xd6: {  	[tilespmem:s6], [sflag:$0x8] =	stream.linear.gather [hbm4b:s15+s4], $0x100, $0x38;
	[tilespmem:$0x1DA80] =	vst v63  }
0xd7: {  	_ =	swait.ge [sflag:s13], $0x3200  }
0xd8: {  	[sflag:s13] =	ssyncset.done $0x0  }
0xd9: {  	[sflag:s13] =	ssyncadd.s32 $0xFFFFCE00  }
0xda: {  	_ =	swait.ge [sflag:s14], $0x100  }
0xdb: {  	[sflag:s14] =	ssyncset.done $0x0  }
0xdc: {  	[sflag:s14] =	ssyncadd.s32 $0xFFFFFF00  }
0xdd: {  	_ =	swait.ge [sflag:s9], $0x3200  }
0xde: {  	[sflag:s9] =	ssyncset.done $0x0  }
0xdf: {  	[sflag:s9] =	ssyncadd.s32 $0xFFFFCE00  }
0xe0: {  	[tilespmem:s0], [sflag:$0x1] =	stream.indirect.gather [hbm4b:s1+s31], $0x80, s29, s31, $0xb8;
	[tilespmem:$0x1DA80] =	vst v63  }
0xe1: {  	s19 =	simm.s32 $0x180;
	s15 =	rddreg [dreg:$0x7]  }
0xe2: {  	[spmem:s2] =	stream.indirect.scatter.add.f32 [tilespmem:s7], [sflag:$0xB], $0x80, s19, s31, $0xb8;
	[tilespmem:$0x1DA80] =	vst v63  }
0xe3: {  	s15 =	sadd.s32 s12, s15  }
0xe4: {  	[tilespmem:s16], [sflag:$0x9] =	stream.linear.gather [hbm4b:s15+s4], $0x100, $0x38;
	[tilespmem:$0x1DA80] =	vst v63  }
0xe5: {  	_ =	swait.ge [sflag:s24], $0x3200  }
0xe6: {  	[sflag:s24] =	ssyncset.done $0x0  }
0xe7: {  	[sflag:s24] =	ssyncadd.s32 $0xFFFFCE00  }
0xe8: {  	_ =	swait.ge [sflag:s17], $0x100  }
0xe9: {  	[sflag:s17] =	ssyncset.done $0x0  }
0xea: {  	[sflag:s17] =	ssyncadd.s32 $0xFFFFFF00  }
0xeb: {  	_ =	swait.ge [sflag:s18], $0x3200  }
0xec: {  	[sflag:s18] =	ssyncset.done $0x0  }
0xed: {  	[sflag:s18] =	ssyncadd.s32 $0xFFFFCE00  }
0xee: {  	[tilespmem:s7], [sflag:$0x2] =	stream.indirect.gather [hbm4b:s1+s31], $0x80, s6, s31, $0xb8;
	[tilespmem:$0x1DA80] =	vst v63  }
0xef: {  	s19 =	simm.s32 $0x280;
	s15 =	sshrl.u32 s23, $0x3  }
0xf0: {  	[spmem:s2] =	stream.indirect.scatter.add.f32 [tilespmem:s8], [sflag:$0xC], $0x80, s19, s31, $0xb8;
	[tilespmem:$0x1DA80] =	vst v63  }
0xf1: {  	s15 =	sadd.s32 s22, s15  }
0xf2: {  	[tilespmem:s4], [sflag:$0x4] =	stream.linear.gather [hbm4b:s15+s4], $0x100, $0x38;
	[tilespmem:$0x1DA80] =	vst v63  }
0xf3: {  	_ =	swait.ge [sflag:s10], $0x3200  }
0xf4: {  	[sflag:s10] =	ssyncset.done $0x0  }
0xf5: {  	[sflag:s10] =	ssyncadd.s32 $0xFFFFCE00  }
0xf6: {  	_ =	swait.ge [sflag:s20], $0x100  }
0xf7: {  	[sflag:s20] =	ssyncset.done $0x0  }
0xf8: {  	[sflag:s20] =	ssyncadd.s32 $0xFFFFFF00  }
0xf9: {  	_ =	swait.ge [sflag:s21], $0x3200  }
0xfa: {  	[sflag:s21] =	ssyncset.done $0x0  }
0xfb: {  	[sflag:s21] =	ssyncadd.s32 $0xFFFFCE00  }
0xfc: {  	[tilespmem:s8], [sflag:$0x3] =	stream.indirect.gather [hbm4b:s1+s31], $0x80, s16, s31, $0xb8;
	[tilespmem:$0x1DA80] =	vst v63  }
0xfd: {  	s19 =	rddreg [dreg:$0x6]  }
0xfe: {  	[spmem:s2] =	stream.indirect.scatter.add.f32 [tilespmem:s0], [sflag:$0xA], $0x80, s5, s31, $0xb8;
	[tilespmem:$0x1DA80] =	vst v63  }
0xff: {  	s15 =	sadd.s32 s12, s19  }
0x100: {  	[tilespmem:s26], [sflag:$0x5] =	stream.linear.gather [hbm4b:s15+s4], $0x100, $0x38;
	[tilespmem:$0x1DA80] =	vst v63  }
0x101: {  	_ =	swait.ge [sflag:s13], $0x3200  }
0x102: {  	[sflag:s13] =	ssyncset.done $0x0  }
0x103: {  	[sflag:s13] =	ssyncadd.s32 $0xFFFFCE00  }
0x104: {  	_ =	swait.ge [sflag:s30], $0x100  }
0x105: {  	[sflag:s30] =	ssyncset.done $0x0  }
0x106: {  	[sflag:s30] =	ssyncadd.s32 $0xFFFFFF00  }
0x107: {  	_ =	swait.ge [sflag:s9], $0x3200  }
0x108: {  	[sflag:s9] =	ssyncset.done $0x0  }
0x109: {  	s15 =	rddreg [dreg:$0x5];
	[sflag:s9] =	ssyncadd.s32 $0xFFFFCE00  }
0x10a: {  	[tilespmem:s0], [sflag:$0x1] =	stream.indirect.gather [hbm4b:s1+s31], $0x80, s4, s31, $0xb8;
	[tilespmem:$0x1DA80] =	vst v63  }
0x10b: {  	s19 =	rddreg [dreg:$0x9]  }
0x10c: {  	[spmem:s2] =	stream.indirect.scatter.add.f32 [tilespmem:s7], [sflag:$0xB], $0x80, s19, s31, $0xb8;
	[tilespmem:$0x1DA80] =	vst v63  }
0x10d: {  	s15 =	sadd.s32 s12, s15  }
0x10e: {  	[tilespmem:s28], [sflag:$0x6] =	stream.linear.gather [hbm4b:s15+s4], $0x100, $0x38;
	[tilespmem:$0x1DA80] =	vst v63  }
0x10f: {  	_ =	swait.ge [sflag:s24], $0x3200  }
0x110: {  	[sflag:s24] =	ssyncset.done $0x0  }
0x111: {  	[sflag:s24] =	ssyncadd.s32 $0xFFFFCE00  }
0x112: {  	_ =	swait.ge [sflag:s3], $0x100  }
0x113: {  	[sflag:s3] =	ssyncset.done $0x0  }
0x114: {  	[sflag:s3] =	ssyncadd.s32 $0xFFFFFF00  }
0x115: {  	s25 =	sadd.s32 $0xC0, s25;
	_ =	swait.ge [sflag:s18], $0x3200  }
0x116: {  	p0 =	sne.s32 s25, $0xC00;
	[sflag:s18] =	ssyncset.done $0x0  }
.Ltmp1:
0x117: {  	s15 =	rddreg [dreg:$0x4];
	[sflag:s18] =	ssyncadd.s32 $0xFFFFCE00;
	(pc) =	sbr.rel @p0 .LBB2_4-.Ltmp1, $4  }
0x118: {  	[tilespmem:s7], [sflag:$0x2] =	stream.indirect.gather [hbm4b:s1+s31], $0x80, s26, s31, $0xb8;
	[tilespmem:$0x1DA80] =	vst v63  }
0x119: {  	s19 =	rddreg [dreg:$0xa]  }
0x11a: {  	[spmem:s2] =	stream.indirect.scatter.add.f32 [tilespmem:s8], [sflag:$0xC], $0x80, s19, s31, $0xb8;
	[tilespmem:$0x1DA80] =	vst v63  }
0x11b: {  	s23 =	sadd.s32 $0x600, s23;
	s12 =	sadd.s32 s12, s15;
	s19 =	simm.s32 $0x80  }
0x11c: {  	[tilespmem:s29], [sflag:$0x7] =	stream.linear.gather [hbm4b:s12+s4], $0x100, $0x38;
	[tilespmem:$0x1DA80] =	vst v63  }
0x11d: {  	_ =	swait.ge [sflag:s10], $0x3200  }
0x11e: {  	[sflag:s10] =	ssyncset.done $0x0  }
0x11f: {  	[sflag:s10] =	ssyncadd.s32 $0xFFFFCE00  }
0x120: {  	_ =	swait.ge [sflag:s11], $0x100  }
0x121: {  	[sflag:s11] =	ssyncset.done $0x0  }
0x122: {  	[sflag:s11] =	ssyncadd.s32 $0xFFFFFF00  }
0x123: {  	_ =	swait.ge [sflag:s21], $0x3200  }
0x124: {  	[sflag:s21] =	ssyncset.done $0x0  }
0x125: {  	[sflag:s21] =	ssyncadd.s32 $0xFFFFCE00  }
0x126: {  	[tilespmem:s8], [sflag:$0x3] =	stream.indirect.gather [hbm4b:s1+s31], $0x80, s28, s31, $0xb8;
	[tilespmem:$0x1DA80] =	vst v63  }
0x127: {  	_ = 	snop  }
0x128: {  	[spmem:s2] =	stream.indirect.scatter.add.f32 [tilespmem:s0], [sflag:$0xA], $0x80, s19, s31, $0xb8;
	[tilespmem:$0x1DA80] =	vst v63  }
0x129: {  	_ =	swait.ge [sflag:s13], $0x3200  }
0x12a: {  	[sflag:s13] =	ssyncset.done $0x0  }
0x12b: {  	[sflag:s13] =	ssyncadd.s32 $0xFFFFCE00  }
0x12c: {  	_ =	swait.ge [sflag:s14], $0x100  }
0x12d: {  	[sflag:s14] =	ssyncset.done $0x0  }
0x12e: {  	[sflag:s14] =	ssyncadd.s32 $0xFFFFFF00  }
0x12f: {  	_ =	swait.ge [sflag:s9], $0x3200  }
0x130: {  	[sflag:s9] =	ssyncset.done $0x0  }
0x131: {  	[sflag:s9] =	ssyncadd.s32 $0xFFFFCE00  }
0x132: {  	[tilespmem:s0], [sflag:$0x1] =	stream.indirect.gather [hbm4b:s1+s31], $0x80, s29, s31, $0xb8;
	[tilespmem:$0x1DA80] =	vst v63  }
0x133: {  	s15 =	simm.s32 $0x180  }
0x134: {  	[spmem:s2] =	stream.indirect.scatter.add.f32 [tilespmem:s7], [sflag:$0xB], $0x80, s15, s31, $0xb8;
	[tilespmem:$0x1DA80] =	vst v63  }
0x135: {  	_ =	swait.ge [sflag:s24], $0x3200  }
0x136: {  	[sflag:s24] =	ssyncset.done $0x0  }
0x137: {  	s19 =	simm.s32 $0x280;
	[sflag:s24] =	ssyncadd.s32 $0xFFFFCE00  }
0x138: {  	[spmem:s2] =	stream.indirect.scatter.add.f32 [tilespmem:s8], [sflag:$0xC], $0x80, s19, s31, $0xb8;
	[tilespmem:$0x1DA80] =	vst v63  }
0x139: {  	_ =	swait.ge [sflag:s10], $0x3200  }
0x13a: {  	[sflag:s10] =	ssyncset.done $0x0  }
0x13b: {  	[sflag:s10] =	ssyncadd.s32 $0xFFFFCE00  }
0x13c: {  	[spmem:s2] =	stream.indirect.scatter.add.f32 [tilespmem:s0], [sflag:$0xA], $0x80, s5, s31, $0xb8;
	[tilespmem:$0x1DA80] =	vst v63  }
0x13d: {  	_ =	swait.ge [sflag:s18], $0x3200  }
0x13e: {  	[sflag:s18] =	ssyncset.done $0x0  }
0x13f: {  	[sflag:s18] =	ssyncadd.s32 $0xFFFFCE00  }
0x140: {  	_ =	swait.ge [sflag:s21], $0x3200  }
0x141: {  	[sflag:s21] =	ssyncset.done $0x0  }
0x142: {  	[sflag:s21] =	ssyncadd.s32 $0xFFFFCE00  }
0x143: {  	_ =	swait.ge [sflag:s9], $0x3200  }
0x144: {  	[sflag:s9] =	ssyncset.done $0x0  }
0x145: {  	[sflag:s9] =	ssyncadd.s32 $0xFFFFCE00  }
0x146: {  	[bflag:$0x0] =	sbarrier.arrive $0xFFFF  }
0x147: {  	s5 =	simm.s32 $0xD;
	s15 =	rddreg [dreg:$0x16]  }
0x148: {  	[tilespmem:s0], [sflag:$0xD] =	stream.linear.gather [spmem:s15], $0x3000, $0x38;
	[tilespmem:$0x1DA80] =	vst v63  }
0x149: {  	_ =	swait.ge [sflag:s5], $0x3000  }
0x14a: {  	[sflag:s5] =	ssyncset.done $0x0  }
0x14b: {  	s23 =	rddreg [dreg:$0xd];
	[sflag:s5] =	ssyncadd.s32 $0xFFFFD000  }
0x14c: {  	[hbm4b:s23+s4] =	stream.linear.scatter [tilespmem:s0], [sflag:$0x1], $0x3000, $0x38;
	[tilespmem:$0x1DA80] =	vst v63  }
0x14d: {  	s19 =	rddreg [dreg:$0x17]  }
0x14e: {  	[tilespmem:s7], [sflag:$0xD] =	stream.linear.gather [spmem:s19], $0x3000, $0x38;
	[tilespmem:$0x1DA80] =	vst v63  }
0x14f: {  	_ =	swait.ge [sflag:s5], $0x3000  }
0x150: {  	[sflag:s5] =	ssyncset.done $0x0  }
0x151: {  	s25 =	rddreg [dreg:$0xe];
	[sflag:s5] =	ssyncadd.s32 $0xFFFFD000  }
0x152: {  	[hbm4b:s25+s4] =	stream.linear.scatter [tilespmem:s7], [sflag:$0x2], $0x3000, $0x38;
	[tilespmem:$0x1DA80] =	vst v63  }
0x153: {  	_ =	swait.ge [sflag:s10], $0x3000  }
0x154: {  	[sflag:s10] =	ssyncset.done $0x0  }
0x155: {  	s25 =	rddreg [dreg:$0x18];
	[sflag:s10] =	ssyncadd.s32 $0xFFFFD000  }
0x156: {  	[tilespmem:s0], [sflag:$0xD] =	stream.linear.gather [spmem:s25], $0x3000, $0x38;
	[tilespmem:$0x1DA80] =	vst v63  }
0x157: {  	_ =	swait.ge [sflag:s5], $0x3000  }
0x158: {  	[sflag:s5] =	ssyncset.done $0x0  }
0x159: {  	s23 =	rddreg [dreg:$0xf];
	[sflag:s5] =	ssyncadd.s32 $0xFFFFD000  }
0x15a: {  	[hbm4b:s23+s4] =	stream.linear.scatter [tilespmem:s0], [sflag:$0x1], $0x3000, $0x38;
	[tilespmem:$0x1DA80] =	vst v63  }
0x15b: {  	_ =	swait.ge [sflag:s13], $0x3000  }
0x15c: {  	[sflag:s13] =	ssyncset.done $0x0  }
0x15d: {  	s23 =	rddreg [dreg:$0x19];
	[sflag:s13] =	ssyncadd.s32 $0xFFFFD000  }
0x15e: {  	[tilespmem:s7], [sflag:$0xD] =	stream.linear.gather [spmem:s23], $0x3000, $0x38;
	[tilespmem:$0x1DA80] =	vst v63  }
0x15f: {  	_ =	swait.ge [sflag:s5], $0x3000  }
0x160: {  	[sflag:s5] =	ssyncset.done $0x0  }
0x161: {  	s23 =	rddreg [dreg:$0x10];
	[sflag:s5] =	ssyncadd.s32 $0xFFFFD000  }
0x162: {  	[hbm4b:s23+s4] =	stream.linear.scatter [tilespmem:s7], [sflag:$0x2], $0x3000, $0x38;
	[tilespmem:$0x1DA80] =	vst v63  }
0x163: {  	_ =	swait.ge [sflag:s10], $0x3000  }
0x164: {  	[sflag:s10] =	ssyncset.done $0x0  }
0x165: {  	s23 =	rddreg [dreg:$0x1a];
	[sflag:s10] =	ssyncadd.s32 $0xFFFFD000  }
0x166: {  	[tilespmem:s0], [sflag:$0xD] =	stream.linear.gather [spmem:s23], $0x3000, $0x38;
	[tilespmem:$0x1DA80] =	vst v63  }
0x167: {  	_ =	swait.ge [sflag:s5], $0x3000  }
0x168: {  	[sflag:s5] =	ssyncset.done $0x0  }
0x169: {  	s23 =	rddreg [dreg:$0x11];
	[sflag:s5] =	ssyncadd.s32 $0xFFFFD000  }
0x16a: {  	[hbm4b:s23+s4] =	stream.linear.scatter [tilespmem:s0], [sflag:$0x1], $0x3000, $0x38;
	[tilespmem:$0x1DA80] =	vst v63  }
0x16b: {  	_ =	swait.ge [sflag:s13], $0x3000  }
0x16c: {  	[sflag:s13] =	ssyncset.done $0x0  }
0x16d: {  	s23 =	rddreg [dreg:$0x1b];
	[sflag:s13] =	ssyncadd.s32 $0xFFFFD000  }
0x16e: {  	[tilespmem:s7], [sflag:$0xD] =	stream.linear.gather [spmem:s23], $0x3000, $0x38;
	[tilespmem:$0x1DA80] =	vst v63  }
0x16f: {  	_ =	swait.ge [sflag:s5], $0x3000  }
0x170: {  	[sflag:s5] =	ssyncset.done $0x0  }
0x171: {  	s23 =	rddreg [dreg:$0x12];
	[sflag:s5] =	ssyncadd.s32 $0xFFFFD000  }
0x172: {  	[hbm4b:s23+s4] =	stream.linear.scatter [tilespmem:s7], [sflag:$0x2], $0x3000, $0x38;
	[tilespmem:$0x1DA80] =	vst v63  }
0x173: {  	_ =	swait.ge [sflag:s10], $0x3000  }
0x174: {  	[sflag:s10] =	ssyncset.done $0x0  }
0x175: {  	s23 =	rddreg [dreg:$0x1c];
	[sflag:s10] =	ssyncadd.s32 $0xFFFFD000  }
0x176: {  	[tilespmem:s0], [sflag:$0xD] =	stream.linear.gather [spmem:s23], $0x1C00, $0x38;
	[tilespmem:$0x1DA80] =	vst v63  }
0x177: {  	_ =	swait.ge [sflag:s5], $0x1C00  }
0x178: {  	[sflag:s5] =	ssyncset.done $0x0  }
0x179: {  	[sflag:s5] =	ssyncadd.s32 $0xFFFFE400;
	s5 =	rddreg [dreg:$0x13]  }
0x17a: {  	[hbm4b:s5+s4] =	stream.linear.scatter [tilespmem:s0], [sflag:$0x1], $0x1C00, $0x38;
	[tilespmem:$0x1DA80] =	vst v63  }
0x17b: {  	_ =	swait.ge [sflag:s13], $0x3000  }
0x17c: {  	[sflag:s13] =	ssyncset.done $0x0  }
0x17d: {  	[sflag:s13] =	ssyncadd.s32 $0xFFFFD000  }
0x17e: {  	_ =	swait.ge [sflag:s10], $0x1C00  }
0x17f: {  	s12 =	rddreg [dreg:$0x1f]  }
0x180: {  	s23 =	rddreg [dreg:$0x1d];
	s5 =	sadd.s32 $0x1, s12  }
0x181: {  	p0 =	sne.s32 s5, s23  }
.Ltmp2:
0x182: {  	_ = 	snop;
	(pc) =	sbr.rel @p0 .LBB2_1-.Ltmp2, $3  }
0x183: {  	_ =	sdelay $0x1  }
0x184: {  	[sflag:s10] =	ssyncset.done $0x0  }
0x185: {  	[sflag:s10] =	ssyncadd.s32 $0xFFFFE400  }
0x186: {  	_ =	sfence.sel $0x180000  }
0x187: {  	[bflag:$0x0] =	sbarrier.arrive $0xFFFF  }
0x188: {  	_ =	strace $0x9000004D  }
0x189: {  	s0 =	stileid.u32;
	[bflag:$0x2] =	sbarrier.arrive $0xFFFF  }
0x18a: {  	p0 =	sne.s32 s0, $0x0;
	s0 =	rddreg [dreg:$0x3]  }
0x18b: {  	s0 =	sadd.s32 @!p0 $0x100000, s0  }
0x18c: {  	[sflag:s0] =	ssyncadd.tile.s32 @!p0 $0x1;
	_ =	shalt  }
.Lfunc_end2:
_tile_overlayer_lowered:
.L_overlay_start_2:
0x18d: {  	(tag) =	ssettag $0x2  }
0x18e: {  	s0 =	rddreg [dreg:$0x0];
	s2 =	stileid.u32  }
0x18f: {  	s1 =	rddreg [dreg:$0x1];
	p0 =	sne.s32 s2, $0x0  }
0x190: {  	s3 =	rddreg [dreg:$0x2];
	[bflag:$0x3] =	sbarrier.arrive $0xFFFF;
	s2 =	simm.s32 @!p0 $0x1C0D  }
0x191: {  	[timem:s3], [sflag:s2] =	dma.local @!p0 [hbm:s0], s1  }
0x192: {  	s0 =	simm.s32 @!p0 $0xD  }
0x193: {  	_ =	swait.ge @!p0 [sflag:s0], s1  }
0x194: {  	s1 =	ssub.s32 @!p0 $0x0, s1;
	[sflag:s0] =	ssyncset.done @!p0 $0x0  }
0x195: {  	[sflag:s0] =	ssyncadd.s32 @!p0 s1  }
0x196: {  	[bflag:$0x3] =	sbarrier.arrive $0xFFFF  }
0x197: {  	_ =	shalt  }

// kernel: kernel.8.cloned.1.call-start
scs
__scs_entry_jumppad:
0x0: {  	(pc) =	sbr.rel $0x88, $3  }
0x1: {  	(tag) =	ssettag $0x0;
	lr =	simm.s32 $0x1  }
0x2: {  	[smem:$0x3F9A] =	sst lr;
	_ =	strace $0xD0000000  }
0x3: {  	_ = 	snop  }
0x4: {  	_ = 	snop  }
0x5: {  	_ = 	snop  }
0x6: {  	_ = 	snop  }
0x7: {  	_ = 	snop  }
__scs_overlays_trampoline_lowered:
0x8: {  	[smem:$0x3FA9] =	sst s0  }
0x9: {  	[smem:$0x3FAA] =	sst s1  }
0xa: {  	[smem:$0x3FAB] =	sst s2  }
0xb: {  	[smem:$0x3FAC] =	sst s3  }
0xc: {  	[smem:$0x3FAD] =	sst s4  }
0xd: {  	[smem:$0x3FAE] =	sst s5  }
0xe: {  	[smem:$0x3FAF] =	sst s6  }
0xf: {  	[smem:$0x3FB0] =	sst s7  }
0x10: {  	[smem:$0x3FB1] =	sst s8  }
0x11: {  	[smem:$0x3FB2] =	sst s9;
	s0 =	simm.s32 @!p0 $0x0  }
0x12: {  	s1 =	sld [smem:$0x3F98];
	s0 =	simm.s32 @p0 $0x1  }
0x13: {  	[smem:$0x3FB3] =	sst s0;
	s0 =	simm.s32 @!p1 $0x0  }
0x14: {  	s2 =	sld [smem:$0x3F97];
	s0 =	simm.s32 @p1 $0x1  }
0x15: {  	[smem:$0x3FB4] =	sst s0;
	s0 =	simm.s32 @!p2 $0x0  }
0x16: {  	s3 =	sld [smem:$0x3FDB];
	s0 =	simm.s32 @p2 $0x1  }
0x17: {  	s4 =	simm.s32 $0x1BF5;
	[smem:$0x3FB6] =	sst s0  }
0x18: {  	s0 =	sld [smem:$0x3F99];
	_ =	swait.ge [sflag:s4], $0x0  }
0x19: {  	s7 =	sld [smem:$0x3F9A]  }
0x1a: {  	s8 =	sadd.s32 $0xFFFFE003, lr  }
0x1b: {  	s9 =	sadd.s32 $0xFFFFFEF7, lr;
	s5 =	simm.s32 $0xFFFFFFFF;
	p2 =	slt.u32 s8, $0xFFFFF086  }
0x1c: {  	p1 =	slt.u32 s9, $0xF7A;
	s5 =	simm.s32 @!p2 $0x0  }
0x1d: {  	s5 =	simm.s32 @p1 $0x1;
	p0 =	seq.s32 s7, s2  }
0x1e: {  	s7 =	smul.u32 @!p0 $0xF7A, s2;
	p2 =	seq.s32 @!p0 s5, $0x0  }
0x1f: {  	s9 =	smul.u32 $0xF7A, s1;
	s8 =	simm.s32 @!p0 $0x1BF5;
	p2 =	por !p2, p0  }
0x20: {  	[sflag:s8] =	ssyncset.s32 @!p0 $0xFFFFF086;
	s6 =	sadd.s32 @!p0 s3, s7;
	s7 =	simm.s32 @!p0 $0x108  }
0x21: {  	s3 =	sadd.s32 s3, s9;
	s6 =	sadd.s32 @!p0 $0x88, s6;
	s7 =	simm.s32 @p2 $0x1082  }
0x22: {  	[simem:s7], [sflag:s8] =	dma.local @!p0 [hbm:s6], $0xF7A  }
0x23: {  	s9 =	sor.u32 $0xD0000000, s2;
	s6 =	simm.s32 $0x108;
	_ =	swait.ge @!p0 [sflag:s8], $0x0  }
0x24: {  	s3 =	sadd.s32 $0x88, s3;
	s6 =	simm.s32 @!p1 $0x1082;
	[sflag:s4] =	ssyncset.s32 $0xFFFFF086  }
0x25: {  	[simem:s6], [sflag:s4] =	dma.local [hbm:s3], $0xF7A  }
0x26: {  	[smem:$0x3F9A] =	sst s1;
	(tag) =	ssettag s2;
	_ =	strace s9  }
0x27: {  	s1 =	sld [smem:$0x3FAA]  }
0x28: {  	s2 =	sld [smem:$0x3FAB]  }
0x29: {  	s4 =	sld [smem:$0x3FAD]  }
0x2a: {  	p0 =	seq.s32 s5, $0x0;
	s5 =	sld [smem:$0x3FAE]  }
0x2b: {  	s6 =	sld [smem:$0x3FAF]  }
0x2c: {  	s7 =	sld [smem:$0x3FB0]  }
0x2d: {  	s3 =	simm.s32 $0x108;
	s8 =	sld [smem:$0x3FB1]  }
0x2e: {  	s3 =	simm.s32 @!p0 $0x1082;
	s9 =	sld [smem:$0x3FB2]  }
0x2f: {  	lr =	sadd.s32 s0, s3;
	s0 =	sld [smem:$0x3FA9]  }
0x30: {  	s3 =	sld [smem:$0x3FAC]  }
0x31: {  	[smem:$0x3FB5] =	sst s10  }
0x32: {  	s10 =	sld [smem:$0x3FB3];
	_ =	sdelay $0x3  }
0x33: {  	p0 =	seq.s32 s10, $0x1;
	s10 =	sld [smem:$0x3FB5];
	_ =	sdelay $0x3  }
0x34: {  	[smem:$0x3FB5] =	sst s10  }
0x35: {  	s10 =	sld [smem:$0x3FB4];
	_ =	sdelay $0x3  }
0x36: {  	p1 =	seq.s32 s10, $0x1;
	s10 =	sld [smem:$0x3FB5];
	_ =	sdelay $0x3  }
0x37: {  	[smem:$0x3FB5] =	sst s10  }
0x38: {  	s10 =	sld [smem:$0x3FB6]  }
0x39: {  	_ = 	snop;
	(pc) =	sbr.ind lr, $3  }
0x3a: {  	_ = 	snop  }
0x3b: {  	_ = 	snop  }
0x3c: {  	p2 =	seq.s32 s10, $0x1;
	s10 =	sld [smem:$0x3FB5]  }
0x3d: {  	_ =	shalt  }
0x3e: {  	_ =	shalt  }
0x3f: {  	_ =	shalt  }
0x40: {  	_ =	shalt  }
0x41: {  	_ =	shalt  }
0x42: {  	_ =	shalt  }
0x43: {  	_ =	shalt  }
0x44: {  	_ =	shalt  }
0x45: {  	_ =	shalt  }
0x46: {  	_ =	shalt  }
0x47: {  	_ =	shalt  }
0x48: {  	_ =	shalt  }
0x49: {  	_ =	shalt  }
0x4a: {  	_ =	shalt  }
0x4b: {  	_ =	shalt  }
0x4c: {  	_ =	shalt  }
0x4d: {  	_ =	shalt  }
0x4e: {  	_ =	shalt  }
0x4f: {  	_ =	shalt  }
0x50: {  	_ =	shalt  }
0x51: {  	_ =	shalt  }
0x52: {  	_ =	shalt  }
0x53: {  	_ =	shalt  }
0x54: {  	_ =	shalt  }
0x55: {  	_ =	shalt  }
0x56: {  	_ =	shalt  }
0x57: {  	_ =	shalt  }
0x58: {  	_ =	shalt  }
0x59: {  	_ =	shalt  }
0x5a: {  	_ =	shalt  }
0x5b: {  	_ =	shalt  }
0x5c: {  	_ =	shalt  }
0x5d: {  	_ =	shalt  }
0x5e: {  	_ =	shalt  }
0x5f: {  	_ =	shalt  }
0x60: {  	_ =	shalt  }
0x61: {  	_ =	shalt  }
0x62: {  	_ =	shalt  }
0x63: {  	_ =	shalt  }
0x64: {  	_ =	shalt  }
0x65: {  	_ =	shalt  }
0x66: {  	_ =	shalt  }
0x67: {  	_ =	shalt  }
0x68: {  	_ =	shalt  }
0x69: {  	_ =	shalt  }
0x6a: {  	_ =	shalt  }
0x6b: {  	_ =	shalt  }
0x6c: {  	_ =	shalt  }
0x6d: {  	_ =	shalt  }
0x6e: {  	_ =	shalt  }
0x6f: {  	_ =	shalt  }
0x70: {  	_ =	shalt  }
0x71: {  	_ =	shalt  }
0x72: {  	_ =	shalt  }
0x73: {  	_ =	shalt  }
0x74: {  	_ =	shalt  }
0x75: {  	_ =	shalt  }
0x76: {  	_ =	shalt  }
0x77: {  	_ =	shalt  }
0x78: {  	_ =	shalt  }
0x79: {  	_ =	shalt  }
0x7a: {  	_ =	shalt  }
0x7b: {  	_ =	shalt  }
0x7c: {  	_ =	shalt  }
0x7d: {  	_ =	shalt  }
0x7e: {  	_ =	shalt  }
0x7f: {  	_ =	shalt  }
0x80: {  	_ =	shalt  }
0x81: {  	_ =	shalt  }
0x82: {  	_ =	shalt  }
0x83: {  	_ =	shalt  }
0x84: {  	_ =	shalt  }
0x85: {  	_ =	shalt  }
0x86: {  	_ =	shalt  }
0x87: {  	_ =	shalt  }
.Lfunc_end0:
.L_simem_size_0:
called_computation_lowered:
.L_overlay_start_0:
0x88: {  	s2 =	sld [smem:$0x3FD9]  }
0x89: {  	s3 =	sld [smem:$0x3FFE];
	_ =	sdelay $0x1  }
0x8a: {  	s1 =	srdreg.scid  }
0x8b: {  	s0 =	sand.u32 $0x1, s1  }
0x8c: {  	s14 =	sshll.u32 s0, $0xA;
	s2 =	sadd.s32 s3, s2  }
0x8d: {  	s2 =	sadd.s32 s2, s14  }
0x8e: {  	[smem:$0x3FC1] =	sst s2  }
0x8f: {  	_ = 	snop  }
0x90: {  	s2 =	sld [smem:$0x3FD0];
	_ =	sdelay $0x2  }
0x91: {  	s15 =	simm.s32 $0xA;
	s4 =	simm.s32 $0x10  }
0x92: {  	[smem:s4], [sflag:s15] =	dma.local [hbm:s2], $0x1  }
0x93: {  	_ =	swait.eq [sflag:s15], $0x1  }
0x94: {  	[sflag:s15] =	ssyncset.done $0x0  }
0x95: {  	[sflag:s15] =	ssyncadd.s32 $0xFFFFFFFF  }
0x96: {  	s16 =	sld [smem:$0x11];
	(tm) =	ssettm $0x1  }
0x97: {  	s17 =	sld [smem:$0x3FFB];
	_ =	sdelay $0x3  }
0x98: {  	_ =	strace s17  }
0x99: {  	s3 =	sld [smem:$0x3FFC];
	_ =	sdelay $0x3  }
0x9a: {  	_ =	strace s3  }
0x9b: {  	s3 =	sld [smem:$0x3FFD];
	_ =	sdelay $0x3  }
0x9c: {  	_ =	strace s3  }
0x9d: {  	_ =	strace $0x8FFFFFFF  }
0x9e: {  	s18 =	sld [smem:$0x3FDB];
	_ =	sdelay $0x1  }
0x9f: {  	s19 =	simm.s32 $_scs_section_size  }
0xa0: {  	s5 =	simm.s32 $_size__tile_overlayer_lowered;
	s6 =	simm.s32 $_tile_overlayer_lowered  }
0xa1: {  	s22 =	simm.s32 $0x1BFF;
	s21 =	sshll.u32 s6, $0x1;
	s3 =	sadd.s32 s19, s18  }
0xa2: {  	s7 =	simm.s32 $0x0;
	s20 =	sshll.u32 s5, $0x1;
	s5 =	sadd.s32 s21, s3  }
0xa3: {  	[timem:s7], [sflag:s22] =	dma.local [hbm:s5], s20  }
0xa4: {  	_ =	swait.ge [sflag:s22], s20  }
0xa5: {  	s4 =	ssub.s32 $0x0, s20;
	[sflag:s22] =	ssyncset.done $0x0  }
0xa6: {  	[sflag:s22] =	ssyncadd.s32 s4;
	_ =	sdelay $0x1  }
0xa7: {  	s23 =	simm.s32 $0x1B8B  }
0xa8: {  	_ =	swait.ge [sflag:s23], $0x1  }
0xa9: {  	[sflag:s23] =	ssyncset.done $0x0  }
0xaa: {  	s25 =	simm.s32 $0x1B8E;
	s24 =	sld [smem:$0x3FFE];
	[sflag:s23] =	ssyncadd.s32 $0xFFFFFFFF  }
0xab: {  	s26 =	simm.s32 $execute0_lowered;
	[smem:$0x3FD2] =	sst s25  }
0xac: {  	s5 =	sshll.u32 s26, $0x1;
	_ =	strace $0x80000046;
	[dreg:$0x1] =	wrdreg $0xFFFFFFFF  }
0xad: {  	s28 =	simm.s32 $_size_execute0_lowered;
	s3 =	sadd.s32 s3, s5;
	[dreg:$0x0] =	wrdreg $0x0  }
0xae: {  	s5 =	sshll.u32 s28, $0x1;
	[dreg:$0x2] =	wrdreg s3  }
0xaf: {  	[dreg:$0x3] =	wrdreg s5  }
0xb0: {  	[dreg:$0x4] =	wrdreg $0xC0  }
0xb1: {  	_ =	task [dreg:s7], $0x5FFFF  }
0xb2: {  	[dreg:$0x1] =	wrdreg $0xFFFFFFFF  }
0xb3: {  	[dreg:$0x0] =	wrdreg $0x60  }
0xb4: {  	[dreg:$0x2] =	wrdreg s16  }
0xb5: {  	[dreg:$0x3] =	wrdreg s24  }
0xb6: {  	[dreg:$0x4] =	wrdreg $0x37000  }
0xb7: {  	[dreg:$0x5] =	wrdreg $0x9  }
0xb8: {  	_ =	task.clear_ibuf [dreg:s7], $0x6FFFF;
	_ =	strace $0x90000046  }
0xb9: {  	s29 =	simm.s32 $0x9;
	_ =	strace $0x80000048  }
0xba: {  	_ =	swait.ge [sflag:s29], $0x1  }
0xbb: {  	[sflag:s29] =	ssyncadd.s32 $0xFFFFFFFF  }
0xbc: {  	_ =	strace $0x90000048  }
0xbd: {  	_ =	sfence  }
0xbe: {  	s30 =	sld [smem:$0x0];
	_ =	sdelay $0x2  }
0xbf: {  	s31 =	sshll.u32 s1, $0xD;
	s1 =	sshrl.u32 s1, $0x2  }
0xc0: {  	s3 =	sand.u32 $0x4000, s31;
	s1 =	sadd.s32 s1, s30  }
0xc1: {  	s0 =	sor.u32 s3, s0;
	s1 =	sshll.u32 s1, $0x11  }
0xc2: {  	s0 =	sor.u32 s1, s0  }
0xc3: {  	s0 =	sadd.s32 $0x8F2B, s0  }
0xc4: {  	[sflag:s0] =	ssyncadd.remote.s32 $0x1  }
0xc5: {  	_ =	sfence.sel $0xFFFF  }
0xc6: {  	[dreg:$0x0] =	wrdreg $0xFFFFFFFF;
	(pc) =	sbr.abs _section_cstart, $3  }
0xc7: {  	[dreg:$0x1] =	wrdreg $0xFFFFFFFF  }
0xc8: {  	_ =	task.clear_ibuf [dreg:s7], $0x2FFFF;
	_ =	strace $0x9FFFFFFF  }
0xc9: {  	(tm) =	ssettm $0x7FFFFFFF  }
tec
execute0_lowered:
.L_overlay_start_1:
0x0: {  	(tag) =	ssettag $0x1  }
0x1: {  	s4 =	rddreg [dreg:$0x0]  }
0x2: {  	s5 =	rddreg [dreg:$0x1]  }
0x3: {  	s2 =	rddreg [dreg:$0x2]  }
0x4: {  	s0 =	rddreg [dreg:$0x3];
	s6 =	srdreg.scid  }
0x5: {  	s1 =	stileid.u32;
	s3 =	simm.s32 $0x0;
	s11 =	simm.s32 $0x3400  }
0x6: {  	s12 =	simm.s32 $0x0;
	s6 =	sand.u32 $0x1, s6;
	s7 =	smul.u32 $0x271, s1  }
0x7: {  	s14 =	simm.s32 $0x64;
	[smem:$0x7FF] =	sst s3;
	s8 =	smul.u32 $0x2710, s6  }
0x8: {  	_ =	strace $0x80000047;
	s9 =	sshll.u32 s6, $0x4;
	s6 =	ssub.s32 $0x2, s6  }
0x9: {  	s9 =	sor.u32 s1, s9;
	s10 =	sshrl.u32 s6, $0x1;
	s31 =	sand.u32 $0x3FF8, s7  }
0xa: {  	s8 =	sadd.s32 s8, s7;
	s9 =	smul.u32 $0x680, s9;
	s10 =	ssub.s32 s6, s10  }
0xb: {  	s8 =	sshrl.u32 s8, $0x3;
	s7 =	smax.u32 s10, $0x1;
	s10 =	simm.s32 $0x1  }
0xc: {  	s8 =	sadd.s32 s8, s5;
	s4 =	sadd.s32 s4, s9;
	s5 =	sadd.s32 s31, s2  }
0xd: {  	v0 =	vimm.f32 $1.000000000e+00;
	v1 =	vimm.f32 $0.0e+00;
	s9 =	simm.s32 $0x2;
	s6 =	sadd.s32 $0x2600, s8;
	s8 =	simm.s32 $0x3480  }
.LBB2_1:
0xe: {  	[tilespmem:s3], [sflag:$0x1] =	stream.linear.gather [hbm4b:s4+s3], $0x3200, $0x38;
	[tilespmem:$0x3978] =	vst v63  }
0xf: {  	[tilespmem:$0x3400] =	vst v0  }
0x10: {  	[tilespmem:$0x3410] =	vst v0  }
0x11: {  	[tilespmem:$0x3420] =	vst v0  }
0x12: {  	[tilespmem:$0x3430] =	vst v0  }
0x13: {  	[tilespmem:$0x3440] =	vst v0  }
0x14: {  	[tilespmem:$0x3450] =	vst v0  }
0x15: {  	[tilespmem:$0x3460] =	vst v0  }
0x16: {  	[tilespmem:$0x3470] =	vst v0  }
0x17: {  	[tilespmem:$0x3480] =	vst v1  }
0x18: {  	[tilespmem:$0x3490] =	vst v1  }
0x19: {  	[tilespmem:$0x34A0] =	vst v1  }
0x1a: {  	[tilespmem:$0x34B0] =	vst v1  }
0x1b: {  	[tilespmem:$0x34C0] =	vst v1  }
0x1c: {  	[tilespmem:$0x34D0] =	vst v1  }
0x1d: {  	[tilespmem:$0x34E0] =	vst v1  }
0x1e: {  	[tilespmem:$0x34F0] =	vst v1  }
0x1f: {  	[tilespmem:$0x3500] =	vst v1  }
0x20: {  	[tilespmem:$0x3510] =	vst v1  }
0x21: {  	[tilespmem:$0x3520] =	vst v1  }
0x22: {  	[tilespmem:$0x3530] =	vst v1  }
0x23: {  	[tilespmem:$0x3540] =	vst v1  }
0x24: {  	[tilespmem:$0x3550] =	vst v1  }
0x25: {  	[tilespmem:$0x3560] =	vst v1  }
0x26: {  	[tilespmem:$0x3570] =	vst v1  }
0x27: {  	[tilespmem:$0x3580] =	vst v1  }
0x28: {  	[tilespmem:$0x3590] =	vst v1  }
0x29: {  	[tilespmem:$0x35A0] =	vst v1  }
0x2a: {  	[tilespmem:$0x35B0] =	vst v1  }
0x2b: {  	[tilespmem:$0x35C0] =	vst v1  }
0x2c: {  	[tilespmem:$0x35D0] =	vst v1  }
0x2d: {  	[tilespmem:$0x35E0] =	vst v1  }
0x2e: {  	[tilespmem:$0x35F0] =	vst v1  }
0x2f: {  	[tilespmem:$0x3600] =	vst v1  }
0x30: {  	[tilespmem:$0x3610] =	vst v1  }
0x31: {  	[tilespmem:$0x3620] =	vst v1  }
0x32: {  	[tilespmem:$0x3630] =	vst v1  }
0x33: {  	[tilespmem:$0x3640] =	vst v1  }
0x34: {  	[tilespmem:$0x3650] =	vst v1  }
0x35: {  	[tilespmem:$0x3660] =	vst v1  }
0x36: {  	[tilespmem:$0x3670] =	vst v1  }
0x37: {  	[tilespmem:$0x3680] =	vst v1  }
0x38: {  	[tilespmem:$0x3690] =	vst v1  }
0x39: {  	[tilespmem:$0x36A0] =	vst v1  }
0x3a: {  	[tilespmem:$0x36B0] =	vst v1  }
0x3b: {  	[tilespmem:$0x36C0] =	vst v1  }
0x3c: {  	[tilespmem:$0x36D0] =	vst v1  }
0x3d: {  	[tilespmem:$0x36E0] =	vst v1  }
0x3e: {  	[tilespmem:$0x36F0] =	vst v1  }
0x3f: {  	[spmem:s5] =	stream.linear.scatter [tilespmem:s8], [sflag:$0x2], $0x278, $0x38;
	[tilespmem:$0x3978] =	vst v63  }
0x40: {  	_ =	swait.ge [sflag:s9], $0x278  }
0x41: {  	[sflag:s9] =	ssyncset.done $0x0  }
0x42: {  	[sflag:s9] =	ssyncadd.s32 $0xFFFFFD88  }
0x43: {  	[bflag:$0x0] =	sbarrier.arrive $0xFFFF  }
0x44: {  	_ =	swait.ge [sflag:s10], $0x3200  }
0x45: {  	[sflag:s10] =	ssyncset.done $0x0  }
0x46: {  	s13 =	simm.s32 $0x200;
	s15 =	simm.s32 $0x0;
	[sflag:s10] =	ssyncadd.s32 $0xFFFFCE00  }
.LBB2_2:
0x47: {  	[spmem:s2] =	stream.indirect.scatter.add.f32 [tilespmem:s11], [sflag:$0x1], $0x1, s15, s14, $0xb8;
	[tilespmem:$0x3978] =	vst v63  }
0x48: {  	s15 =	smov.u32 s13;
	p0 =	sne.s32 s13, $0xC600  }
.Ltmp0:
0x49: {  	s13 =	sadd.s32 $0x200, s13;
	(pc) =	sbr.rel @p0 .LBB2_2-.Ltmp0, $2  }
0x4a: {  	_ =	sdelay $0x2  }
0x4b: {  	s15 =	sshra.s32 s15, $0x2  }
0x4c: {  	[spmem:s2] =	stream.indirect.scatter.add.f32 [tilespmem:s11], [sflag:$0x1], $0x1, s15, s14, $0xb8;
	[tilespmem:$0x3978] =	vst v63  }
0x4d: {  	_ =	swait.ge [sflag:s10], $0x64  }
0x4e: {  	s13 =	simm.s32 $0x63;
	[sflag:s10] =	ssyncset.done $0x0  }
.LBB2_4:
0x4f: {  	p0 =	sne.s32 s13, $0x1;
	s13 =	sadd.s32 $0xFFFFFFFF, s13;
	[sflag:s10] =	ssyncadd.s32 $0xFFFFFF9C  }
.Ltmp1:
0x50: {  	(pc) =	sbr.rel @p0 .LBB2_4-.Ltmp1, $3  }
0x51: {  	_ =	sdelay $0x1  }
0x52: {  	_ =	swait.ge [sflag:s10], $0x64  }
0x53: {  	[sflag:s10] =	ssyncset.done $0x0  }
0x54: {  	[sflag:s10] =	ssyncadd.s32 $0xFFFFFF9C  }
0x55: {  	[bflag:$0x0] =	sbarrier.arrive $0xFFFF  }
0x56: {  	[tilespmem:s8], [sflag:$0x2] =	stream.linear.gather [spmem:s5], $0x278, $0x38;
	[tilespmem:$0x3978] =	vst v63  }
0x57: {  	s12 =	sadd.s32 $0x1, s12;
	_ =	swait.ge [sflag:s9], $0x278  }
0x58: {  	p0 =	sne.s32 s12, s7;
	[sflag:s9] =	ssyncset.done $0x0  }
.Ltmp2:
0x59: {  	[sflag:s9] =	ssyncadd.s32 $0xFFFFFD88;
	(pc) =	sbr.rel @p0 .LBB2_1-.Ltmp2, $4  }
0x5a: {  	[hbm4b:s6+s3] =	stream.linear.scatter [tilespmem:s8], [sflag:$0x2], $0x278, $0x38;
	[tilespmem:$0x3978] =	vst v63  }
0x5b: {  	_ =	swait.ge [sflag:s9], $0x278  }
0x5c: {  	[sflag:s9] =	ssyncset.done $0x0  }
0x5d: {  	[sflag:s9] =	ssyncadd.s32 $0xFFFFFD88  }
0x5e: {  	_ =	sfence.sel $0x180000  }
0x5f: {  	[bflag:$0x0] =	sbarrier.arrive $0xFFFF  }
0x60: {  	p0 =	sne.s32 s1, $0x0;
	_ =	strace $0x90000047  }
0x61: {  	s0 =	sadd.s32 @!p0 $0x100000, s0;
	[bflag:$0x2] =	sbarrier.arrive $0xFFFF  }
0x62: {  	[sflag:s0] =	ssyncadd.tile.s32 @!p0 $0x1;
	_ =	shalt  }
.Lfunc_end2:
_tile_overlayer_lowered:
.L_overlay_start_2:
0x63: {  	(tag) =	ssettag $0x2  }
0x64: {  	s0 =	rddreg [dreg:$0x0];
	s2 =	stileid.u32  }
0x65: {  	s1 =	rddreg [dreg:$0x1];
	p0 =	sne.s32 s2, $0x0  }
0x66: {  	s3 =	rddreg [dreg:$0x2];
	[bflag:$0x3] =	sbarrier.arrive $0xFFFF;
	s2 =	simm.s32 @!p0 $0x1C02  }
0x67: {  	[timem:s3], [sflag:s2] =	dma.local @!p0 [hbm:s0], s1  }
0x68: {  	s0 =	simm.s32 @!p0 $0x2  }
0x69: {  	_ =	swait.ge @!p0 [sflag:s0], s1  }
0x6a: {  	s1 =	ssub.s32 @!p0 $0x0, s1;
	[sflag:s0] =	ssyncset.done @!p0 $0x0  }
0x6b: {  	[sflag:s0] =	ssyncadd.s32 @!p0 s1  }
0x6c: {  	[bflag:$0x3] =	sbarrier.arrive $0xFFFF  }
0x6d: {  	_ =	shalt  }

</sc_bundles>
